<compile_context>
chip_gen: v7x
topology: tpu7x:2x2x1
jax: 0.10.2.dev20260603
libtpu: 0.0.44.dev20260713+nightly
codegen_flags: <defaults>
</compile_context>

<pallas_src>
import functools

import jax
import jax.numpy as jnp
import numpy as np
from jax import lax
from jax.experimental import pallas as pl
from jax.experimental.pallas import tpu as pltpu
from jax.experimental.pallas import tpu_sc as plsc

N = 10000
E = 320000
D = 128
OUT = 128
NC, NS = 2, 16
NW = NC * NS
EPT = E // NW
CHUNK = 80
NCHUNK = EPT // CHUNK
STRIPE = 624
TAIL = N - NS * STRIPE

_PERM = np.zeros(2 * D, dtype=np.int32)
for _f in range(2 * D // 32):
    for _k in range(16):
        _PERM[32 * _f + 2 * _k] = 16 * _f + _k
        _PERM[32 * _f + 2 * _k + 1] = 16 * _f + _k + D


def _mm_body(x_ref, w_ref, y_ref):
    y_ref[...] = jnp.dot(x_ref[...], w_ref[...],
                         preferred_element_type=jnp.float32
                         ).astype(jnp.bfloat16)


def _matmul(X, Wp):
    blk = 2000
    return pl.pallas_call(
        _mm_body,
        grid=(N // blk,),
        in_specs=[
            pl.BlockSpec((blk, D), lambda i: (i, 0)),
            pl.BlockSpec((D, 2 * D), lambda i: (0, 0)),
        ],
        out_specs=pl.BlockSpec((blk, 2 * D), lambda i: (i, 0)),
        out_shape=jax.ShapeDtypeStruct((N, 2 * D), jnp.bfloat16),
    )(X, Wp)


def _combine_body(p_ref, b_ref, o_ref):
    o_ref[...] = jnp.maximum(p_ref[0] + p_ref[1] + b_ref[...], 0.0)


def _combine(P, b2d):
    blk = 2000
    return pl.pallas_call(
        _combine_body,
        grid=(N // blk,),
        in_specs=[
            pl.BlockSpec((2, blk, OUT), lambda i: (0, i, 0)),
            pl.BlockSpec((1, OUT), lambda i: (0, 0)),
        ],
        out_specs=pl.BlockSpec((blk, OUT), lambda i: (i, 0)),
        out_shape=jax.ShapeDtypeStruct((N, OUT), jnp.float32),
    )(P, b2d)


def _sc_spmm(Y3, rows, cols, v1, vs, vr, zblk):
    mesh = plsc.VectorSubcoreMesh(core_axis_name="c", subcore_axis_name="s")

    @functools.partial(
        pl.kernel,
        out_type=jax.ShapeDtypeStruct((NC, N, OUT), jnp.float32),
        mesh=mesh,
        compiler_params=pltpu.CompilerParams(needs_layout_passes=False),
        scratch_types=dict(
            colv0=pltpu.VMEM((CHUNK,), jnp.int32),
            colv1=pltpu.VMEM((CHUNK,), jnp.int32),
            rowv0=pltpu.VMEM((CHUNK,), jnp.int32),
            rowv1=pltpu.VMEM((CHUNK,), jnp.int32),
            v1c0=pltpu.VMEM((CHUNK // 16, 16), jnp.float32),
            v1c1=pltpu.VMEM((CHUNK // 16, 16), jnp.float32),
            vsc0=pltpu.VMEM((CHUNK // 16, 16), jnp.float32),
            vsc1=pltpu.VMEM((CHUNK // 16, 16), jnp.float32),
            vrc0=pltpu.VMEM((CHUNK // 16, 16), jnp.float32),
            vrc1=pltpu.VMEM((CHUNK // 16, 16), jnp.float32),
            gbuf0=pltpu.VMEM((CHUNK, D), jnp.int32),
            gbuf1=pltpu.VMEM((CHUNK, D), jnp.int32),
            zbuf0=pltpu.VMEM((CHUNK, OUT), jnp.float32),
            zbuf1=pltpu.VMEM((CHUNK, OUT), jnp.float32),
            acc=pltpu.VMEM_SHARED((N, OUT), jnp.float32),
            gsem0=pltpu.SemaphoreType.DMA,
            gsem1=pltpu.SemaphoreType.DMA,
            ssem0=pltpu.SemaphoreType.DMA,
            ssem1=pltpu.SemaphoreType.DMA,
            rsem0=pltpu.SemaphoreType.DMA,
            rsem1=pltpu.SemaphoreType.DMA,
            csem0=pltpu.SemaphoreType.DMA,
            csem1=pltpu.SemaphoreType.DMA,
            v1sem0=pltpu.SemaphoreType.DMA,
            v1sem1=pltpu.SemaphoreType.DMA,
            vssem0=pltpu.SemaphoreType.DMA,
            vssem1=pltpu.SemaphoreType.DMA,
            vrsem0=pltpu.SemaphoreType.DMA,
            vrsem1=pltpu.SemaphoreType.DMA,
        ),
    )
    def spmm(y_hbm, rows_hbm, cols_hbm, v1_hbm, vs_hbm, vr_hbm, z_hbm,
             p_hbm, colv0, colv1, rowv0, rowv1, v1c0, v1c1, vsc0, vsc1,
             vrc0, vrc1, gbuf0, gbuf1, zbuf0, zbuf1, acc,
             gsem0, gsem1, ssem0, ssem1, rsem0, rsem1, csem0, csem1,
             v1sem0, v1sem1, vssem0, vssem1, vrsem0, vrsem1):
        cid = lax.axis_index("c")
        sid = lax.axis_index("s")
        wid = cid * NS + sid
        ebase = wid * EPT

        colvs, csems = (colv0, colv1), (csem0, csem1)
        rowvs, rsems = (rowv0, rowv1), (rsem0, rsem1)
        v1cs, v1sems = (v1c0, v1c1), (v1sem0, v1sem1)
        vscs, vssems = (vsc0, vsc1), (vssem0, vssem1)
        vrcs, vrsems = (vrc0, vrc1), (vrsem0, vrsem1)
        gbufs, gsems = (gbuf0, gbuf1), (gsem0, gsem1)
        zbufs, ssems = (zbuf0, zbuf1), (ssem0, ssem1)

        def fetch_vals(j, b):
            pltpu.async_copy(v1_hbm.at[wid, j], v1cs[b], v1sems[b])
            pltpu.async_copy(vs_hbm.at[wid, j], vscs[b], vssems[b])
            pltpu.async_copy(vr_hbm.at[wid, j], vrcs[b], vrsems[b])

        def wait_vals(b):
            pltpu.make_async_copy(
                v1_hbm.at[0, 0], v1cs[b], v1sems[b]).wait()
            pltpu.make_async_copy(
                vs_hbm.at[0, 0], vscs[b], vssems[b]).wait()
            pltpu.make_async_copy(
                vr_hbm.at[0, 0], vrcs[b], vrsems[b]).wait()

        for b in range(2):
            pltpu.async_copy(cols_hbm.at[pl.ds(ebase + b * CHUNK, CHUNK)],
                             colvs[b], csems[b])
        fetch_vals(0, 0)
        for b in range(2):
            pltpu.make_async_copy(
                cols_hbm.at[pl.ds(0, CHUNK)], colvs[b], csems[b]).wait()
            pltpu.async_copy(y_hbm.at[colvs[b]], gbufs[b], gsems[b])

        zbase = sid * STRIPE
        for k in range(4):
            pltpu.sync_copy(z_hbm, acc.at[pl.ds(zbase + k * 128, 128)])
        pltpu.sync_copy(z_hbm.at[pl.ds(0, STRIPE - 512)],
                        acc.at[pl.ds(zbase + 512, STRIPE - 512)])

        @pl.when(sid == NS - 1)
        def _zero_tail():
            pltpu.sync_copy(z_hbm.at[pl.ds(0, TAIL)],
                            acc.at[pl.ds(NS * STRIPE, TAIL)])

        plsc.subcore_barrier()

        def chunk_op(j, b, scatter_wait, has_next):
            gb, gs = gbufs[b], gsems[b]
            zb, ss = zbufs[b], ssems[b]
            rv, rs = rowvs[b], rsems[b]
            cv, cs = colvs[b], csems[b]
            pltpu.make_async_copy(y_hbm.at[pl.ds(0, CHUNK)], gb, gs).wait()
            if has_next:
                @pl.when(j + 2 < NCHUNK)
                def _fetch_cols():
                    pltpu.async_copy(
                        cols_hbm.at[pl.ds(ebase + (j + 2) * CHUNK, CHUNK)],
                        cv, cs)

                @pl.when(j + 1 < NCHUNK)
                def _fetch_vals():
                    fetch_vals(j + 1, 1 - b)
            if scatter_wait == "always":
                pltpu.make_async_copy(zb, acc.at[rv], ss).wait()
            elif scatter_wait == "cond":
                @pl.when(j >= 2)
                def _wait_prev():
                    pltpu.make_async_copy(zb, acc.at[rv], ss).wait()
            pltpu.async_copy(rows_hbm.at[pl.ds(ebase + j * CHUNK, CHUNK)],
                             rv, rs)
            wait_vals(b)
            v1c, vsc, vrc = v1cs[b], vscs[b], vrcs[b]

            def grp_body(i0, c2):
                row = i0 // 2
                kbase = (i0 % 2) * 8
                v1vec = v1c[row]
                v2vec = (vsc[row] + vrc[row]) * 0.5
                for kk in range(8):
                    i = i0 * 8 + kk
                    bidx = jnp.full((16,), kk, jnp.int32) + kbase
                    a = v1vec.at[bidx].get(mode="promise_in_bounds")
                    c2v = v2vec.at[bidx].get(mode="promise_in_bounds")
                    ws = [gb[i, pl.ds(f * 16, 16)]
                          for f in range(OUT // 16)]
                    zs = [a * plsc.bitcast(w << 16, jnp.float32)
                          + c2v * plsc.bitcast(w & jnp.int32(-65536),
                                               jnp.float32)
                          for w in ws]
                    for f in range(OUT // 16):
                        zb[i, pl.ds(f * 16, 16)] = zs[f]
                return c2

            lax.fori_loop(0, CHUNK // 8, grp_body, 0)
            pltpu.make_async_copy(
                rows_hbm.at[pl.ds(0, CHUNK)], rv, rs).wait()
            pltpu.async_copy(zb, acc.at[rv], ss, add=True)
            if has_next:
                @pl.when(j + 2 < NCHUNK)
                def _start_next():
                    pltpu.make_async_copy(
                        cols_hbm.at[pl.ds(0, CHUNK)], cv, cs).wait()
                    pltpu.async_copy(y_hbm.at[cv], gb, gs)

        def pair_body(jp, carry):
            chunk_op(jp * 2, 0, "cond", True)
            chunk_op(jp * 2 + 1, 1, "cond", True)
            return carry

        lax.fori_loop(0, NCHUNK // 2, pair_body, 0)
        chunk_op(NCHUNK - 1, 0, "always", False)
        pltpu.make_async_copy(zbuf1, acc.at[rowv1], ssem1).wait()
        pltpu.make_async_copy(zbuf0, acc.at[rowv0], ssem0).wait()
        plsc.subcore_barrier()

        pltpu.sync_copy(acc.at[pl.ds(zbase, STRIPE)],
                        p_hbm.at[cid, pl.ds(zbase, STRIPE)])

        @pl.when(sid == NS - 1)
        def _drain_tail():
            pltpu.sync_copy(acc.at[pl.ds(NS * STRIPE, TAIL)],
                            p_hbm.at[cid, pl.ds(NS * STRIPE, TAIL)])

    return spmm(Y3, rows, cols, v1, vs, vr, zblk)


def kernel(X, edge_index, vals_hgnn, vals_sym, vals_rw, W, b):
    rows = edge_index[0]
    cols = edge_index[1]
    Wcat = jnp.concatenate([W[:D, :], W[D:, :]], axis=1)
    Wp = Wcat[:, _PERM]
    Y = _matmul(X, Wp)
    Y3 = lax.bitcast_convert_type(Y.reshape(N, D, 2), jnp.int32)
    zblk = jnp.zeros((128, OUT), jnp.float32)
    v4 = lambda v: v.reshape(NW, NCHUNK, CHUNK // 16, 16)
    P = _sc_spmm(Y3, rows, cols, v4(vals_hgnn), v4(vals_sym),
                 v4(vals_rw), zblk)
    return _combine(P, b.reshape(1, OUT))

# --- scband reference (transcript-rebuilt; emitter-appended) ---
"""Pipeline reference for scband-hgspectral-net-13065290514681 (READ-ONLY COPY).

The authoritative reference and input builder live on the scoring server;
editing this copy changes nothing except your own understanding.
"""

import jax, jax.numpy as jnp
import numpy as np

N = 10000
E = 320000
D = 128
OUT = 128


def _spmm(vals, rows, cols, X):
    # sparse (N x N) @ dense (N x D) via gather + scatter-add
    gathered = vals[:, None] * jnp.take(X, cols, axis=0)
    return jax.ops.segment_sum(gathered, rows, num_segments=N)


def setup_inputs(seed: int = 0) -> dict:
    key = jax.random.key(seed)
    ks = jax.random.split(key, 8)
    X = jax.random.normal(ks[0], (N, D), dtype=jnp.float32)
    edge_index = jax.random.randint(ks[1], (2, E), 0, N, dtype=jnp.int32)
    vals_hgnn = jax.random.uniform(ks[2], (E,), dtype=jnp.float32)
    vals_sym = jax.random.uniform(ks[3], (E,), dtype=jnp.float32)
    vals_rw = jax.random.uniform(ks[4], (E,), dtype=jnp.float32)
    # theta_out: Linear(2*D -> OUT) with bias
    W = jax.random.normal(ks[5], (2 * D, OUT), dtype=jnp.float32) * 0.02
    b = jnp.zeros((OUT,), dtype=jnp.float32)
    return {"X": X, "edge_index": edge_index, "vals_hgnn": vals_hgnn,
            "vals_sym": vals_sym, "vals_rw": vals_rw, "W": W, "b": b}


def reference(X, edge_index, vals_hgnn, vals_sym, vals_rw, W, b):
    rows = edge_index[0]
    cols = edge_index[1]
    # three spectral smoothings sharing the same sparsity pattern
    X_hgnn = _spmm(vals_hgnn, rows, cols, X)   # L_HGNN @ X
    X_sym = _spmm(vals_sym, rows, cols, X)     # L_sym  @ X
    X_rw = _spmm(vals_rw, rows, cols, X)       # L_rw   @ X
    X_sym_rw = (X_sym + X_rw) / 2.0
    X_spectral = jnp.concatenate([X_hgnn, X_sym_rw], axis=1)
    out = jnp.maximum(X_spectral @ W + b, 0.0)  # Linear + ReLU
    # dropout is identity in eval mode (deterministic reference)
    return out

if __name__ == "__main__":
    import jax
    _d = setup_inputs()
    print(jax.jit(kernel)(*tuple(_d.values())))

</pallas_src>

<mosaic_0001>
#map = affine_map<(d0, d1) -> (0, 0)>
#map1 = affine_map<(d0, d1) -> (0)>
#map2 = affine_map<(d0, d1) -> (0, 0, 0, 0)>
#map3 = affine_map<(d0, d1) -> (0, 0, 0)>
module attributes {stable_mosaic.version = 14 : i64} {
  func.func @spmm(%arg0: i32, %arg1: i32, %arg2: memref<10000x128xi32, #tpu.memory_space<hbm>>, %arg3: memref<320000xi32, #tpu.memory_space<hbm>>, %arg4: memref<320000xi32, #tpu.memory_space<hbm>>, %arg5: memref<32x125x5x16xf32, #tpu.memory_space<hbm>>, %arg6: memref<32x125x5x16xf32, #tpu.memory_space<hbm>>, %arg7: memref<32x125x5x16xf32, #tpu.memory_space<hbm>>, %arg8: memref<128x128xf32, #tpu.memory_space<hbm>>, %arg9: memref<2x10000x128xf32, #tpu.memory_space<hbm>>, %arg10: memref<10000x128xf32, #tpu.memory_space<vmem_shared>>, %arg11: memref<80xi32, #tpu.memory_space<vmem>>, %arg12: memref<80xi32, #tpu.memory_space<vmem>>, %arg13: memref<!tpu.dma_semaphore, #tpu.memory_space<semaphore_mem>>, %arg14: memref<!tpu.dma_semaphore, #tpu.memory_space<semaphore_mem>>, %arg15: memref<80x128xi32, #tpu.memory_space<vmem>>, %arg16: memref<80x128xi32, #tpu.memory_space<vmem>>, %arg17: memref<!tpu.dma_semaphore, #tpu.memory_space<semaphore_mem>>, %arg18: memref<!tpu.dma_semaphore, #tpu.memory_space<semaphore_mem>>, %arg19: memref<80xi32, #tpu.memory_space<vmem>>, %arg20: memref<80xi32, #tpu.memory_space<vmem>>, %arg21: memref<!tpu.dma_semaphore, #tpu.memory_space<semaphore_mem>>, %arg22: memref<!tpu.dma_semaphore, #tpu.memory_space<semaphore_mem>>, %arg23: memref<!tpu.dma_semaphore, #tpu.memory_space<semaphore_mem>>, %arg24: memref<!tpu.dma_semaphore, #tpu.memory_space<semaphore_mem>>, %arg25: memref<5x16xf32, #tpu.memory_space<vmem>>, %arg26: memref<5x16xf32, #tpu.memory_space<vmem>>, %arg27: memref<!tpu.dma_semaphore, #tpu.memory_space<semaphore_mem>>, %arg28: memref<!tpu.dma_semaphore, #tpu.memory_space<semaphore_mem>>, %arg29: memref<5x16xf32, #tpu.memory_space<vmem>>, %arg30: memref<5x16xf32, #tpu.memory_space<vmem>>, %arg31: memref<!tpu.dma_semaphore, #tpu.memory_space<semaphore_mem>>, %arg32: memref<!tpu.dma_semaphore, #tpu.memory_space<semaphore_mem>>, %arg33: memref<5x16xf32, #tpu.memory_space<vmem>>, %arg34: memref<5x16xf32, #tpu.memory_space<vmem>>, %arg35: memref<!tpu.dma_semaphore, #tpu.memory_space<semaphore_mem>>, %arg36: memref<!tpu.dma_semaphore, #tpu.memory_space<semaphore_mem>>, %arg37: memref<80x128xf32, #tpu.memory_space<vmem>>, %arg38: memref<80x128xf32, #tpu.memory_space<vmem>>) attributes {dimension_semantics = [#tpu.dimension_semantics<core_parallel>, #tpu.dimension_semantics<subcore_parallel>], iteration_bounds = array<i64: 2, 16>, scalar_prefetch = 0 : i64, scratch_operands = 29 : i64, tpu.core_type = #tpu.core_type<sc_vector_subcore>, window_params = [{transform_indices = #map}, {transform_indices = #map1}, {transform_indices = #map1}, {transform_indices = #map2}, {transform_indices = #map2}, {transform_indices = #map2}, {transform_indices = #map}, {transform_indices = #map3}]} {
    %mul3A = arith.constant 16 : i32
    %mul3A_0 = arith.muli %arg0, %mul3A : i32
    %add3A = arith.addi %mul3A_0, %arg1 : i32
    %mul3A_1 = arith.constant 10000 : i32
    %mul3A_2 = arith.muli %add3A, %mul3A_1 : i32
    %add3A_3 = arith.constant 0 : i32
    %add3A_4 = arith.addi %mul3A_2, %add3A_3 : i32
    %dma_start3A = tpu.memref_slice %arg4[%add3A_4] : memref<320000xi32, #tpu.memory_space<hbm>> -> memref<80xi32, #tpu.memory_space<hbm>>
    %dma_start3A_5 = tpu.memref_slice %arg4[%add3A_4] : memref<320000xi32, #tpu.memory_space<hbm>> -> memref<80xi32, #tpu.memory_space<hbm>>
    tpu.enqueue_dma source(%dma_start3A_5 : memref<80xi32, #tpu.memory_space<hbm>>) target(%arg11 : memref<80xi32, #tpu.memory_space<vmem>>) target_semaphore(%arg13 : memref<!tpu.dma_semaphore, #tpu.memory_space<semaphore_mem>>)
    %add3A_6 = arith.constant 80 : i32
    %add3A_7 = arith.addi %mul3A_2, %add3A_6 : i32
    %dma_start3A_8 = tpu.memref_slice %arg4[%add3A_7] : memref<320000xi32, #tpu.memory_space<hbm>> -> memref<80xi32, #tpu.memory_space<hbm>>
    %dma_start3A_9 = tpu.memref_slice %arg4[%add3A_7] : memref<320000xi32, #tpu.memory_space<hbm>> -> memref<80xi32, #tpu.memory_space<hbm>>
    tpu.enqueue_dma source(%dma_start3A_9 : memref<80xi32, #tpu.memory_space<hbm>>) target(%arg12 : memref<80xi32, #tpu.memory_space<vmem>>) target_semaphore(%arg14 : memref<!tpu.dma_semaphore, #tpu.memory_space<semaphore_mem>>)
    %dma_start3A_10 = arith.constant 0 : i32
    %dma_start3A_11 = arith.constant 0 : i32
    %dma_start3A_12 = arith.constant 0 : i32
    %dma_start3A_13 = tpu.memref_slice %arg5[%add3A, %dma_start3A_10, %dma_start3A_11, %dma_start3A_12] : memref<32x125x5x16xf32, #tpu.memory_space<hbm>> -> memref<1x1x5x16xf32, #tpu.memory_space<hbm>>
    %dma_start3A_14 = tpu.memref_squeeze %dma_start3A_13 : memref<1x1x5x16xf32, #tpu.memory_space<hbm>> -> memref<5x16xf32, #tpu.memory_space<hbm>>
    %dma_start3A_15 = arith.constant 0 : i32
    %dma_start3A_16 = arith.constant 0 : i32
    %dma_start3A_17 = tpu.memref_slice %arg5[%add3A, %dma_start3A_10, %dma_start3A_15, %dma_start3A_16] : memref<32x125x5x16xf32, #tpu.memory_space<hbm>> -> memref<1x1x5x16xf32, #tpu.memory_space<hbm>>
    %dma_start3A_18 = tpu.memref_squeeze %dma_start3A_17 : memref<1x1x5x16xf32, #tpu.memory_space<hbm>> -> memref<5x16xf32, #tpu.memory_space<hbm>>
    tpu.enqueue_dma source(%dma_start3A_18 : memref<5x16xf32, #tpu.memory_space<hbm>>) target(%arg25 : memref<5x16xf32, #tpu.memory_space<vmem>>) target_semaphore(%arg27 : memref<!tpu.dma_semaphore, #tpu.memory_space<semaphore_mem>>)
    %dma_start3A_19 = arith.constant 0 : i32
    %dma_start3A_20 = arith.constant 0 : i32
    %dma_start3A_21 = arith.constant 0 : i32
    %dma_start3A_22 = tpu.memref_slice %arg6[%add3A, %dma_start3A_19, %dma_start3A_20, %dma_start3A_21] : memref<32x125x5x16xf32, #tpu.memory_space<hbm>> -> memref<1x1x5x16xf32, #tpu.memory_space<hbm>>
    %dma_start3A_23 = tpu.memref_squeeze %dma_start3A_22 : memref<1x1x5x16xf32, #tpu.memory_space<hbm>> -> memref<5x16xf32, #tpu.memory_space<hbm>>
    %dma_start3A_24 = arith.constant 0 : i32
    %dma_start3A_25 = arith.constant 0 : i32
    %dma_start3A_26 = tpu.memref_slice %arg6[%add3A, %dma_start3A_19, %dma_start3A_24, %dma_start3A_25] : memref<32x125x5x16xf32, #tpu.memory_space<hbm>> -> memref<1x1x5x16xf32, #tpu.memory_space<hbm>>
    %dma_start3A_27 = tpu.memref_squeeze %dma_start3A_26 : memref<1x1x5x16xf32, #tpu.memory_space<hbm>> -> memref<5x16xf32, #tpu.memory_space<hbm>>
    tpu.enqueue_dma source(%dma_start3A_27 : memref<5x16xf32, #tpu.memory_space<hbm>>) target(%arg33 : memref<5x16xf32, #tpu.memory_space<vmem>>) target_semaphore(%arg35 : memref<!tpu.dma_semaphore, #tpu.memory_space<semaphore_mem>>)
    %dma_start3A_28 = arith.constant 0 : i32
    %dma_start3A_29 = arith.constant 0 : i32
    %dma_start3A_30 = arith.constant 0 : i32
    %dma_start3A_31 = tpu.memref_slice %arg7[%add3A, %dma_start3A_28, %dma_start3A_29, %dma_start3A_30] : memref<32x125x5x16xf32, #tpu.memory_space<hbm>> -> memref<1x1x5x16xf32, #tpu.memory_space<hbm>>
    %dma_start3A_32 = tpu.memref_squeeze %dma_start3A_31 : memref<1x1x5x16xf32, #tpu.memory_space<hbm>> -> memref<5x16xf32, #tpu.memory_space<hbm>>
    %dma_start3A_33 = arith.constant 0 : i32
    %dma_start3A_34 = arith.constant 0 : i32
    %dma_start3A_35 = tpu.memref_slice %arg7[%add3A, %dma_start3A_28, %dma_start3A_33, %dma_start3A_34] : memref<32x125x5x16xf32, #tpu.memory_space<hbm>> -> memref<1x1x5x16xf32, #tpu.memory_space<hbm>>
    %dma_start3A_36 = tpu.memref_squeeze %dma_start3A_35 : memref<1x1x5x16xf32, #tpu.memory_space<hbm>> -> memref<5x16xf32, #tpu.memory_space<hbm>>
    tpu.enqueue_dma source(%dma_start3A_36 : memref<5x16xf32, #tpu.memory_space<hbm>>) target(%arg29 : memref<5x16xf32, #tpu.memory_space<vmem>>) target_semaphore(%arg31 : memref<!tpu.dma_semaphore, #tpu.memory_space<semaphore_mem>>)
    %dma_wait3A = arith.constant 0 : i32
    %dma_wait3A_37 = tpu.memref_slice %arg4[%dma_wait3A] : memref<320000xi32, #tpu.memory_space<hbm>> -> memref<80xi32, #tpu.memory_space<hbm>>
    %dma_wait3A_38 = arith.constant 0 : i32
    %dma_wait3A_39 = tpu.memref_slice %arg4[%dma_wait3A_38] : memref<320000xi32, #tpu.memory_space<hbm>> -> memref<80xi32, #tpu.memory_space<hbm>>
    tpu.wait_dma2 semaphore(%arg13 : memref<!tpu.dma_semaphore, #tpu.memory_space<semaphore_mem>>) src(%dma_wait3A_39 : memref<80xi32, #tpu.memory_space<hbm>>) dst(%arg11 : memref<80xi32, #tpu.memory_space<vmem>>)
    %dma_start3A_40 = arith.constant 0 : i32
    %dma_start3A_41 = arith.constant 0 : i32
    %dma_start3A_42 = tpu.memref_slice %arg2[%dma_start3A_40, %dma_start3A_41] : memref<10000x128xi32, #tpu.memory_space<hbm>> -> memref<10000x128xi32, #tpu.memory_space<hbm>>
    tpu.enqueue_indirect_dma source(%dma_start3A_42 : memref<10000x128xi32, #tpu.memory_space<hbm>>) target(%arg15 : memref<80x128xi32, #tpu.memory_space<vmem>>) offsets(%arg11 : memref<80xi32, #tpu.memory_space<vmem>>) semaphore(%arg17 : memref<!tpu.dma_semaphore, #tpu.memory_space<semaphore_mem>>)
    %dma_wait3A_43 = arith.constant 0 : i32
    %dma_wait3A_44 = tpu.memref_slice %arg4[%dma_wait3A_43] : memref<320000xi32, #tpu.memory_space<hbm>> -> memref<80xi32, #tpu.memory_space<hbm>>
    %dma_wait3A_45 = arith.constant 0 : i32
    %dma_wait3A_46 = tpu.memref_slice %arg4[%dma_wait3A_45] : memref<320000xi32, #tpu.memory_space<hbm>> -> memref<80xi32, #tpu.memory_space<hbm>>
    tpu.wait_dma2 semaphore(%arg14 : memref<!tpu.dma_semaphore, #tpu.memory_space<semaphore_mem>>) src(%dma_wait3A_46 : memref<80xi32, #tpu.memory_space<hbm>>) dst(%arg12 : memref<80xi32, #tpu.memory_space<vmem>>)
    %dma_start3A_47 = arith.constant 0 : i32
    %dma_start3A_48 = arith.constant 0 : i32
    %dma_start3A_49 = tpu.memref_slice %arg2[%dma_start3A_47, %dma_start3A_48] : memref<10000x128xi32, #tpu.memory_space<hbm>> -> memref<10000x128xi32, #tpu.memory_space<hbm>>
    tpu.enqueue_indirect_dma source(%dma_start3A_49 : memref<10000x128xi32, #tpu.memory_space<hbm>>) target(%arg16 : memref<80x128xi32, #tpu.memory_space<vmem>>) offsets(%arg12 : memref<80xi32, #tpu.memory_space<vmem>>) semaphore(%arg18 : memref<!tpu.dma_semaphore, #tpu.memory_space<semaphore_mem>>)
    %mul3A_50 = arith.constant 624 : i32
    %mul3A_51 = arith.muli %arg1, %mul3A_50 : i32
    %add3A_52 = arith.constant 0 : i32
    %add3A_53 = arith.addi %mul3A_51, %add3A_52 : i32
    "tpu.region"() ({
      %run_scoped3A = tpu.sem_alloc : memref<!tpu.dma_semaphore, #tpu.memory_space<semaphore_mem>>
      %dma_start3A_137 = arith.constant 0 : i32
      %dma_start3A_138 = tpu.memref_slice %arg10[%add3A_53, %dma_start3A_137] : memref<10000x128xf32, #tpu.memory_space<vmem_shared>> -> memref<128x128xf32, #tpu.memory_space<vmem_shared>>
      tpu.enqueue_dma source(%arg8 : memref<128x128xf32, #tpu.memory_space<hbm>>) target(%dma_start3A_138 : memref<128x128xf32, #tpu.memory_space<vmem_shared>>) target_semaphore(%run_scoped3A : memref<!tpu.dma_semaphore, #tpu.memory_space<semaphore_mem>>)
      %dma_wait3A_139 = arith.constant 0 : i32
      %dma_wait3A_140 = tpu.memref_slice %arg10[%add3A_53, %dma_wait3A_139] : memref<10000x128xf32, #tpu.memory_space<vmem_shared>> -> memref<128x128xf32, #tpu.memory_space<vmem_shared>>
      tpu.wait_dma2 semaphore(%run_scoped3A : memref<!tpu.dma_semaphore, #tpu.memory_space<semaphore_mem>>) src(%arg8 : memref<128x128xf32, #tpu.memory_space<hbm>>) dst(%dma_wait3A_140 : memref<128x128xf32, #tpu.memory_space<vmem_shared>>)
      tpu.yield
    }) : () -> ()
    %add3A_54 = arith.constant 128 : i32
    %add3A_55 = arith.addi %mul3A_51, %add3A_54 : i32
    "tpu.region"() ({
      %run_scoped3A = tpu.sem_alloc : memref<!tpu.dma_semaphore, #tpu.memory_space<semaphore_mem>>
      %dma_start3A_137 = arith.constant 0 : i32
      %dma_start3A_138 = tpu.memref_slice %arg10[%add3A_55, %dma_start3A_137] : memref<10000x128xf32, #tpu.memory_space<vmem_shared>> -> memref<128x128xf32, #tpu.memory_space<vmem_shared>>
      tpu.enqueue_dma source(%arg8 : memref<128x128xf32, #tpu.memory_space<hbm>>) target(%dma_start3A_138 : memref<128x128xf32, #tpu.memory_space<vmem_shared>>) target_semaphore(%run_scoped3A : memref<!tpu.dma_semaphore, #tpu.memory_space<semaphore_mem>>)
      %dma_wait3A_139 = arith.constant 0 : i32
      %dma_wait3A_140 = tpu.memref_slice %arg10[%add3A_55, %dma_wait3A_139] : memref<10000x128xf32, #tpu.memory_space<vmem_shared>> -> memref<128x128xf32, #tpu.memory_space<vmem_shared>>
      tpu.wait_dma2 semaphore(%run_scoped3A : memref<!tpu.dma_semaphore, #tpu.memory_space<semaphore_mem>>) src(%arg8 : memref<128x128xf32, #tpu.memory_space<hbm>>) dst(%dma_wait3A_140 : memref<128x128xf32, #tpu.memory_space<vmem_shared>>)
      tpu.yield
    }) : () -> ()
    %add3A_56 = arith.constant 256 : i32
    %add3A_57 = arith.addi %mul3A_51, %add3A_56 : i32
    "tpu.region"() ({
      %run_scoped3A = tpu.sem_alloc : memref<!tpu.dma_semaphore, #tpu.memory_space<semaphore_mem>>
      %dma_start3A_137 = arith.constant 0 : i32
      %dma_start3A_138 = tpu.memref_slice %arg10[%add3A_57, %dma_start3A_137] : memref<10000x128xf32, #tpu.memory_space<vmem_shared>> -> memref<128x128xf32, #tpu.memory_space<vmem_shared>>
      tpu.enqueue_dma source(%arg8 : memref<128x128xf32, #tpu.memory_space<hbm>>) target(%dma_start3A_138 : memref<128x128xf32, #tpu.memory_space<vmem_shared>>) target_semaphore(%run_scoped3A : memref<!tpu.dma_semaphore, #tpu.memory_space<semaphore_mem>>)
      %dma_wait3A_139 = arith.constant 0 : i32
      %dma_wait3A_140 = tpu.memref_slice %arg10[%add3A_57, %dma_wait3A_139] : memref<10000x128xf32, #tpu.memory_space<vmem_shared>> -> memref<128x128xf32, #tpu.memory_space<vmem_shared>>
      tpu.wait_dma2 semaphore(%run_scoped3A : memref<!tpu.dma_semaphore, #tpu.memory_space<semaphore_mem>>) src(%arg8 : memref<128x128xf32, #tpu.memory_space<hbm>>) dst(%dma_wait3A_140 : memref<128x128xf32, #tpu.memory_space<vmem_shared>>)
      tpu.yield
    }) : () -> ()
    %add3A_58 = arith.constant 384 : i32
    %add3A_59 = arith.addi %mul3A_51, %add3A_58 : i32
    "tpu.region"() ({
      %run_scoped3A = tpu.sem_alloc : memref<!tpu.dma_semaphore, #tpu.memory_space<semaphore_mem>>
      %dma_start3A_137 = arith.constant 0 : i32
      %dma_start3A_138 = tpu.memref_slice %arg10[%add3A_59, %dma_start3A_137] : memref<10000x128xf32, #tpu.memory_space<vmem_shared>> -> memref<128x128xf32, #tpu.memory_space<vmem_shared>>
      tpu.enqueue_dma source(%arg8 : memref<128x128xf32, #tpu.memory_space<hbm>>) target(%dma_start3A_138 : memref<128x128xf32, #tpu.memory_space<vmem_shared>>) target_semaphore(%run_scoped3A : memref<!tpu.dma_semaphore, #tpu.memory_space<semaphore_mem>>)
      %dma_wait3A_139 = arith.constant 0 : i32
      %dma_wait3A_140 = tpu.memref_slice %arg10[%add3A_59, %dma_wait3A_139] : memref<10000x128xf32, #tpu.memory_space<vmem_shared>> -> memref<128x128xf32, #tpu.memory_space<vmem_shared>>
      tpu.wait_dma2 semaphore(%run_scoped3A : memref<!tpu.dma_semaphore, #tpu.memory_space<semaphore_mem>>) src(%arg8 : memref<128x128xf32, #tpu.memory_space<hbm>>) dst(%dma_wait3A_140 : memref<128x128xf32, #tpu.memory_space<vmem_shared>>)
      tpu.yield
    }) : () -> ()
    %add3A_60 = arith.constant 512 : i32
    %add3A_61 = arith.addi %mul3A_51, %add3A_60 : i32
    "tpu.region"() ({
      %run_scoped3A = tpu.sem_alloc : memref<!tpu.dma_semaphore, #tpu.memory_space<semaphore_mem>>
      %dma_start3A_137 = arith.constant 0 : i32
      %dma_start3A_138 = tpu.memref_slice %arg10[%add3A_61, %dma_start3A_137] : memref<10000x128xf32, #tpu.memory_space<vmem_shared>> -> memref<112x128xf32, #tpu.memory_space<vmem_shared>>
      %dma_start3A_139 = arith.constant 0 : i32
      %dma_start3A_140 = arith.constant 0 : i32
      %dma_start3A_141 = tpu.memref_slice %arg8[%dma_start3A_139, %dma_start3A_140] : memref<128x128xf32, #tpu.memory_space<hbm>> -> memref<112x128xf32, #tpu.memory_space<hbm>>
      tpu.enqueue_dma source(%dma_start3A_141 : memref<112x128xf32, #tpu.memory_space<hbm>>) target(%dma_start3A_138 : memref<112x128xf32, #tpu.memory_space<vmem_shared>>) target_semaphore(%run_scoped3A : memref<!tpu.dma_semaphore, #tpu.memory_space<semaphore_mem>>)
      %dma_wait3A_142 = arith.constant 0 : i32
      %dma_wait3A_143 = tpu.memref_slice %arg10[%add3A_61, %dma_wait3A_142] : memref<10000x128xf32, #tpu.memory_space<vmem_shared>> -> memref<112x128xf32, #tpu.memory_space<vmem_shared>>
      %dma_wait3A_144 = arith.constant 0 : i32
      %dma_wait3A_145 = arith.constant 0 : i32
      %dma_wait3A_146 = tpu.memref_slice %arg8[%dma_wait3A_144, %dma_wait3A_145] : memref<128x128xf32, #tpu.memory_space<hbm>> -> memref<112x128xf32, #tpu.memory_space<hbm>>
      tpu.wait_dma2 semaphore(%run_scoped3A : memref<!tpu.dma_semaphore, #tpu.memory_space<semaphore_mem>>) src(%dma_wait3A_146 : memref<112x128xf32, #tpu.memory_space<hbm>>) dst(%dma_wait3A_143 : memref<112x128xf32, #tpu.memory_space<vmem_shared>>)
      tpu.yield
    }) : () -> ()
    %eq3A = arith.constant 15 : i32
    %eq3A_62 = arith.cmpi eq, %arg1, %eq3A : i32
    %convert_element_type3A = arith.extui %eq3A_62 : i1 to i32
    %cond3A = arith.constant 0 : i32
    %cond3A_63 = arith.cmpi ne, %convert_element_type3A, %cond3A : i32
    scf.if %cond3A_63 {
      "tpu.region"() ({
        %run_scoped3A = tpu.sem_alloc : memref<!tpu.dma_semaphore, #tpu.memory_space<semaphore_mem>>
        %dma_start3A_137 = arith.constant 9984 : i32
        %dma_start3A_138 = arith.constant 0 : i32
        %dma_start3A_139 = tpu.memref_slice %arg10[%dma_start3A_137, %dma_start3A_138] : memref<10000x128xf32, #tpu.memory_space<vmem_shared>> -> memref<16x128xf32, #tpu.memory_space<vmem_shared>>
        %dma_start3A_140 = arith.constant 0 : i32
        %dma_start3A_141 = arith.constant 0 : i32
        %dma_start3A_142 = tpu.memref_slice %arg8[%dma_start3A_140, %dma_start3A_141] : memref<128x128xf32, #tpu.memory_space<hbm>> -> memref<16x128xf32, #tpu.memory_space<hbm>>
        tpu.enqueue_dma source(%dma_start3A_142 : memref<16x128xf32, #tpu.memory_space<hbm>>) target(%dma_start3A_139 : memref<16x128xf32, #tpu.memory_space<vmem_shared>>) target_semaphore(%run_scoped3A : memref<!tpu.dma_semaphore, #tpu.memory_space<semaphore_mem>>)
        %dma_wait3A_143 = arith.constant 9984 : i32
        %dma_wait3A_144 = arith.constant 0 : i32
        %dma_wait3A_145 = tpu.memref_slice %arg10[%dma_wait3A_143, %dma_wait3A_144] : memref<10000x128xf32, #tpu.memory_space<vmem_shared>> -> memref<16x128xf32, #tpu.memory_space<vmem_shared>>
        %dma_wait3A_146 = arith.constant 0 : i32
        %dma_wait3A_147 = arith.constant 0 : i32
        %dma_wait3A_148 = tpu.memref_slice %arg8[%dma_wait3A_146, %dma_wait3A_147] : memref<128x128xf32, #tpu.memory_space<hbm>> -> memref<16x128xf32, #tpu.memory_space<hbm>>
        tpu.wait_dma2 semaphore(%run_scoped3A : memref<!tpu.dma_semaphore, #tpu.memory_space<semaphore_mem>>) src(%dma_wait3A_148 : memref<16x128xf32, #tpu.memory_space<hbm>>) dst(%dma_wait3A_145 : memref<16x128xf32, #tpu.memory_space<vmem_shared>>)
        tpu.yield
      }) : () -> ()
    } else {
    }
    %barrier3A = arith.constant 0 : index
    tpu.barrier barrier_id(%barrier3A)
    %scan3A = arith.constant 0 : i32
    %scan3A_64 = arith.constant 0 : i32
    %scan3A_65 = arith.constant 62 : i32
    %scan3A_66 = arith.addi %scan3A_64, %scan3A_65 : i32
    %scan3A_67 = arith.constant 1 : i32
    scf.for %scan3A_137 = %scan3A_64 to %scan3A_66 step %scan3A_67  : i32 {
      %mul3A_138 = arith.constant 2 : i32
      %mul3A_139 = arith.muli %scan3A_137, %mul3A_138 : i32
      %dma_wait3A_140 = arith.constant 0 : i32
      %dma_wait3A_141 = arith.constant 0 : i32
      %dma_wait3A_142 = tpu.memref_slice %arg2[%dma_wait3A_140, %dma_wait3A_141] : memref<10000x128xi32, #tpu.memory_space<hbm>> -> memref<80x128xi32, #tpu.memory_space<hbm>>
      %dma_wait3A_143 = arith.constant 0 : i32
      %dma_wait3A_144 = arith.constant 0 : i32
      %dma_wait3A_145 = tpu.memref_slice %arg2[%dma_wait3A_143, %dma_wait3A_144] : memref<10000x128xi32, #tpu.memory_space<hbm>> -> memref<80x128xi32, #tpu.memory_space<hbm>>
      tpu.wait_dma2 semaphore(%arg17 : memref<!tpu.dma_semaphore, #tpu.memory_space<semaphore_mem>>) src(%dma_wait3A_145 : memref<80x128xi32, #tpu.memory_space<hbm>>) dst(%arg15 : memref<80x128xi32, #tpu.memory_space<vmem>>)
      %add3A_146 = arith.constant 2 : i32
      %add3A_147 = arith.addi %mul3A_139, %add3A_146 : i32
      %lt3A = arith.constant 125 : i32
      %lt3A_148 = arith.cmpi slt, %add3A_147, %lt3A : i32
      %convert_element_type3A_149 = arith.extui %lt3A_148 : i1 to i32
      %cond3A_150 = arith.constant 0 : i32
      %cond3A_151 = arith.cmpi ne, %convert_element_type3A_149, %cond3A_150 : i32
      scf.if %cond3A_151 {
        %add3A_302 = arith.constant 2 : i32
        %add3A_303 = arith.addi %mul3A_139, %add3A_302 : i32
        %mul3A_304 = arith.constant 80 : i32
        %mul3A_305 = arith.muli %add3A_303, %mul3A_304 : i32
        %add3A_306 = arith.addi %mul3A_2, %mul3A_305 : i32
        %dma_start3A_307 = tpu.memref_slice %arg4[%add3A_306] : memref<320000xi32, #tpu.memory_space<hbm>> -> memref<80xi32, #tpu.memory_space<hbm>>
        %dma_start3A_308 = tpu.memref_slice %arg4[%add3A_306] : memref<320000xi32, #tpu.memory_space<hbm>> -> memref<80xi32, #tpu.memory_space<hbm>>
        tpu.enqueue_dma source(%dma_start3A_308 : memref<80xi32, #tpu.memory_space<hbm>>) target(%arg11 : memref<80xi32, #tpu.memory_space<vmem>>) target_semaphore(%arg13 : memref<!tpu.dma_semaphore, #tpu.memory_space<semaphore_mem>>)
      } else {
      }
      %add3A_152 = arith.constant 1 : i32
      %add3A_153 = arith.addi %mul3A_139, %add3A_152 : i32
      %lt3A_154 = arith.constant 125 : i32
      %lt3A_155 = arith.cmpi slt, %add3A_153, %lt3A_154 : i32
      %convert_element_type3A_156 = arith.extui %lt3A_155 : i1 to i32
      %cond3A_157 = arith.constant 0 : i32
      %cond3A_158 = arith.cmpi ne, %convert_element_type3A_156, %cond3A_157 : i32
      scf.if %cond3A_158 {
        %add3A_302 = arith.constant 1 : i32
        %add3A_303 = arith.addi %mul3A_139, %add3A_302 : i32
        %dma_start3A_304 = arith.constant 0 : i32
        %dma_start3A_305 = arith.constant 0 : i32
        %dma_start3A_306 = tpu.memref_slice %arg5[%add3A, %add3A_303, %dma_start3A_304, %dma_start3A_305] : memref<32x125x5x16xf32, #tpu.memory_space<hbm>> -> memref<1x1x5x16xf32, #tpu.memory_space<hbm>>
        %dma_start3A_307 = tpu.memref_squeeze %dma_start3A_306 : memref<1x1x5x16xf32, #tpu.memory_space<hbm>> -> memref<5x16xf32, #tpu.memory_space<hbm>>
        %dma_start3A_308 = arith.constant 0 : i32
        %dma_start3A_309 = arith.constant 0 : i32
        %dma_start3A_310 = tpu.memref_slice %arg5[%add3A, %add3A_303, %dma_start3A_308, %dma_start3A_309] : memref<32x125x5x16xf32, #tpu.memory_space<hbm>> -> memref<1x1x5x16xf32, #tpu.memory_space<hbm>>
        %dma_start3A_311 = tpu.memref_squeeze %dma_start3A_310 : memref<1x1x5x16xf32, #tpu.memory_space<hbm>> -> memref<5x16xf32, #tpu.memory_space<hbm>>
        tpu.enqueue_dma source(%dma_start3A_311 : memref<5x16xf32, #tpu.memory_space<hbm>>) target(%arg26 : memref<5x16xf32, #tpu.memory_space<vmem>>) target_semaphore(%arg28 : memref<!tpu.dma_semaphore, #tpu.memory_space<semaphore_mem>>)
        %dma_start3A_312 = arith.constant 0 : i32
        %dma_start3A_313 = arith.constant 0 : i32
        %dma_start3A_314 = tpu.memref_slice %arg6[%add3A, %add3A_303, %dma_start3A_312, %dma_start3A_313] : memref<32x125x5x16xf32, #tpu.memory_space<hbm>> -> memref<1x1x5x16xf32, #tpu.memory_space<hbm>>
        %dma_start3A_315 = tpu.memref_squeeze %dma_start3A_314 : memref<1x1x5x16xf32, #tpu.memory_space<hbm>> -> memref<5x16xf32, #tpu.memory_space<hbm>>
        %dma_start3A_316 = arith.constant 0 : i32
        %dma_start3A_317 = arith.constant 0 : i32
        %dma_start3A_318 = tpu.memref_slice %arg6[%add3A, %add3A_303, %dma_start3A_316, %dma_start3A_317] : memref<32x125x5x16xf32, #tpu.memory_space<hbm>> -> memref<1x1x5x16xf32, #tpu.memory_space<hbm>>
        %dma_start3A_319 = tpu.memref_squeeze %dma_start3A_318 : memref<1x1x5x16xf32, #tpu.memory_space<hbm>> -> memref<5x16xf32, #tpu.memory_space<hbm>>
        tpu.enqueue_dma source(%dma_start3A_319 : memref<5x16xf32, #tpu.memory_space<hbm>>) target(%arg34 : memref<5x16xf32, #tpu.memory_space<vmem>>) target_semaphore(%arg36 : memref<!tpu.dma_semaphore, #tpu.memory_space<semaphore_mem>>)
        %dma_start3A_320 = arith.constant 0 : i32
        %dma_start3A_321 = arith.constant 0 : i32
        %dma_start3A_322 = tpu.memref_slice %arg7[%add3A, %add3A_303, %dma_start3A_320, %dma_start3A_321] : memref<32x125x5x16xf32, #tpu.memory_space<hbm>> -> memref<1x1x5x16xf32, #tpu.memory_space<hbm>>
        %dma_start3A_323 = tpu.memref_squeeze %dma_start3A_322 : memref<1x1x5x16xf32, #tpu.memory_space<hbm>> -> memref<5x16xf32, #tpu.memory_space<hbm>>
        %dma_start3A_324 = arith.constant 0 : i32
        %dma_start3A_325 = arith.constant 0 : i32
        %dma_start3A_326 = tpu.memref_slice %arg7[%add3A, %add3A_303, %dma_start3A_324, %dma_start3A_325] : memref<32x125x5x16xf32, #tpu.memory_space<hbm>> -> memref<1x1x5x16xf32, #tpu.memory_space<hbm>>
        %dma_start3A_327 = tpu.memref_squeeze %dma_start3A_326 : memref<1x1x5x16xf32, #tpu.memory_space<hbm>> -> memref<5x16xf32, #tpu.memory_space<hbm>>
        tpu.enqueue_dma source(%dma_start3A_327 : memref<5x16xf32, #tpu.memory_space<hbm>>) target(%arg30 : memref<5x16xf32, #tpu.memory_space<vmem>>) target_semaphore(%arg32 : memref<!tpu.dma_semaphore, #tpu.memory_space<semaphore_mem>>)
      } else {
      }
      %ge3A = arith.constant 2 : i32
      %ge3A_159 = arith.cmpi sge, %mul3A_139, %ge3A : i32
      %convert_element_type3A_160 = arith.extui %ge3A_159 : i1 to i32
      %cond3A_161 = arith.constant 0 : i32
      %cond3A_162 = arith.cmpi ne, %convert_element_type3A_160, %cond3A_161 : i32
      scf.if %cond3A_162 {
        %dma_wait3A_302 = arith.constant 0 : i32
        %dma_wait3A_303 = arith.constant 0 : i32
        %dma_wait3A_304 = tpu.memref_slice %arg10[%dma_wait3A_302, %dma_wait3A_303] : memref<10000x128xf32, #tpu.memory_space<vmem_shared>> -> memref<10000x128xf32, #tpu.memory_space<vmem_shared>>
        tpu.wait_indirect_dma semaphore(%arg23 : memref<!tpu.dma_semaphore, #tpu.memory_space<semaphore_mem>>) src(%arg37 : memref<80x128xf32, #tpu.memory_space<vmem>>) dst(%dma_wait3A_304 : memref<10000x128xf32, #tpu.memory_space<vmem_shared>>)
      } else {
      }
      %mul3A_163 = arith.constant 80 : i32
      %mul3A_164 = arith.muli %mul3A_139, %mul3A_163 : i32
      %add3A_165 = arith.addi %mul3A_2, %mul3A_164 : i32
      %dma_start3A_166 = tpu.memref_slice %arg3[%add3A_165] : memref<320000xi32, #tpu.memory_space<hbm>> -> memref<80xi32, #tpu.memory_space<hbm>>
      %dma_start3A_167 = tpu.memref_slice %arg3[%add3A_165] : memref<320000xi32, #tpu.memory_space<hbm>> -> memref<80xi32, #tpu.memory_space<hbm>>
      tpu.enqueue_dma source(%dma_start3A_167 : memref<80xi32, #tpu.memory_space<hbm>>) target(%arg19 : memref<80xi32, #tpu.memory_space<vmem>>) target_semaphore(%arg21 : memref<!tpu.dma_semaphore, #tpu.memory_space<semaphore_mem>>)
      %dma_wait3A_168 = arith.constant 0 : i32
      %dma_wait3A_169 = arith.constant 0 : i32
      %dma_wait3A_170 = arith.constant 0 : i32
      %dma_wait3A_171 = arith.constant 0 : i32
      %dma_wait3A_172 = tpu.memref_slice %arg5[%dma_wait3A_168, %dma_wait3A_169, %dma_wait3A_170, %dma_wait3A_171] : memref<32x125x5x16xf32, #tpu.memory_space<hbm>> -> memref<1x1x5x16xf32, #tpu.memory_space<hbm>>
      %dma_wait3A_173 = tpu.memref_squeeze %dma_wait3A_172 : memref<1x1x5x16xf32, #tpu.memory_space<hbm>> -> memref<5x16xf32, #tpu.memory_space<hbm>>
      %dma_wait3A_174 = arith.constant 0 : i32
      %dma_wait3A_175 = arith.constant 0 : i32
      %dma_wait3A_176 = tpu.memref_slice %arg5[%dma_wait3A_168, %dma_wait3A_169, %dma_wait3A_174, %dma_wait3A_175] : memref<32x125x5x16xf32, #tpu.memory_space<hbm>> -> memref<1x1x5x16xf32, #tpu.memory_space<hbm>>
      %dma_wait3A_177 = tpu.memref_squeeze %dma_wait3A_176 : memref<1x1x5x16xf32, #tpu.memory_space<hbm>> -> memref<5x16xf32, #tpu.memory_space<hbm>>
      tpu.wait_dma2 semaphore(%arg27 : memref<!tpu.dma_semaphore, #tpu.memory_space<semaphore_mem>>) src(%dma_wait3A_177 : memref<5x16xf32, #tpu.memory_space<hbm>>) dst(%arg25 : memref<5x16xf32, #tpu.memory_space<vmem>>)
      %dma_wait3A_178 = arith.constant 0 : i32
      %dma_wait3A_179 = arith.constant 0 : i32
      %dma_wait3A_180 = arith.constant 0 : i32
      %dma_wait3A_181 = arith.constant 0 : i32
      %dma_wait3A_182 = tpu.memref_slice %arg6[%dma_wait3A_178, %dma_wait3A_179, %dma_wait3A_180, %dma_wait3A_181] : memref<32x125x5x16xf32, #tpu.memory_space<hbm>> -> memref<1x1x5x16xf32, #tpu.memory_space<hbm>>
      %dma_wait3A_183 = tpu.memref_squeeze %dma_wait3A_182 : memref<1x1x5x16xf32, #tpu.memory_space<hbm>> -> memref<5x16xf32, #tpu.memory_space<hbm>>
      %dma_wait3A_184 = arith.constant 0 : i32
      %dma_wait3A_185 = arith.constant 0 : i32
      %dma_wait3A_186 = tpu.memref_slice %arg6[%dma_wait3A_178, %dma_wait3A_179, %dma_wait3A_184, %dma_wait3A_185] : memref<32x125x5x16xf32, #tpu.memory_space<hbm>> -> memref<1x1x5x16xf32, #tpu.memory_space<hbm>>
      %dma_wait3A_187 = tpu.memref_squeeze %dma_wait3A_186 : memref<1x1x5x16xf32, #tpu.memory_space<hbm>> -> memref<5x16xf32, #tpu.memory_space<hbm>>
      tpu.wait_dma2 semaphore(%arg35 : memref<!tpu.dma_semaphore, #tpu.memory_space<semaphore_mem>>) src(%dma_wait3A_187 : memref<5x16xf32, #tpu.memory_space<hbm>>) dst(%arg33 : memref<5x16xf32, #tpu.memory_space<vmem>>)
      %dma_wait3A_188 = arith.constant 0 : i32
      %dma_wait3A_189 = arith.constant 0 : i32
      %dma_wait3A_190 = arith.constant 0 : i32
      %dma_wait3A_191 = arith.constant 0 : i32
      %dma_wait3A_192 = tpu.memref_slice %arg7[%dma_wait3A_188, %dma_wait3A_189, %dma_wait3A_190, %dma_wait3A_191] : memref<32x125x5x16xf32, #tpu.memory_space<hbm>> -> memref<1x1x5x16xf32, #tpu.memory_space<hbm>>
      %dma_wait3A_193 = tpu.memref_squeeze %dma_wait3A_192 : memref<1x1x5x16xf32, #tpu.memory_space<hbm>> -> memref<5x16xf32, #tpu.memory_space<hbm>>
      %dma_wait3A_194 = arith.constant 0 : i32
      %dma_wait3A_195 = arith.constant 0 : i32
      %dma_wait3A_196 = tpu.memref_slice %arg7[%dma_wait3A_188, %dma_wait3A_189, %dma_wait3A_194, %dma_wait3A_195] : memref<32x125x5x16xf32, #tpu.memory_space<hbm>> -> memref<1x1x5x16xf32, #tpu.memory_space<hbm>>
      %dma_wait3A_197 = tpu.memref_squeeze %dma_wait3A_196 : memref<1x1x5x16xf32, #tpu.memory_space<hbm>> -> memref<5x16xf32, #tpu.memory_space<hbm>>
      tpu.wait_dma2 semaphore(%arg31 : memref<!tpu.dma_semaphore, #tpu.memory_space<semaphore_mem>>) src(%dma_wait3A_197 : memref<5x16xf32, #tpu.memory_space<hbm>>) dst(%arg29 : memref<5x16xf32, #tpu.memory_space<vmem>>)
      %scan3A_198 = arith.constant 0 : i32
      %scan3A_199 = arith.constant 0 : i32
      %scan3A_200 = arith.constant 10 : i32
      %scan3A_201 = arith.addi %scan3A_199, %scan3A_200 : i32
      %scan3A_202 = arith.constant 1 : i32
      scf.for %scan3A_302 = %scan3A_199 to %scan3A_201 step %scan3A_202  : i32 {
        %jit3A = arith.constant 2 : i32
        %div3A = arith.divsi %scan3A_302, %jit3A : i32
        %sign3A = arith.constant 0 : i32
        %sign3A_303 = arith.cmpi sgt, %scan3A_302, %sign3A : i32
        %sign3A_304 = arith.extui %sign3A_303 : i1 to i32
        %sign3A_305 = arith.constant 0 : i32
        %sign3A_306 = arith.cmpi slt, %scan3A_302, %sign3A_305 : i32
        %sign3A_307 = arith.extui %sign3A_306 : i1 to i32
        %sign3A_308 = arith.subi %sign3A_304, %sign3A_307 : i32
        %sign3A_309 = arith.constant 0 : i32
        %sign3A_310 = arith.cmpi sgt, %jit3A, %sign3A_309 : i32
        %sign3A_311 = arith.extui %sign3A_310 : i1 to i32
        %sign3A_312 = arith.constant 0 : i32
        %sign3A_313 = arith.cmpi slt, %jit3A, %sign3A_312 : i32
        %sign3A_314 = arith.extui %sign3A_313 : i1 to i32
        %sign3A_315 = arith.subi %sign3A_311, %sign3A_314 : i32
        %ne3A = arith.cmpi ne, %sign3A_308, %sign3A_315 : i32
        %rem3A = arith.remsi %scan3A_302, %jit3A : i32
        %ne3A_316 = arith.constant 0 : i32
        %ne3A_317 = arith.cmpi ne, %rem3A, %ne3A_316 : i32
        %and3A = arith.andi %ne3A, %ne3A_317 : i1
        %sub3A = arith.constant 1 : i32
        %sub3A_318 = arith.subi %div3A, %sub3A : i32
        %select_n3A = arith.select %and3A, %sub3A_318, %div3A : i32
        %jit3A_319 = arith.constant 2 : i32
        %eq3A_320 = arith.constant 0 : i32
        %eq3A_321 = arith.cmpi eq, %jit3A_319, %eq3A_320 : i32
        %jit3A_322 = arith.constant 1 : i32
        %select_n3A_323 = arith.select %eq3A_321, %jit3A_322, %jit3A_319 : i32
        %rem3A_324 = arith.remsi %scan3A_302, %select_n3A_323 : i32
        %ne3A_325 = arith.constant 0 : i32
        %ne3A_326 = arith.cmpi ne, %rem3A_324, %ne3A_325 : i32
        %lt3A_327 = arith.constant 0 : i32
        %lt3A_328 = arith.cmpi slt, %rem3A_324, %lt3A_327 : i32
        %lt3A_329 = arith.constant 0 : i32
        %lt3A_330 = arith.cmpi slt, %select_n3A_323, %lt3A_329 : i32
        %ne3A_331 = arith.xori %lt3A_328, %lt3A_330 : i1
        %and3A_332 = arith.andi %ne3A_331, %ne3A_326 : i1
        %add3A_333 = arith.addi %rem3A_324, %select_n3A_323 : i32
        %select_n3A_334 = arith.select %and3A_332, %add3A_333, %rem3A_324 : i32
        %mul3A_335 = arith.constant 8 : i32
        %mul3A_336 = arith.muli %select_n3A_334, %mul3A_335 : i32
        %get3A = arith.index_cast %select_n3A : i32 to index
        %get3A_337 = arith.constant 0 : index
        %get3A_338 = tpu.vector_load %arg25[%get3A, %get3A_337] {strides = array<i32>} : memref<5x16xf32, #tpu.memory_space<vmem>>, vector<16xf32>,
        %get3A_339 = arith.index_cast %select_n3A : i32 to index
        %get3A_340 = arith.constant 0 : index
        %get3A_341 = tpu.vector_load %arg33[%get3A_339, %get3A_340] {strides = array<i32>} : memref<5x16xf32, #tpu.memory_space<vmem>>, vector<16xf32>,
        %get3A_342 = arith.index_cast %select_n3A : i32 to index
        %get3A_343 = arith.constant 0 : index
        %get3A_344 = tpu.vector_load %arg29[%get3A_342, %get3A_343] {strides = array<i32>} : memref<5x16xf32, #tpu.memory_space<vmem>>, vector<16xf32>,
        %add3A_345 = arith.addf %get3A_341, %get3A_344 : vector<16xf32>
        %mul3A_346 = arith.constant 5.000000e-01 : f32
        %mul3A_347 = vector.broadcast %mul3A_346 : f32 to vector<16xf32>
        %mul3A_348 = arith.mulf %add3A_345, %mul3A_347 : vector<16xf32>
        %mul3A_349 = arith.constant 8 : i32
        %mul3A_350 = arith.muli %scan3A_302, %mul3A_349 : i32
        %add3A_351 = arith.constant 0 : i32
        %add3A_352 = arith.addi %mul3A_350, %add3A_351 : i32
        %broadcast_in_dim3A = arith.constant 0 : i32
        %broadcast_in_dim3A_353 = vector.broadcast %broadcast_in_dim3A : i32 to vector<16xi32>
        %add3A_354 = vector.broadcast %mul3A_336 : i32 to vector<16xi32>
        %add3A_355 = arith.addi %broadcast_in_dim3A_353, %add3A_354 : vector<16xi32>
        %lt3A_356 = arith.constant 0 : i32
        %lt3A_357 = vector.broadcast %lt3A_356 : i32 to vector<16xi32>
        %lt3A_358 = arith.cmpi slt, %add3A_355, %lt3A_357 : vector<16xi32>
        %add3A_359 = arith.constant 16 : i32
        %add3A_360 = vector.broadcast %add3A_359 : i32 to vector<16xi32>
        %add3A_361 = arith.addi %add3A_355, %add3A_360 : vector<16xi32>
        %select_n3A_362 = arith.select %lt3A_358, %add3A_361, %add3A_355 : vector<16xi1>, vector<16xi32>
        %broadcast_in_dim3A_363 = vector.shape_cast %select_n3A_362 : vector<16xi32> to vector<16x1xi32>
        %gather3A = vector.shape_cast %broadcast_in_dim3A_363 : vector<16x1xi32> to vector<16xi32>
        %gather3A_364 = tpu.dynamic_gather %get3A_338[%gather3A] in [0] : vector<16xf32>, vector<16xi32> -> vector<16xf32>
        %lt3A_365 = arith.constant 0 : i32
        %lt3A_366 = vector.broadcast %lt3A_365 : i32 to vector<16xi32>
        %lt3A_367 = arith.cmpi slt, %add3A_355, %lt3A_366 : vector<16xi32>
        %add3A_368 = arith.constant 16 : i32
        %add3A_369 = vector.broadcast %add3A_368 : i32 to vector<16xi32>
        %add3A_370 = arith.addi %add3A_355, %add3A_369 : vector<16xi32>
        %select_n3A_371 = arith.select %lt3A_367, %add3A_370, %add3A_355 : vector<16xi1>, vector<16xi32>
        %broadcast_in_dim3A_372 = vector.shape_cast %select_n3A_371 : vector<16xi32> to vector<16x1xi32>
        %gather3A_373 = vector.shape_cast %broadcast_in_dim3A_372 : vector<16x1xi32> to vector<16xi32>
        %gather3A_374 = tpu.dynamic_gather %mul3A_348[%gather3A_373] in [0] : vector<16xf32>, vector<16xi32> -> vector<16xf32>
        %get3A_375 = arith.index_cast %add3A_352 : i32 to index
        %get3A_376 = arith.constant 0 : index
        %get3A_377 = tpu.vector_load %arg15[%get3A_375, %get3A_376] {strides = array<i32>} : memref<80x128xi32, #tpu.memory_space<vmem>>, vector<16xi32>,
        %get3A_378 = arith.index_cast %add3A_352 : i32 to index
        %get3A_379 = arith.constant 16 : index
        %get3A_380 = tpu.vector_load %arg15[%get3A_378, %get3A_379] {strides = array<i32>} : memref<80x128xi32, #tpu.memory_space<vmem>>, vector<16xi32>,
        %get3A_381 = arith.index_cast %add3A_352 : i32 to index
        %get3A_382 = arith.constant 32 : index
        %get3A_383 = tpu.vector_load %arg15[%get3A_381, %get3A_382] {strides = array<i32>} : memref<80x128xi32, #tpu.memory_space<vmem>>, vector<16xi32>,
        %get3A_384 = arith.index_cast %add3A_352 : i32 to index
        %get3A_385 = arith.constant 48 : index
        %get3A_386 = tpu.vector_load %arg15[%get3A_384, %get3A_385] {strides = array<i32>} : memref<80x128xi32, #tpu.memory_space<vmem>>, vector<16xi32>,
        %get3A_387 = arith.index_cast %add3A_352 : i32 to index
        %get3A_388 = arith.constant 64 : index
        %get3A_389 = tpu.vector_load %arg15[%get3A_387, %get3A_388] {strides = array<i32>} : memref<80x128xi32, #tpu.memory_space<vmem>>, vector<16xi32>,
        %get3A_390 = arith.index_cast %add3A_352 : i32 to index
        %get3A_391 = arith.constant 80 : index
        %get3A_392 = tpu.vector_load %arg15[%get3A_390, %get3A_391] {strides = array<i32>} : memref<80x128xi32, #tpu.memory_space<vmem>>, vector<16xi32>,
        %get3A_393 = arith.index_cast %add3A_352 : i32 to index
        %get3A_394 = arith.constant 96 : index
        %get3A_395 = tpu.vector_load %arg15[%get3A_393, %get3A_394] {strides = array<i32>} : memref<80x128xi32, #tpu.memory_space<vmem>>, vector<16xi32>,
        %get3A_396 = arith.index_cast %add3A_352 : i32 to index
        %get3A_397 = arith.constant 112 : index
        %get3A_398 = tpu.vector_load %arg15[%get3A_396, %get3A_397] {strides = array<i32>} : memref<80x128xi32, #tpu.memory_space<vmem>>, vector<16xi32>,
        %shift_left3A = arith.constant 16 : i32
        %shift_left3A_399 = vector.broadcast %shift_left3A : i32 to vector<16xi32>
        %shift_left3A_400 = arith.shli %get3A_377, %shift_left3A_399 : vector<16xi32>
        %bitcast3A = vector.bitcast %shift_left3A_400 : vector<16xi32> to vector<16xf32>
        %mul3A_401 = arith.mulf %gather3A_364, %bitcast3A : vector<16xf32>
        %and3A_402 = arith.constant -65536 : i32
        %and3A_403 = vector.broadcast %and3A_402 : i32 to vector<16xi32>
        %and3A_404 = arith.andi %get3A_377, %and3A_403 : vector<16xi32>
        %bitcast3A_405 = vector.bitcast %and3A_404 : vector<16xi32> to vector<16xf32>
        %mul3A_406 = arith.mulf %gather3A_374, %bitcast3A_405 : vector<16xf32>
        %add3A_407 = arith.addf %mul3A_401, %mul3A_406 : vector<16xf32>
        %shift_left3A_408 = arith.constant 16 : i32
        %shift_left3A_409 = vector.broadcast %shift_left3A_408 : i32 to vector<16xi32>
        %shift_left3A_410 = arith.shli %get3A_380, %shift_left3A_409 : vector<16xi32>
        %bitcast3A_411 = vector.bitcast %shift_left3A_410 : vector<16xi32> to vector<16xf32>
        %mul3A_412 = arith.mulf %gather3A_364, %bitcast3A_411 : vector<16xf32>
        %and3A_413 = arith.constant -65536 : i32
        %and3A_414 = vector.broadcast %and3A_413 : i32 to vector<16xi32>
        %and3A_415 = arith.andi %get3A_380, %and3A_414 : vector<16xi32>
        %bitcast3A_416 = vector.bitcast %and3A_415 : vector<16xi32> to vector<16xf32>
        %mul3A_417 = arith.mulf %gather3A_374, %bitcast3A_416 : vector<16xf32>
        %add3A_418 = arith.addf %mul3A_412, %mul3A_417 : vector<16xf32>
        %shift_left3A_419 = arith.constant 16 : i32
        %shift_left3A_420 = vector.broadcast %shift_left3A_419 : i32 to vector<16xi32>
        %shift_left3A_421 = arith.shli %get3A_383, %shift_left3A_420 : vector<16xi32>
        %bitcast3A_422 = vector.bitcast %shift_left3A_421 : vector<16xi32> to vector<16xf32>
        %mul3A_423 = arith.mulf %gather3A_364, %bitcast3A_422 : vector<16xf32>
        %and3A_424 = arith.constant -65536 : i32
        %and3A_425 = vector.broadcast %and3A_424 : i32 to vector<16xi32>
        %and3A_426 = arith.andi %get3A_383, %and3A_425 : vector<16xi32>
        %bitcast3A_427 = vector.bitcast %and3A_426 : vector<16xi32> to vector<16xf32>
        %mul3A_428 = arith.mulf %gather3A_374, %bitcast3A_427 : vector<16xf32>
        %add3A_429 = arith.addf %mul3A_423, %mul3A_428 : vector<16xf32>
        %shift_left3A_430 = arith.constant 16 : i32
        %shift_left3A_431 = vector.broadcast %shift_left3A_430 : i32 to vector<16xi32>
        %shift_left3A_432 = arith.shli %get3A_386, %shift_left3A_431 : vector<16xi32>
        %bitcast3A_433 = vector.bitcast %shift_left3A_432 : vector<16xi32> to vector<16xf32>
        %mul3A_434 = arith.mulf %gather3A_364, %bitcast3A_433 : vector<16xf32>
        %and3A_435 = arith.constant -65536 : i32
        %and3A_436 = vector.broadcast %and3A_435 : i32 to vector<16xi32>
        %and3A_437 = arith.andi %get3A_386, %and3A_436 : vector<16xi32>
        %bitcast3A_438 = vector.bitcast %and3A_437 : vector<16xi32> to vector<16xf32>
        %mul3A_439 = arith.mulf %gather3A_374, %bitcast3A_438 : vector<16xf32>
        %add3A_440 = arith.addf %mul3A_434, %mul3A_439 : vector<16xf32>
        %shift_left3A_441 = arith.constant 16 : i32
        %shift_left3A_442 = vector.broadcast %shift_left3A_441 : i32 to vector<16xi32>
        %shift_left3A_443 = arith.shli %get3A_389, %shift_left3A_442 : vector<16xi32>
        %bitcast3A_444 = vector.bitcast %shift_left3A_443 : vector<16xi32> to vector<16xf32>
        %mul3A_445 = arith.mulf %gather3A_364, %bitcast3A_444 : vector<16xf32>
        %and3A_446 = arith.constant -65536 : i32
        %and3A_447 = vector.broadcast %and3A_446 : i32 to vector<16xi32>
        %and3A_448 = arith.andi %get3A_389, %and3A_447 : vector<16xi32>
        %bitcast3A_449 = vector.bitcast %and3A_448 : vector<16xi32> to vector<16xf32>
        %mul3A_450 = arith.mulf %gather3A_374, %bitcast3A_449 : vector<16xf32>
        %add3A_451 = arith.addf %mul3A_445, %mul3A_450 : vector<16xf32>
        %shift_left3A_452 = arith.constant 16 : i32
        %shift_left3A_453 = vector.broadcast %shift_left3A_452 : i32 to vector<16xi32>
        %shift_left3A_454 = arith.shli %get3A_392, %shift_left3A_453 : vector<16xi32>
        %bitcast3A_455 = vector.bitcast %shift_left3A_454 : vector<16xi32> to vector<16xf32>
        %mul3A_456 = arith.mulf %gather3A_364, %bitcast3A_455 : vector<16xf32>
        %and3A_457 = arith.constant -65536 : i32
        %and3A_458 = vector.broadcast %and3A_457 : i32 to vector<16xi32>
        %and3A_459 = arith.andi %get3A_392, %and3A_458 : vector<16xi32>
        %bitcast3A_460 = vector.bitcast %and3A_459 : vector<16xi32> to vector<16xf32>
        %mul3A_461 = arith.mulf %gather3A_374, %bitcast3A_460 : vector<16xf32>
        %add3A_462 = arith.addf %mul3A_456, %mul3A_461 : vector<16xf32>
        %shift_left3A_463 = arith.constant 16 : i32
        %shift_left3A_464 = vector.broadcast %shift_left3A_463 : i32 to vector<16xi32>
        %shift_left3A_465 = arith.shli %get3A_395, %shift_left3A_464 : vector<16xi32>
        %bitcast3A_466 = vector.bitcast %shift_left3A_465 : vector<16xi32> to vector<16xf32>
        %mul3A_467 = arith.mulf %gather3A_364, %bitcast3A_466 : vector<16xf32>
        %and3A_468 = arith.constant -65536 : i32
        %and3A_469 = vector.broadcast %and3A_468 : i32 to vector<16xi32>
        %and3A_470 = arith.andi %get3A_395, %and3A_469 : vector<16xi32>
        %bitcast3A_471 = vector.bitcast %and3A_470 : vector<16xi32> to vector<16xf32>
        %mul3A_472 = arith.mulf %gather3A_374, %bitcast3A_471 : vector<16xf32>
        %add3A_473 = arith.addf %mul3A_467, %mul3A_472 : vector<16xf32>
        %shift_left3A_474 = arith.constant 16 : i32
        %shift_left3A_475 = vector.broadcast %shift_left3A_474 : i32 to vector<16xi32>
        %shift_left3A_476 = arith.shli %get3A_398, %shift_left3A_475 : vector<16xi32>
        %bitcast3A_477 = vector.bitcast %shift_left3A_476 : vector<16xi32> to vector<16xf32>
        %mul3A_478 = arith.mulf %gather3A_364, %bitcast3A_477 : vector<16xf32>
        %and3A_479 = arith.constant -65536 : i32
        %and3A_480 = vector.broadcast %and3A_479 : i32 to vector<16xi32>
        %and3A_481 = arith.andi %get3A_398, %and3A_480 : vector<16xi32>
        %bitcast3A_482 = vector.bitcast %and3A_481 : vector<16xi32> to vector<16xf32>
        %mul3A_483 = arith.mulf %gather3A_374, %bitcast3A_482 : vector<16xf32>
        %add3A_484 = arith.addf %mul3A_478, %mul3A_483 : vector<16xf32>
        %swap3A = arith.index_cast %add3A_352 : i32 to index
        %swap3A_485 = arith.constant 0 : index
        %swap3A_486 = tpu.vector_load %arg37[%swap3A, %swap3A_485] {strides = array<i32>} : memref<80x128xf32, #tpu.memory_space<vmem>>, vector<16xf32>,
        tpu.vector_store %arg37[%swap3A, %swap3A_485], %add3A_407 {strides = array<i32>} : memref<80x128xf32, #tpu.memory_space<vmem>>, vector<16xf32>,
        %swap3A_487 = arith.index_cast %add3A_352 : i32 to index
        %swap3A_488 = arith.constant 16 : index
        %swap3A_489 = tpu.vector_load %arg37[%swap3A_487, %swap3A_488] {strides = array<i32>} : memref<80x128xf32, #tpu.memory_space<vmem>>, vector<16xf32>,
        tpu.vector_store %arg37[%swap3A_487, %swap3A_488], %add3A_418 {strides = array<i32>} : memref<80x128xf32, #tpu.memory_space<vmem>>, vector<16xf32>,
        %swap3A_490 = arith.index_cast %add3A_352 : i32 to index
        %swap3A_491 = arith.constant 32 : index
        %swap3A_492 = tpu.vector_load %arg37[%swap3A_490, %swap3A_491] {strides = array<i32>} : memref<80x128xf32, #tpu.memory_space<vmem>>, vector<16xf32>,
        tpu.vector_store %arg37[%swap3A_490, %swap3A_491], %add3A_429 {strides = array<i32>} : memref<80x128xf32, #tpu.memory_space<vmem>>, vector<16xf32>,
        %swap3A_493 = arith.index_cast %add3A_352 : i32 to index
        %swap3A_494 = arith.constant 48 : index
        %swap3A_495 = tpu.vector_load %arg37[%swap3A_493, %swap3A_494] {strides = array<i32>} : memref<80x128xf32, #tpu.memory_space<vmem>>, vector<16xf32>,
        tpu.vector_store %arg37[%swap3A_493, %swap3A_494], %add3A_440 {strides = array<i32>} : memref<80x128xf32, #tpu.memory_space<vmem>>, vector<16xf32>,
        %swap3A_496 = arith.index_cast %add3A_352 : i32 to index
        %swap3A_497 = arith.constant 64 : index
        %swap3A_498 = tpu.vector_load %arg37[%swap3A_496, %swap3A_497] {strides = array<i32>} : memref<80x128xf32, #tpu.memory_space<vmem>>, vector<16xf32>,
        tpu.vector_store %arg37[%swap3A_496, %swap3A_497], %add3A_451 {strides = array<i32>} : memref<80x128xf32, #tpu.memory_space<vmem>>, vector<16xf32>,
        %swap3A_499 = arith.index_cast %add3A_352 : i32 to index
        %swap3A_500 = arith.constant 80 : index
        %swap3A_501 = tpu.vector_load %arg37[%swap3A_499, %swap3A_500] {strides = array<i32>} : memref<80x128xf32, #tpu.memory_space<vmem>>, vector<16xf32>,
        tpu.vector_store %arg37[%swap3A_499, %swap3A_500], %add3A_462 {strides = array<i32>} : memref<80x128xf32, #tpu.memory_space<vmem>>, vector<16xf32>,
        %swap3A_502 = arith.index_cast %add3A_352 : i32 to index
        %swap3A_503 = arith.constant 96 : index
        %swap3A_504 = tpu.vector_load %arg37[%swap3A_502, %swap3A_503] {strides = array<i32>} : memref<80x128xf32, #tpu.memory_space<vmem>>, vector<16xf32>,
        tpu.vector_store %arg37[%swap3A_502, %swap3A_503], %add3A_473 {strides = array<i32>} : memref<80x128xf32, #tpu.memory_space<vmem>>, vector<16xf32>,
        %swap3A_505 = arith.index_cast %add3A_352 : i32 to index
        %swap3A_506 = arith.constant 112 : index
        %swap3A_507 = tpu.vector_load %arg37[%swap3A_505, %swap3A_506] {strides = array<i32>} : memref<80x128xf32, #tpu.memory_space<vmem>>, vector<16xf32>,
        tpu.vector_store %arg37[%swap3A_505, %swap3A_506], %add3A_484 {strides = array<i32>} : memref<80x128xf32, #tpu.memory_space<vmem>>, vector<16xf32>,
        %mul3A_508 = arith.constant 8 : i32
        %mul3A_509 = arith.muli %scan3A_302, %mul3A_508 : i32
        %add3A_510 = arith.constant 1 : i32
        %add3A_511 = arith.addi %mul3A_509, %add3A_510 : i32
        %broadcast_in_dim3A_512 = arith.constant 1 : i32
        %broadcast_in_dim3A_513 = vector.broadcast %broadcast_in_dim3A_512 : i32 to vector<16xi32>
        %add3A_514 = vector.broadcast %mul3A_336 : i32 to vector<16xi32>
        %add3A_515 = arith.addi %broadcast_in_dim3A_513, %add3A_514 : vector<16xi32>
        %lt3A_516 = arith.constant 0 : i32
        %lt3A_517 = vector.broadcast %lt3A_516 : i32 to vector<16xi32>
        %lt3A_518 = arith.cmpi slt, %add3A_515, %lt3A_517 : vector<16xi32>
        %add3A_519 = arith.constant 16 : i32
        %add3A_520 = vector.broadcast %add3A_519 : i32 to vector<16xi32>
        %add3A_521 = arith.addi %add3A_515, %add3A_520 : vector<16xi32>
        %select_n3A_522 = arith.select %lt3A_518, %add3A_521, %add3A_515 : vector<16xi1>, vector<16xi32>
        %broadcast_in_dim3A_523 = vector.shape_cast %select_n3A_522 : vector<16xi32> to vector<16x1xi32>
        %gather3A_524 = vector.shape_cast %broadcast_in_dim3A_523 : vector<16x1xi32> to vector<16xi32>
        %gather3A_525 = tpu.dynamic_gather %get3A_338[%gather3A_524] in [0] : vector<16xf32>, vector<16xi32> -> vector<16xf32>
        %lt3A_526 = arith.constant 0 : i32
        %lt3A_527 = vector.broadcast %lt3A_526 : i32 to vector<16xi32>
        %lt3A_528 = arith.cmpi slt, %add3A_515, %lt3A_527 : vector<16xi32>
        %add3A_529 = arith.constant 16 : i32
        %add3A_530 = vector.broadcast %add3A_529 : i32 to vector<16xi32>
        %add3A_531 = arith.addi %add3A_515, %add3A_530 : vector<16xi32>
        %select_n3A_532 = arith.select %lt3A_528, %add3A_531, %add3A_515 : vector<16xi1>, vector<16xi32>
        %broadcast_in_dim3A_533 = vector.shape_cast %select_n3A_532 : vector<16xi32> to vector<16x1xi32>
        %gather3A_534 = vector.shape_cast %broadcast_in_dim3A_533 : vector<16x1xi32> to vector<16xi32>
        %gather3A_535 = tpu.dynamic_gather %mul3A_348[%gather3A_534] in [0] : vector<16xf32>, vector<16xi32> -> vector<16xf32>
        %get3A_536 = arith.index_cast %add3A_511 : i32 to index
        %get3A_537 = arith.constant 0 : index
        %get3A_538 = tpu.vector_load %arg15[%get3A_536, %get3A_537] {strides = array<i32>} : memref<80x128xi32, #tpu.memory_space<vmem>>, vector<16xi32>,
        %get3A_539 = arith.index_cast %add3A_511 : i32 to index
        %get3A_540 = arith.constant 16 : index
        %get3A_541 = tpu.vector_load %arg15[%get3A_539, %get3A_540] {strides = array<i32>} : memref<80x128xi32, #tpu.memory_space<vmem>>, vector<16xi32>,
        %get3A_542 = arith.index_cast %add3A_511 : i32 to index
        %get3A_543 = arith.constant 32 : index
        %get3A_544 = tpu.vector_load %arg15[%get3A_542, %get3A_543] {strides = array<i32>} : memref<80x128xi32, #tpu.memory_space<vmem>>, vector<16xi32>,
        %get3A_545 = arith.index_cast %add3A_511 : i32 to index
        %get3A_546 = arith.constant 48 : index
        %get3A_547 = tpu.vector_load %arg15[%get3A_545, %get3A_546] {strides = array<i32>} : memref<80x128xi32, #tpu.memory_space<vmem>>, vector<16xi32>,
        %get3A_548 = arith.index_cast %add3A_511 : i32 to index
        %get3A_549 = arith.constant 64 : index
        %get3A_550 = tpu.vector_load %arg15[%get3A_548, %get3A_549] {strides = array<i32>} : memref<80x128xi32, #tpu.memory_space<vmem>>, vector<16xi32>,
        %get3A_551 = arith.index_cast %add3A_511 : i32 to index
        %get3A_552 = arith.constant 80 : index
        %get3A_553 = tpu.vector_load %arg15[%get3A_551, %get3A_552] {strides = array<i32>} : memref<80x128xi32, #tpu.memory_space<vmem>>, vector<16xi32>,
        %get3A_554 = arith.index_cast %add3A_511 : i32 to index
        %get3A_555 = arith.constant 96 : index
        %get3A_556 = tpu.vector_load %arg15[%get3A_554, %get3A_555] {strides = array<i32>} : memref<80x128xi32, #tpu.memory_space<vmem>>, vector<16xi32>,
        %get3A_557 = arith.index_cast %add3A_511 : i32 to index
        %get3A_558 = arith.constant 112 : index
        %get3A_559 = tpu.vector_load %arg15[%get3A_557, %get3A_558] {strides = array<i32>} : memref<80x128xi32, #tpu.memory_space<vmem>>, vector<16xi32>,
        %shift_left3A_560 = arith.constant 16 : i32
        %shift_left3A_561 = vector.broadcast %shift_left3A_560 : i32 to vector<16xi32>
        %shift_left3A_562 = arith.shli %get3A_538, %shift_left3A_561 : vector<16xi32>
        %bitcast3A_563 = vector.bitcast %shift_left3A_562 : vector<16xi32> to vector<16xf32>
        %mul3A_564 = arith.mulf %gather3A_525, %bitcast3A_563 : vector<16xf32>
        %and3A_565 = arith.constant -65536 : i32
        %and3A_566 = vector.broadcast %and3A_565 : i32 to vector<16xi32>
        %and3A_567 = arith.andi %get3A_538, %and3A_566 : vector<16xi32>
        %bitcast3A_568 = vector.bitcast %and3A_567 : vector<16xi32> to vector<16xf32>
        %mul3A_569 = arith.mulf %gather3A_535, %bitcast3A_568 : vector<16xf32>
        %add3A_570 = arith.addf %mul3A_564, %mul3A_569 : vector<16xf32>
        %shift_left3A_571 = arith.constant 16 : i32
        %shift_left3A_572 = vector.broadcast %shift_left3A_571 : i32 to vector<16xi32>
        %shift_left3A_573 = arith.shli %get3A_541, %shift_left3A_572 : vector<16xi32>
        %bitcast3A_574 = vector.bitcast %shift_left3A_573 : vector<16xi32> to vector<16xf32>
        %mul3A_575 = arith.mulf %gather3A_525, %bitcast3A_574 : vector<16xf32>
        %and3A_576 = arith.constant -65536 : i32
        %and3A_577 = vector.broadcast %and3A_576 : i32 to vector<16xi32>
        %and3A_578 = arith.andi %get3A_541, %and3A_577 : vector<16xi32>
        %bitcast3A_579 = vector.bitcast %and3A_578 : vector<16xi32> to vector<16xf32>
        %mul3A_580 = arith.mulf %gather3A_535, %bitcast3A_579 : vector<16xf32>
        %add3A_581 = arith.addf %mul3A_575, %mul3A_580 : vector<16xf32>
        %shift_left3A_582 = arith.constant 16 : i32
        %shift_left3A_583 = vector.broadcast %shift_left3A_582 : i32 to vector<16xi32>
        %shift_left3A_584 = arith.shli %get3A_544, %shift_left3A_583 : vector<16xi32>
        %bitcast3A_585 = vector.bitcast %shift_left3A_584 : vector<16xi32> to vector<16xf32>
        %mul3A_586 = arith.mulf %gather3A_525, %bitcast3A_585 : vector<16xf32>
        %and3A_587 = arith.constant -65536 : i32
        %and3A_588 = vector.broadcast %and3A_587 : i32 to vector<16xi32>
        %and3A_589 = arith.andi %get3A_544, %and3A_588 : vector<16xi32>
        %bitcast3A_590 = vector.bitcast %and3A_589 : vector<16xi32> to vector<16xf32>
        %mul3A_591 = arith.mulf %gather3A_535, %bitcast3A_590 : vector<16xf32>
        %add3A_592 = arith.addf %mul3A_586, %mul3A_591 : vector<16xf32>
        %shift_left3A_593 = arith.constant 16 : i32
        %shift_left3A_594 = vector.broadcast %shift_left3A_593 : i32 to vector<16xi32>
        %shift_left3A_595 = arith.shli %get3A_547, %shift_left3A_594 : vector<16xi32>
        %bitcast3A_596 = vector.bitcast %shift_left3A_595 : vector<16xi32> to vector<16xf32>
        %mul3A_597 = arith.mulf %gather3A_525, %bitcast3A_596 : vector<16xf32>
        %and3A_598 = arith.constant -65536 : i32
        %and3A_599 = vector.broadcast %and3A_598 : i32 to vector<16xi32>
        %and3A_600 = arith.andi %get3A_547, %and3A_599 : vector<16xi32>
        %bitcast3A_601 = vector.bitcast %and3A_600 : vector<16xi32> to vector<16xf32>
        %mul3A_602 = arith.mulf %gather3A_535, %bitcast3A_601 : vector<16xf32>
        %add3A_603 = arith.addf %mul3A_597, %mul3A_602 : vector<16xf32>
        %shift_left3A_604 = arith.constant 16 : i32
        %shift_left3A_605 = vector.broadcast %shift_left3A_604 : i32 to vector<16xi32>
        %shift_left3A_606 = arith.shli %get3A_550, %shift_left3A_605 : vector<16xi32>
        %bitcast3A_607 = vector.bitcast %shift_left3A_606 : vector<16xi32> to vector<16xf32>
        %mul3A_608 = arith.mulf %gather3A_525, %bitcast3A_607 : vector<16xf32>
        %and3A_609 = arith.constant -65536 : i32
        %and3A_610 = vector.broadcast %and3A_609 : i32 to vector<16xi32>
        %and3A_611 = arith.andi %get3A_550, %and3A_610 : vector<16xi32>
        %bitcast3A_612 = vector.bitcast %and3A_611 : vector<16xi32> to vector<16xf32>
        %mul3A_613 = arith.mulf %gather3A_535, %bitcast3A_612 : vector<16xf32>
        %add3A_614 = arith.addf %mul3A_608, %mul3A_613 : vector<16xf32>
        %shift_left3A_615 = arith.constant 16 : i32
        %shift_left3A_616 = vector.broadcast %shift_left3A_615 : i32 to vector<16xi32>
        %shift_left3A_617 = arith.shli %get3A_553, %shift_left3A_616 : vector<16xi32>
        %bitcast3A_618 = vector.bitcast %shift_left3A_617 : vector<16xi32> to vector<16xf32>
        %mul3A_619 = arith.mulf %gather3A_525, %bitcast3A_618 : vector<16xf32>
        %and3A_620 = arith.constant -65536 : i32
        %and3A_621 = vector.broadcast %and3A_620 : i32 to vector<16xi32>
        %and3A_622 = arith.andi %get3A_553, %and3A_621 : vector<16xi32>
        %bitcast3A_623 = vector.bitcast %and3A_622 : vector<16xi32> to vector<16xf32>
        %mul3A_624 = arith.mulf %gather3A_535, %bitcast3A_623 : vector<16xf32>
        %add3A_625 = arith.addf %mul3A_619, %mul3A_624 : vector<16xf32>
        %shift_left3A_626 = arith.constant 16 : i32
        %shift_left3A_627 = vector.broadcast %shift_left3A_626 : i32 to vector<16xi32>
        %shift_left3A_628 = arith.shli %get3A_556, %shift_left3A_627 : vector<16xi32>
        %bitcast3A_629 = vector.bitcast %shift_left3A_628 : vector<16xi32> to vector<16xf32>
        %mul3A_630 = arith.mulf %gather3A_525, %bitcast3A_629 : vector<16xf32>
        %and3A_631 = arith.constant -65536 : i32
        %and3A_632 = vector.broadcast %and3A_631 : i32 to vector<16xi32>
        %and3A_633 = arith.andi %get3A_556, %and3A_632 : vector<16xi32>
        %bitcast3A_634 = vector.bitcast %and3A_633 : vector<16xi32> to vector<16xf32>
        %mul3A_635 = arith.mulf %gather3A_535, %bitcast3A_634 : vector<16xf32>
        %add3A_636 = arith.addf %mul3A_630, %mul3A_635 : vector<16xf32>
        %shift_left3A_637 = arith.constant 16 : i32
        %shift_left3A_638 = vector.broadcast %shift_left3A_637 : i32 to vector<16xi32>
        %shift_left3A_639 = arith.shli %get3A_559, %shift_left3A_638 : vector<16xi32>
        %bitcast3A_640 = vector.bitcast %shift_left3A_639 : vector<16xi32> to vector<16xf32>
        %mul3A_641 = arith.mulf %gather3A_525, %bitcast3A_640 : vector<16xf32>
        %and3A_642 = arith.constant -65536 : i32
        %and3A_643 = vector.broadcast %and3A_642 : i32 to vector<16xi32>
        %and3A_644 = arith.andi %get3A_559, %and3A_643 : vector<16xi32>
        %bitcast3A_645 = vector.bitcast %and3A_644 : vector<16xi32> to vector<16xf32>
        %mul3A_646 = arith.mulf %gather3A_535, %bitcast3A_645 : vector<16xf32>
        %add3A_647 = arith.addf %mul3A_641, %mul3A_646 : vector<16xf32>
        %swap3A_648 = arith.index_cast %add3A_511 : i32 to index
        %swap3A_649 = arith.constant 0 : index
        %swap3A_650 = tpu.vector_load %arg37[%swap3A_648, %swap3A_649] {strides = array<i32>} : memref<80x128xf32, #tpu.memory_space<vmem>>, vector<16xf32>,
        tpu.vector_store %arg37[%swap3A_648, %swap3A_649], %add3A_570 {strides = array<i32>} : memref<80x128xf32, #tpu.memory_space<vmem>>, vector<16xf32>,
        %swap3A_651 = arith.index_cast %add3A_511 : i32 to index
        %swap3A_652 = arith.constant 16 : index
        %swap3A_653 = tpu.vector_load %arg37[%swap3A_651, %swap3A_652] {strides = array<i32>} : memref<80x128xf32, #tpu.memory_space<vmem>>, vector<16xf32>,
        tpu.vector_store %arg37[%swap3A_651, %swap3A_652], %add3A_581 {strides = array<i32>} : memref<80x128xf32, #tpu.memory_space<vmem>>, vector<16xf32>,
        %swap3A_654 = arith.index_cast %add3A_511 : i32 to index
        %swap3A_655 = arith.constant 32 : index
        %swap3A_656 = tpu.vector_load %arg37[%swap3A_654, %swap3A_655] {strides = array<i32>} : memref<80x128xf32, #tpu.memory_space<vmem>>, vector<16xf32>,
        tpu.vector_store %arg37[%swap3A_654, %swap3A_655], %add3A_592 {strides = array<i32>} : memref<80x128xf32, #tpu.memory_space<vmem>>, vector<16xf32>,
        %swap3A_657 = arith.index_cast %add3A_511 : i32 to index
        %swap3A_658 = arith.constant 48 : index
        %swap3A_659 = tpu.vector_load %arg37[%swap3A_657, %swap3A_658] {strides = array<i32>} : memref<80x128xf32, #tpu.memory_space<vmem>>, vector<16xf32>,
        tpu.vector_store %arg37[%swap3A_657, %swap3A_658], %add3A_603 {strides = array<i32>} : memref<80x128xf32, #tpu.memory_space<vmem>>, vector<16xf32>,
        %swap3A_660 = arith.index_cast %add3A_511 : i32 to index
        %swap3A_661 = arith.constant 64 : index
        %swap3A_662 = tpu.vector_load %arg37[%swap3A_660, %swap3A_661] {strides = array<i32>} : memref<80x128xf32, #tpu.memory_space<vmem>>, vector<16xf32>,
        tpu.vector_store %arg37[%swap3A_660, %swap3A_661], %add3A_614 {strides = array<i32>} : memref<80x128xf32, #tpu.memory_space<vmem>>, vector<16xf32>,
        %swap3A_663 = arith.index_cast %add3A_511 : i32 to index
        %swap3A_664 = arith.constant 80 : index
        %swap3A_665 = tpu.vector_load %arg37[%swap3A_663, %swap3A_664] {strides = array<i32>} : memref<80x128xf32, #tpu.memory_space<vmem>>, vector<16xf32>,
        tpu.vector_store %arg37[%swap3A_663, %swap3A_664], %add3A_625 {strides = array<i32>} : memref<80x128xf32, #tpu.memory_space<vmem>>, vector<16xf32>,
        %swap3A_666 = arith.index_cast %add3A_511 : i32 to index
        %swap3A_667 = arith.constant 96 : index
        %swap3A_668 = tpu.vector_load %arg37[%swap3A_666, %swap3A_667] {strides = array<i32>} : memref<80x128xf32, #tpu.memory_space<vmem>>, vector<16xf32>,
        tpu.vector_store %arg37[%swap3A_666, %swap3A_667], %add3A_636 {strides = array<i32>} : memref<80x128xf32, #tpu.memory_space<vmem>>, vector<16xf32>,
        %swap3A_669 = arith.index_cast %add3A_511 : i32 to index
        %swap3A_670 = arith.constant 112 : index
        %swap3A_671 = tpu.vector_load %arg37[%swap3A_669, %swap3A_670] {strides = array<i32>} : memref<80x128xf32, #tpu.memory_space<vmem>>, vector<16xf32>,
        tpu.vector_store %arg37[%swap3A_669, %swap3A_670], %add3A_647 {strides = array<i32>} : memref<80x128xf32, #tpu.memory_space<vmem>>, vector<16xf32>,
        %mul3A_672 = arith.constant 8 : i32
        %mul3A_673 = arith.muli %scan3A_302, %mul3A_672 : i32
        %add3A_674 = arith.constant 2 : i32
        %add3A_675 = arith.addi %mul3A_673, %add3A_674 : i32
        %broadcast_in_dim3A_676 = arith.constant 2 : i32
        %broadcast_in_dim3A_677 = vector.broadcast %broadcast_in_dim3A_676 : i32 to vector<16xi32>
        %add3A_678 = vector.broadcast %mul3A_336 : i32 to vector<16xi32>
        %add3A_679 = arith.addi %broadcast_in_dim3A_677, %add3A_678 : vector<16xi32>
        %lt3A_680 = arith.constant 0 : i32
        %lt3A_681 = vector.broadcast %lt3A_680 : i32 to vector<16xi32>
        %lt3A_682 = arith.cmpi slt, %add3A_679, %lt3A_681 : vector<16xi32>
        %add3A_683 = arith.constant 16 : i32
        %add3A_684 = vector.broadcast %add3A_683 : i32 to vector<16xi32>
        %add3A_685 = arith.addi %add3A_679, %add3A_684 : vector<16xi32>
        %select_n3A_686 = arith.select %lt3A_682, %add3A_685, %add3A_679 : vector<16xi1>, vector<16xi32>
        %broadcast_in_dim3A_687 = vector.shape_cast %select_n3A_686 : vector<16xi32> to vector<16x1xi32>
        %gather3A_688 = vector.shape_cast %broadcast_in_dim3A_687 : vector<16x1xi32> to vector<16xi32>
        %gather3A_689 = tpu.dynamic_gather %get3A_338[%gather3A_688] in [0] : vector<16xf32>, vector<16xi32> -> vector<16xf32>
        %lt3A_690 = arith.constant 0 : i32
        %lt3A_691 = vector.broadcast %lt3A_690 : i32 to vector<16xi32>
        %lt3A_692 = arith.cmpi slt, %add3A_679, %lt3A_691 : vector<16xi32>
        %add3A_693 = arith.constant 16 : i32
        %add3A_694 = vector.broadcast %add3A_693 : i32 to vector<16xi32>
        %add3A_695 = arith.addi %add3A_679, %add3A_694 : vector<16xi32>
        %select_n3A_696 = arith.select %lt3A_692, %add3A_695, %add3A_679 : vector<16xi1>, vector<16xi32>
        %broadcast_in_dim3A_697 = vector.shape_cast %select_n3A_696 : vector<16xi32> to vector<16x1xi32>
        %gather3A_698 = vector.shape_cast %broadcast_in_dim3A_697 : vector<16x1xi32> to vector<16xi32>
        %gather3A_699 = tpu.dynamic_gather %mul3A_348[%gather3A_698] in [0] : vector<16xf32>, vector<16xi32> -> vector<16xf32>
        %get3A_700 = arith.index_cast %add3A_675 : i32 to index
        %get3A_701 = arith.constant 0 : index
        %get3A_702 = tpu.vector_load %arg15[%get3A_700, %get3A_701] {strides = array<i32>} : memref<80x128xi32, #tpu.memory_space<vmem>>, vector<16xi32>,
        %get3A_703 = arith.index_cast %add3A_675 : i32 to index
        %get3A_704 = arith.constant 16 : index
        %get3A_705 = tpu.vector_load %arg15[%get3A_703, %get3A_704] {strides = array<i32>} : memref<80x128xi32, #tpu.memory_space<vmem>>, vector<16xi32>,
        %get3A_706 = arith.index_cast %add3A_675 : i32 to index
        %get3A_707 = arith.constant 32 : index
        %get3A_708 = tpu.vector_load %arg15[%get3A_706, %get3A_707] {strides = array<i32>} : memref<80x128xi32, #tpu.memory_space<vmem>>, vector<16xi32>,
        %get3A_709 = arith.index_cast %add3A_675 : i32 to index
        %get3A_710 = arith.constant 48 : index
        %get3A_711 = tpu.vector_load %arg15[%get3A_709, %get3A_710] {strides = array<i32>} : memref<80x128xi32, #tpu.memory_space<vmem>>, vector<16xi32>,
        %get3A_712 = arith.index_cast %add3A_675 : i32 to index
        %get3A_713 = arith.constant 64 : index
        %get3A_714 = tpu.vector_load %arg15[%get3A_712, %get3A_713] {strides = array<i32>} : memref<80x128xi32, #tpu.memory_space<vmem>>, vector<16xi32>,
        %get3A_715 = arith.index_cast %add3A_675 : i32 to index
        %get3A_716 = arith.constant 80 : index
        %get3A_717 = tpu.vector_load %arg15[%get3A_715, %get3A_716] {strides = array<i32>} : memref<80x128xi32, #tpu.memory_space<vmem>>, vector<16xi32>,
        %get3A_718 = arith.index_cast %add3A_675 : i32 to index
        %get3A_719 = arith.constant 96 : index
        %get3A_720 = tpu.vector_load %arg15[%get3A_718, %get3A_719] {strides = array<i32>} : memref<80x128xi32, #tpu.memory_space<vmem>>, vector<16xi32>,
        %get3A_721 = arith.index_cast %add3A_675 : i32 to index
        %get3A_722 = arith.constant 112 : index
        %get3A_723 = tpu.vector_load %arg15[%get3A_721, %get3A_722] {strides = array<i32>} : memref<80x128xi32, #tpu.memory_space<vmem>>, vector<16xi32>,
        %shift_left3A_724 = arith.constant 16 : i32
        %shift_left3A_725 = vector.broadcast %shift_left3A_724 : i32 to vector<16xi32>
        %shift_left3A_726 = arith.shli %get3A_702, %shift_left3A_725 : vector<16xi32>
        %bitcast3A_727 = vector.bitcast %shift_left3A_726 : vector<16xi32> to vector<16xf32>
        %mul3A_728 = arith.mulf %gather3A_689, %bitcast3A_727 : vector<16xf32>
        %and3A_729 = arith.constant -65536 : i32
        %and3A_730 = vector.broadcast %and3A_729 : i32 to vector<16xi32>
        %and3A_731 = arith.andi %get3A_702, %and3A_730 : vector<16xi32>
        %bitcast3A_732 = vector.bitcast %and3A_731 : vector<16xi32> to vector<16xf32>
        %mul3A_733 = arith.mulf %gather3A_699, %bitcast3A_732 : vector<16xf32>
        %add3A_734 = arith.addf %mul3A_728, %mul3A_733 : vector<16xf32>
        %shift_left3A_735 = arith.constant 16 : i32
        %shift_left3A_736 = vector.broadcast %shift_left3A_735 : i32 to vector<16xi32>
        %shift_left3A_737 = arith.shli %get3A_705, %shift_left3A_736 : vector<16xi32>
        %bitcast3A_738 = vector.bitcast %shift_left3A_737 : vector<16xi32> to vector<16xf32>
        %mul3A_739 = arith.mulf %gather3A_689, %bitcast3A_738 : vector<16xf32>
        %and3A_740 = arith.constant -65536 : i32
        %and3A_741 = vector.broadcast %and3A_740 : i32 to vector<16xi32>
        %and3A_742 = arith.andi %get3A_705, %and3A_741 : vector<16xi32>
        %bitcast3A_743 = vector.bitcast %and3A_742 : vector<16xi32> to vector<16xf32>
        %mul3A_744 = arith.mulf %gather3A_699, %bitcast3A_743 : vector<16xf32>
        %add3A_745 = arith.addf %mul3A_739, %mul3A_744 : vector<16xf32>
        %shift_left3A_746 = arith.constant 16 : i32
        %shift_left3A_747 = vector.broadcast %shift_left3A_746 : i32 to vector<16xi32>
        %shift_left3A_748 = arith.shli %get3A_708, %shift_left3A_747 : vector<16xi32>
        %bitcast3A_749 = vector.bitcast %shift_left3A_748 : vector<16xi32> to vector<16xf32>
        %mul3A_750 = arith.mulf %gather3A_689, %bitcast3A_749 : vector<16xf32>
        %and3A_751 = arith.constant -65536 : i32
        %and3A_752 = vector.broadcast %and3A_751 : i32 to vector<16xi32>
        %and3A_753 = arith.andi %get3A_708, %and3A_752 : vector<16xi32>
        %bitcast3A_754 = vector.bitcast %and3A_753 : vector<16xi32> to vector<16xf32>
        %mul3A_755 = arith.mulf %gather3A_699, %bitcast3A_754 : vector<16xf32>
        %add3A_756 = arith.addf %mul3A_750, %mul3A_755 : vector<16xf32>
        %shift_left3A_757 = arith.constant 16 : i32
        %shift_left3A_758 = vector.broadcast %shift_left3A_757 : i32 to vector<16xi32>
        %shift_left3A_759 = arith.shli %get3A_711, %shift_left3A_758 : vector<16xi32>
        %bitcast3A_760 = vector.bitcast %shift_left3A_759 : vector<16xi32> to vector<16xf32>
        %mul3A_761 = arith.mulf %gather3A_689, %bitcast3A_760 : vector<16xf32>
        %and3A_762 = arith.constant -65536 : i32
        %and3A_763 = vector.broadcast %and3A_762 : i32 to vector<16xi32>
        %and3A_764 = arith.andi %get3A_711, %and3A_763 : vector<16xi32>
        %bitcast3A_765 = vector.bitcast %and3A_764 : vector<16xi32> to vector<16xf32>
        %mul3A_766 = arith.mulf %gather3A_699, %bitcast3A_765 : vector<16xf32>
        %add3A_767 = arith.addf %mul3A_761, %mul3A_766 : vector<16xf32>
        %shift_left3A_768 = arith.constant 16 : i32
        %shift_left3A_769 = vector.broadcast %shift_left3A_768 : i32 to vector<16xi32>
        %shift_left3A_770 = arith.shli %get3A_714, %shift_left3A_769 : vector<16xi32>
        %bitcast3A_771 = vector.bitcast %shift_left3A_770 : vector<16xi32> to vector<16xf32>
        %mul3A_772 = arith.mulf %gather3A_689, %bitcast3A_771 : vector<16xf32>
        %and3A_773 = arith.constant -65536 : i32
        %and3A_774 = vector.broadcast %and3A_773 : i32 to vector<16xi32>
        %and3A_775 = arith.andi %get3A_714, %and3A_774 : vector<16xi32>
        %bitcast3A_776 = vector.bitcast %and3A_775 : vector<16xi32> to vector<16xf32>
        %mul3A_777 = arith.mulf %gather3A_699, %bitcast3A_776 : vector<16xf32>
        %add3A_778 = arith.addf %mul3A_772, %mul3A_777 : vector<16xf32>
        %shift_left3A_779 = arith.constant 16 : i32
        %shift_left3A_780 = vector.broadcast %shift_left3A_779 : i32 to vector<16xi32>
        %shift_left3A_781 = arith.shli %get3A_717, %shift_left3A_780 : vector<16xi32>
        %bitcast3A_782 = vector.bitcast %shift_left3A_781 : vector<16xi32> to vector<16xf32>
        %mul3A_783 = arith.mulf %gather3A_689, %bitcast3A_782 : vector<16xf32>
        %and3A_784 = arith.constant -65536 : i32
        %and3A_785 = vector.broadcast %and3A_784 : i32 to vector<16xi32>
        %and3A_786 = arith.andi %get3A_717, %and3A_785 : vector<16xi32>
        %bitcast3A_787 = vector.bitcast %and3A_786 : vector<16xi32> to vector<16xf32>
        %mul3A_788 = arith.mulf %gather3A_699, %bitcast3A_787 : vector<16xf32>
        %add3A_789 = arith.addf %mul3A_783, %mul3A_788 : vector<16xf32>
        %shift_left3A_790 = arith.constant 16 : i32
        %shift_left3A_791 = vector.broadcast %shift_left3A_790 : i32 to vector<16xi32>
        %shift_left3A_792 = arith.shli %get3A_720, %shift_left3A_791 : vector<16xi32>
        %bitcast3A_793 = vector.bitcast %shift_left3A_792 : vector<16xi32> to vector<16xf32>
        %mul3A_794 = arith.mulf %gather3A_689, %bitcast3A_793 : vector<16xf32>
        %and3A_795 = arith.constant -65536 : i32
        %and3A_796 = vector.broadcast %and3A_795 : i32 to vector<16xi32>
        %and3A_797 = arith.andi %get3A_720, %and3A_796 : vector<16xi32>
        %bitcast3A_798 = vector.bitcast %and3A_797 : vector<16xi32> to vector<16xf32>
        %mul3A_799 = arith.mulf %gather3A_699, %bitcast3A_798 : vector<16xf32>
        %add3A_800 = arith.addf %mul3A_794, %mul3A_799 : vector<16xf32>
        %shift_left3A_801 = arith.constant 16 : i32
        %shift_left3A_802 = vector.broadcast %shift_left3A_801 : i32 to vector<16xi32>
        %shift_left3A_803 = arith.shli %get3A_723, %shift_left3A_802 : vector<16xi32>
        %bitcast3A_804 = vector.bitcast %shift_left3A_803 : vector<16xi32> to vector<16xf32>
        %mul3A_805 = arith.mulf %gather3A_689, %bitcast3A_804 : vector<16xf32>
        %and3A_806 = arith.constant -65536 : i32
        %and3A_807 = vector.broadcast %and3A_806 : i32 to vector<16xi32>
        %and3A_808 = arith.andi %get3A_723, %and3A_807 : vector<16xi32>
        %bitcast3A_809 = vector.bitcast %and3A_808 : vector<16xi32> to vector<16xf32>
        %mul3A_810 = arith.mulf %gather3A_699, %bitcast3A_809 : vector<16xf32>
        %add3A_811 = arith.addf %mul3A_805, %mul3A_810 : vector<16xf32>
        %swap3A_812 = arith.index_cast %add3A_675 : i32 to index
        %swap3A_813 = arith.constant 0 : index
        %swap3A_814 = tpu.vector_load %arg37[%swap3A_812, %swap3A_813] {strides = array<i32>} : memref<80x128xf32, #tpu.memory_space<vmem>>, vector<16xf32>,
        tpu.vector_store %arg37[%swap3A_812, %swap3A_813], %add3A_734 {strides = array<i32>} : memref<80x128xf32, #tpu.memory_space<vmem>>, vector<16xf32>,
        %swap3A_815 = arith.index_cast %add3A_675 : i32 to index
        %swap3A_816 = arith.constant 16 : index
        %swap3A_817 = tpu.vector_load %arg37[%swap3A_815, %swap3A_816] {strides = array<i32>} : memref<80x128xf32, #tpu.memory_space<vmem>>, vector<16xf32>,
        tpu.vector_store %arg37[%swap3A_815, %swap3A_816], %add3A_745 {strides = array<i32>} : memref<80x128xf32, #tpu.memory_space<vmem>>, vector<16xf32>,
        %swap3A_818 = arith.index_cast %add3A_675 : i32 to index
        %swap3A_819 = arith.constant 32 : index
        %swap3A_820 = tpu.vector_load %arg37[%swap3A_818, %swap3A_819] {strides = array<i32>} : memref<80x128xf32, #tpu.memory_space<vmem>>, vector<16xf32>,
        tpu.vector_store %arg37[%swap3A_818, %swap3A_819], %add3A_756 {strides = array<i32>} : memref<80x128xf32, #tpu.memory_space<vmem>>, vector<16xf32>,
        %swap3A_821 = arith.index_cast %add3A_675 : i32 to index
        %swap3A_822 = arith.constant 48 : index
        %swap3A_823 = tpu.vector_load %arg37[%swap3A_821, %swap3A_822] {strides = array<i32>} : memref<80x128xf32, #tpu.memory_space<vmem>>, vector<16xf32>,
        tpu.vector_store %arg37[%swap3A_821, %swap3A_822], %add3A_767 {strides = array<i32>} : memref<80x128xf32, #tpu.memory_space<vmem>>, vector<16xf32>,
        %swap3A_824 = arith.index_cast %add3A_675 : i32 to index
        %swap3A_825 = arith.constant 64 : index
        %swap3A_826 = tpu.vector_load %arg37[%swap3A_824, %swap3A_825] {strides = array<i32>} : memref<80x128xf32, #tpu.memory_space<vmem>>, vector<16xf32>,
        tpu.vector_store %arg37[%swap3A_824, %swap3A_825], %add3A_778 {strides = array<i32>} : memref<80x128xf32, #tpu.memory_space<vmem>>, vector<16xf32>,
        %swap3A_827 = arith.index_cast %add3A_675 : i32 to index
        %swap3A_828 = arith.constant 80 : index
        %swap3A_829 = tpu.vector_load %arg37[%swap3A_827, %swap3A_828] {strides = array<i32>} : memref<80x128xf32, #tpu.memory_space<vmem>>, vector<16xf32>,
        tpu.vector_store %arg37[%swap3A_827, %swap3A_828], %add3A_789 {strides = array<i32>} : memref<80x128xf32, #tpu.memory_space<vmem>>, vector<16xf32>,
        %swap3A_830 = arith.index_cast %add3A_675 : i32 to index
        %swap3A_831 = arith.constant 96 : index
        %swap3A_832 = tpu.vector_load %arg37[%swap3A_830, %swap3A_831] {strides = array<i32>} : memref<80x128xf32, #tpu.memory_space<vmem>>, vector<16xf32>,
        tpu.vector_store %arg37[%swap3A_830, %swap3A_831], %add3A_800 {strides = array<i32>} : memref<80x128xf32, #tpu.memory_space<vmem>>, vector<16xf32>,
        %swap3A_833 = arith.index_cast %add3A_675 : i32 to index
        %swap3A_834 = arith.constant 112 : index
        %swap3A_835 = tpu.vector_load %arg37[%swap3A_833, %swap3A_834] {strides = array<i32>} : memref<80x128xf32, #tpu.memory_space<vmem>>, vector<16xf32>,
        tpu.vector_store %arg37[%swap3A_833, %swap3A_834], %add3A_811 {strides = array<i32>} : memref<80x128xf32, #tpu.memory_space<vmem>>, vector<16xf32>,
        %mul3A_836 = arith.constant 8 : i32
        %mul3A_837 = arith.muli %scan3A_302, %mul3A_836 : i32
        %add3A_838 = arith.constant 3 : i32
        %add3A_839 = arith.addi %mul3A_837, %add3A_838 : i32
        %broadcast_in_dim3A_840 = arith.constant 3 : i32
        %broadcast_in_dim3A_841 = vector.broadcast %broadcast_in_dim3A_840 : i32 to vector<16xi32>
        %add3A_842 = vector.broadcast %mul3A_336 : i32 to vector<16xi32>
        %add3A_843 = arith.addi %broadcast_in_dim3A_841, %add3A_842 : vector<16xi32>
        %lt3A_844 = arith.constant 0 : i32
        %lt3A_845 = vector.broadcast %lt3A_844 : i32 to vector<16xi32>
        %lt3A_846 = arith.cmpi slt, %add3A_843, %lt3A_845 : vector<16xi32>
        %add3A_847 = arith.constant 16 : i32
        %add3A_848 = vector.broadcast %add3A_847 : i32 to vector<16xi32>
        %add3A_849 = arith.addi %add3A_843, %add3A_848 : vector<16xi32>
        %select_n3A_850 = arith.select %lt3A_846, %add3A_849, %add3A_843 : vector<16xi1>, vector<16xi32>
        %broadcast_in_dim3A_851 = vector.shape_cast %select_n3A_850 : vector<16xi32> to vector<16x1xi32>
        %gather3A_852 = vector.shape_cast %broadcast_in_dim3A_851 : vector<16x1xi32> to vector<16xi32>
        %gather3A_853 = tpu.dynamic_gather %get3A_338[%gather3A_852] in [0] : vector<16xf32>, vector<16xi32> -> vector<16xf32>
        %lt3A_854 = arith.constant 0 : i32
        %lt3A_855 = vector.broadcast %lt3A_854 : i32 to vector<16xi32>
        %lt3A_856 = arith.cmpi slt, %add3A_843, %lt3A_855 : vector<16xi32>
        %add3A_857 = arith.constant 16 : i32
        %add3A_858 = vector.broadcast %add3A_857 : i32 to vector<16xi32>
        %add3A_859 = arith.addi %add3A_843, %add3A_858 : vector<16xi32>
        %select_n3A_860 = arith.select %lt3A_856, %add3A_859, %add3A_843 : vector<16xi1>, vector<16xi32>
        %broadcast_in_dim3A_861 = vector.shape_cast %select_n3A_860 : vector<16xi32> to vector<16x1xi32>
        %gather3A_862 = vector.shape_cast %broadcast_in_dim3A_861 : vector<16x1xi32> to vector<16xi32>
        %gather3A_863 = tpu.dynamic_gather %mul3A_348[%gather3A_862] in [0] : vector<16xf32>, vector<16xi32> -> vector<16xf32>
        %get3A_864 = arith.index_cast %add3A_839 : i32 to index
        %get3A_865 = arith.constant 0 : index
        %get3A_866 = tpu.vector_load %arg15[%get3A_864, %get3A_865] {strides = array<i32>} : memref<80x128xi32, #tpu.memory_space<vmem>>, vector<16xi32>,
        %get3A_867 = arith.index_cast %add3A_839 : i32 to index
        %get3A_868 = arith.constant 16 : index
        %get3A_869 = tpu.vector_load %arg15[%get3A_867, %get3A_868] {strides = array<i32>} : memref<80x128xi32, #tpu.memory_space<vmem>>, vector<16xi32>,
        %get3A_870 = arith.index_cast %add3A_839 : i32 to index
        %get3A_871 = arith.constant 32 : index
        %get3A_872 = tpu.vector_load %arg15[%get3A_870, %get3A_871] {strides = array<i32>} : memref<80x128xi32, #tpu.memory_space<vmem>>, vector<16xi32>,
        %get3A_873 = arith.index_cast %add3A_839 : i32 to index
        %get3A_874 = arith.constant 48 : index
        %get3A_875 = tpu.vector_load %arg15[%get3A_873, %get3A_874] {strides = array<i32>} : memref<80x128xi32, #tpu.memory_space<vmem>>, vector<16xi32>,
        %get3A_876 = arith.index_cast %add3A_839 : i32 to index
        %get3A_877 = arith.constant 64 : index
        %get3A_878 = tpu.vector_load %arg15[%get3A_876, %get3A_877] {strides = array<i32>} : memref<80x128xi32, #tpu.memory_space<vmem>>, vector<16xi32>,
        %get3A_879 = arith.index_cast %add3A_839 : i32 to index
        %get3A_880 = arith.constant 80 : index
        %get3A_881 = tpu.vector_load %arg15[%get3A_879, %get3A_880] {strides = array<i32>} : memref<80x128xi32, #tpu.memory_space<vmem>>, vector<16xi32>,
        %get3A_882 = arith.index_cast %add3A_839 : i32 to index
        %get3A_883 = arith.constant 96 : index
        %get3A_884 = tpu.vector_load %arg15[%get3A_882, %get3A_883] {strides = array<i32>} : memref<80x128xi32, #tpu.memory_space<vmem>>, vector<16xi32>,
        %get3A_885 = arith.index_cast %add3A_839 : i32 to index
        %get3A_886 = arith.constant 112 : index
        %get3A_887 = tpu.vector_load %arg15[%get3A_885, %get3A_886] {strides = array<i32>} : memref<80x128xi32, #tpu.memory_space<vmem>>, vector<16xi32>,
        %shift_left3A_888 = arith.constant 16 : i32
        %shift_left3A_889 = vector.broadcast %shift_left3A_888 : i32 to vector<16xi32>
        %shift_left3A_890 = arith.shli %get3A_866, %shift_left3A_889 : vector<16xi32>
        %bitcast3A_891 = vector.bitcast %shift_left3A_890 : vector<16xi32> to vector<16xf32>
        %mul3A_892 = arith.mulf %gather3A_853, %bitcast3A_891 : vector<16xf32>
        %and3A_893 = arith.constant -65536 : i32
        %and3A_894 = vector.broadcast %and3A_893 : i32 to vector<16xi32>
        %and3A_895 = arith.andi %get3A_866, %and3A_894 : vector<16xi32>
        %bitcast3A_896 = vector.bitcast %and3A_895 : vector<16xi32> to vector<16xf32>
        %mul3A_897 = arith.mulf %gather3A_863, %bitcast3A_896 : vector<16xf32>
        %add3A_898 = arith.addf %mul3A_892, %mul3A_897 : vector<16xf32>
        %shift_left3A_899 = arith.constant 16 : i32
        %shift_left3A_900 = vector.broadcast %shift_left3A_899 : i32 to vector<16xi32>
        %shift_left3A_901 = arith.shli %get3A_869, %shift_left3A_900 : vector<16xi32>
        %bitcast3A_902 = vector.bitcast %shift_left3A_901 : vector<16xi32> to vector<16xf32>
        %mul3A_903 = arith.mulf %gather3A_853, %bitcast3A_902 : vector<16xf32>
        %and3A_904 = arith.constant -65536 : i32
        %and3A_905 = vector.broadcast %and3A_904 : i32 to vector<16xi32>
        %and3A_906 = arith.andi %get3A_869, %and3A_905 : vector<16xi32>
        %bitcast3A_907 = vector.bitcast %and3A_906 : vector<16xi32> to vector<16xf32>
        %mul3A_908 = arith.mulf %gather3A_863, %bitcast3A_907 : vector<16xf32>
        %add3A_909 = arith.addf %mul3A_903, %mul3A_908 : vector<16xf32>
        %shift_left3A_910 = arith.constant 16 : i32
        %shift_left3A_911 = vector.broadcast %shift_left3A_910 : i32 to vector<16xi32>
        %shift_left3A_912 = arith.shli %get3A_872, %shift_left3A_911 : vector<16xi32>
        %bitcast3A_913 = vector.bitcast %shift_left3A_912 : vector<16xi32> to vector<16xf32>
        %mul3A_914 = arith.mulf %gather3A_853, %bitcast3A_913 : vector<16xf32>
        %and3A_915 = arith.constant -65536 : i32
        %and3A_916 = vector.broadcast %and3A_915 : i32 to vector<16xi32>
        %and3A_917 = arith.andi %get3A_872, %and3A_916 : vector<16xi32>
        %bitcast3A_918 = vector.bitcast %and3A_917 : vector<16xi32> to vector<16xf32>
        %mul3A_919 = arith.mulf %gather3A_863, %bitcast3A_918 : vector<16xf32>
        %add3A_920 = arith.addf %mul3A_914, %mul3A_919 : vector<16xf32>
        %shift_left3A_921 = arith.constant 16 : i32
        %shift_left3A_922 = vector.broadcast %shift_left3A_921 : i32 to vector<16xi32>
        %shift_left3A_923 = arith.shli %get3A_875, %shift_left3A_922 : vector<16xi32>
        %bitcast3A_924 = vector.bitcast %shift_left3A_923 : vector<16xi32> to vector<16xf32>
        %mul3A_925 = arith.mulf %gather3A_853, %bitcast3A_924 : vector<16xf32>
        %and3A_926 = arith.constant -65536 : i32
        %and3A_927 = vector.broadcast %and3A_926 : i32 to vector<16xi32>
        %and3A_928 = arith.andi %get3A_875, %and3A_927 : vector<16xi32>
        %bitcast3A_929 = vector.bitcast %and3A_928 : vector<16xi32> to vector<16xf32>
        %mul3A_930 = arith.mulf %gather3A_863, %bitcast3A_929 : vector<16xf32>
        %add3A_931 = arith.addf %mul3A_925, %mul3A_930 : vector<16xf32>
        %shift_left3A_932 = arith.constant 16 : i32
        %shift_left3A_933 = vector.broadcast %shift_left3A_932 : i32 to vector<16xi32>
        %shift_left3A_934 = arith.shli %get3A_878, %shift_left3A_933 : vector<16xi32>
        %bitcast3A_935 = vector.bitcast %shift_left3A_934 : vector<16xi32> to vector<16xf32>
        %mul3A_936 = arith.mulf %gather3A_853, %bitcast3A_935 : vector<16xf32>
        %and3A_937 = arith.constant -65536 : i32
        %and3A_938 = vector.broadcast %and3A_937 : i32 to vector<16xi32>
        %and3A_939 = arith.andi %get3A_878, %and3A_938 : vector<16xi32>
        %bitcast3A_940 = vector.bitcast %and3A_939 : vector<16xi32> to vector<16xf32>
        %mul3A_941 = arith.mulf %gather3A_863, %bitcast3A_940 : vector<16xf32>
        %add3A_942 = arith.addf %mul3A_936, %mul3A_941 : vector<16xf32>
        %shift_left3A_943 = arith.constant 16 : i32
        %shift_left3A_944 = vector.broadcast %shift_left3A_943 : i32 to vector<16xi32>
        %shift_left3A_945 = arith.shli %get3A_881, %shift_left3A_944 : vector<16xi32>
        %bitcast3A_946 = vector.bitcast %shift_left3A_945 : vector<16xi32> to vector<16xf32>
        %mul3A_947 = arith.mulf %gather3A_853, %bitcast3A_946 : vector<16xf32>
        %and3A_948 = arith.constant -65536 : i32
        %and3A_949 = vector.broadcast %and3A_948 : i32 to vector<16xi32>
        %and3A_950 = arith.andi %get3A_881, %and3A_949 : vector<16xi32>
        %bitcast3A_951 = vector.bitcast %and3A_950 : vector<16xi32> to vector<16xf32>
        %mul3A_952 = arith.mulf %gather3A_863, %bitcast3A_951 : vector<16xf32>
        %add3A_953 = arith.addf %mul3A_947, %mul3A_952 : vector<16xf32>
        %shift_left3A_954 = arith.constant 16 : i32
        %shift_left3A_955 = vector.broadcast %shift_left3A_954 : i32 to vector<16xi32>
        %shift_left3A_956 = arith.shli %get3A_884, %shift_left3A_955 : vector<16xi32>
        %bitcast3A_957 = vector.bitcast %shift_left3A_956 : vector<16xi32> to vector<16xf32>
        %mul3A_958 = arith.mulf %gather3A_853, %bitcast3A_957 : vector<16xf32>
        %and3A_959 = arith.constant -65536 : i32
        %and3A_960 = vector.broadcast %and3A_959 : i32 to vector<16xi32>
        %and3A_961 = arith.andi %get3A_884, %and3A_960 : vector<16xi32>
        %bitcast3A_962 = vector.bitcast %and3A_961 : vector<16xi32> to vector<16xf32>
        %mul3A_963 = arith.mulf %gather3A_863, %bitcast3A_962 : vector<16xf32>
        %add3A_964 = arith.addf %mul3A_958, %mul3A_963 : vector<16xf32>
        %shift_left3A_965 = arith.constant 16 : i32
        %shift_left3A_966 = vector.broadcast %shift_left3A_965 : i32 to vector<16xi32>
        %shift_left3A_967 = arith.shli %get3A_887, %shift_left3A_966 : vector<16xi32>
        %bitcast3A_968 = vector.bitcast %shift_left3A_967 : vector<16xi32> to vector<16xf32>
        %mul3A_969 = arith.mulf %gather3A_853, %bitcast3A_968 : vector<16xf32>
        %and3A_970 = arith.constant -65536 : i32
        %and3A_971 = vector.broadcast %and3A_970 : i32 to vector<16xi32>
        %and3A_972 = arith.andi %get3A_887, %and3A_971 : vector<16xi32>
        %bitcast3A_973 = vector.bitcast %and3A_972 : vector<16xi32> to vector<16xf32>
        %mul3A_974 = arith.mulf %gather3A_863, %bitcast3A_973 : vector<16xf32>
        %add3A_975 = arith.addf %mul3A_969, %mul3A_974 : vector<16xf32>
        %swap3A_976 = arith.index_cast %add3A_839 : i32 to index
        %swap3A_977 = arith.constant 0 : index
        %swap3A_978 = tpu.vector_load %arg37[%swap3A_976, %swap3A_977] {strides = array<i32>} : memref<80x128xf32, #tpu.memory_space<vmem>>, vector<16xf32>,
        tpu.vector_store %arg37[%swap3A_976, %swap3A_977], %add3A_898 {strides = array<i32>} : memref<80x128xf32, #tpu.memory_space<vmem>>, vector<16xf32>,
        %swap3A_979 = arith.index_cast %add3A_839 : i32 to index
        %swap3A_980 = arith.constant 16 : index
        %swap3A_981 = tpu.vector_load %arg37[%swap3A_979, %swap3A_980] {strides = array<i32>} : memref<80x128xf32, #tpu.memory_space<vmem>>, vector<16xf32>,
        tpu.vector_store %arg37[%swap3A_979, %swap3A_980], %add3A_909 {strides = array<i32>} : memref<80x128xf32, #tpu.memory_space<vmem>>, vector<16xf32>,
        %swap3A_982 = arith.index_cast %add3A_839 : i32 to index
        %swap3A_983 = arith.constant 32 : index
        %swap3A_984 = tpu.vector_load %arg37[%swap3A_982, %swap3A_983] {strides = array<i32>} : memref<80x128xf32, #tpu.memory_space<vmem>>, vector<16xf32>,
        tpu.vector_store %arg37[%swap3A_982, %swap3A_983], %add3A_920 {strides = array<i32>} : memref<80x128xf32, #tpu.memory_space<vmem>>, vector<16xf32>,
        %swap3A_985 = arith.index_cast %add3A_839 : i32 to index
        %swap3A_986 = arith.constant 48 : index
        %swap3A_987 = tpu.vector_load %arg37[%swap3A_985, %swap3A_986] {strides = array<i32>} : memref<80x128xf32, #tpu.memory_space<vmem>>, vector<16xf32>,
        tpu.vector_store %arg37[%swap3A_985, %swap3A_986], %add3A_931 {strides = array<i32>} : memref<80x128xf32, #tpu.memory_space<vmem>>, vector<16xf32>,
        %swap3A_988 = arith.index_cast %add3A_839 : i32 to index
        %swap3A_989 = arith.constant 64 : index
        %swap3A_990 = tpu.vector_load %arg37[%swap3A_988, %swap3A_989] {strides = array<i32>} : memref<80x128xf32, #tpu.memory_space<vmem>>, vector<16xf32>,
        tpu.vector_store %arg37[%swap3A_988, %swap3A_989], %add3A_942 {strides = array<i32>} : memref<80x128xf32, #tpu.memory_space<vmem>>, vector<16xf32>,
        %swap3A_991 = arith.index_cast %add3A_839 : i32 to index
        %swap3A_992 = arith.constant 80 : index
        %swap3A_993 = tpu.vector_load %arg37[%swap3A_991, %swap3A_992] {strides = array<i32>} : memref<80x128xf32, #tpu.memory_space<vmem>>, vector<16xf32>,
        tpu.vector_store %arg37[%swap3A_991, %swap3A_992], %add3A_953 {strides = array<i32>} : memref<80x128xf32, #tpu.memory_space<vmem>>, vector<16xf32>,
        %swap3A_994 = arith.index_cast %add3A_839 : i32 to index
        %swap3A_995 = arith.constant 96 : index
        %swap3A_996 = tpu.vector_load %arg37[%swap3A_994, %swap3A_995] {strides = array<i32>} : memref<80x128xf32, #tpu.memory_space<vmem>>, vector<16xf32>,
        tpu.vector_store %arg37[%swap3A_994, %swap3A_995], %add3A_964 {strides = array<i32>} : memref<80x128xf32, #tpu.memory_space<vmem>>, vector<16xf32>,
        %swap3A_997 = arith.index_cast %add3A_839 : i32 to index
        %swap3A_998 = arith.constant 112 : index
        %swap3A_999 = tpu.vector_load %arg37[%swap3A_997, %swap3A_998] {strides = array<i32>} : memref<80x128xf32, #tpu.memory_space<vmem>>, vector<16xf32>,
        tpu.vector_store %arg37[%swap3A_997, %swap3A_998], %add3A_975 {strides = array<i32>} : memref<80x128xf32, #tpu.memory_space<vmem>>, vector<16xf32>,
        %mul3A_1000 = arith.constant 8 : i32
        %mul3A_1001 = arith.muli %scan3A_302, %mul3A_1000 : i32
        %add3A_1002 = arith.constant 4 : i32
        %add3A_1003 = arith.addi %mul3A_1001, %add3A_1002 : i32
        %broadcast_in_dim3A_1004 = arith.constant 4 : i32
        %broadcast_in_dim3A_1005 = vector.broadcast %broadcast_in_dim3A_1004 : i32 to vector<16xi32>
        %add3A_1006 = vector.broadcast %mul3A_336 : i32 to vector<16xi32>
        %add3A_1007 = arith.addi %broadcast_in_dim3A_1005, %add3A_1006 : vector<16xi32>
        %lt3A_1008 = arith.constant 0 : i32
        %lt3A_1009 = vector.broadcast %lt3A_1008 : i32 to vector<16xi32>
        %lt3A_1010 = arith.cmpi slt, %add3A_1007, %lt3A_1009 : vector<16xi32>
        %add3A_1011 = arith.constant 16 : i32
        %add3A_1012 = vector.broadcast %add3A_1011 : i32 to vector<16xi32>
        %add3A_1013 = arith.addi %add3A_1007, %add3A_1012 : vector<16xi32>
        %select_n3A_1014 = arith.select %lt3A_1010, %add3A_1013, %add3A_1007 : vector<16xi1>, vector<16xi32>
        %broadcast_in_dim3A_1015 = vector.shape_cast %select_n3A_1014 : vector<16xi32> to vector<16x1xi32>
        %gather3A_1016 = vector.shape_cast %broadcast_in_dim3A_1015 : vector<16x1xi32> to vector<16xi32>
        %gather3A_1017 = tpu.dynamic_gather %get3A_338[%gather3A_1016] in [0] : vector<16xf32>, vector<16xi32> -> vector<16xf32>
        %lt3A_1018 = arith.constant 0 : i32
        %lt3A_1019 = vector.broadcast %lt3A_1018 : i32 to vector<16xi32>
        %lt3A_1020 = arith.cmpi slt, %add3A_1007, %lt3A_1019 : vector<16xi32>
        %add3A_1021 = arith.constant 16 : i32
        %add3A_1022 = vector.broadcast %add3A_1021 : i32 to vector<16xi32>
        %add3A_1023 = arith.addi %add3A_1007, %add3A_1022 : vector<16xi32>
        %select_n3A_1024 = arith.select %lt3A_1020, %add3A_1023, %add3A_1007 : vector<16xi1>, vector<16xi32>
        %broadcast_in_dim3A_1025 = vector.shape_cast %select_n3A_1024 : vector<16xi32> to vector<16x1xi32>
        %gather3A_1026 = vector.shape_cast %broadcast_in_dim3A_1025 : vector<16x1xi32> to vector<16xi32>
        %gather3A_1027 = tpu.dynamic_gather %mul3A_348[%gather3A_1026] in [0] : vector<16xf32>, vector<16xi32> -> vector<16xf32>
        %get3A_1028 = arith.index_cast %add3A_1003 : i32 to index
        %get3A_1029 = arith.constant 0 : index
        %get3A_1030 = tpu.vector_load %arg15[%get3A_1028, %get3A_1029] {strides = array<i32>} : memref<80x128xi32, #tpu.memory_space<vmem>>, vector<16xi32>,
        %get3A_1031 = arith.index_cast %add3A_1003 : i32 to index
        %get3A_1032 = arith.constant 16 : index
        %get3A_1033 = tpu.vector_load %arg15[%get3A_1031, %get3A_1032] {strides = array<i32>} : memref<80x128xi32, #tpu.memory_space<vmem>>, vector<16xi32>,
        %get3A_1034 = arith.index_cast %add3A_1003 : i32 to index
        %get3A_1035 = arith.constant 32 : index
        %get3A_1036 = tpu.vector_load %arg15[%get3A_1034, %get3A_1035] {strides = array<i32>} : memref<80x128xi32, #tpu.memory_space<vmem>>, vector<16xi32>,
        %get3A_1037 = arith.index_cast %add3A_1003 : i32 to index
        %get3A_1038 = arith.constant 48 : index
        %get3A_1039 = tpu.vector_load %arg15[%get3A_1037, %get3A_1038] {strides = array<i32>} : memref<80x128xi32, #tpu.memory_space<vmem>>, vector<16xi32>,
        %get3A_1040 = arith.index_cast %add3A_1003 : i32 to index
        %get3A_1041 = arith.constant 64 : index
        %get3A_1042 = tpu.vector_load %arg15[%get3A_1040, %get3A_1041] {strides = array<i32>} : memref<80x128xi32, #tpu.memory_space<vmem>>, vector<16xi32>,
        %get3A_1043 = arith.index_cast %add3A_1003 : i32 to index
        %get3A_1044 = arith.constant 80 : index
        %get3A_1045 = tpu.vector_load %arg15[%get3A_1043, %get3A_1044] {strides = array<i32>} : memref<80x128xi32, #tpu.memory_space<vmem>>, vector<16xi32>,
        %get3A_1046 = arith.index_cast %add3A_1003 : i32 to index
        %get3A_1047 = arith.constant 96 : index
        %get3A_1048 = tpu.vector_load %arg15[%get3A_1046, %get3A_1047] {strides = array<i32>} : memref<80x128xi32, #tpu.memory_space<vmem>>, vector<16xi32>,
        %get3A_1049 = arith.index_cast %add3A_1003 : i32 to index
        %get3A_1050 = arith.constant 112 : index
        %get3A_1051 = tpu.vector_load %arg15[%get3A_1049, %get3A_1050] {strides = array<i32>} : memref<80x128xi32, #tpu.memory_space<vmem>>, vector<16xi32>,
        %shift_left3A_1052 = arith.constant 16 : i32
        %shift_left3A_1053 = vector.broadcast %shift_left3A_1052 : i32 to vector<16xi32>
        %shift_left3A_1054 = arith.shli %get3A_1030, %shift_left3A_1053 : vector<16xi32>
        %bitcast3A_1055 = vector.bitcast %shift_left3A_1054 : vector<16xi32> to vector<16xf32>
        %mul3A_1056 = arith.mulf %gather3A_1017, %bitcast3A_1055 : vector<16xf32>
        %and3A_1057 = arith.constant -65536 : i32
        %and3A_1058 = vector.broadcast %and3A_1057 : i32 to vector<16xi32>
        %and3A_1059 = arith.andi %get3A_1030, %and3A_1058 : vector<16xi32>
        %bitcast3A_1060 = vector.bitcast %and3A_1059 : vector<16xi32> to vector<16xf32>
        %mul3A_1061 = arith.mulf %gather3A_1027, %bitcast3A_1060 : vector<16xf32>
        %add3A_1062 = arith.addf %mul3A_1056, %mul3A_1061 : vector<16xf32>
        %shift_left3A_1063 = arith.constant 16 : i32
        %shift_left3A_1064 = vector.broadcast %shift_left3A_1063 : i32 to vector<16xi32>
        %shift_left3A_1065 = arith.shli %get3A_1033, %shift_left3A_1064 : vector<16xi32>
        %bitcast3A_1066 = vector.bitcast %shift_left3A_1065 : vector<16xi32> to vector<16xf32>
        %mul3A_1067 = arith.mulf %gather3A_1017, %bitcast3A_1066 : vector<16xf32>
        %and3A_1068 = arith.constant -65536 : i32
        %and3A_1069 = vector.broadcast %and3A_1068 : i32 to vector<16xi32>
        %and3A_1070 = arith.andi %get3A_1033, %and3A_1069 : vector<16xi32>
        %bitcast3A_1071 = vector.bitcast %and3A_1070 : vector<16xi32> to vector<16xf32>
        %mul3A_1072 = arith.mulf %gather3A_1027, %bitcast3A_1071 : vector<16xf32>
        %add3A_1073 = arith.addf %mul3A_1067, %mul3A_1072 : vector<16xf32>
        %shift_left3A_1074 = arith.constant 16 : i32
        %shift_left3A_1075 = vector.broadcast %shift_left3A_1074 : i32 to vector<16xi32>
        %shift_left3A_1076 = arith.shli %get3A_1036, %shift_left3A_1075 : vector<16xi32>
        %bitcast3A_1077 = vector.bitcast %shift_left3A_1076 : vector<16xi32> to vector<16xf32>
        %mul3A_1078 = arith.mulf %gather3A_1017, %bitcast3A_1077 : vector<16xf32>
        %and3A_1079 = arith.constant -65536 : i32
        %and3A_1080 = vector.broadcast %and3A_1079 : i32 to vector<16xi32>
        %and3A_1081 = arith.andi %get3A_1036, %and3A_1080 : vector<16xi32>
        %bitcast3A_1082 = vector.bitcast %and3A_1081 : vector<16xi32> to vector<16xf32>
        %mul3A_1083 = arith.mulf %gather3A_1027, %bitcast3A_1082 : vector<16xf32>
        %add3A_1084 = arith.addf %mul3A_1078, %mul3A_1083 : vector<16xf32>
        %shift_left3A_1085 = arith.constant 16 : i32
        %shift_left3A_1086 = vector.broadcast %shift_left3A_1085 : i32 to vector<16xi32>
        %shift_left3A_1087 = arith.shli %get3A_1039, %shift_left3A_1086 : vector<16xi32>
        %bitcast3A_1088 = vector.bitcast %shift_left3A_1087 : vector<16xi32> to vector<16xf32>
        %mul3A_1089 = arith.mulf %gather3A_1017, %bitcast3A_1088 : vector<16xf32>
        %and3A_1090 = arith.constant -65536 : i32
        %and3A_1091 = vector.broadcast %and3A_1090 : i32 to vector<16xi32>
        %and3A_1092 = arith.andi %get3A_1039, %and3A_1091 : vector<16xi32>
        %bitcast3A_1093 = vector.bitcast %and3A_1092 : vector<16xi32> to vector<16xf32>
        %mul3A_1094 = arith.mulf %gather3A_1027, %bitcast3A_1093 : vector<16xf32>
        %add3A_1095 = arith.addf %mul3A_1089, %mul3A_1094 : vector<16xf32>
        %shift_left3A_1096 = arith.constant 16 : i32
        %shift_left3A_1097 = vector.broadcast %shift_left3A_1096 : i32 to vector<16xi32>
        %shift_left3A_1098 = arith.shli %get3A_1042, %shift_left3A_1097 : vector<16xi32>
        %bitcast3A_1099 = vector.bitcast %shift_left3A_1098 : vector<16xi32> to vector<16xf32>
        %mul3A_1100 = arith.mulf %gather3A_1017, %bitcast3A_1099 : vector<16xf32>
        %and3A_1101 = arith.constant -65536 : i32
        %and3A_1102 = vector.broadcast %and3A_1101 : i32 to vector<16xi32>
        %and3A_1103 = arith.andi %get3A_1042, %and3A_1102 : vector<16xi32>
        %bitcast3A_1104 = vector.bitcast %and3A_1103 : vector<16xi32> to vector<16xf32>
        %mul3A_1105 = arith.mulf %gather3A_1027, %bitcast3A_1104 : vector<16xf32>
        %add3A_1106 = arith.addf %mul3A_1100, %mul3A_1105 : vector<16xf32>
        %shift_left3A_1107 = arith.constant 16 : i32
        %shift_left3A_1108 = vector.broadcast %shift_left3A_1107 : i32 to vector<16xi32>
        %shift_left3A_1109 = arith.shli %get3A_1045, %shift_left3A_1108 : vector<16xi32>
        %bitcast3A_1110 = vector.bitcast %shift_left3A_1109 : vector<16xi32> to vector<16xf32>
        %mul3A_1111 = arith.mulf %gather3A_1017, %bitcast3A_1110 : vector<16xf32>
        %and3A_1112 = arith.constant -65536 : i32
        %and3A_1113 = vector.broadcast %and3A_1112 : i32 to vector<16xi32>
        %and3A_1114 = arith.andi %get3A_1045, %and3A_1113 : vector<16xi32>
        %bitcast3A_1115 = vector.bitcast %and3A_1114 : vector<16xi32> to vector<16xf32>
        %mul3A_1116 = arith.mulf %gather3A_1027, %bitcast3A_1115 : vector<16xf32>
        %add3A_1117 = arith.addf %mul3A_1111, %mul3A_1116 : vector<16xf32>
        %shift_left3A_1118 = arith.constant 16 : i32
        %shift_left3A_1119 = vector.broadcast %shift_left3A_1118 : i32 to vector<16xi32>
        %shift_left3A_1120 = arith.shli %get3A_1048, %shift_left3A_1119 : vector<16xi32>
        %bitcast3A_1121 = vector.bitcast %shift_left3A_1120 : vector<16xi32> to vector<16xf32>
        %mul3A_1122 = arith.mulf %gather3A_1017, %bitcast3A_1121 : vector<16xf32>
        %and3A_1123 = arith.constant -65536 : i32
        %and3A_1124 = vector.broadcast %and3A_1123 : i32 to vector<16xi32>
        %and3A_1125 = arith.andi %get3A_1048, %and3A_1124 : vector<16xi32>
        %bitcast3A_1126 = vector.bitcast %and3A_1125 : vector<16xi32> to vector<16xf32>
        %mul3A_1127 = arith.mulf %gather3A_1027, %bitcast3A_1126 : vector<16xf32>
        %add3A_1128 = arith.addf %mul3A_1122, %mul3A_1127 : vector<16xf32>
        %shift_left3A_1129 = arith.constant 16 : i32
        %shift_left3A_1130 = vector.broadcast %shift_left3A_1129 : i32 to vector<16xi32>
        %shift_left3A_1131 = arith.shli %get3A_1051, %shift_left3A_1130 : vector<16xi32>
        %bitcast3A_1132 = vector.bitcast %shift_left3A_1131 : vector<16xi32> to vector<16xf32>
        %mul3A_1133 = arith.mulf %gather3A_1017, %bitcast3A_1132 : vector<16xf32>
        %and3A_1134 = arith.constant -65536 : i32
        %and3A_1135 = vector.broadcast %and3A_1134 : i32 to vector<16xi32>
        %and3A_1136 = arith.andi %get3A_1051, %and3A_1135 : vector<16xi32>
        %bitcast3A_1137 = vector.bitcast %and3A_1136 : vector<16xi32> to vector<16xf32>
        %mul3A_1138 = arith.mulf %gather3A_1027, %bitcast3A_1137 : vector<16xf32>
        %add3A_1139 = arith.addf %mul3A_1133, %mul3A_1138 : vector<16xf32>
        %swap3A_1140 = arith.index_cast %add3A_1003 : i32 to index
        %swap3A_1141 = arith.constant 0 : index
        %swap3A_1142 = tpu.vector_load %arg37[%swap3A_1140, %swap3A_1141] {strides = array<i32>} : memref<80x128xf32, #tpu.memory_space<vmem>>, vector<16xf32>,
        tpu.vector_store %arg37[%swap3A_1140, %swap3A_1141], %add3A_1062 {strides = array<i32>} : memref<80x128xf32, #tpu.memory_space<vmem>>, vector<16xf32>,
        %swap3A_1143 = arith.index_cast %add3A_1003 : i32 to index
        %swap3A_1144 = arith.constant 16 : index
        %swap3A_1145 = tpu.vector_load %arg37[%swap3A_1143, %swap3A_1144] {strides = array<i32>} : memref<80x128xf32, #tpu.memory_space<vmem>>, vector<16xf32>,
        tpu.vector_store %arg37[%swap3A_1143, %swap3A_1144], %add3A_1073 {strides = array<i32>} : memref<80x128xf32, #tpu.memory_space<vmem>>, vector<16xf32>,
        %swap3A_1146 = arith.index_cast %add3A_1003 : i32 to index
        %swap3A_1147 = arith.constant 32 : index
        %swap3A_1148 = tpu.vector_load %arg37[%swap3A_1146, %swap3A_1147] {strides = array<i32>} : memref<80x128xf32, #tpu.memory_space<vmem>>, vector<16xf32>,
        tpu.vector_store %arg37[%swap3A_1146, %swap3A_1147], %add3A_1084 {strides = array<i32>} : memref<80x128xf32, #tpu.memory_space<vmem>>, vector<16xf32>,
        %swap3A_1149 = arith.index_cast %add3A_1003 : i32 to index
        %swap3A_1150 = arith.constant 48 : index
        %swap3A_1151 = tpu.vector_load %arg37[%swap3A_1149, %swap3A_1150] {strides = array<i32>} : memref<80x128xf32, #tpu.memory_space<vmem>>, vector<16xf32>,
        tpu.vector_store %arg37[%swap3A_1149, %swap3A_1150], %add3A_1095 {strides = array<i32>} : memref<80x128xf32, #tpu.memory_space<vmem>>, vector<16xf32>,
        %swap3A_1152 = arith.index_cast %add3A_1003 : i32 to index
        %swap3A_1153 = arith.constant 64 : index
        %swap3A_1154 = tpu.vector_load %arg37[%swap3A_1152, %swap3A_1153] {strides = array<i32>} : memref<80x128xf32, #tpu.memory_space<vmem>>, vector<16xf32>,
        tpu.vector_store %arg37[%swap3A_1152, %swap3A_1153], %add3A_1106 {strides = array<i32>} : memref<80x128xf32, #tpu.memory_space<vmem>>, vector<16xf32>,
        %swap3A_1155 = arith.index_cast %add3A_1003 : i32 to index
        %swap3A_1156 = arith.constant 80 : index
        %swap3A_1157 = tpu.vector_load %arg37[%swap3A_1155, %swap3A_1156] {strides = array<i32>} : memref<80x128xf32, #tpu.memory_space<vmem>>, vector<16xf32>,
        tpu.vector_store %arg37[%swap3A_1155, %swap3A_1156], %add3A_1117 {strides = array<i32>} : memref<80x128xf32, #tpu.memory_space<vmem>>, vector<16xf32>,
        %swap3A_1158 = arith.index_cast %add3A_1003 : i32 to index
        %swap3A_1159 = arith.constant 96 : index
        %swap3A_1160 = tpu.vector_load %arg37[%swap3A_1158, %swap3A_1159] {strides = array<i32>} : memref<80x128xf32, #tpu.memory_space<vmem>>, vector<16xf32>,
        tpu.vector_store %arg37[%swap3A_1158, %swap3A_1159], %add3A_1128 {strides = array<i32>} : memref<80x128xf32, #tpu.memory_space<vmem>>, vector<16xf32>,
        %swap3A_1161 = arith.index_cast %add3A_1003 : i32 to index
        %swap3A_1162 = arith.constant 112 : index
        %swap3A_1163 = tpu.vector_load %arg37[%swap3A_1161, %swap3A_1162] {strides = array<i32>} : memref<80x128xf32, #tpu.memory_space<vmem>>, vector<16xf32>,
        tpu.vector_store %arg37[%swap3A_1161, %swap3A_1162], %add3A_1139 {strides = array<i32>} : memref<80x128xf32, #tpu.memory_space<vmem>>, vector<16xf32>,
        %mul3A_1164 = arith.constant 8 : i32
        %mul3A_1165 = arith.muli %scan3A_302, %mul3A_1164 : i32
        %add3A_1166 = arith.constant 5 : i32
        %add3A_1167 = arith.addi %mul3A_1165, %add3A_1166 : i32
        %broadcast_in_dim3A_1168 = arith.constant 5 : i32
        %broadcast_in_dim3A_1169 = vector.broadcast %broadcast_in_dim3A_1168 : i32 to vector<16xi32>
        %add3A_1170 = vector.broadcast %mul3A_336 : i32 to vector<16xi32>
        %add3A_1171 = arith.addi %broadcast_in_dim3A_1169, %add3A_1170 : vector<16xi32>
        %lt3A_1172 = arith.constant 0 : i32
        %lt3A_1173 = vector.broadcast %lt3A_1172 : i32 to vector<16xi32>
        %lt3A_1174 = arith.cmpi slt, %add3A_1171, %lt3A_1173 : vector<16xi32>
        %add3A_1175 = arith.constant 16 : i32
        %add3A_1176 = vector.broadcast %add3A_1175 : i32 to vector<16xi32>
        %add3A_1177 = arith.addi %add3A_1171, %add3A_1176 : vector<16xi32>
        %select_n3A_1178 = arith.select %lt3A_1174, %add3A_1177, %add3A_1171 : vector<16xi1>, vector<16xi32>
        %broadcast_in_dim3A_1179 = vector.shape_cast %select_n3A_1178 : vector<16xi32> to vector<16x1xi32>
        %gather3A_1180 = vector.shape_cast %broadcast_in_dim3A_1179 : vector<16x1xi32> to vector<16xi32>
        %gather3A_1181 = tpu.dynamic_gather %get3A_338[%gather3A_1180] in [0] : vector<16xf32>, vector<16xi32> -> vector<16xf32>
        %lt3A_1182 = arith.constant 0 : i32
        %lt3A_1183 = vector.broadcast %lt3A_1182 : i32 to vector<16xi32>
        %lt3A_1184 = arith.cmpi slt, %add3A_1171, %lt3A_1183 : vector<16xi32>
        %add3A_1185 = arith.constant 16 : i32
        %add3A_1186 = vector.broadcast %add3A_1185 : i32 to vector<16xi32>
        %add3A_1187 = arith.addi %add3A_1171, %add3A_1186 : vector<16xi32>
        %select_n3A_1188 = arith.select %lt3A_1184, %add3A_1187, %add3A_1171 : vector<16xi1>, vector<16xi32>
        %broadcast_in_dim3A_1189 = vector.shape_cast %select_n3A_1188 : vector<16xi32> to vector<16x1xi32>
        %gather3A_1190 = vector.shape_cast %broadcast_in_dim3A_1189 : vector<16x1xi32> to vector<16xi32>
        %gather3A_1191 = tpu.dynamic_gather %mul3A_348[%gather3A_1190] in [0] : vector<16xf32>, vector<16xi32> -> vector<16xf32>
        %get3A_1192 = arith.index_cast %add3A_1167 : i32 to index
        %get3A_1193 = arith.constant 0 : index
        %get3A_1194 = tpu.vector_load %arg15[%get3A_1192, %get3A_1193] {strides = array<i32>} : memref<80x128xi32, #tpu.memory_space<vmem>>, vector<16xi32>,
        %get3A_1195 = arith.index_cast %add3A_1167 : i32 to index
        %get3A_1196 = arith.constant 16 : index
        %get3A_1197 = tpu.vector_load %arg15[%get3A_1195, %get3A_1196] {strides = array<i32>} : memref<80x128xi32, #tpu.memory_space<vmem>>, vector<16xi32>,
        %get3A_1198 = arith.index_cast %add3A_1167 : i32 to index
        %get3A_1199 = arith.constant 32 : index
        %get3A_1200 = tpu.vector_load %arg15[%get3A_1198, %get3A_1199] {strides = array<i32>} : memref<80x128xi32, #tpu.memory_space<vmem>>, vector<16xi32>,
        %get3A_1201 = arith.index_cast %add3A_1167 : i32 to index
        %get3A_1202 = arith.constant 48 : index
        %get3A_1203 = tpu.vector_load %arg15[%get3A_1201, %get3A_1202] {strides = array<i32>} : memref<80x128xi32, #tpu.memory_space<vmem>>, vector<16xi32>,
        %get3A_1204 = arith.index_cast %add3A_1167 : i32 to index
        %get3A_1205 = arith.constant 64 : index
        %get3A_1206 = tpu.vector_load %arg15[%get3A_1204, %get3A_1205] {strides = array<i32>} : memref<80x128xi32, #tpu.memory_space<vmem>>, vector<16xi32>,
        %get3A_1207 = arith.index_cast %add3A_1167 : i32 to index
        %get3A_1208 = arith.constant 80 : index
        %get3A_1209 = tpu.vector_load %arg15[%get3A_1207, %get3A_1208] {strides = array<i32>} : memref<80x128xi32, #tpu.memory_space<vmem>>, vector<16xi32>,
        %get3A_1210 = arith.index_cast %add3A_1167 : i32 to index
        %get3A_1211 = arith.constant 96 : index
        %get3A_1212 = tpu.vector_load %arg15[%get3A_1210, %get3A_1211] {strides = array<i32>} : memref<80x128xi32, #tpu.memory_space<vmem>>, vector<16xi32>,
        %get3A_1213 = arith.index_cast %add3A_1167 : i32 to index
        %get3A_1214 = arith.constant 112 : index
        %get3A_1215 = tpu.vector_load %arg15[%get3A_1213, %get3A_1214] {strides = array<i32>} : memref<80x128xi32, #tpu.memory_space<vmem>>, vector<16xi32>,
        %shift_left3A_1216 = arith.constant 16 : i32
        %shift_left3A_1217 = vector.broadcast %shift_left3A_1216 : i32 to vector<16xi32>
        %shift_left3A_1218 = arith.shli %get3A_1194, %shift_left3A_1217 : vector<16xi32>
        %bitcast3A_1219 = vector.bitcast %shift_left3A_1218 : vector<16xi32> to vector<16xf32>
        %mul3A_1220 = arith.mulf %gather3A_1181, %bitcast3A_1219 : vector<16xf32>
        %and3A_1221 = arith.constant -65536 : i32
        %and3A_1222 = vector.broadcast %and3A_1221 : i32 to vector<16xi32>
        %and3A_1223 = arith.andi %get3A_1194, %and3A_1222 : vector<16xi32>
        %bitcast3A_1224 = vector.bitcast %and3A_1223 : vector<16xi32> to vector<16xf32>
        %mul3A_1225 = arith.mulf %gather3A_1191, %bitcast3A_1224 : vector<16xf32>
        %add3A_1226 = arith.addf %mul3A_1220, %mul3A_1225 : vector<16xf32>
        %shift_left3A_1227 = arith.constant 16 : i32
        %shift_left3A_1228 = vector.broadcast %shift_left3A_1227 : i32 to vector<16xi32>
        %shift_left3A_1229 = arith.shli %get3A_1197, %shift_left3A_1228 : vector<16xi32>
        %bitcast3A_1230 = vector.bitcast %shift_left3A_1229 : vector<16xi32> to vector<16xf32>
        %mul3A_1231 = arith.mulf %gather3A_1181, %bitcast3A_1230 : vector<16xf32>
        %and3A_1232 = arith.constant -65536 : i32
        %and3A_1233 = vector.broadcast %and3A_1232 : i32 to vector<16xi32>
        %and3A_1234 = arith.andi %get3A_1197, %and3A_1233 : vector<16xi32>
        %bitcast3A_1235 = vector.bitcast %and3A_1234 : vector<16xi32> to vector<16xf32>
        %mul3A_1236 = arith.mulf %gather3A_1191, %bitcast3A_1235 : vector<16xf32>
        %add3A_1237 = arith.addf %mul3A_1231, %mul3A_1236 : vector<16xf32>
        %shift_left3A_1238 = arith.constant 16 : i32
        %shift_left3A_1239 = vector.broadcast %shift_left3A_1238 : i32 to vector<16xi32>
        %shift_left3A_1240 = arith.shli %get3A_1200, %shift_left3A_1239 : vector<16xi32>
        %bitcast3A_1241 = vector.bitcast %shift_left3A_1240 : vector<16xi32> to vector<16xf32>
        %mul3A_1242 = arith.mulf %gather3A_1181, %bitcast3A_1241 : vector<16xf32>
        %and3A_1243 = arith.constant -65536 : i32
        %and3A_1244 = vector.broadcast %and3A_1243 : i32 to vector<16xi32>
        %and3A_1245 = arith.andi %get3A_1200, %and3A_1244 : vector<16xi32>
        %bitcast3A_1246 = vector.bitcast %and3A_1245 : vector<16xi32> to vector<16xf32>
        %mul3A_1247 = arith.mulf %gather3A_1191, %bitcast3A_1246 : vector<16xf32>
        %add3A_1248 = arith.addf %mul3A_1242, %mul3A_1247 : vector<16xf32>
        %shift_left3A_1249 = arith.constant 16 : i32
        %shift_left3A_1250 = vector.broadcast %shift_left3A_1249 : i32 to vector<16xi32>
        %shift_left3A_1251 = arith.shli %get3A_1203, %shift_left3A_1250 : vector<16xi32>
        %bitcast3A_1252 = vector.bitcast %shift_left3A_1251 : vector<16xi32> to vector<16xf32>
        %mul3A_1253 = arith.mulf %gather3A_1181, %bitcast3A_1252 : vector<16xf32>
        %and3A_1254 = arith.constant -65536 : i32
        %and3A_1255 = vector.broadcast %and3A_1254 : i32 to vector<16xi32>
        %and3A_1256 = arith.andi %get3A_1203, %and3A_1255 : vector<16xi32>
        %bitcast3A_1257 = vector.bitcast %and3A_1256 : vector<16xi32> to vector<16xf32>
        %mul3A_1258 = arith.mulf %gather3A_1191, %bitcast3A_1257 : vector<16xf32>
        %add3A_1259 = arith.addf %mul3A_1253, %mul3A_1258 : vector<16xf32>
        %shift_left3A_1260 = arith.constant 16 : i32
        %shift_left3A_1261 = vector.broadcast %shift_left3A_1260 : i32 to vector<16xi32>
        %shift_left3A_1262 = arith.shli %get3A_1206, %shift_left3A_1261 : vector<16xi32>
        %bitcast3A_1263 = vector.bitcast %shift_left3A_1262 : vector<16xi32> to vector<16xf32>
        %mul3A_1264 = arith.mulf %gather3A_1181, %bitcast3A_1263 : vector<16xf32>
        %and3A_1265 = arith.constant -65536 : i32
        %and3A_1266 = vector.broadcast %and3A_1265 : i32 to vector<16xi32>
        %and3A_1267 = arith.andi %get3A_1206, %and3A_1266 : vector<16xi32>
        %bitcast3A_1268 = vector.bitcast %and3A_1267 : vector<16xi32> to vector<16xf32>
        %mul3A_1269 = arith.mulf %gather3A_1191, %bitcast3A_1268 : vector<16xf32>
        %add3A_1270 = arith.addf %mul3A_1264, %mul3A_1269 : vector<16xf32>
        %shift_left3A_1271 = arith.constant 16 : i32
        %shift_left3A_1272 = vector.broadcast %shift_left3A_1271 : i32 to vector<16xi32>
        %shift_left3A_1273 = arith.shli %get3A_1209, %shift_left3A_1272 : vector<16xi32>
        %bitcast3A_1274 = vector.bitcast %shift_left3A_1273 : vector<16xi32> to vector<16xf32>
        %mul3A_1275 = arith.mulf %gather3A_1181, %bitcast3A_1274 : vector<16xf32>
        %and3A_1276 = arith.constant -65536 : i32
        %and3A_1277 = vector.broadcast %and3A_1276 : i32 to vector<16xi32>
        %and3A_1278 = arith.andi %get3A_1209, %and3A_1277 : vector<16xi32>
        %bitcast3A_1279 = vector.bitcast %and3A_1278 : vector<16xi32> to vector<16xf32>
        %mul3A_1280 = arith.mulf %gather3A_1191, %bitcast3A_1279 : vector<16xf32>
        %add3A_1281 = arith.addf %mul3A_1275, %mul3A_1280 : vector<16xf32>
        %shift_left3A_1282 = arith.constant 16 : i32
        %shift_left3A_1283 = vector.broadcast %shift_left3A_1282 : i32 to vector<16xi32>
        %shift_left3A_1284 = arith.shli %get3A_1212, %shift_left3A_1283 : vector<16xi32>
        %bitcast3A_1285 = vector.bitcast %shift_left3A_1284 : vector<16xi32> to vector<16xf32>
        %mul3A_1286 = arith.mulf %gather3A_1181, %bitcast3A_1285 : vector<16xf32>
        %and3A_1287 = arith.constant -65536 : i32
        %and3A_1288 = vector.broadcast %and3A_1287 : i32 to vector<16xi32>
        %and3A_1289 = arith.andi %get3A_1212, %and3A_1288 : vector<16xi32>
        %bitcast3A_1290 = vector.bitcast %and3A_1289 : vector<16xi32> to vector<16xf32>
        %mul3A_1291 = arith.mulf %gather3A_1191, %bitcast3A_1290 : vector<16xf32>
        %add3A_1292 = arith.addf %mul3A_1286, %mul3A_1291 : vector<16xf32>
        %shift_left3A_1293 = arith.constant 16 : i32
        %shift_left3A_1294 = vector.broadcast %shift_left3A_1293 : i32 to vector<16xi32>
        %shift_left3A_1295 = arith.shli %get3A_1215, %shift_left3A_1294 : vector<16xi32>
        %bitcast3A_1296 = vector.bitcast %shift_left3A_1295 : vector<16xi32> to vector<16xf32>
        %mul3A_1297 = arith.mulf %gather3A_1181, %bitcast3A_1296 : vector<16xf32>
        %and3A_1298 = arith.constant -65536 : i32
        %and3A_1299 = vector.broadcast %and3A_1298 : i32 to vector<16xi32>
        %and3A_1300 = arith.andi %get3A_1215, %and3A_1299 : vector<16xi32>
        %bitcast3A_1301 = vector.bitcast %and3A_1300 : vector<16xi32> to vector<16xf32>
        %mul3A_1302 = arith.mulf %gather3A_1191, %bitcast3A_1301 : vector<16xf32>
        %add3A_1303 = arith.addf %mul3A_1297, %mul3A_1302 : vector<16xf32>
        %swap3A_1304 = arith.index_cast %add3A_1167 : i32 to index
        %swap3A_1305 = arith.constant 0 : index
        %swap3A_1306 = tpu.vector_load %arg37[%swap3A_1304, %swap3A_1305] {strides = array<i32>} : memref<80x128xf32, #tpu.memory_space<vmem>>, vector<16xf32>,
        tpu.vector_store %arg37[%swap3A_1304, %swap3A_1305], %add3A_1226 {strides = array<i32>} : memref<80x128xf32, #tpu.memory_space<vmem>>, vector<16xf32>,
        %swap3A_1307 = arith.index_cast %add3A_1167 : i32 to index
        %swap3A_1308 = arith.constant 16 : index
        %swap3A_1309 = tpu.vector_load %arg37[%swap3A_1307, %swap3A_1308] {strides = array<i32>} : memref<80x128xf32, #tpu.memory_space<vmem>>, vector<16xf32>,
        tpu.vector_store %arg37[%swap3A_1307, %swap3A_1308], %add3A_1237 {strides = array<i32>} : memref<80x128xf32, #tpu.memory_space<vmem>>, vector<16xf32>,
        %swap3A_1310 = arith.index_cast %add3A_1167 : i32 to index
        %swap3A_1311 = arith.constant 32 : index
        %swap3A_1312 = tpu.vector_load %arg37[%swap3A_1310, %swap3A_1311] {strides = array<i32>} : memref<80x128xf32, #tpu.memory_space<vmem>>, vector<16xf32>,
        tpu.vector_store %arg37[%swap3A_1310, %swap3A_1311], %add3A_1248 {strides = array<i32>} : memref<80x128xf32, #tpu.memory_space<vmem>>, vector<16xf32>,
        %swap3A_1313 = arith.index_cast %add3A_1167 : i32 to index
        %swap3A_1314 = arith.constant 48 : index
        %swap3A_1315 = tpu.vector_load %arg37[%swap3A_1313, %swap3A_1314] {strides = array<i32>} : memref<80x128xf32, #tpu.memory_space<vmem>>, vector<16xf32>,
        tpu.vector_store %arg37[%swap3A_1313, %swap3A_1314], %add3A_1259 {strides = array<i32>} : memref<80x128xf32, #tpu.memory_space<vmem>>, vector<16xf32>,
        %swap3A_1316 = arith.index_cast %add3A_1167 : i32 to index
        %swap3A_1317 = arith.constant 64 : index
        %swap3A_1318 = tpu.vector_load %arg37[%swap3A_1316, %swap3A_1317] {strides = array<i32>} : memref<80x128xf32, #tpu.memory_space<vmem>>, vector<16xf32>,
        tpu.vector_store %arg37[%swap3A_1316, %swap3A_1317], %add3A_1270 {strides = array<i32>} : memref<80x128xf32, #tpu.memory_space<vmem>>, vector<16xf32>,
        %swap3A_1319 = arith.index_cast %add3A_1167 : i32 to index
        %swap3A_1320 = arith.constant 80 : index
        %swap3A_1321 = tpu.vector_load %arg37[%swap3A_1319, %swap3A_1320] {strides = array<i32>} : memref<80x128xf32, #tpu.memory_space<vmem>>, vector<16xf32>,
        tpu.vector_store %arg37[%swap3A_1319, %swap3A_1320], %add3A_1281 {strides = array<i32>} : memref<80x128xf32, #tpu.memory_space<vmem>>, vector<16xf32>,
        %swap3A_1322 = arith.index_cast %add3A_1167 : i32 to index
        %swap3A_1323 = arith.constant 96 : index
        %swap3A_1324 = tpu.vector_load %arg37[%swap3A_1322, %swap3A_1323] {strides = array<i32>} : memref<80x128xf32, #tpu.memory_space<vmem>>, vector<16xf32>,
        tpu.vector_store %arg37[%swap3A_1322, %swap3A_1323], %add3A_1292 {strides = array<i32>} : memref<80x128xf32, #tpu.memory_space<vmem>>, vector<16xf32>,
        %swap3A_1325 = arith.index_cast %add3A_1167 : i32 to index
        %swap3A_1326 = arith.constant 112 : index
        %swap3A_1327 = tpu.vector_load %arg37[%swap3A_1325, %swap3A_1326] {strides = array<i32>} : memref<80x128xf32, #tpu.memory_space<vmem>>, vector<16xf32>,
        tpu.vector_store %arg37[%swap3A_1325, %swap3A_1326], %add3A_1303 {strides = array<i32>} : memref<80x128xf32, #tpu.memory_space<vmem>>, vector<16xf32>,
        %mul3A_1328 = arith.constant 8 : i32
        %mul3A_1329 = arith.muli %scan3A_302, %mul3A_1328 : i32
        %add3A_1330 = arith.constant 6 : i32
        %add3A_1331 = arith.addi %mul3A_1329, %add3A_1330 : i32
        %broadcast_in_dim3A_1332 = arith.constant 6 : i32
        %broadcast_in_dim3A_1333 = vector.broadcast %broadcast_in_dim3A_1332 : i32 to vector<16xi32>
        %add3A_1334 = vector.broadcast %mul3A_336 : i32 to vector<16xi32>
        %add3A_1335 = arith.addi %broadcast_in_dim3A_1333, %add3A_1334 : vector<16xi32>
        %lt3A_1336 = arith.constant 0 : i32
        %lt3A_1337 = vector.broadcast %lt3A_1336 : i32 to vector<16xi32>
        %lt3A_1338 = arith.cmpi slt, %add3A_1335, %lt3A_1337 : vector<16xi32>
        %add3A_1339 = arith.constant 16 : i32
        %add3A_1340 = vector.broadcast %add3A_1339 : i32 to vector<16xi32>
        %add3A_1341 = arith.addi %add3A_1335, %add3A_1340 : vector<16xi32>
        %select_n3A_1342 = arith.select %lt3A_1338, %add3A_1341, %add3A_1335 : vector<16xi1>, vector<16xi32>
        %broadcast_in_dim3A_1343 = vector.shape_cast %select_n3A_1342 : vector<16xi32> to vector<16x1xi32>
        %gather3A_1344 = vector.shape_cast %broadcast_in_dim3A_1343 : vector<16x1xi32> to vector<16xi32>
        %gather3A_1345 = tpu.dynamic_gather %get3A_338[%gather3A_1344] in [0] : vector<16xf32>, vector<16xi32> -> vector<16xf32>
        %lt3A_1346 = arith.constant 0 : i32
        %lt3A_1347 = vector.broadcast %lt3A_1346 : i32 to vector<16xi32>
        %lt3A_1348 = arith.cmpi slt, %add3A_1335, %lt3A_1347 : vector<16xi32>
        %add3A_1349 = arith.constant 16 : i32
        %add3A_1350 = vector.broadcast %add3A_1349 : i32 to vector<16xi32>
        %add3A_1351 = arith.addi %add3A_1335, %add3A_1350 : vector<16xi32>
        %select_n3A_1352 = arith.select %lt3A_1348, %add3A_1351, %add3A_1335 : vector<16xi1>, vector<16xi32>
        %broadcast_in_dim3A_1353 = vector.shape_cast %select_n3A_1352 : vector<16xi32> to vector<16x1xi32>
        %gather3A_1354 = vector.shape_cast %broadcast_in_dim3A_1353 : vector<16x1xi32> to vector<16xi32>
        %gather3A_1355 = tpu.dynamic_gather %mul3A_348[%gather3A_1354] in [0] : vector<16xf32>, vector<16xi32> -> vector<16xf32>
        %get3A_1356 = arith.index_cast %add3A_1331 : i32 to index
        %get3A_1357 = arith.constant 0 : index
        %get3A_1358 = tpu.vector_load %arg15[%get3A_1356, %get3A_1357] {strides = array<i32>} : memref<80x128xi32, #tpu.memory_space<vmem>>, vector<16xi32>,
        %get3A_1359 = arith.index_cast %add3A_1331 : i32 to index
        %get3A_1360 = arith.constant 16 : index
        %get3A_1361 = tpu.vector_load %arg15[%get3A_1359, %get3A_1360] {strides = array<i32>} : memref<80x128xi32, #tpu.memory_space<vmem>>, vector<16xi32>,
        %get3A_1362 = arith.index_cast %add3A_1331 : i32 to index
        %get3A_1363 = arith.constant 32 : index
        %get3A_1364 = tpu.vector_load %arg15[%get3A_1362, %get3A_1363] {strides = array<i32>} : memref<80x128xi32, #tpu.memory_space<vmem>>, vector<16xi32>,
        %get3A_1365 = arith.index_cast %add3A_1331 : i32 to index
        %get3A_1366 = arith.constant 48 : index
        %get3A_1367 = tpu.vector_load %arg15[%get3A_1365, %get3A_1366] {strides = array<i32>} : memref<80x128xi32, #tpu.memory_space<vmem>>, vector<16xi32>,
        %get3A_1368 = arith.index_cast %add3A_1331 : i32 to index
        %get3A_1369 = arith.constant 64 : index
        %get3A_1370 = tpu.vector_load %arg15[%get3A_1368, %get3A_1369] {strides = array<i32>} : memref<80x128xi32, #tpu.memory_space<vmem>>, vector<16xi32>,
        %get3A_1371 = arith.index_cast %add3A_1331 : i32 to index
        %get3A_1372 = arith.constant 80 : index
        %get3A_1373 = tpu.vector_load %arg15[%get3A_1371, %get3A_1372] {strides = array<i32>} : memref<80x128xi32, #tpu.memory_space<vmem>>, vector<16xi32>,
        %get3A_1374 = arith.index_cast %add3A_1331 : i32 to index
        %get3A_1375 = arith.constant 96 : index
        %get3A_1376 = tpu.vector_load %arg15[%get3A_1374, %get3A_1375] {strides = array<i32>} : memref<80x128xi32, #tpu.memory_space<vmem>>, vector<16xi32>,
        %get3A_1377 = arith.index_cast %add3A_1331 : i32 to index
        %get3A_1378 = arith.constant 112 : index
        %get3A_1379 = tpu.vector_load %arg15[%get3A_1377, %get3A_1378] {strides = array<i32>} : memref<80x128xi32, #tpu.memory_space<vmem>>, vector<16xi32>,
        %shift_left3A_1380 = arith.constant 16 : i32
        %shift_left3A_1381 = vector.broadcast %shift_left3A_1380 : i32 to vector<16xi32>
        %shift_left3A_1382 = arith.shli %get3A_1358, %shift_left3A_1381 : vector<16xi32>
        %bitcast3A_1383 = vector.bitcast %shift_left3A_1382 : vector<16xi32> to vector<16xf32>
        %mul3A_1384 = arith.mulf %gather3A_1345, %bitcast3A_1383 : vector<16xf32>
        %and3A_1385 = arith.constant -65536 : i32
        %and3A_1386 = vector.broadcast %and3A_1385 : i32 to vector<16xi32>
        %and3A_1387 = arith.andi %get3A_1358, %and3A_1386 : vector<16xi32>
        %bitcast3A_1388 = vector.bitcast %and3A_1387 : vector<16xi32> to vector<16xf32>
        %mul3A_1389 = arith.mulf %gather3A_1355, %bitcast3A_1388 : vector<16xf32>
        %add3A_1390 = arith.addf %mul3A_1384, %mul3A_1389 : vector<16xf32>
        %shift_left3A_1391 = arith.constant 16 : i32
        %shift_left3A_1392 = vector.broadcast %shift_left3A_1391 : i32 to vector<16xi32>
        %shift_left3A_1393 = arith.shli %get3A_1361, %shift_left3A_1392 : vector<16xi32>
        %bitcast3A_1394 = vector.bitcast %shift_left3A_1393 : vector<16xi32> to vector<16xf32>
        %mul3A_1395 = arith.mulf %gather3A_1345, %bitcast3A_1394 : vector<16xf32>
        %and3A_1396 = arith.constant -65536 : i32
        %and3A_1397 = vector.broadcast %and3A_1396 : i32 to vector<16xi32>
        %and3A_1398 = arith.andi %get3A_1361, %and3A_1397 : vector<16xi32>
        %bitcast3A_1399 = vector.bitcast %and3A_1398 : vector<16xi32> to vector<16xf32>
        %mul3A_1400 = arith.mulf %gather3A_1355, %bitcast3A_1399 : vector<16xf32>
        %add3A_1401 = arith.addf %mul3A_1395, %mul3A_1400 : vector<16xf32>
        %shift_left3A_1402 = arith.constant 16 : i32
        %shift_left3A_1403 = vector.broadcast %shift_left3A_1402 : i32 to vector<16xi32>
        %shift_left3A_1404 = arith.shli %get3A_1364, %shift_left3A_1403 : vector<16xi32>
        %bitcast3A_1405 = vector.bitcast %shift_left3A_1404 : vector<16xi32> to vector<16xf32>
        %mul3A_1406 = arith.mulf %gather3A_1345, %bitcast3A_1405 : vector<16xf32>
        %and3A_1407 = arith.constant -65536 : i32
        %and3A_1408 = vector.broadcast %and3A_1407 : i32 to vector<16xi32>
        %and3A_1409 = arith.andi %get3A_1364, %and3A_1408 : vector<16xi32>
        %bitcast3A_1410 = vector.bitcast %and3A_1409 : vector<16xi32> to vector<16xf32>
        %mul3A_1411 = arith.mulf %gather3A_1355, %bitcast3A_1410 : vector<16xf32>
        %add3A_1412 = arith.addf %mul3A_1406, %mul3A_1411 : vector<16xf32>
        %shift_left3A_1413 = arith.constant 16 : i32
        %shift_left3A_1414 = vector.broadcast %shift_left3A_1413 : i32 to vector<16xi32>
        %shift_left3A_1415 = arith.shli %get3A_1367, %shift_left3A_1414 : vector<16xi32>
        %bitcast3A_1416 = vector.bitcast %shift_left3A_1415 : vector<16xi32> to vector<16xf32>
        %mul3A_1417 = arith.mulf %gather3A_1345, %bitcast3A_1416 : vector<16xf32>
        %and3A_1418 = arith.constant -65536 : i32
        %and3A_1419 = vector.broadcast %and3A_1418 : i32 to vector<16xi32>
        %and3A_1420 = arith.andi %get3A_1367, %and3A_1419 : vector<16xi32>
        %bitcast3A_1421 = vector.bitcast %and3A_1420 : vector<16xi32> to vector<16xf32>
        %mul3A_1422 = arith.mulf %gather3A_1355, %bitcast3A_1421 : vector<16xf32>
        %add3A_1423 = arith.addf %mul3A_1417, %mul3A_1422 : vector<16xf32>
        %shift_left3A_1424 = arith.constant 16 : i32
        %shift_left3A_1425 = vector.broadcast %shift_left3A_1424 : i32 to vector<16xi32>
        %shift_left3A_1426 = arith.shli %get3A_1370, %shift_left3A_1425 : vector<16xi32>
        %bitcast3A_1427 = vector.bitcast %shift_left3A_1426 : vector<16xi32> to vector<16xf32>
        %mul3A_1428 = arith.mulf %gather3A_1345, %bitcast3A_1427 : vector<16xf32>
        %and3A_1429 = arith.constant -65536 : i32
        %and3A_1430 = vector.broadcast %and3A_1429 : i32 to vector<16xi32>
        %and3A_1431 = arith.andi %get3A_1370, %and3A_1430 : vector<16xi32>
        %bitcast3A_1432 = vector.bitcast %and3A_1431 : vector<16xi32> to vector<16xf32>
        %mul3A_1433 = arith.mulf %gather3A_1355, %bitcast3A_1432 : vector<16xf32>
        %add3A_1434 = arith.addf %mul3A_1428, %mul3A_1433 : vector<16xf32>
        %shift_left3A_1435 = arith.constant 16 : i32
        %shift_left3A_1436 = vector.broadcast %shift_left3A_1435 : i32 to vector<16xi32>
        %shift_left3A_1437 = arith.shli %get3A_1373, %shift_left3A_1436 : vector<16xi32>
        %bitcast3A_1438 = vector.bitcast %shift_left3A_1437 : vector<16xi32> to vector<16xf32>
        %mul3A_1439 = arith.mulf %gather3A_1345, %bitcast3A_1438 : vector<16xf32>
        %and3A_1440 = arith.constant -65536 : i32
        %and3A_1441 = vector.broadcast %and3A_1440 : i32 to vector<16xi32>
        %and3A_1442 = arith.andi %get3A_1373, %and3A_1441 : vector<16xi32>
        %bitcast3A_1443 = vector.bitcast %and3A_1442 : vector<16xi32> to vector<16xf32>
        %mul3A_1444 = arith.mulf %gather3A_1355, %bitcast3A_1443 : vector<16xf32>
        %add3A_1445 = arith.addf %mul3A_1439, %mul3A_1444 : vector<16xf32>
        %shift_left3A_1446 = arith.constant 16 : i32
        %shift_left3A_1447 = vector.broadcast %shift_left3A_1446 : i32 to vector<16xi32>
        %shift_left3A_1448 = arith.shli %get3A_1376, %shift_left3A_1447 : vector<16xi32>
        %bitcast3A_1449 = vector.bitcast %shift_left3A_1448 : vector<16xi32> to vector<16xf32>
        %mul3A_1450 = arith.mulf %gather3A_1345, %bitcast3A_1449 : vector<16xf32>
        %and3A_1451 = arith.constant -65536 : i32
        %and3A_1452 = vector.broadcast %and3A_1451 : i32 to vector<16xi32>
        %and3A_1453 = arith.andi %get3A_1376, %and3A_1452 : vector<16xi32>
        %bitcast3A_1454 = vector.bitcast %and3A_1453 : vector<16xi32> to vector<16xf32>
        %mul3A_1455 = arith.mulf %gather3A_1355, %bitcast3A_1454 : vector<16xf32>
        %add3A_1456 = arith.addf %mul3A_1450, %mul3A_1455 : vector<16xf32>
        %shift_left3A_1457 = arith.constant 16 : i32
        %shift_left3A_1458 = vector.broadcast %shift_left3A_1457 : i32 to vector<16xi32>
        %shift_left3A_1459 = arith.shli %get3A_1379, %shift_left3A_1458 : vector<16xi32>
        %bitcast3A_1460 = vector.bitcast %shift_left3A_1459 : vector<16xi32> to vector<16xf32>
        %mul3A_1461 = arith.mulf %gather3A_1345, %bitcast3A_1460 : vector<16xf32>
        %and3A_1462 = arith.constant -65536 : i32
        %and3A_1463 = vector.broadcast %and3A_1462 : i32 to vector<16xi32>
        %and3A_1464 = arith.andi %get3A_1379, %and3A_1463 : vector<16xi32>
        %bitcast3A_1465 = vector.bitcast %and3A_1464 : vector<16xi32> to vector<16xf32>
        %mul3A_1466 = arith.mulf %gather3A_1355, %bitcast3A_1465 : vector<16xf32>
        %add3A_1467 = arith.addf %mul3A_1461, %mul3A_1466 : vector<16xf32>
        %swap3A_1468 = arith.index_cast %add3A_1331 : i32 to index
        %swap3A_1469 = arith.constant 0 : index
        %swap3A_1470 = tpu.vector_load %arg37[%swap3A_1468, %swap3A_1469] {strides = array<i32>} : memref<80x128xf32, #tpu.memory_space<vmem>>, vector<16xf32>,
        tpu.vector_store %arg37[%swap3A_1468, %swap3A_1469], %add3A_1390 {strides = array<i32>} : memref<80x128xf32, #tpu.memory_space<vmem>>, vector<16xf32>,
        %swap3A_1471 = arith.index_cast %add3A_1331 : i32 to index
        %swap3A_1472 = arith.constant 16 : index
        %swap3A_1473 = tpu.vector_load %arg37[%swap3A_1471, %swap3A_1472] {strides = array<i32>} : memref<80x128xf32, #tpu.memory_space<vmem>>, vector<16xf32>,
        tpu.vector_store %arg37[%swap3A_1471, %swap3A_1472], %add3A_1401 {strides = array<i32>} : memref<80x128xf32, #tpu.memory_space<vmem>>, vector<16xf32>,
        %swap3A_1474 = arith.index_cast %add3A_1331 : i32 to index
        %swap3A_1475 = arith.constant 32 : index
        %swap3A_1476 = tpu.vector_load %arg37[%swap3A_1474, %swap3A_1475] {strides = array<i32>} : memref<80x128xf32, #tpu.memory_space<vmem>>, vector<16xf32>,
        tpu.vector_store %arg37[%swap3A_1474, %swap3A_1475], %add3A_1412 {strides = array<i32>} : memref<80x128xf32, #tpu.memory_space<vmem>>, vector<16xf32>,
        %swap3A_1477 = arith.index_cast %add3A_1331 : i32 to index
        %swap3A_1478 = arith.constant 48 : index
        %swap3A_1479 = tpu.vector_load %arg37[%swap3A_1477, %swap3A_1478] {strides = array<i32>} : memref<80x128xf32, #tpu.memory_space<vmem>>, vector<16xf32>,
        tpu.vector_store %arg37[%swap3A_1477, %swap3A_1478], %add3A_1423 {strides = array<i32>} : memref<80x128xf32, #tpu.memory_space<vmem>>, vector<16xf32>,
        %swap3A_1480 = arith.index_cast %add3A_1331 : i32 to index
        %swap3A_1481 = arith.constant 64 : index
        %swap3A_1482 = tpu.vector_load %arg37[%swap3A_1480, %swap3A_1481] {strides = array<i32>} : memref<80x128xf32, #tpu.memory_space<vmem>>, vector<16xf32>,
        tpu.vector_store %arg37[%swap3A_1480, %swap3A_1481], %add3A_1434 {strides = array<i32>} : memref<80x128xf32, #tpu.memory_space<vmem>>, vector<16xf32>,
        %swap3A_1483 = arith.index_cast %add3A_1331 : i32 to index
        %swap3A_1484 = arith.constant 80 : index
        %swap3A_1485 = tpu.vector_load %arg37[%swap3A_1483, %swap3A_1484] {strides = array<i32>} : memref<80x128xf32, #tpu.memory_space<vmem>>, vector<16xf32>,
        tpu.vector_store %arg37[%swap3A_1483, %swap3A_1484], %add3A_1445 {strides = array<i32>} : memref<80x128xf32, #tpu.memory_space<vmem>>, vector<16xf32>,
        %swap3A_1486 = arith.index_cast %add3A_1331 : i32 to index
        %swap3A_1487 = arith.constant 96 : index
        %swap3A_1488 = tpu.vector_load %arg37[%swap3A_1486, %swap3A_1487] {strides = array<i32>} : memref<80x128xf32, #tpu.memory_space<vmem>>, vector<16xf32>,
        tpu.vector_store %arg37[%swap3A_1486, %swap3A_1487], %add3A_1456 {strides = array<i32>} : memref<80x128xf32, #tpu.memory_space<vmem>>, vector<16xf32>,
        %swap3A_1489 = arith.index_cast %add3A_1331 : i32 to index
        %swap3A_1490 = arith.constant 112 : index
        %swap3A_1491 = tpu.vector_load %arg37[%swap3A_1489, %swap3A_1490] {strides = array<i32>} : memref<80x128xf32, #tpu.memory_space<vmem>>, vector<16xf32>,
        tpu.vector_store %arg37[%swap3A_1489, %swap3A_1490], %add3A_1467 {strides = array<i32>} : memref<80x128xf32, #tpu.memory_space<vmem>>, vector<16xf32>,
        %mul3A_1492 = arith.constant 8 : i32
        %mul3A_1493 = arith.muli %scan3A_302, %mul3A_1492 : i32
        %add3A_1494 = arith.constant 7 : i32
        %add3A_1495 = arith.addi %mul3A_1493, %add3A_1494 : i32
        %broadcast_in_dim3A_1496 = arith.constant 7 : i32
        %broadcast_in_dim3A_1497 = vector.broadcast %broadcast_in_dim3A_1496 : i32 to vector<16xi32>
        %add3A_1498 = vector.broadcast %mul3A_336 : i32 to vector<16xi32>
        %add3A_1499 = arith.addi %broadcast_in_dim3A_1497, %add3A_1498 : vector<16xi32>
        %lt3A_1500 = arith.constant 0 : i32
        %lt3A_1501 = vector.broadcast %lt3A_1500 : i32 to vector<16xi32>
        %lt3A_1502 = arith.cmpi slt, %add3A_1499, %lt3A_1501 : vector<16xi32>
        %add3A_1503 = arith.constant 16 : i32
        %add3A_1504 = vector.broadcast %add3A_1503 : i32 to vector<16xi32>
        %add3A_1505 = arith.addi %add3A_1499, %add3A_1504 : vector<16xi32>
        %select_n3A_1506 = arith.select %lt3A_1502, %add3A_1505, %add3A_1499 : vector<16xi1>, vector<16xi32>
        %broadcast_in_dim3A_1507 = vector.shape_cast %select_n3A_1506 : vector<16xi32> to vector<16x1xi32>
        %gather3A_1508 = vector.shape_cast %broadcast_in_dim3A_1507 : vector<16x1xi32> to vector<16xi32>
        %gather3A_1509 = tpu.dynamic_gather %get3A_338[%gather3A_1508] in [0] : vector<16xf32>, vector<16xi32> -> vector<16xf32>
        %lt3A_1510 = arith.constant 0 : i32
        %lt3A_1511 = vector.broadcast %lt3A_1510 : i32 to vector<16xi32>
        %lt3A_1512 = arith.cmpi slt, %add3A_1499, %lt3A_1511 : vector<16xi32>
        %add3A_1513 = arith.constant 16 : i32
        %add3A_1514 = vector.broadcast %add3A_1513 : i32 to vector<16xi32>
        %add3A_1515 = arith.addi %add3A_1499, %add3A_1514 : vector<16xi32>
        %select_n3A_1516 = arith.select %lt3A_1512, %add3A_1515, %add3A_1499 : vector<16xi1>, vector<16xi32>
        %broadcast_in_dim3A_1517 = vector.shape_cast %select_n3A_1516 : vector<16xi32> to vector<16x1xi32>
        %gather3A_1518 = vector.shape_cast %broadcast_in_dim3A_1517 : vector<16x1xi32> to vector<16xi32>
        %gather3A_1519 = tpu.dynamic_gather %mul3A_348[%gather3A_1518] in [0] : vector<16xf32>, vector<16xi32> -> vector<16xf32>
        %get3A_1520 = arith.index_cast %add3A_1495 : i32 to index
        %get3A_1521 = arith.constant 0 : index
        %get3A_1522 = tpu.vector_load %arg15[%get3A_1520, %get3A_1521] {strides = array<i32>} : memref<80x128xi32, #tpu.memory_space<vmem>>, vector<16xi32>,
        %get3A_1523 = arith.index_cast %add3A_1495 : i32 to index
        %get3A_1524 = arith.constant 16 : index
        %get3A_1525 = tpu.vector_load %arg15[%get3A_1523, %get3A_1524] {strides = array<i32>} : memref<80x128xi32, #tpu.memory_space<vmem>>, vector<16xi32>,
        %get3A_1526 = arith.index_cast %add3A_1495 : i32 to index
        %get3A_1527 = arith.constant 32 : index
        %get3A_1528 = tpu.vector_load %arg15[%get3A_1526, %get3A_1527] {strides = array<i32>} : memref<80x128xi32, #tpu.memory_space<vmem>>, vector<16xi32>,
        %get3A_1529 = arith.index_cast %add3A_1495 : i32 to index
        %get3A_1530 = arith.constant 48 : index
        %get3A_1531 = tpu.vector_load %arg15[%get3A_1529, %get3A_1530] {strides = array<i32>} : memref<80x128xi32, #tpu.memory_space<vmem>>, vector<16xi32>,
        %get3A_1532 = arith.index_cast %add3A_1495 : i32 to index
        %get3A_1533 = arith.constant 64 : index
        %get3A_1534 = tpu.vector_load %arg15[%get3A_1532, %get3A_1533] {strides = array<i32>} : memref<80x128xi32, #tpu.memory_space<vmem>>, vector<16xi32>,
        %get3A_1535 = arith.index_cast %add3A_1495 : i32 to index
        %get3A_1536 = arith.constant 80 : index
        %get3A_1537 = tpu.vector_load %arg15[%get3A_1535, %get3A_1536] {strides = array<i32>} : memref<80x128xi32, #tpu.memory_space<vmem>>, vector<16xi32>,
        %get3A_1538 = arith.index_cast %add3A_1495 : i32 to index
        %get3A_1539 = arith.constant 96 : index
        %get3A_1540 = tpu.vector_load %arg15[%get3A_1538, %get3A_1539] {strides = array<i32>} : memref<80x128xi32, #tpu.memory_space<vmem>>, vector<16xi32>,
        %get3A_1541 = arith.index_cast %add3A_1495 : i32 to index
        %get3A_1542 = arith.constant 112 : index
        %get3A_1543 = tpu.vector_load %arg15[%get3A_1541, %get3A_1542] {strides = array<i32>} : memref<80x128xi32, #tpu.memory_space<vmem>>, vector<16xi32>,
        %shift_left3A_1544 = arith.constant 16 : i32
        %shift_left3A_1545 = vector.broadcast %shift_left3A_1544 : i32 to vector<16xi32>
        %shift_left3A_1546 = arith.shli %get3A_1522, %shift_left3A_1545 : vector<16xi32>
        %bitcast3A_1547 = vector.bitcast %shift_left3A_1546 : vector<16xi32> to vector<16xf32>
        %mul3A_1548 = arith.mulf %gather3A_1509, %bitcast3A_1547 : vector<16xf32>
        %and3A_1549 = arith.constant -65536 : i32
        %and3A_1550 = vector.broadcast %and3A_1549 : i32 to vector<16xi32>
        %and3A_1551 = arith.andi %get3A_1522, %and3A_1550 : vector<16xi32>
        %bitcast3A_1552 = vector.bitcast %and3A_1551 : vector<16xi32> to vector<16xf32>
        %mul3A_1553 = arith.mulf %gather3A_1519, %bitcast3A_1552 : vector<16xf32>
        %add3A_1554 = arith.addf %mul3A_1548, %mul3A_1553 : vector<16xf32>
        %shift_left3A_1555 = arith.constant 16 : i32
        %shift_left3A_1556 = vector.broadcast %shift_left3A_1555 : i32 to vector<16xi32>
        %shift_left3A_1557 = arith.shli %get3A_1525, %shift_left3A_1556 : vector<16xi32>
        %bitcast3A_1558 = vector.bitcast %shift_left3A_1557 : vector<16xi32> to vector<16xf32>
        %mul3A_1559 = arith.mulf %gather3A_1509, %bitcast3A_1558 : vector<16xf32>
        %and3A_1560 = arith.constant -65536 : i32
        %and3A_1561 = vector.broadcast %and3A_1560 : i32 to vector<16xi32>
        %and3A_1562 = arith.andi %get3A_1525, %and3A_1561 : vector<16xi32>
        %bitcast3A_1563 = vector.bitcast %and3A_1562 : vector<16xi32> to vector<16xf32>
        %mul3A_1564 = arith.mulf %gather3A_1519, %bitcast3A_1563 : vector<16xf32>
        %add3A_1565 = arith.addf %mul3A_1559, %mul3A_1564 : vector<16xf32>
        %shift_left3A_1566 = arith.constant 16 : i32
        %shift_left3A_1567 = vector.broadcast %shift_left3A_1566 : i32 to vector<16xi32>
        %shift_left3A_1568 = arith.shli %get3A_1528, %shift_left3A_1567 : vector<16xi32>
        %bitcast3A_1569 = vector.bitcast %shift_left3A_1568 : vector<16xi32> to vector<16xf32>
        %mul3A_1570 = arith.mulf %gather3A_1509, %bitcast3A_1569 : vector<16xf32>
        %and3A_1571 = arith.constant -65536 : i32
        %and3A_1572 = vector.broadcast %and3A_1571 : i32 to vector<16xi32>
        %and3A_1573 = arith.andi %get3A_1528, %and3A_1572 : vector<16xi32>
        %bitcast3A_1574 = vector.bitcast %and3A_1573 : vector<16xi32> to vector<16xf32>
        %mul3A_1575 = arith.mulf %gather3A_1519, %bitcast3A_1574 : vector<16xf32>
        %add3A_1576 = arith.addf %mul3A_1570, %mul3A_1575 : vector<16xf32>
        %shift_left3A_1577 = arith.constant 16 : i32
        %shift_left3A_1578 = vector.broadcast %shift_left3A_1577 : i32 to vector<16xi32>
        %shift_left3A_1579 = arith.shli %get3A_1531, %shift_left3A_1578 : vector<16xi32>
        %bitcast3A_1580 = vector.bitcast %shift_left3A_1579 : vector<16xi32> to vector<16xf32>
        %mul3A_1581 = arith.mulf %gather3A_1509, %bitcast3A_1580 : vector<16xf32>
        %and3A_1582 = arith.constant -65536 : i32
        %and3A_1583 = vector.broadcast %and3A_1582 : i32 to vector<16xi32>
        %and3A_1584 = arith.andi %get3A_1531, %and3A_1583 : vector<16xi32>
        %bitcast3A_1585 = vector.bitcast %and3A_1584 : vector<16xi32> to vector<16xf32>
        %mul3A_1586 = arith.mulf %gather3A_1519, %bitcast3A_1585 : vector<16xf32>
        %add3A_1587 = arith.addf %mul3A_1581, %mul3A_1586 : vector<16xf32>
        %shift_left3A_1588 = arith.constant 16 : i32
        %shift_left3A_1589 = vector.broadcast %shift_left3A_1588 : i32 to vector<16xi32>
        %shift_left3A_1590 = arith.shli %get3A_1534, %shift_left3A_1589 : vector<16xi32>
        %bitcast3A_1591 = vector.bitcast %shift_left3A_1590 : vector<16xi32> to vector<16xf32>
        %mul3A_1592 = arith.mulf %gather3A_1509, %bitcast3A_1591 : vector<16xf32>
        %and3A_1593 = arith.constant -65536 : i32
        %and3A_1594 = vector.broadcast %and3A_1593 : i32 to vector<16xi32>
        %and3A_1595 = arith.andi %get3A_1534, %and3A_1594 : vector<16xi32>
        %bitcast3A_1596 = vector.bitcast %and3A_1595 : vector<16xi32> to vector<16xf32>
        %mul3A_1597 = arith.mulf %gather3A_1519, %bitcast3A_1596 : vector<16xf32>
        %add3A_1598 = arith.addf %mul3A_1592, %mul3A_1597 : vector<16xf32>
        %shift_left3A_1599 = arith.constant 16 : i32
        %shift_left3A_1600 = vector.broadcast %shift_left3A_1599 : i32 to vector<16xi32>
        %shift_left3A_1601 = arith.shli %get3A_1537, %shift_left3A_1600 : vector<16xi32>
        %bitcast3A_1602 = vector.bitcast %shift_left3A_1601 : vector<16xi32> to vector<16xf32>
        %mul3A_1603 = arith.mulf %gather3A_1509, %bitcast3A_1602 : vector<16xf32>
        %and3A_1604 = arith.constant -65536 : i32
        %and3A_1605 = vector.broadcast %and3A_1604 : i32 to vector<16xi32>
        %and3A_1606 = arith.andi %get3A_1537, %and3A_1605 : vector<16xi32>
        %bitcast3A_1607 = vector.bitcast %and3A_1606 : vector<16xi32> to vector<16xf32>
        %mul3A_1608 = arith.mulf %gather3A_1519, %bitcast3A_1607 : vector<16xf32>
        %add3A_1609 = arith.addf %mul3A_1603, %mul3A_1608 : vector<16xf32>
        %shift_left3A_1610 = arith.constant 16 : i32
        %shift_left3A_1611 = vector.broadcast %shift_left3A_1610 : i32 to vector<16xi32>
        %shift_left3A_1612 = arith.shli %get3A_1540, %shift_left3A_1611 : vector<16xi32>
        %bitcast3A_1613 = vector.bitcast %shift_left3A_1612 : vector<16xi32> to vector<16xf32>
        %mul3A_1614 = arith.mulf %gather3A_1509, %bitcast3A_1613 : vector<16xf32>
        %and3A_1615 = arith.constant -65536 : i32
        %and3A_1616 = vector.broadcast %and3A_1615 : i32 to vector<16xi32>
        %and3A_1617 = arith.andi %get3A_1540, %and3A_1616 : vector<16xi32>
        %bitcast3A_1618 = vector.bitcast %and3A_1617 : vector<16xi32> to vector<16xf32>
        %mul3A_1619 = arith.mulf %gather3A_1519, %bitcast3A_1618 : vector<16xf32>
        %add3A_1620 = arith.addf %mul3A_1614, %mul3A_1619 : vector<16xf32>
        %shift_left3A_1621 = arith.constant 16 : i32
        %shift_left3A_1622 = vector.broadcast %shift_left3A_1621 : i32 to vector<16xi32>
        %shift_left3A_1623 = arith.shli %get3A_1543, %shift_left3A_1622 : vector<16xi32>
        %bitcast3A_1624 = vector.bitcast %shift_left3A_1623 : vector<16xi32> to vector<16xf32>
        %mul3A_1625 = arith.mulf %gather3A_1509, %bitcast3A_1624 : vector<16xf32>
        %and3A_1626 = arith.constant -65536 : i32
        %and3A_1627 = vector.broadcast %and3A_1626 : i32 to vector<16xi32>
        %and3A_1628 = arith.andi %get3A_1543, %and3A_1627 : vector<16xi32>
        %bitcast3A_1629 = vector.bitcast %and3A_1628 : vector<16xi32> to vector<16xf32>
        %mul3A_1630 = arith.mulf %gather3A_1519, %bitcast3A_1629 : vector<16xf32>
        %add3A_1631 = arith.addf %mul3A_1625, %mul3A_1630 : vector<16xf32>
        %swap3A_1632 = arith.index_cast %add3A_1495 : i32 to index
        %swap3A_1633 = arith.constant 0 : index
        %swap3A_1634 = tpu.vector_load %arg37[%swap3A_1632, %swap3A_1633] {strides = array<i32>} : memref<80x128xf32, #tpu.memory_space<vmem>>, vector<16xf32>,
        tpu.vector_store %arg37[%swap3A_1632, %swap3A_1633], %add3A_1554 {strides = array<i32>} : memref<80x128xf32, #tpu.memory_space<vmem>>, vector<16xf32>,
        %swap3A_1635 = arith.index_cast %add3A_1495 : i32 to index
        %swap3A_1636 = arith.constant 16 : index
        %swap3A_1637 = tpu.vector_load %arg37[%swap3A_1635, %swap3A_1636] {strides = array<i32>} : memref<80x128xf32, #tpu.memory_space<vmem>>, vector<16xf32>,
        tpu.vector_store %arg37[%swap3A_1635, %swap3A_1636], %add3A_1565 {strides = array<i32>} : memref<80x128xf32, #tpu.memory_space<vmem>>, vector<16xf32>,
        %swap3A_1638 = arith.index_cast %add3A_1495 : i32 to index
        %swap3A_1639 = arith.constant 32 : index
        %swap3A_1640 = tpu.vector_load %arg37[%swap3A_1638, %swap3A_1639] {strides = array<i32>} : memref<80x128xf32, #tpu.memory_space<vmem>>, vector<16xf32>,
        tpu.vector_store %arg37[%swap3A_1638, %swap3A_1639], %add3A_1576 {strides = array<i32>} : memref<80x128xf32, #tpu.memory_space<vmem>>, vector<16xf32>,
        %swap3A_1641 = arith.index_cast %add3A_1495 : i32 to index
        %swap3A_1642 = arith.constant 48 : index
        %swap3A_1643 = tpu.vector_load %arg37[%swap3A_1641, %swap3A_1642] {strides = array<i32>} : memref<80x128xf32, #tpu.memory_space<vmem>>, vector<16xf32>,
        tpu.vector_store %arg37[%swap3A_1641, %swap3A_1642], %add3A_1587 {strides = array<i32>} : memref<80x128xf32, #tpu.memory_space<vmem>>, vector<16xf32>,
        %swap3A_1644 = arith.index_cast %add3A_1495 : i32 to index
        %swap3A_1645 = arith.constant 64 : index
        %swap3A_1646 = tpu.vector_load %arg37[%swap3A_1644, %swap3A_1645] {strides = array<i32>} : memref<80x128xf32, #tpu.memory_space<vmem>>, vector<16xf32>,
        tpu.vector_store %arg37[%swap3A_1644, %swap3A_1645], %add3A_1598 {strides = array<i32>} : memref<80x128xf32, #tpu.memory_space<vmem>>, vector<16xf32>,
        %swap3A_1647 = arith.index_cast %add3A_1495 : i32 to index
        %swap3A_1648 = arith.constant 80 : index
        %swap3A_1649 = tpu.vector_load %arg37[%swap3A_1647, %swap3A_1648] {strides = array<i32>} : memref<80x128xf32, #tpu.memory_space<vmem>>, vector<16xf32>,
        tpu.vector_store %arg37[%swap3A_1647, %swap3A_1648], %add3A_1609 {strides = array<i32>} : memref<80x128xf32, #tpu.memory_space<vmem>>, vector<16xf32>,
        %swap3A_1650 = arith.index_cast %add3A_1495 : i32 to index
        %swap3A_1651 = arith.constant 96 : index
        %swap3A_1652 = tpu.vector_load %arg37[%swap3A_1650, %swap3A_1651] {strides = array<i32>} : memref<80x128xf32, #tpu.memory_space<vmem>>, vector<16xf32>,
        tpu.vector_store %arg37[%swap3A_1650, %swap3A_1651], %add3A_1620 {strides = array<i32>} : memref<80x128xf32, #tpu.memory_space<vmem>>, vector<16xf32>,
        %swap3A_1653 = arith.index_cast %add3A_1495 : i32 to index
        %swap3A_1654 = arith.constant 112 : index
        %swap3A_1655 = tpu.vector_load %arg37[%swap3A_1653, %swap3A_1654] {strides = array<i32>} : memref<80x128xf32, #tpu.memory_space<vmem>>, vector<16xf32>,
        tpu.vector_store %arg37[%swap3A_1653, %swap3A_1654], %add3A_1631 {strides = array<i32>} : memref<80x128xf32, #tpu.memory_space<vmem>>, vector<16xf32>,
      }
      %scan3A_203 = arith.constant 10 : i32
      %dma_wait3A_204 = arith.constant 0 : i32
      %dma_wait3A_205 = tpu.memref_slice %arg3[%dma_wait3A_204] : memref<320000xi32, #tpu.memory_space<hbm>> -> memref<80xi32, #tpu.memory_space<hbm>>
      %dma_wait3A_206 = arith.constant 0 : i32
      %dma_wait3A_207 = tpu.memref_slice %arg3[%dma_wait3A_206] : memref<320000xi32, #tpu.memory_space<hbm>> -> memref<80xi32, #tpu.memory_space<hbm>>
      tpu.wait_dma2 semaphore(%arg21 : memref<!tpu.dma_semaphore, #tpu.memory_space<semaphore_mem>>) src(%dma_wait3A_207 : memref<80xi32, #tpu.memory_space<hbm>>) dst(%arg19 : memref<80xi32, #tpu.memory_space<vmem>>)
      %dma_start3A_208 = arith.constant 0 : i32
      %dma_start3A_209 = arith.constant 0 : i32
      %dma_start3A_210 = tpu.memref_slice %arg10[%dma_start3A_208, %dma_start3A_209] : memref<10000x128xf32, #tpu.memory_space<vmem_shared>> -> memref<10000x128xf32, #tpu.memory_space<vmem_shared>>
      tpu.enqueue_indirect_dma source(%arg37 : memref<80x128xf32, #tpu.memory_space<vmem>>) target(%dma_start3A_210 : memref<10000x128xf32, #tpu.memory_space<vmem_shared>>) offsets(%arg19 : memref<80xi32, #tpu.memory_space<vmem>>) semaphore(%arg23 : memref<!tpu.dma_semaphore, #tpu.memory_space<semaphore_mem>>) {add = true}
      %add3A_211 = arith.constant 2 : i32
      %add3A_212 = arith.addi %mul3A_139, %add3A_211 : i32
      %lt3A_213 = arith.constant 125 : i32
      %lt3A_214 = arith.cmpi slt, %add3A_212, %lt3A_213 : i32
      %convert_element_type3A_215 = arith.extui %lt3A_214 : i1 to i32
      %cond3A_216 = arith.constant 0 : i32
      %cond3A_217 = arith.cmpi ne, %convert_element_type3A_215, %cond3A_216 : i32
      scf.if %cond3A_217 {
        %dma_wait3A_302 = arith.constant 0 : i32
        %dma_wait3A_303 = tpu.memref_slice %arg4[%dma_wait3A_302] : memref<320000xi32, #tpu.memory_space<hbm>> -> memref<80xi32, #tpu.memory_space<hbm>>
        %dma_wait3A_304 = arith.constant 0 : i32
        %dma_wait3A_305 = tpu.memref_slice %arg4[%dma_wait3A_304] : memref<320000xi32, #tpu.memory_space<hbm>> -> memref<80xi32, #tpu.memory_space<hbm>>
        tpu.wait_dma2 semaphore(%arg13 : memref<!tpu.dma_semaphore, #tpu.memory_space<semaphore_mem>>) src(%dma_wait3A_305 : memref<80xi32, #tpu.memory_space<hbm>>) dst(%arg11 : memref<80xi32, #tpu.memory_space<vmem>>)
        %dma_start3A_306 = arith.constant 0 : i32
        %dma_start3A_307 = arith.constant 0 : i32
        %dma_start3A_308 = tpu.memref_slice %arg2[%dma_start3A_306, %dma_start3A_307] : memref<10000x128xi32, #tpu.memory_space<hbm>> -> memref<10000x128xi32, #tpu.memory_space<hbm>>
        tpu.enqueue_indirect_dma source(%dma_start3A_308 : memref<10000x128xi32, #tpu.memory_space<hbm>>) target(%arg15 : memref<80x128xi32, #tpu.memory_space<vmem>>) offsets(%arg11 : memref<80xi32, #tpu.memory_space<vmem>>) semaphore(%arg17 : memref<!tpu.dma_semaphore, #tpu.memory_space<semaphore_mem>>)
      } else {
      }
      %mul3A_218 = arith.constant 2 : i32
      %mul3A_219 = arith.muli %scan3A_137, %mul3A_218 : i32
      %add3A_220 = arith.constant 1 : i32
      %add3A_221 = arith.addi %mul3A_219, %add3A_220 : i32
      %dma_wait3A_222 = arith.constant 0 : i32
      %dma_wait3A_223 = arith.constant 0 : i32
      %dma_wait3A_224 = tpu.memref_slice %arg2[%dma_wait3A_222, %dma_wait3A_223] : memref<10000x128xi32, #tpu.memory_space<hbm>> -> memref<80x128xi32, #tpu.memory_space<hbm>>
      %dma_wait3A_225 = arith.constant 0 : i32
      %dma_wait3A_226 = arith.constant 0 : i32
      %dma_wait3A_227 = tpu.memref_slice %arg2[%dma_wait3A_225, %dma_wait3A_226] : memref<10000x128xi32, #tpu.memory_space<hbm>> -> memref<80x128xi32, #tpu.memory_space<hbm>>
      tpu.wait_dma2 semaphore(%arg18 : memref<!tpu.dma_semaphore, #tpu.memory_space<semaphore_mem>>) src(%dma_wait3A_227 : memref<80x128xi32, #tpu.memory_space<hbm>>) dst(%arg16 : memref<80x128xi32, #tpu.memory_space<vmem>>)
      %add3A_228 = arith.constant 2 : i32
      %add3A_229 = arith.addi %add3A_221, %add3A_228 : i32
      %lt3A_230 = arith.constant 125 : i32
      %lt3A_231 = arith.cmpi slt, %add3A_229, %lt3A_230 : i32
      %convert_element_type3A_232 = arith.extui %lt3A_231 : i1 to i32
      %cond3A_233 = arith.constant 0 : i32
      %cond3A_234 = arith.cmpi ne, %convert_element_type3A_232, %cond3A_233 : i32
      scf.if %cond3A_234 {
        %add3A_302 = arith.constant 2 : i32
        %add3A_303 = arith.addi %add3A_221, %add3A_302 : i32
        %mul3A_304 = arith.constant 80 : i32
        %mul3A_305 = arith.muli %add3A_303, %mul3A_304 : i32
        %add3A_306 = arith.addi %mul3A_2, %mul3A_305 : i32
        %dma_start3A_307 = tpu.memref_slice %arg4[%add3A_306] : memref<320000xi32, #tpu.memory_space<hbm>> -> memref<80xi32, #tpu.memory_space<hbm>>
        %dma_start3A_308 = tpu.memref_slice %arg4[%add3A_306] : memref<320000xi32, #tpu.memory_space<hbm>> -> memref<80xi32, #tpu.memory_space<hbm>>
        tpu.enqueue_dma source(%dma_start3A_308 : memref<80xi32, #tpu.memory_space<hbm>>) target(%arg12 : memref<80xi32, #tpu.memory_space<vmem>>) target_semaphore(%arg14 : memref<!tpu.dma_semaphore, #tpu.memory_space<semaphore_mem>>)
      } else {
      }
      %add3A_235 = arith.constant 1 : i32
      %add3A_236 = arith.addi %add3A_221, %add3A_235 : i32
      %lt3A_237 = arith.constant 125 : i32
      %lt3A_238 = arith.cmpi slt, %add3A_236, %lt3A_237 : i32
      %convert_element_type3A_239 = arith.extui %lt3A_238 : i1 to i32
      %cond3A_240 = arith.constant 0 : i32
      %cond3A_241 = arith.cmpi ne, %convert_element_type3A_239, %cond3A_240 : i32
      scf.if %cond3A_241 {
        %add3A_302 = arith.constant 1 : i32
        %add3A_303 = arith.addi %add3A_221, %add3A_302 : i32
        %dma_start3A_304 = arith.constant 0 : i32
        %dma_start3A_305 = arith.constant 0 : i32
        %dma_start3A_306 = tpu.memref_slice %arg5[%add3A, %add3A_303, %dma_start3A_304, %dma_start3A_305] : memref<32x125x5x16xf32, #tpu.memory_space<hbm>> -> memref<1x1x5x16xf32, #tpu.memory_space<hbm>>
        %dma_start3A_307 = tpu.memref_squeeze %dma_start3A_306 : memref<1x1x5x16xf32, #tpu.memory_space<hbm>> -> memref<5x16xf32, #tpu.memory_space<hbm>>
        %dma_start3A_308 = arith.constant 0 : i32
        %dma_start3A_309 = arith.constant 0 : i32
        %dma_start3A_310 = tpu.memref_slice %arg5[%add3A, %add3A_303, %dma_start3A_308, %dma_start3A_309] : memref<32x125x5x16xf32, #tpu.memory_space<hbm>> -> memref<1x1x5x16xf32, #tpu.memory_space<hbm>>
        %dma_start3A_311 = tpu.memref_squeeze %dma_start3A_310 : memref<1x1x5x16xf32, #tpu.memory_space<hbm>> -> memref<5x16xf32, #tpu.memory_space<hbm>>
        tpu.enqueue_dma source(%dma_start3A_311 : memref<5x16xf32, #tpu.memory_space<hbm>>) target(%arg25 : memref<5x16xf32, #tpu.memory_space<vmem>>) target_semaphore(%arg27 : memref<!tpu.dma_semaphore, #tpu.memory_space<semaphore_mem>>)
        %dma_start3A_312 = arith.constant 0 : i32
        %dma_start3A_313 = arith.constant 0 : i32
        %dma_start3A_314 = tpu.memref_slice %arg6[%add3A, %add3A_303, %dma_start3A_312, %dma_start3A_313] : memref<32x125x5x16xf32, #tpu.memory_space<hbm>> -> memref<1x1x5x16xf32, #tpu.memory_space<hbm>>
        %dma_start3A_315 = tpu.memref_squeeze %dma_start3A_314 : memref<1x1x5x16xf32, #tpu.memory_space<hbm>> -> memref<5x16xf32, #tpu.memory_space<hbm>>
        %dma_start3A_316 = arith.constant 0 : i32
        %dma_start3A_317 = arith.constant 0 : i32
        %dma_start3A_318 = tpu.memref_slice %arg6[%add3A, %add3A_303, %dma_start3A_316, %dma_start3A_317] : memref<32x125x5x16xf32, #tpu.memory_space<hbm>> -> memref<1x1x5x16xf32, #tpu.memory_space<hbm>>
        %dma_start3A_319 = tpu.memref_squeeze %dma_start3A_318 : memref<1x1x5x16xf32, #tpu.memory_space<hbm>> -> memref<5x16xf32, #tpu.memory_space<hbm>>
        tpu.enqueue_dma source(%dma_start3A_319 : memref<5x16xf32, #tpu.memory_space<hbm>>) target(%arg33 : memref<5x16xf32, #tpu.memory_space<vmem>>) target_semaphore(%arg35 : memref<!tpu.dma_semaphore, #tpu.memory_space<semaphore_mem>>)
        %dma_start3A_320 = arith.constant 0 : i32
        %dma_start3A_321 = arith.constant 0 : i32
        %dma_start3A_322 = tpu.memref_slice %arg7[%add3A, %add3A_303, %dma_start3A_320, %dma_start3A_321] : memref<32x125x5x16xf32, #tpu.memory_space<hbm>> -> memref<1x1x5x16xf32, #tpu.memory_space<hbm>>
        %dma_start3A_323 = tpu.memref_squeeze %dma_start3A_322 : memref<1x1x5x16xf32, #tpu.memory_space<hbm>> -> memref<5x16xf32, #tpu.memory_space<hbm>>
        %dma_start3A_324 = arith.constant 0 : i32
        %dma_start3A_325 = arith.constant 0 : i32
        %dma_start3A_326 = tpu.memref_slice %arg7[%add3A, %add3A_303, %dma_start3A_324, %dma_start3A_325] : memref<32x125x5x16xf32, #tpu.memory_space<hbm>> -> memref<1x1x5x16xf32, #tpu.memory_space<hbm>>
        %dma_start3A_327 = tpu.memref_squeeze %dma_start3A_326 : memref<1x1x5x16xf32, #tpu.memory_space<hbm>> -> memref<5x16xf32, #tpu.memory_space<hbm>>
        tpu.enqueue_dma source(%dma_start3A_327 : memref<5x16xf32, #tpu.memory_space<hbm>>) target(%arg29 : memref<5x16xf32, #tpu.memory_space<vmem>>) target_semaphore(%arg31 : memref<!tpu.dma_semaphore, #tpu.memory_space<semaphore_mem>>)
      } else {
      }
      %ge3A_242 = arith.constant 2 : i32
      %ge3A_243 = arith.cmpi sge, %add3A_221, %ge3A_242 : i32
      %convert_element_type3A_244 = arith.extui %ge3A_243 : i1 to i32
      %cond3A_245 = arith.constant 0 : i32
      %cond3A_246 = arith.cmpi ne, %convert_element_type3A_244, %cond3A_245 : i32
      scf.if %cond3A_246 {
        %dma_wait3A_302 = arith.constant 0 : i32
        %dma_wait3A_303 = arith.constant 0 : i32
        %dma_wait3A_304 = tpu.memref_slice %arg10[%dma_wait3A_302, %dma_wait3A_303] : memref<10000x128xf32, #tpu.memory_space<vmem_shared>> -> memref<10000x128xf32, #tpu.memory_space<vmem_shared>>
        tpu.wait_indirect_dma semaphore(%arg24 : memref<!tpu.dma_semaphore, #tpu.memory_space<semaphore_mem>>) src(%arg38 : memref<80x128xf32, #tpu.memory_space<vmem>>) dst(%dma_wait3A_304 : memref<10000x128xf32, #tpu.memory_space<vmem_shared>>)
      } else {
      }
      %mul3A_247 = arith.constant 80 : i32
      %mul3A_248 = arith.muli %add3A_221, %mul3A_247 : i32
      %add3A_249 = arith.addi %mul3A_2, %mul3A_248 : i32
      %dma_start3A_250 = tpu.memref_slice %arg3[%add3A_249] : memref<320000xi32, #tpu.memory_space<hbm>> -> memref<80xi32, #tpu.memory_space<hbm>>
      %dma_start3A_251 = tpu.memref_slice %arg3[%add3A_249] : memref<320000xi32, #tpu.memory_space<hbm>> -> memref<80xi32, #tpu.memory_space<hbm>>
      tpu.enqueue_dma source(%dma_start3A_251 : memref<80xi32, #tpu.memory_space<hbm>>) target(%arg20 : memref<80xi32, #tpu.memory_space<vmem>>) target_semaphore(%arg22 : memref<!tpu.dma_semaphore, #tpu.memory_space<semaphore_mem>>)
      %dma_wait3A_252 = arith.constant 0 : i32
      %dma_wait3A_253 = arith.constant 0 : i32
      %dma_wait3A_254 = arith.constant 0 : i32
      %dma_wait3A_255 = arith.constant 0 : i32
      %dma_wait3A_256 = tpu.memref_slice %arg5[%dma_wait3A_252, %dma_wait3A_253, %dma_wait3A_254, %dma_wait3A_255] : memref<32x125x5x16xf32, #tpu.memory_space<hbm>> -> memref<1x1x5x16xf32, #tpu.memory_space<hbm>>
      %dma_wait3A_257 = tpu.memref_squeeze %dma_wait3A_256 : memref<1x1x5x16xf32, #tpu.memory_space<hbm>> -> memref<5x16xf32, #tpu.memory_space<hbm>>
      %dma_wait3A_258 = arith.constant 0 : i32
      %dma_wait3A_259 = arith.constant 0 : i32
      %dma_wait3A_260 = tpu.memref_slice %arg5[%dma_wait3A_252, %dma_wait3A_253, %dma_wait3A_258, %dma_wait3A_259] : memref<32x125x5x16xf32, #tpu.memory_space<hbm>> -> memref<1x1x5x16xf32, #tpu.memory_space<hbm>>
      %dma_wait3A_261 = tpu.memref_squeeze %dma_wait3A_260 : memref<1x1x5x16xf32, #tpu.memory_space<hbm>> -> memref<5x16xf32, #tpu.memory_space<hbm>>
      tpu.wait_dma2 semaphore(%arg28 : memref<!tpu.dma_semaphore, #tpu.memory_space<semaphore_mem>>) src(%dma_wait3A_261 : memref<5x16xf32, #tpu.memory_space<hbm>>) dst(%arg26 : memref<5x16xf32, #tpu.memory_space<vmem>>)
      %dma_wait3A_262 = arith.constant 0 : i32
      %dma_wait3A_263 = arith.constant 0 : i32
      %dma_wait3A_264 = arith.constant 0 : i32
      %dma_wait3A_265 = arith.constant 0 : i32
      %dma_wait3A_266 = tpu.memref_slice %arg6[%dma_wait3A_262, %dma_wait3A_263, %dma_wait3A_264, %dma_wait3A_265] : memref<32x125x5x16xf32, #tpu.memory_space<hbm>> -> memref<1x1x5x16xf32, #tpu.memory_space<hbm>>
      %dma_wait3A_267 = tpu.memref_squeeze %dma_wait3A_266 : memref<1x1x5x16xf32, #tpu.memory_space<hbm>> -> memref<5x16xf32, #tpu.memory_space<hbm>>
      %dma_wait3A_268 = arith.constant 0 : i32
      %dma_wait3A_269 = arith.constant 0 : i32
      %dma_wait3A_270 = tpu.memref_slice %arg6[%dma_wait3A_262, %dma_wait3A_263, %dma_wait3A_268, %dma_wait3A_269] : memref<32x125x5x16xf32, #tpu.memory_space<hbm>> -> memref<1x1x5x16xf32, #tpu.memory_space<hbm>>
      %dma_wait3A_271 = tpu.memref_squeeze %dma_wait3A_270 : memref<1x1x5x16xf32, #tpu.memory_space<hbm>> -> memref<5x16xf32, #tpu.memory_space<hbm>>
      tpu.wait_dma2 semaphore(%arg36 : memref<!tpu.dma_semaphore, #tpu.memory_space<semaphore_mem>>) src(%dma_wait3A_271 : memref<5x16xf32, #tpu.memory_space<hbm>>) dst(%arg34 : memref<5x16xf32, #tpu.memory_space<vmem>>)
      %dma_wait3A_272 = arith.constant 0 : i32
      %dma_wait3A_273 = arith.constant 0 : i32
      %dma_wait3A_274 = arith.constant 0 : i32
      %dma_wait3A_275 = arith.constant 0 : i32
      %dma_wait3A_276 = tpu.memref_slice %arg7[%dma_wait3A_272, %dma_wait3A_273, %dma_wait3A_274, %dma_wait3A_275] : memref<32x125x5x16xf32, #tpu.memory_space<hbm>> -> memref<1x1x5x16xf32, #tpu.memory_space<hbm>>
      %dma_wait3A_277 = tpu.memref_squeeze %dma_wait3A_276 : memref<1x1x5x16xf32, #tpu.memory_space<hbm>> -> memref<5x16xf32, #tpu.memory_space<hbm>>
      %dma_wait3A_278 = arith.constant 0 : i32
      %dma_wait3A_279 = arith.constant 0 : i32
      %dma_wait3A_280 = tpu.memref_slice %arg7[%dma_wait3A_272, %dma_wait3A_273, %dma_wait3A_278, %dma_wait3A_279] : memref<32x125x5x16xf32, #tpu.memory_space<hbm>> -> memref<1x1x5x16xf32, #tpu.memory_space<hbm>>
      %dma_wait3A_281 = tpu.memref_squeeze %dma_wait3A_280 : memref<1x1x5x16xf32, #tpu.memory_space<hbm>> -> memref<5x16xf32, #tpu.memory_space<hbm>>
      tpu.wait_dma2 semaphore(%arg32 : memref<!tpu.dma_semaphore, #tpu.memory_space<semaphore_mem>>) src(%dma_wait3A_281 : memref<5x16xf32, #tpu.memory_space<hbm>>) dst(%arg30 : memref<5x16xf32, #tpu.memory_space<vmem>>)
      %scan3A_282 = arith.constant 0 : i32
      %scan3A_283 = arith.constant 0 : i32
      %scan3A_284 = arith.constant 10 : i32
      %scan3A_285 = arith.addi %scan3A_283, %scan3A_284 : i32
      %scan3A_286 = arith.constant 1 : i32
      scf.for %scan3A_302 = %scan3A_283 to %scan3A_285 step %scan3A_286  : i32 {
        %jit3A = arith.constant 2 : i32
        %div3A = arith.divsi %scan3A_302, %jit3A : i32
        %sign3A = arith.constant 0 : i32
        %sign3A_303 = arith.cmpi sgt, %scan3A_302, %sign3A : i32
        %sign3A_304 = arith.extui %sign3A_303 : i1 to i32
        %sign3A_305 = arith.constant 0 : i32
        %sign3A_306 = arith.cmpi slt, %scan3A_302, %sign3A_305 : i32
        %sign3A_307 = arith.extui %sign3A_306 : i1 to i32
        %sign3A_308 = arith.subi %sign3A_304, %sign3A_307 : i32
        %sign3A_309 = arith.constant 0 : i32
        %sign3A_310 = arith.cmpi sgt, %jit3A, %sign3A_309 : i32
        %sign3A_311 = arith.extui %sign3A_310 : i1 to i32
        %sign3A_312 = arith.constant 0 : i32
        %sign3A_313 = arith.cmpi slt, %jit3A, %sign3A_312 : i32
        %sign3A_314 = arith.extui %sign3A_313 : i1 to i32
        %sign3A_315 = arith.subi %sign3A_311, %sign3A_314 : i32
        %ne3A = arith.cmpi ne, %sign3A_308, %sign3A_315 : i32
        %rem3A = arith.remsi %scan3A_302, %jit3A : i32
        %ne3A_316 = arith.constant 0 : i32
        %ne3A_317 = arith.cmpi ne, %rem3A, %ne3A_316 : i32
        %and3A = arith.andi %ne3A, %ne3A_317 : i1
        %sub3A = arith.constant 1 : i32
        %sub3A_318 = arith.subi %div3A, %sub3A : i32
        %select_n3A = arith.select %and3A, %sub3A_318, %div3A : i32
        %jit3A_319 = arith.constant 2 : i32
        %eq3A_320 = arith.constant 0 : i32
        %eq3A_321 = arith.cmpi eq, %jit3A_319, %eq3A_320 : i32
        %jit3A_322 = arith.constant 1 : i32
        %select_n3A_323 = arith.select %eq3A_321, %jit3A_322, %jit3A_319 : i32
        %rem3A_324 = arith.remsi %scan3A_302, %select_n3A_323 : i32
        %ne3A_325 = arith.constant 0 : i32
        %ne3A_326 = arith.cmpi ne, %rem3A_324, %ne3A_325 : i32
        %lt3A_327 = arith.constant 0 : i32
        %lt3A_328 = arith.cmpi slt, %rem3A_324, %lt3A_327 : i32
        %lt3A_329 = arith.constant 0 : i32
        %lt3A_330 = arith.cmpi slt, %select_n3A_323, %lt3A_329 : i32
        %ne3A_331 = arith.xori %lt3A_328, %lt3A_330 : i1
        %and3A_332 = arith.andi %ne3A_331, %ne3A_326 : i1
        %add3A_333 = arith.addi %rem3A_324, %select_n3A_323 : i32
        %select_n3A_334 = arith.select %and3A_332, %add3A_333, %rem3A_324 : i32
        %mul3A_335 = arith.constant 8 : i32
        %mul3A_336 = arith.muli %select_n3A_334, %mul3A_335 : i32
        %get3A = arith.index_cast %select_n3A : i32 to index
        %get3A_337 = arith.constant 0 : index
        %get3A_338 = tpu.vector_load %arg26[%get3A, %get3A_337] {strides = array<i32>} : memref<5x16xf32, #tpu.memory_space<vmem>>, vector<16xf32>,
        %get3A_339 = arith.index_cast %select_n3A : i32 to index
        %get3A_340 = arith.constant 0 : index
        %get3A_341 = tpu.vector_load %arg34[%get3A_339, %get3A_340] {strides = array<i32>} : memref<5x16xf32, #tpu.memory_space<vmem>>, vector<16xf32>,
        %get3A_342 = arith.index_cast %select_n3A : i32 to index
        %get3A_343 = arith.constant 0 : index
        %get3A_344 = tpu.vector_load %arg30[%get3A_342, %get3A_343] {strides = array<i32>} : memref<5x16xf32, #tpu.memory_space<vmem>>, vector<16xf32>,
        %add3A_345 = arith.addf %get3A_341, %get3A_344 : vector<16xf32>
        %mul3A_346 = arith.constant 5.000000e-01 : f32
        %mul3A_347 = vector.broadcast %mul3A_346 : f32 to vector<16xf32>
        %mul3A_348 = arith.mulf %add3A_345, %mul3A_347 : vector<16xf32>
        %mul3A_349 = arith.constant 8 : i32
        %mul3A_350 = arith.muli %scan3A_302, %mul3A_349 : i32
        %add3A_351 = arith.constant 0 : i32
        %add3A_352 = arith.addi %mul3A_350, %add3A_351 : i32
        %broadcast_in_dim3A = arith.constant 0 : i32
        %broadcast_in_dim3A_353 = vector.broadcast %broadcast_in_dim3A : i32 to vector<16xi32>
        %add3A_354 = vector.broadcast %mul3A_336 : i32 to vector<16xi32>
        %add3A_355 = arith.addi %broadcast_in_dim3A_353, %add3A_354 : vector<16xi32>
        %lt3A_356 = arith.constant 0 : i32
        %lt3A_357 = vector.broadcast %lt3A_356 : i32 to vector<16xi32>
        %lt3A_358 = arith.cmpi slt, %add3A_355, %lt3A_357 : vector<16xi32>
        %add3A_359 = arith.constant 16 : i32
        %add3A_360 = vector.broadcast %add3A_359 : i32 to vector<16xi32>
        %add3A_361 = arith.addi %add3A_355, %add3A_360 : vector<16xi32>
        %select_n3A_362 = arith.select %lt3A_358, %add3A_361, %add3A_355 : vector<16xi1>, vector<16xi32>
        %broadcast_in_dim3A_363 = vector.shape_cast %select_n3A_362 : vector<16xi32> to vector<16x1xi32>
        %gather3A = vector.shape_cast %broadcast_in_dim3A_363 : vector<16x1xi32> to vector<16xi32>
        %gather3A_364 = tpu.dynamic_gather %get3A_338[%gather3A] in [0] : vector<16xf32>, vector<16xi32> -> vector<16xf32>
        %lt3A_365 = arith.constant 0 : i32
        %lt3A_366 = vector.broadcast %lt3A_365 : i32 to vector<16xi32>
        %lt3A_367 = arith.cmpi slt, %add3A_355, %lt3A_366 : vector<16xi32>
        %add3A_368 = arith.constant 16 : i32
        %add3A_369 = vector.broadcast %add3A_368 : i32 to vector<16xi32>
        %add3A_370 = arith.addi %add3A_355, %add3A_369 : vector<16xi32>
        %select_n3A_371 = arith.select %lt3A_367, %add3A_370, %add3A_355 : vector<16xi1>, vector<16xi32>
        %broadcast_in_dim3A_372 = vector.shape_cast %select_n3A_371 : vector<16xi32> to vector<16x1xi32>
        %gather3A_373 = vector.shape_cast %broadcast_in_dim3A_372 : vector<16x1xi32> to vector<16xi32>
        %gather3A_374 = tpu.dynamic_gather %mul3A_348[%gather3A_373] in [0] : vector<16xf32>, vector<16xi32> -> vector<16xf32>
        %get3A_375 = arith.index_cast %add3A_352 : i32 to index
        %get3A_376 = arith.constant 0 : index
        %get3A_377 = tpu.vector_load %arg16[%get3A_375, %get3A_376] {strides = array<i32>} : memref<80x128xi32, #tpu.memory_space<vmem>>, vector<16xi32>,
        %get3A_378 = arith.index_cast %add3A_352 : i32 to index
        %get3A_379 = arith.constant 16 : index
        %get3A_380 = tpu.vector_load %arg16[%get3A_378, %get3A_379] {strides = array<i32>} : memref<80x128xi32, #tpu.memory_space<vmem>>, vector<16xi32>,
        %get3A_381 = arith.index_cast %add3A_352 : i32 to index
        %get3A_382 = arith.constant 32 : index
        %get3A_383 = tpu.vector_load %arg16[%get3A_381, %get3A_382] {strides = array<i32>} : memref<80x128xi32, #tpu.memory_space<vmem>>, vector<16xi32>,
        %get3A_384 = arith.index_cast %add3A_352 : i32 to index
        %get3A_385 = arith.constant 48 : index
        %get3A_386 = tpu.vector_load %arg16[%get3A_384, %get3A_385] {strides = array<i32>} : memref<80x128xi32, #tpu.memory_space<vmem>>, vector<16xi32>,
        %get3A_387 = arith.index_cast %add3A_352 : i32 to index
        %get3A_388 = arith.constant 64 : index
        %get3A_389 = tpu.vector_load %arg16[%get3A_387, %get3A_388] {strides = array<i32>} : memref<80x128xi32, #tpu.memory_space<vmem>>, vector<16xi32>,
        %get3A_390 = arith.index_cast %add3A_352 : i32 to index
        %get3A_391 = arith.constant 80 : index
        %get3A_392 = tpu.vector_load %arg16[%get3A_390, %get3A_391] {strides = array<i32>} : memref<80x128xi32, #tpu.memory_space<vmem>>, vector<16xi32>,
        %get3A_393 = arith.index_cast %add3A_352 : i32 to index
        %get3A_394 = arith.constant 96 : index
        %get3A_395 = tpu.vector_load %arg16[%get3A_393, %get3A_394] {strides = array<i32>} : memref<80x128xi32, #tpu.memory_space<vmem>>, vector<16xi32>,
        %get3A_396 = arith.index_cast %add3A_352 : i32 to index
        %get3A_397 = arith.constant 112 : index
        %get3A_398 = tpu.vector_load %arg16[%get3A_396, %get3A_397] {strides = array<i32>} : memref<80x128xi32, #tpu.memory_space<vmem>>, vector<16xi32>,
        %shift_left3A = arith.constant 16 : i32
        %shift_left3A_399 = vector.broadcast %shift_left3A : i32 to vector<16xi32>
        %shift_left3A_400 = arith.shli %get3A_377, %shift_left3A_399 : vector<16xi32>
        %bitcast3A = vector.bitcast %shift_left3A_400 : vector<16xi32> to vector<16xf32>
        %mul3A_401 = arith.mulf %gather3A_364, %bitcast3A : vector<16xf32>
        %and3A_402 = arith.constant -65536 : i32
        %and3A_403 = vector.broadcast %and3A_402 : i32 to vector<16xi32>
        %and3A_404 = arith.andi %get3A_377, %and3A_403 : vector<16xi32>
        %bitcast3A_405 = vector.bitcast %and3A_404 : vector<16xi32> to vector<16xf32>
        %mul3A_406 = arith.mulf %gather3A_374, %bitcast3A_405 : vector<16xf32>
        %add3A_407 = arith.addf %mul3A_401, %mul3A_406 : vector<16xf32>
        %shift_left3A_408 = arith.constant 16 : i32
        %shift_left3A_409 = vector.broadcast %shift_left3A_408 : i32 to vector<16xi32>
        %shift_left3A_410 = arith.shli %get3A_380, %shift_left3A_409 : vector<16xi32>
        %bitcast3A_411 = vector.bitcast %shift_left3A_410 : vector<16xi32> to vector<16xf32>
        %mul3A_412 = arith.mulf %gather3A_364, %bitcast3A_411 : vector<16xf32>
        %and3A_413 = arith.constant -65536 : i32
        %and3A_414 = vector.broadcast %and3A_413 : i32 to vector<16xi32>
        %and3A_415 = arith.andi %get3A_380, %and3A_414 : vector<16xi32>
        %bitcast3A_416 = vector.bitcast %and3A_415 : vector<16xi32> to vector<16xf32>
        %mul3A_417 = arith.mulf %gather3A_374, %bitcast3A_416 : vector<16xf32>
        %add3A_418 = arith.addf %mul3A_412, %mul3A_417 : vector<16xf32>
        %shift_left3A_419 = arith.constant 16 : i32
        %shift_left3A_420 = vector.broadcast %shift_left3A_419 : i32 to vector<16xi32>
        %shift_left3A_421 = arith.shli %get3A_383, %shift_left3A_420 : vector<16xi32>
        %bitcast3A_422 = vector.bitcast %shift_left3A_421 : vector<16xi32> to vector<16xf32>
        %mul3A_423 = arith.mulf %gather3A_364, %bitcast3A_422 : vector<16xf32>
        %and3A_424 = arith.constant -65536 : i32
        %and3A_425 = vector.broadcast %and3A_424 : i32 to vector<16xi32>
        %and3A_426 = arith.andi %get3A_383, %and3A_425 : vector<16xi32>
        %bitcast3A_427 = vector.bitcast %and3A_426 : vector<16xi32> to vector<16xf32>
        %mul3A_428 = arith.mulf %gather3A_374, %bitcast3A_427 : vector<16xf32>
        %add3A_429 = arith.addf %mul3A_423, %mul3A_428 : vector<16xf32>
        %shift_left3A_430 = arith.constant 16 : i32
        %shift_left3A_431 = vector.broadcast %shift_left3A_430 : i32 to vector<16xi32>
        %shift_left3A_432 = arith.shli %get3A_386, %shift_left3A_431 : vector<16xi32>
        %bitcast3A_433 = vector.bitcast %shift_left3A_432 : vector<16xi32> to vector<16xf32>
        %mul3A_434 = arith.mulf %gather3A_364, %bitcast3A_433 : vector<16xf32>
        %and3A_435 = arith.constant -65536 : i32
        %and3A_436 = vector.broadcast %and3A_435 : i32 to vector<16xi32>
        %and3A_437 = arith.andi %get3A_386, %and3A_436 : vector<16xi32>
        %bitcast3A_438 = vector.bitcast %and3A_437 : vector<16xi32> to vector<16xf32>
        %mul3A_439 = arith.mulf %gather3A_374, %bitcast3A_438 : vector<16xf32>
        %add3A_440 = arith.addf %mul3A_434, %mul3A_439 : vector<16xf32>
        %shift_left3A_441 = arith.constant 16 : i32
        %shift_left3A_442 = vector.broadcast %shift_left3A_441 : i32 to vector<16xi32>
        %shift_left3A_443 = arith.shli %get3A_389, %shift_left3A_442 : vector<16xi32>
        %bitcast3A_444 = vector.bitcast %shift_left3A_443 : vector<16xi32> to vector<16xf32>
        %mul3A_445 = arith.mulf %gather3A_364, %bitcast3A_444 : vector<16xf32>
        %and3A_446 = arith.constant -65536 : i32
        %and3A_447 = vector.broadcast %and3A_446 : i32 to vector<16xi32>
        %and3A_448 = arith.andi %get3A_389, %and3A_447 : vector<16xi32>
        %bitcast3A_449 = vector.bitcast %and3A_448 : vector<16xi32> to vector<16xf32>
        %mul3A_450 = arith.mulf %gather3A_374, %bitcast3A_449 : vector<16xf32>
        %add3A_451 = arith.addf %mul3A_445, %mul3A_450 : vector<16xf32>
        %shift_left3A_452 = arith.constant 16 : i32
        %shift_left3A_453 = vector.broadcast %shift_left3A_452 : i32 to vector<16xi32>
        %shift_left3A_454 = arith.shli %get3A_392, %shift_left3A_453 : vector<16xi32>
        %bitcast3A_455 = vector.bitcast %shift_left3A_454 : vector<16xi32> to vector<16xf32>
        %mul3A_456 = arith.mulf %gather3A_364, %bitcast3A_455 : vector<16xf32>
        %and3A_457 = arith.constant -65536 : i32
        %and3A_458 = vector.broadcast %and3A_457 : i32 to vector<16xi32>
        %and3A_459 = arith.andi %get3A_392, %and3A_458 : vector<16xi32>
        %bitcast3A_460 = vector.bitcast %and3A_459 : vector<16xi32> to vector<16xf32>
        %mul3A_461 = arith.mulf %gather3A_374, %bitcast3A_460 : vector<16xf32>
        %add3A_462 = arith.addf %mul3A_456, %mul3A_461 : vector<16xf32>
        %shift_left3A_463 = arith.constant 16 : i32
        %shift_left3A_464 = vector.broadcast %shift_left3A_463 : i32 to vector<16xi32>
        %shift_left3A_465 = arith.shli %get3A_395, %shift_left3A_464 : vector<16xi32>
        %bitcast3A_466 = vector.bitcast %shift_left3A_465 : vector<16xi32> to vector<16xf32>
        %mul3A_467 = arith.mulf %gather3A_364, %bitcast3A_466 : vector<16xf32>
        %and3A_468 = arith.constant -65536 : i32
        %and3A_469 = vector.broadcast %and3A_468 : i32 to vector<16xi32>
        %and3A_470 = arith.andi %get3A_395, %and3A_469 : vector<16xi32>
        %bitcast3A_471 = vector.bitcast %and3A_470 : vector<16xi32> to vector<16xf32>
        %mul3A_472 = arith.mulf %gather3A_374, %bitcast3A_471 : vector<16xf32>
        %add3A_473 = arith.addf %mul3A_467, %mul3A_472 : vector<16xf32>
        %shift_left3A_474 = arith.constant 16 : i32
        %shift_left3A_475 = vector.broadcast %shift_left3A_474 : i32 to vector<16xi32>
        %shift_left3A_476 = arith.shli %get3A_398, %shift_left3A_475 : vector<16xi32>
        %bitcast3A_477 = vector.bitcast %shift_left3A_476 : vector<16xi32> to vector<16xf32>
        %mul3A_478 = arith.mulf %gather3A_364, %bitcast3A_477 : vector<16xf32>
        %and3A_479 = arith.constant -65536 : i32
        %and3A_480 = vector.broadcast %and3A_479 : i32 to vector<16xi32>
        %and3A_481 = arith.andi %get3A_398, %and3A_480 : vector<16xi32>
        %bitcast3A_482 = vector.bitcast %and3A_481 : vector<16xi32> to vector<16xf32>
        %mul3A_483 = arith.mulf %gather3A_374, %bitcast3A_482 : vector<16xf32>
        %add3A_484 = arith.addf %mul3A_478, %mul3A_483 : vector<16xf32>
        %swap3A = arith.index_cast %add3A_352 : i32 to index
        %swap3A_485 = arith.constant 0 : index
        %swap3A_486 = tpu.vector_load %arg38[%swap3A, %swap3A_485] {strides = array<i32>} : memref<80x128xf32, #tpu.memory_space<vmem>>, vector<16xf32>,
        tpu.vector_store %arg38[%swap3A, %swap3A_485], %add3A_407 {strides = array<i32>} : memref<80x128xf32, #tpu.memory_space<vmem>>, vector<16xf32>,
        %swap3A_487 = arith.index_cast %add3A_352 : i32 to index
        %swap3A_488 = arith.constant 16 : index
        %swap3A_489 = tpu.vector_load %arg38[%swap3A_487, %swap3A_488] {strides = array<i32>} : memref<80x128xf32, #tpu.memory_space<vmem>>, vector<16xf32>,
        tpu.vector_store %arg38[%swap3A_487, %swap3A_488], %add3A_418 {strides = array<i32>} : memref<80x128xf32, #tpu.memory_space<vmem>>, vector<16xf32>,
        %swap3A_490 = arith.index_cast %add3A_352 : i32 to index
        %swap3A_491 = arith.constant 32 : index
        %swap3A_492 = tpu.vector_load %arg38[%swap3A_490, %swap3A_491] {strides = array<i32>} : memref<80x128xf32, #tpu.memory_space<vmem>>, vector<16xf32>,
        tpu.vector_store %arg38[%swap3A_490, %swap3A_491], %add3A_429 {strides = array<i32>} : memref<80x128xf32, #tpu.memory_space<vmem>>, vector<16xf32>,
        %swap3A_493 = arith.index_cast %add3A_352 : i32 to index
        %swap3A_494 = arith.constant 48 : index
        %swap3A_495 = tpu.vector_load %arg38[%swap3A_493, %swap3A_494] {strides = array<i32>} : memref<80x128xf32, #tpu.memory_space<vmem>>, vector<16xf32>,
        tpu.vector_store %arg38[%swap3A_493, %swap3A_494], %add3A_440 {strides = array<i32>} : memref<80x128xf32, #tpu.memory_space<vmem>>, vector<16xf32>,
        %swap3A_496 = arith.index_cast %add3A_352 : i32 to index
        %swap3A_497 = arith.constant 64 : index
        %swap3A_498 = tpu.vector_load %arg38[%swap3A_496, %swap3A_497] {strides = array<i32>} : memref<80x128xf32, #tpu.memory_space<vmem>>, vector<16xf32>,
        tpu.vector_store %arg38[%swap3A_496, %swap3A_497], %add3A_451 {strides = array<i32>} : memref<80x128xf32, #tpu.memory_space<vmem>>, vector<16xf32>,
        %swap3A_499 = arith.index_cast %add3A_352 : i32 to index
        %swap3A_500 = arith.constant 80 : index
        %swap3A_501 = tpu.vector_load %arg38[%swap3A_499, %swap3A_500] {strides = array<i32>} : memref<80x128xf32, #tpu.memory_space<vmem>>, vector<16xf32>,
        tpu.vector_store %arg38[%swap3A_499, %swap3A_500], %add3A_462 {strides = array<i32>} : memref<80x128xf32, #tpu.memory_space<vmem>>, vector<16xf32>,
        %swap3A_502 = arith.index_cast %add3A_352 : i32 to index
        %swap3A_503 = arith.constant 96 : index
        %swap3A_504 = tpu.vector_load %arg38[%swap3A_502, %swap3A_503] {strides = array<i32>} : memref<80x128xf32, #tpu.memory_space<vmem>>, vector<16xf32>,
        tpu.vector_store %arg38[%swap3A_502, %swap3A_503], %add3A_473 {strides = array<i32>} : memref<80x128xf32, #tpu.memory_space<vmem>>, vector<16xf32>,
        %swap3A_505 = arith.index_cast %add3A_352 : i32 to index
        %swap3A_506 = arith.constant 112 : index
        %swap3A_507 = tpu.vector_load %arg38[%swap3A_505, %swap3A_506] {strides = array<i32>} : memref<80x128xf32, #tpu.memory_space<vmem>>, vector<16xf32>,
        tpu.vector_store %arg38[%swap3A_505, %swap3A_506], %add3A_484 {strides = array<i32>} : memref<80x128xf32, #tpu.memory_space<vmem>>, vector<16xf32>,
        %mul3A_508 = arith.constant 8 : i32
        %mul3A_509 = arith.muli %scan3A_302, %mul3A_508 : i32
        %add3A_510 = arith.constant 1 : i32
        %add3A_511 = arith.addi %mul3A_509, %add3A_510 : i32
        %broadcast_in_dim3A_512 = arith.constant 1 : i32
        %broadcast_in_dim3A_513 = vector.broadcast %broadcast_in_dim3A_512 : i32 to vector<16xi32>
        %add3A_514 = vector.broadcast %mul3A_336 : i32 to vector<16xi32>
        %add3A_515 = arith.addi %broadcast_in_dim3A_513, %add3A_514 : vector<16xi32>
        %lt3A_516 = arith.constant 0 : i32
        %lt3A_517 = vector.broadcast %lt3A_516 : i32 to vector<16xi32>
        %lt3A_518 = arith.cmpi slt, %add3A_515, %lt3A_517 : vector<16xi32>
        %add3A_519 = arith.constant 16 : i32
        %add3A_520 = vector.broadcast %add3A_519 : i32 to vector<16xi32>
        %add3A_521 = arith.addi %add3A_515, %add3A_520 : vector<16xi32>
        %select_n3A_522 = arith.select %lt3A_518, %add3A_521, %add3A_515 : vector<16xi1>, vector<16xi32>
        %broadcast_in_dim3A_523 = vector.shape_cast %select_n3A_522 : vector<16xi32> to vector<16x1xi32>
        %gather3A_524 = vector.shape_cast %broadcast_in_dim3A_523 : vector<16x1xi32> to vector<16xi32>
        %gather3A_525 = tpu.dynamic_gather %get3A_338[%gather3A_524] in [0] : vector<16xf32>, vector<16xi32> -> vector<16xf32>
        %lt3A_526 = arith.constant 0 : i32
        %lt3A_527 = vector.broadcast %lt3A_526 : i32 to vector<16xi32>
        %lt3A_528 = arith.cmpi slt, %add3A_515, %lt3A_527 : vector<16xi32>
        %add3A_529 = arith.constant 16 : i32
        %add3A_530 = vector.broadcast %add3A_529 : i32 to vector<16xi32>
        %add3A_531 = arith.addi %add3A_515, %add3A_530 : vector<16xi32>
        %select_n3A_532 = arith.select %lt3A_528, %add3A_531, %add3A_515 : vector<16xi1>, vector<16xi32>
        %broadcast_in_dim3A_533 = vector.shape_cast %select_n3A_532 : vector<16xi32> to vector<16x1xi32>
        %gather3A_534 = vector.shape_cast %broadcast_in_dim3A_533 : vector<16x1xi32> to vector<16xi32>
        %gather3A_535 = tpu.dynamic_gather %mul3A_348[%gather3A_534] in [0] : vector<16xf32>, vector<16xi32> -> vector<16xf32>
        %get3A_536 = arith.index_cast %add3A_511 : i32 to index
        %get3A_537 = arith.constant 0 : index
        %get3A_538 = tpu.vector_load %arg16[%get3A_536, %get3A_537] {strides = array<i32>} : memref<80x128xi32, #tpu.memory_space<vmem>>, vector<16xi32>,
        %get3A_539 = arith.index_cast %add3A_511 : i32 to index
        %get3A_540 = arith.constant 16 : index
        %get3A_541 = tpu.vector_load %arg16[%get3A_539, %get3A_540] {strides = array<i32>} : memref<80x128xi32, #tpu.memory_space<vmem>>, vector<16xi32>,
        %get3A_542 = arith.index_cast %add3A_511 : i32 to index
        %get3A_543 = arith.constant 32 : index
        %get3A_544 = tpu.vector_load %arg16[%get3A_542, %get3A_543] {strides = array<i32>} : memref<80x128xi32, #tpu.memory_space<vmem>>, vector<16xi32>,
        %get3A_545 = arith.index_cast %add3A_511 : i32 to index
        %get3A_546 = arith.constant 48 : index
        %get3A_547 = tpu.vector_load %arg16[%get3A_545, %get3A_546] {strides = array<i32>} : memref<80x128xi32, #tpu.memory_space<vmem>>, vector<16xi32>,
        %get3A_548 = arith.index_cast %add3A_511 : i32 to index
        %get3A_549 = arith.constant 64 : index
        %get3A_550 = tpu.vector_load %arg16[%get3A_548, %get3A_549] {strides = array<i32>} : memref<80x128xi32, #tpu.memory_space<vmem>>, vector<16xi32>,
        %get3A_551 = arith.index_cast %add3A_511 : i32 to index
        %get3A_552 = arith.constant 80 : index
        %get3A_553 = tpu.vector_load %arg16[%get3A_551, %get3A_552] {strides = array<i32>} : memref<80x128xi32, #tpu.memory_space<vmem>>, vector<16xi32>,
        %get3A_554 = arith.index_cast %add3A_511 : i32 to index
        %get3A_555 = arith.constant 96 : index
        %get3A_556 = tpu.vector_load %arg16[%get3A_554, %get3A_555] {strides = array<i32>} : memref<80x128xi32, #tpu.memory_space<vmem>>, vector<16xi32>,
        %get3A_557 = arith.index_cast %add3A_511 : i32 to index
        %get3A_558 = arith.constant 112 : index
        %get3A_559 = tpu.vector_load %arg16[%get3A_557, %get3A_558] {strides = array<i32>} : memref<80x128xi32, #tpu.memory_space<vmem>>, vector<16xi32>,
        %shift_left3A_560 = arith.constant 16 : i32
        %shift_left3A_561 = vector.broadcast %shift_left3A_560 : i32 to vector<16xi32>
        %shift_left3A_562 = arith.shli %get3A_538, %shift_left3A_561 : vector<16xi32>
        %bitcast3A_563 = vector.bitcast %shift_left3A_562 : vector<16xi32> to vector<16xf32>
        %mul3A_564 = arith.mulf %gather3A_525, %bitcast3A_563 : vector<16xf32>
        %and3A_565 = arith.constant -65536 : i32
        %and3A_566 = vector.broadcast %and3A_565 : i32 to vector<16xi32>
        %and3A_567 = arith.andi %get3A_538, %and3A_566 : vector<16xi32>
        %bitcast3A_568 = vector.bitcast %and3A_567 : vector<16xi32> to vector<16xf32>
        %mul3A_569 = arith.mulf %gather3A_535, %bitcast3A_568 : vector<16xf32>
        %add3A_570 = arith.addf %mul3A_564, %mul3A_569 : vector<16xf32>
        %shift_left3A_571 = arith.constant 16 : i32
        %shift_left3A_572 = vector.broadcast %shift_left3A_571 : i32 to vector<16xi32>
        %shift_left3A_573 = arith.shli %get3A_541, %shift_left3A_572 : vector<16xi32>
        %bitcast3A_574 = vector.bitcast %shift_left3A_573 : vector<16xi32> to vector<16xf32>
        %mul3A_575 = arith.mulf %gather3A_525, %bitcast3A_574 : vector<16xf32>
        %and3A_576 = arith.constant -65536 : i32
        %and3A_577 = vector.broadcast %and3A_576 : i32 to vector<16xi32>
        %and3A_578 = arith.andi %get3A_541, %and3A_577 : vector<16xi32>
        %bitcast3A_579 = vector.bitcast %and3A_578 : vector<16xi32> to vector<16xf32>
        %mul3A_580 = arith.mulf %gather3A_535, %bitcast3A_579 : vector<16xf32>
        %add3A_581 = arith.addf %mul3A_575, %mul3A_580 : vector<16xf32>
        %shift_left3A_582 = arith.constant 16 : i32
        %shift_left3A_583 = vector.broadcast %shift_left3A_582 : i32 to vector<16xi32>
        %shift_left3A_584 = arith.shli %get3A_544, %shift_left3A_583 : vector<16xi32>
        %bitcast3A_585 = vector.bitcast %shift_left3A_584 : vector<16xi32> to vector<16xf32>
        %mul3A_586 = arith.mulf %gather3A_525, %bitcast3A_585 : vector<16xf32>
        %and3A_587 = arith.constant -65536 : i32
        %and3A_588 = vector.broadcast %and3A_587 : i32 to vector<16xi32>
        %and3A_589 = arith.andi %get3A_544, %and3A_588 : vector<16xi32>
        %bitcast3A_590 = vector.bitcast %and3A_589 : vector<16xi32> to vector<16xf32>
        %mul3A_591 = arith.mulf %gather3A_535, %bitcast3A_590 : vector<16xf32>
        %add3A_592 = arith.addf %mul3A_586, %mul3A_591 : vector<16xf32>
        %shift_left3A_593 = arith.constant 16 : i32
        %shift_left3A_594 = vector.broadcast %shift_left3A_593 : i32 to vector<16xi32>
        %shift_left3A_595 = arith.shli %get3A_547, %shift_left3A_594 : vector<16xi32>
        %bitcast3A_596 = vector.bitcast %shift_left3A_595 : vector<16xi32> to vector<16xf32>
        %mul3A_597 = arith.mulf %gather3A_525, %bitcast3A_596 : vector<16xf32>
        %and3A_598 = arith.constant -65536 : i32
        %and3A_599 = vector.broadcast %and3A_598 : i32 to vector<16xi32>
        %and3A_600 = arith.andi %get3A_547, %and3A_599 : vector<16xi32>
        %bitcast3A_601 = vector.bitcast %and3A_600 : vector<16xi32> to vector<16xf32>
        %mul3A_602 = arith.mulf %gather3A_535, %bitcast3A_601 : vector<16xf32>
        %add3A_603 = arith.addf %mul3A_597, %mul3A_602 : vector<16xf32>
        %shift_left3A_604 = arith.constant 16 : i32
        %shift_left3A_605 = vector.broadcast %shift_left3A_604 : i32 to vector<16xi32>
        %shift_left3A_606 = arith.shli %get3A_550, %shift_left3A_605 : vector<16xi32>
        %bitcast3A_607 = vector.bitcast %shift_left3A_606 : vector<16xi32> to vector<16xf32>
        %mul3A_608 = arith.mulf %gather3A_525, %bitcast3A_607 : vector<16xf32>
        %and3A_609 = arith.constant -65536 : i32
        %and3A_610 = vector.broadcast %and3A_609 : i32 to vector<16xi32>
        %and3A_611 = arith.andi %get3A_550, %and3A_610 : vector<16xi32>
        %bitcast3A_612 = vector.bitcast %and3A_611 : vector<16xi32> to vector<16xf32>
        %mul3A_613 = arith.mulf %gather3A_535, %bitcast3A_612 : vector<16xf32>
        %add3A_614 = arith.addf %mul3A_608, %mul3A_613 : vector<16xf32>
        %shift_left3A_615 = arith.constant 16 : i32
        %shift_left3A_616 = vector.broadcast %shift_left3A_615 : i32 to vector<16xi32>
        %shift_left3A_617 = arith.shli %get3A_553, %shift_left3A_616 : vector<16xi32>
        %bitcast3A_618 = vector.bitcast %shift_left3A_617 : vector<16xi32> to vector<16xf32>
        %mul3A_619 = arith.mulf %gather3A_525, %bitcast3A_618 : vector<16xf32>
        %and3A_620 = arith.constant -65536 : i32
        %and3A_621 = vector.broadcast %and3A_620 : i32 to vector<16xi32>
        %and3A_622 = arith.andi %get3A_553, %and3A_621 : vector<16xi32>
        %bitcast3A_623 = vector.bitcast %and3A_622 : vector<16xi32> to vector<16xf32>
        %mul3A_624 = arith.mulf %gather3A_535, %bitcast3A_623 : vector<16xf32>
        %add3A_625 = arith.addf %mul3A_619, %mul3A_624 : vector<16xf32>
        %shift_left3A_626 = arith.constant 16 : i32
        %shift_left3A_627 = vector.broadcast %shift_left3A_626 : i32 to vector<16xi32>
        %shift_left3A_628 = arith.shli %get3A_556, %shift_left3A_627 : vector<16xi32>
        %bitcast3A_629 = vector.bitcast %shift_left3A_628 : vector<16xi32> to vector<16xf32>
        %mul3A_630 = arith.mulf %gather3A_525, %bitcast3A_629 : vector<16xf32>
        %and3A_631 = arith.constant -65536 : i32
        %and3A_632 = vector.broadcast %and3A_631 : i32 to vector<16xi32>
        %and3A_633 = arith.andi %get3A_556, %and3A_632 : vector<16xi32>
        %bitcast3A_634 = vector.bitcast %and3A_633 : vector<16xi32> to vector<16xf32>
        %mul3A_635 = arith.mulf %gather3A_535, %bitcast3A_634 : vector<16xf32>
        %add3A_636 = arith.addf %mul3A_630, %mul3A_635 : vector<16xf32>
        %shift_left3A_637 = arith.constant 16 : i32
        %shift_left3A_638 = vector.broadcast %shift_left3A_637 : i32 to vector<16xi32>
        %shift_left3A_639 = arith.shli %get3A_559, %shift_left3A_638 : vector<16xi32>
        %bitcast3A_640 = vector.bitcast %shift_left3A_639 : vector<16xi32> to vector<16xf32>
        %mul3A_641 = arith.mulf %gather3A_525, %bitcast3A_640 : vector<16xf32>
        %and3A_642 = arith.constant -65536 : i32
        %and3A_643 = vector.broadcast %and3A_642 : i32 to vector<16xi32>
        %and3A_644 = arith.andi %get3A_559, %and3A_643 : vector<16xi32>
        %bitcast3A_645 = vector.bitcast %and3A_644 : vector<16xi32> to vector<16xf32>
        %mul3A_646 = arith.mulf %gather3A_535, %bitcast3A_645 : vector<16xf32>
        %add3A_647 = arith.addf %mul3A_641, %mul3A_646 : vector<16xf32>
        %swap3A_648 = arith.index_cast %add3A_511 : i32 to index
        %swap3A_649 = arith.constant 0 : index
        %swap3A_650 = tpu.vector_load %arg38[%swap3A_648, %swap3A_649] {strides = array<i32>} : memref<80x128xf32, #tpu.memory_space<vmem>>, vector<16xf32>,
        tpu.vector_store %arg38[%swap3A_648, %swap3A_649], %add3A_570 {strides = array<i32>} : memref<80x128xf32, #tpu.memory_space<vmem>>, vector<16xf32>,
        %swap3A_651 = arith.index_cast %add3A_511 : i32 to index
        %swap3A_652 = arith.constant 16 : index
        %swap3A_653 = tpu.vector_load %arg38[%swap3A_651, %swap3A_652] {strides = array<i32>} : memref<80x128xf32, #tpu.memory_space<vmem>>, vector<16xf32>,
        tpu.vector_store %arg38[%swap3A_651, %swap3A_652], %add3A_581 {strides = array<i32>} : memref<80x128xf32, #tpu.memory_space<vmem>>, vector<16xf32>,
        %swap3A_654 = arith.index_cast %add3A_511 : i32 to index
        %swap3A_655 = arith.constant 32 : index
        %swap3A_656 = tpu.vector_load %arg38[%swap3A_654, %swap3A_655] {strides = array<i32>} : memref<80x128xf32, #tpu.memory_space<vmem>>, vector<16xf32>,
        tpu.vector_store %arg38[%swap3A_654, %swap3A_655], %add3A_592 {strides = array<i32>} : memref<80x128xf32, #tpu.memory_space<vmem>>, vector<16xf32>,
        %swap3A_657 = arith.index_cast %add3A_511 : i32 to index
        %swap3A_658 = arith.constant 48 : index
        %swap3A_659 = tpu.vector_load %arg38[%swap3A_657, %swap3A_658] {strides = array<i32>} : memref<80x128xf32, #tpu.memory_space<vmem>>, vector<16xf32>,
        tpu.vector_store %arg38[%swap3A_657, %swap3A_658], %add3A_603 {strides = array<i32>} : memref<80x128xf32, #tpu.memory_space<vmem>>, vector<16xf32>,
        %swap3A_660 = arith.index_cast %add3A_511 : i32 to index
        %swap3A_661 = arith.constant 64 : index
        %swap3A_662 = tpu.vector_load %arg38[%swap3A_660, %swap3A_661] {strides = array<i32>} : memref<80x128xf32, #tpu.memory_space<vmem>>, vector<16xf32>,
        tpu.vector_store %arg38[%swap3A_660, %swap3A_661], %add3A_614 {strides = array<i32>} : memref<80x128xf32, #tpu.memory_space<vmem>>, vector<16xf32>,
        %swap3A_663 = arith.index_cast %add3A_511 : i32 to index
        %swap3A_664 = arith.constant 80 : index
        %swap3A_665 = tpu.vector_load %arg38[%swap3A_663, %swap3A_664] {strides = array<i32>} : memref<80x128xf32, #tpu.memory_space<vmem>>, vector<16xf32>,
        tpu.vector_store %arg38[%swap3A_663, %swap3A_664], %add3A_625 {strides = array<i32>} : memref<80x128xf32, #tpu.memory_space<vmem>>, vector<16xf32>,
        %swap3A_666 = arith.index_cast %add3A_511 : i32 to index
        %swap3A_667 = arith.constant 96 : index
        %swap3A_668 = tpu.vector_load %arg38[%swap3A_666, %swap3A_667] {strides = array<i32>} : memref<80x128xf32, #tpu.memory_space<vmem>>, vector<16xf32>,
        tpu.vector_store %arg38[%swap3A_666, %swap3A_667], %add3A_636 {strides = array<i32>} : memref<80x128xf32, #tpu.memory_space<vmem>>, vector<16xf32>,
        %swap3A_669 = arith.index_cast %add3A_511 : i32 to index
        %swap3A_670 = arith.constant 112 : index
        %swap3A_671 = tpu.vector_load %arg38[%swap3A_669, %swap3A_670] {strides = array<i32>} : memref<80x128xf32, #tpu.memory_space<vmem>>, vector<16xf32>,
        tpu.vector_store %arg38[%swap3A_669, %swap3A_670], %add3A_647 {strides = array<i32>} : memref<80x128xf32, #tpu.memory_space<vmem>>, vector<16xf32>,
        %mul3A_672 = arith.constant 8 : i32
        %mul3A_673 = arith.muli %scan3A_302, %mul3A_672 : i32
        %add3A_674 = arith.constant 2 : i32
        %add3A_675 = arith.addi %mul3A_673, %add3A_674 : i32
        %broadcast_in_dim3A_676 = arith.constant 2 : i32
        %broadcast_in_dim3A_677 = vector.broadcast %broadcast_in_dim3A_676 : i32 to vector<16xi32>
        %add3A_678 = vector.broadcast %mul3A_336 : i32 to vector<16xi32>
        %add3A_679 = arith.addi %broadcast_in_dim3A_677, %add3A_678 : vector<16xi32>
        %lt3A_680 = arith.constant 0 : i32
        %lt3A_681 = vector.broadcast %lt3A_680 : i32 to vector<16xi32>
        %lt3A_682 = arith.cmpi slt, %add3A_679, %lt3A_681 : vector<16xi32>
        %add3A_683 = arith.constant 16 : i32
        %add3A_684 = vector.broadcast %add3A_683 : i32 to vector<16xi32>
        %add3A_685 = arith.addi %add3A_679, %add3A_684 : vector<16xi32>
        %select_n3A_686 = arith.select %lt3A_682, %add3A_685, %add3A_679 : vector<16xi1>, vector<16xi32>
        %broadcast_in_dim3A_687 = vector.shape_cast %select_n3A_686 : vector<16xi32> to vector<16x1xi32>
        %gather3A_688 = vector.shape_cast %broadcast_in_dim3A_687 : vector<16x1xi32> to vector<16xi32>
        %gather3A_689 = tpu.dynamic_gather %get3A_338[%gather3A_688] in [0] : vector<16xf32>, vector<16xi32> -> vector<16xf32>
        %lt3A_690 = arith.constant 0 : i32
        %lt3A_691 = vector.broadcast %lt3A_690 : i32 to vector<16xi32>
        %lt3A_692 = arith.cmpi slt, %add3A_679, %lt3A_691 : vector<16xi32>
        %add3A_693 = arith.constant 16 : i32
        %add3A_694 = vector.broadcast %add3A_693 : i32 to vector<16xi32>
        %add3A_695 = arith.addi %add3A_679, %add3A_694 : vector<16xi32>
        %select_n3A_696 = arith.select %lt3A_692, %add3A_695, %add3A_679 : vector<16xi1>, vector<16xi32>
        %broadcast_in_dim3A_697 = vector.shape_cast %select_n3A_696 : vector<16xi32> to vector<16x1xi32>
        %gather3A_698 = vector.shape_cast %broadcast_in_dim3A_697 : vector<16x1xi32> to vector<16xi32>
        %gather3A_699 = tpu.dynamic_gather %mul3A_348[%gather3A_698] in [0] : vector<16xf32>, vector<16xi32> -> vector<16xf32>
        %get3A_700 = arith.index_cast %add3A_675 : i32 to index
        %get3A_701 = arith.constant 0 : index
        %get3A_702 = tpu.vector_load %arg16[%get3A_700, %get3A_701] {strides = array<i32>} : memref<80x128xi32, #tpu.memory_space<vmem>>, vector<16xi32>,
        %get3A_703 = arith.index_cast %add3A_675 : i32 to index
        %get3A_704 = arith.constant 16 : index
        %get3A_705 = tpu.vector_load %arg16[%get3A_703, %get3A_704] {strides = array<i32>} : memref<80x128xi32, #tpu.memory_space<vmem>>, vector<16xi32>,
        %get3A_706 = arith.index_cast %add3A_675 : i32 to index
        %get3A_707 = arith.constant 32 : index
        %get3A_708 = tpu.vector_load %arg16[%get3A_706, %get3A_707] {strides = array<i32>} : memref<80x128xi32, #tpu.memory_space<vmem>>, vector<16xi32>,
        %get3A_709 = arith.index_cast %add3A_675 : i32 to index
        %get3A_710 = arith.constant 48 : index
        %get3A_711 = tpu.vector_load %arg16[%get3A_709, %get3A_710] {strides = array<i32>} : memref<80x128xi32, #tpu.memory_space<vmem>>, vector<16xi32>,
        %get3A_712 = arith.index_cast %add3A_675 : i32 to index
        %get3A_713 = arith.constant 64 : index
        %get3A_714 = tpu.vector_load %arg16[%get3A_712, %get3A_713] {strides = array<i32>} : memref<80x128xi32, #tpu.memory_space<vmem>>, vector<16xi32>,
        %get3A_715 = arith.index_cast %add3A_675 : i32 to index
        %get3A_716 = arith.constant 80 : index
        %get3A_717 = tpu.vector_load %arg16[%get3A_715, %get3A_716] {strides = array<i32>} : memref<80x128xi32, #tpu.memory_space<vmem>>, vector<16xi32>,
        %get3A_718 = arith.index_cast %add3A_675 : i32 to index
        %get3A_719 = arith.constant 96 : index
        %get3A_720 = tpu.vector_load %arg16[%get3A_718, %get3A_719] {strides = array<i32>} : memref<80x128xi32, #tpu.memory_space<vmem>>, vector<16xi32>,
        %get3A_721 = arith.index_cast %add3A_675 : i32 to index
        %get3A_722 = arith.constant 112 : index
        %get3A_723 = tpu.vector_load %arg16[%get3A_721, %get3A_722] {strides = array<i32>} : memref<80x128xi32, #tpu.memory_space<vmem>>, vector<16xi32>,
        %shift_left3A_724 = arith.constant 16 : i32
        %shift_left3A_725 = vector.broadcast %shift_left3A_724 : i32 to vector<16xi32>
        %shift_left3A_726 = arith.shli %get3A_702, %shift_left3A_725 : vector<16xi32>
        %bitcast3A_727 = vector.bitcast %shift_left3A_726 : vector<16xi32> to vector<16xf32>
        %mul3A_728 = arith.mulf %gather3A_689, %bitcast3A_727 : vector<16xf32>
        %and3A_729 = arith.constant -65536 : i32
        %and3A_730 = vector.broadcast %and3A_729 : i32 to vector<16xi32>
        %and3A_731 = arith.andi %get3A_702, %and3A_730 : vector<16xi32>
        %bitcast3A_732 = vector.bitcast %and3A_731 : vector<16xi32> to vector<16xf32>
        %mul3A_733 = arith.mulf %gather3A_699, %bitcast3A_732 : vector<16xf32>
        %add3A_734 = arith.addf %mul3A_728, %mul3A_733 : vector<16xf32>
        %shift_left3A_735 = arith.constant 16 : i32
        %shift_left3A_736 = vector.broadcast %shift_left3A_735 : i32 to vector<16xi32>
        %shift_left3A_737 = arith.shli %get3A_705, %shift_left3A_736 : vector<16xi32>
        %bitcast3A_738 = vector.bitcast %shift_left3A_737 : vector<16xi32> to vector<16xf32>
        %mul3A_739 = arith.mulf %gather3A_689, %bitcast3A_738 : vector<16xf32>
        %and3A_740 = arith.constant -65536 : i32
        %and3A_741 = vector.broadcast %and3A_740 : i32 to vector<16xi32>
        %and3A_742 = arith.andi %get3A_705, %and3A_741 : vector<16xi32>
        %bitcast3A_743 = vector.bitcast %and3A_742 : vector<16xi32> to vector<16xf32>
        %mul3A_744 = arith.mulf %gather3A_699, %bitcast3A_743 : vector<16xf32>
        %add3A_745 = arith.addf %mul3A_739, %mul3A_744 : vector<16xf32>
        %shift_left3A_746 = arith.constant 16 : i32
        %shift_left3A_747 = vector.broadcast %shift_left3A_746 : i32 to vector<16xi32>
        %shift_left3A_748 = arith.shli %get3A_708, %shift_left3A_747 : vector<16xi32>
        %bitcast3A_749 = vector.bitcast %shift_left3A_748 : vector<16xi32> to vector<16xf32>
        %mul3A_750 = arith.mulf %gather3A_689, %bitcast3A_749 : vector<16xf32>
        %and3A_751 = arith.constant -65536 : i32
        %and3A_752 = vector.broadcast %and3A_751 : i32 to vector<16xi32>
        %and3A_753 = arith.andi %get3A_708, %and3A_752 : vector<16xi32>
        %bitcast3A_754 = vector.bitcast %and3A_753 : vector<16xi32> to vector<16xf32>
        %mul3A_755 = arith.mulf %gather3A_699, %bitcast3A_754 : vector<16xf32>
        %add3A_756 = arith.addf %mul3A_750, %mul3A_755 : vector<16xf32>
        %shift_left3A_757 = arith.constant 16 : i32
        %shift_left3A_758 = vector.broadcast %shift_left3A_757 : i32 to vector<16xi32>
        %shift_left3A_759 = arith.shli %get3A_711, %shift_left3A_758 : vector<16xi32>
        %bitcast3A_760 = vector.bitcast %shift_left3A_759 : vector<16xi32> to vector<16xf32>
        %mul3A_761 = arith.mulf %gather3A_689, %bitcast3A_760 : vector<16xf32>
        %and3A_762 = arith.constant -65536 : i32
        %and3A_763 = vector.broadcast %and3A_762 : i32 to vector<16xi32>
        %and3A_764 = arith.andi %get3A_711, %and3A_763 : vector<16xi32>
        %bitcast3A_765 = vector.bitcast %and3A_764 : vector<16xi32> to vector<16xf32>
        %mul3A_766 = arith.mulf %gather3A_699, %bitcast3A_765 : vector<16xf32>
        %add3A_767 = arith.addf %mul3A_761, %mul3A_766 : vector<16xf32>
        %shift_left3A_768 = arith.constant 16 : i32
        %shift_left3A_769 = vector.broadcast %shift_left3A_768 : i32 to vector<16xi32>
        %shift_left3A_770 = arith.shli %get3A_714, %shift_left3A_769 : vector<16xi32>
        %bitcast3A_771 = vector.bitcast %shift_left3A_770 : vector<16xi32> to vector<16xf32>
        %mul3A_772 = arith.mulf %gather3A_689, %bitcast3A_771 : vector<16xf32>
        %and3A_773 = arith.constant -65536 : i32
        %and3A_774 = vector.broadcast %and3A_773 : i32 to vector<16xi32>
        %and3A_775 = arith.andi %get3A_714, %and3A_774 : vector<16xi32>
        %bitcast3A_776 = vector.bitcast %and3A_775 : vector<16xi32> to vector<16xf32>
        %mul3A_777 = arith.mulf %gather3A_699, %bitcast3A_776 : vector<16xf32>
        %add3A_778 = arith.addf %mul3A_772, %mul3A_777 : vector<16xf32>
        %shift_left3A_779 = arith.constant 16 : i32
        %shift_left3A_780 = vector.broadcast %shift_left3A_779 : i32 to vector<16xi32>
        %shift_left3A_781 = arith.shli %get3A_717, %shift_left3A_780 : vector<16xi32>
        %bitcast3A_782 = vector.bitcast %shift_left3A_781 : vector<16xi32> to vector<16xf32>
        %mul3A_783 = arith.mulf %gather3A_689, %bitcast3A_782 : vector<16xf32>
        %and3A_784 = arith.constant -65536 : i32
        %and3A_785 = vector.broadcast %and3A_784 : i32 to vector<16xi32>
        %and3A_786 = arith.andi %get3A_717, %and3A_785 : vector<16xi32>
        %bitcast3A_787 = vector.bitcast %and3A_786 : vector<16xi32> to vector<16xf32>
        %mul3A_788 = arith.mulf %gather3A_699, %bitcast3A_787 : vector<16xf32>
        %add3A_789 = arith.addf %mul3A_783, %mul3A_788 : vector<16xf32>
        %shift_left3A_790 = arith.constant 16 : i32
        %shift_left3A_791 = vector.broadcast %shift_left3A_790 : i32 to vector<16xi32>
        %shift_left3A_792 = arith.shli %get3A_720, %shift_left3A_791 : vector<16xi32>
        %bitcast3A_793 = vector.bitcast %shift_left3A_792 : vector<16xi32> to vector<16xf32>
        %mul3A_794 = arith.mulf %gather3A_689, %bitcast3A_793 : vector<16xf32>
        %and3A_795 = arith.constant -65536 : i32
        %and3A_796 = vector.broadcast %and3A_795 : i32 to vector<16xi32>
        %and3A_797 = arith.andi %get3A_720, %and3A_796 : vector<16xi32>
        %bitcast3A_798 = vector.bitcast %and3A_797 : vector<16xi32> to vector<16xf32>
        %mul3A_799 = arith.mulf %gather3A_699, %bitcast3A_798 : vector<16xf32>
        %add3A_800 = arith.addf %mul3A_794, %mul3A_799 : vector<16xf32>
        %shift_left3A_801 = arith.constant 16 : i32
        %shift_left3A_802 = vector.broadcast %shift_left3A_801 : i32 to vector<16xi32>
        %shift_left3A_803 = arith.shli %get3A_723, %shift_left3A_802 : vector<16xi32>
        %bitcast3A_804 = vector.bitcast %shift_left3A_803 : vector<16xi32> to vector<16xf32>
        %mul3A_805 = arith.mulf %gather3A_689, %bitcast3A_804 : vector<16xf32>
        %and3A_806 = arith.constant -65536 : i32
        %and3A_807 = vector.broadcast %and3A_806 : i32 to vector<16xi32>
        %and3A_808 = arith.andi %get3A_723, %and3A_807 : vector<16xi32>
        %bitcast3A_809 = vector.bitcast %and3A_808 : vector<16xi32> to vector<16xf32>
        %mul3A_810 = arith.mulf %gather3A_699, %bitcast3A_809 : vector<16xf32>
        %add3A_811 = arith.addf %mul3A_805, %mul3A_810 : vector<16xf32>
        %swap3A_812 = arith.index_cast %add3A_675 : i32 to index
        %swap3A_813 = arith.constant 0 : index
        %swap3A_814 = tpu.vector_load %arg38[%swap3A_812, %swap3A_813] {strides = array<i32>} : memref<80x128xf32, #tpu.memory_space<vmem>>, vector<16xf32>,
        tpu.vector_store %arg38[%swap3A_812, %swap3A_813], %add3A_734 {strides = array<i32>} : memref<80x128xf32, #tpu.memory_space<vmem>>, vector<16xf32>,
        %swap3A_815 = arith.index_cast %add3A_675 : i32 to index
        %swap3A_816 = arith.constant 16 : index
        %swap3A_817 = tpu.vector_load %arg38[%swap3A_815, %swap3A_816] {strides = array<i32>} : memref<80x128xf32, #tpu.memory_space<vmem>>, vector<16xf32>,
        tpu.vector_store %arg38[%swap3A_815, %swap3A_816], %add3A_745 {strides = array<i32>} : memref<80x128xf32, #tpu.memory_space<vmem>>, vector<16xf32>,
        %swap3A_818 = arith.index_cast %add3A_675 : i32 to index
        %swap3A_819 = arith.constant 32 : index
        %swap3A_820 = tpu.vector_load %arg38[%swap3A_818, %swap3A_819] {strides = array<i32>} : memref<80x128xf32, #tpu.memory_space<vmem>>, vector<16xf32>,
        tpu.vector_store %arg38[%swap3A_818, %swap3A_819], %add3A_756 {strides = array<i32>} : memref<80x128xf32, #tpu.memory_space<vmem>>, vector<16xf32>,
        %swap3A_821 = arith.index_cast %add3A_675 : i32 to index
        %swap3A_822 = arith.constant 48 : index
        %swap3A_823 = tpu.vector_load %arg38[%swap3A_821, %swap3A_822] {strides = array<i32>} : memref<80x128xf32, #tpu.memory_space<vmem>>, vector<16xf32>,
        tpu.vector_store %arg38[%swap3A_821, %swap3A_822], %add3A_767 {strides = array<i32>} : memref<80x128xf32, #tpu.memory_space<vmem>>, vector<16xf32>,
        %swap3A_824 = arith.index_cast %add3A_675 : i32 to index
        %swap3A_825 = arith.constant 64 : index
        %swap3A_826 = tpu.vector_load %arg38[%swap3A_824, %swap3A_825] {strides = array<i32>} : memref<80x128xf32, #tpu.memory_space<vmem>>, vector<16xf32>,
        tpu.vector_store %arg38[%swap3A_824, %swap3A_825], %add3A_778 {strides = array<i32>} : memref<80x128xf32, #tpu.memory_space<vmem>>, vector<16xf32>,
        %swap3A_827 = arith.index_cast %add3A_675 : i32 to index
        %swap3A_828 = arith.constant 80 : index
        %swap3A_829 = tpu.vector_load %arg38[%swap3A_827, %swap3A_828] {strides = array<i32>} : memref<80x128xf32, #tpu.memory_space<vmem>>, vector<16xf32>,
        tpu.vector_store %arg38[%swap3A_827, %swap3A_828], %add3A_789 {strides = array<i32>} : memref<80x128xf32, #tpu.memory_space<vmem>>, vector<16xf32>,
        %swap3A_830 = arith.index_cast %add3A_675 : i32 to index
        %swap3A_831 = arith.constant 96 : index
        %swap3A_832 = tpu.vector_load %arg38[%swap3A_830, %swap3A_831] {strides = array<i32>} : memref<80x128xf32, #tpu.memory_space<vmem>>, vector<16xf32>,
        tpu.vector_store %arg38[%swap3A_830, %swap3A_831], %add3A_800 {strides = array<i32>} : memref<80x128xf32, #tpu.memory_space<vmem>>, vector<16xf32>,
        %swap3A_833 = arith.index_cast %add3A_675 : i32 to index
        %swap3A_834 = arith.constant 112 : index
        %swap3A_835 = tpu.vector_load %arg38[%swap3A_833, %swap3A_834] {strides = array<i32>} : memref<80x128xf32, #tpu.memory_space<vmem>>, vector<16xf32>,
        tpu.vector_store %arg38[%swap3A_833, %swap3A_834], %add3A_811 {strides = array<i32>} : memref<80x128xf32, #tpu.memory_space<vmem>>, vector<16xf32>,
        %mul3A_836 = arith.constant 8 : i32
        %mul3A_837 = arith.muli %scan3A_302, %mul3A_836 : i32
        %add3A_838 = arith.constant 3 : i32
        %add3A_839 = arith.addi %mul3A_837, %add3A_838 : i32
        %broadcast_in_dim3A_840 = arith.constant 3 : i32
        %broadcast_in_dim3A_841 = vector.broadcast %broadcast_in_dim3A_840 : i32 to vector<16xi32>
        %add3A_842 = vector.broadcast %mul3A_336 : i32 to vector<16xi32>
        %add3A_843 = arith.addi %broadcast_in_dim3A_841, %add3A_842 : vector<16xi32>
        %lt3A_844 = arith.constant 0 : i32
        %lt3A_845 = vector.broadcast %lt3A_844 : i32 to vector<16xi32>
        %lt3A_846 = arith.cmpi slt, %add3A_843, %lt3A_845 : vector<16xi32>
        %add3A_847 = arith.constant 16 : i32
        %add3A_848 = vector.broadcast %add3A_847 : i32 to vector<16xi32>
        %add3A_849 = arith.addi %add3A_843, %add3A_848 : vector<16xi32>
        %select_n3A_850 = arith.select %lt3A_846, %add3A_849, %add3A_843 : vector<16xi1>, vector<16xi32>
        %broadcast_in_dim3A_851 = vector.shape_cast %select_n3A_850 : vector<16xi32> to vector<16x1xi32>
        %gather3A_852 = vector.shape_cast %broadcast_in_dim3A_851 : vector<16x1xi32> to vector<16xi32>
        %gather3A_853 = tpu.dynamic_gather %get3A_338[%gather3A_852] in [0] : vector<16xf32>, vector<16xi32> -> vector<16xf32>
        %lt3A_854 = arith.constant 0 : i32
        %lt3A_855 = vector.broadcast %lt3A_854 : i32 to vector<16xi32>
        %lt3A_856 = arith.cmpi slt, %add3A_843, %lt3A_855 : vector<16xi32>
        %add3A_857 = arith.constant 16 : i32
        %add3A_858 = vector.broadcast %add3A_857 : i32 to vector<16xi32>
        %add3A_859 = arith.addi %add3A_843, %add3A_858 : vector<16xi32>
        %select_n3A_860 = arith.select %lt3A_856, %add3A_859, %add3A_843 : vector<16xi1>, vector<16xi32>
        %broadcast_in_dim3A_861 = vector.shape_cast %select_n3A_860 : vector<16xi32> to vector<16x1xi32>
        %gather3A_862 = vector.shape_cast %broadcast_in_dim3A_861 : vector<16x1xi32> to vector<16xi32>
        %gather3A_863 = tpu.dynamic_gather %mul3A_348[%gather3A_862] in [0] : vector<16xf32>, vector<16xi32> -> vector<16xf32>
        %get3A_864 = arith.index_cast %add3A_839 : i32 to index
        %get3A_865 = arith.constant 0 : index
        %get3A_866 = tpu.vector_load %arg16[%get3A_864, %get3A_865] {strides = array<i32>} : memref<80x128xi32, #tpu.memory_space<vmem>>, vector<16xi32>,
        %get3A_867 = arith.index_cast %add3A_839 : i32 to index
        %get3A_868 = arith.constant 16 : index
        %get3A_869 = tpu.vector_load %arg16[%get3A_867, %get3A_868] {strides = array<i32>} : memref<80x128xi32, #tpu.memory_space<vmem>>, vector<16xi32>,
        %get3A_870 = arith.index_cast %add3A_839 : i32 to index
        %get3A_871 = arith.constant 32 : index
        %get3A_872 = tpu.vector_load %arg16[%get3A_870, %get3A_871] {strides = array<i32>} : memref<80x128xi32, #tpu.memory_space<vmem>>, vector<16xi32>,
        %get3A_873 = arith.index_cast %add3A_839 : i32 to index
        %get3A_874 = arith.constant 48 : index
        %get3A_875 = tpu.vector_load %arg16[%get3A_873, %get3A_874] {strides = array<i32>} : memref<80x128xi32, #tpu.memory_space<vmem>>, vector<16xi32>,
        %get3A_876 = arith.index_cast %add3A_839 : i32 to index
        %get3A_877 = arith.constant 64 : index
        %get3A_878 = tpu.vector_load %arg16[%get3A_876, %get3A_877] {strides = array<i32>} : memref<80x128xi32, #tpu.memory_space<vmem>>, vector<16xi32>,
        %get3A_879 = arith.index_cast %add3A_839 : i32 to index
        %get3A_880 = arith.constant 80 : index
        %get3A_881 = tpu.vector_load %arg16[%get3A_879, %get3A_880] {strides = array<i32>} : memref<80x128xi32, #tpu.memory_space<vmem>>, vector<16xi32>,
        %get3A_882 = arith.index_cast %add3A_839 : i32 to index
        %get3A_883 = arith.constant 96 : index
        %get3A_884 = tpu.vector_load %arg16[%get3A_882, %get3A_883] {strides = array<i32>} : memref<80x128xi32, #tpu.memory_space<vmem>>, vector<16xi32>,
        %get3A_885 = arith.index_cast %add3A_839 : i32 to index
        %get3A_886 = arith.constant 112 : index
        %get3A_887 = tpu.vector_load %arg16[%get3A_885, %get3A_886] {strides = array<i32>} : memref<80x128xi32, #tpu.memory_space<vmem>>, vector<16xi32>,
        %shift_left3A_888 = arith.constant 16 : i32
        %shift_left3A_889 = vector.broadcast %shift_left3A_888 : i32 to vector<16xi32>
        %shift_left3A_890 = arith.shli %get3A_866, %shift_left3A_889 : vector<16xi32>
        %bitcast3A_891 = vector.bitcast %shift_left3A_890 : vector<16xi32> to vector<16xf32>
        %mul3A_892 = arith.mulf %gather3A_853, %bitcast3A_891 : vector<16xf32>
        %and3A_893 = arith.constant -65536 : i32
        %and3A_894 = vector.broadcast %and3A_893 : i32 to vector<16xi32>
        %and3A_895 = arith.andi %get3A_866, %and3A_894 : vector<16xi32>
        %bitcast3A_896 = vector.bitcast %and3A_895 : vector<16xi32> to vector<16xf32>
        %mul3A_897 = arith.mulf %gather3A_863, %bitcast3A_896 : vector<16xf32>
        %add3A_898 = arith.addf %mul3A_892, %mul3A_897 : vector<16xf32>
        %shift_left3A_899 = arith.constant 16 : i32
        %shift_left3A_900 = vector.broadcast %shift_left3A_899 : i32 to vector<16xi32>
        %shift_left3A_901 = arith.shli %get3A_869, %shift_left3A_900 : vector<16xi32>
        %bitcast3A_902 = vector.bitcast %shift_left3A_901 : vector<16xi32> to vector<16xf32>
        %mul3A_903 = arith.mulf %gather3A_853, %bitcast3A_902 : vector<16xf32>
        %and3A_904 = arith.constant -65536 : i32
        %and3A_905 = vector.broadcast %and3A_904 : i32 to vector<16xi32>
        %and3A_906 = arith.andi %get3A_869, %and3A_905 : vector<16xi32>
        %bitcast3A_907 = vector.bitcast %and3A_906 : vector<16xi32> to vector<16xf32>
        %mul3A_908 = arith.mulf %gather3A_863, %bitcast3A_907 : vector<16xf32>
        %add3A_909 = arith.addf %mul3A_903, %mul3A_908 : vector<16xf32>
        %shift_left3A_910 = arith.constant 16 : i32
        %shift_left3A_911 = vector.broadcast %shift_left3A_910 : i32 to vector<16xi32>
        %shift_left3A_912 = arith.shli %get3A_872, %shift_left3A_911 : vector<16xi32>
        %bitcast3A_913 = vector.bitcast %shift_left3A_912 : vector<16xi32> to vector<16xf32>
        %mul3A_914 = arith.mulf %gather3A_853, %bitcast3A_913 : vector<16xf32>
        %and3A_915 = arith.constant -65536 : i32
        %and3A_916 = vector.broadcast %and3A_915 : i32 to vector<16xi32>
        %and3A_917 = arith.andi %get3A_872, %and3A_916 : vector<16xi32>
        %bitcast3A_918 = vector.bitcast %and3A_917 : vector<16xi32> to vector<16xf32>
        %mul3A_919 = arith.mulf %gather3A_863, %bitcast3A_918 : vector<16xf32>
        %add3A_920 = arith.addf %mul3A_914, %mul3A_919 : vector<16xf32>
        %shift_left3A_921 = arith.constant 16 : i32
        %shift_left3A_922 = vector.broadcast %shift_left3A_921 : i32 to vector<16xi32>
        %shift_left3A_923 = arith.shli %get3A_875, %shift_left3A_922 : vector<16xi32>
        %bitcast3A_924 = vector.bitcast %shift_left3A_923 : vector<16xi32> to vector<16xf32>
        %mul3A_925 = arith.mulf %gather3A_853, %bitcast3A_924 : vector<16xf32>
        %and3A_926 = arith.constant -65536 : i32
        %and3A_927 = vector.broadcast %and3A_926 : i32 to vector<16xi32>
        %and3A_928 = arith.andi %get3A_875, %and3A_927 : vector<16xi32>
        %bitcast3A_929 = vector.bitcast %and3A_928 : vector<16xi32> to vector<16xf32>
        %mul3A_930 = arith.mulf %gather3A_863, %bitcast3A_929 : vector<16xf32>
        %add3A_931 = arith.addf %mul3A_925, %mul3A_930 : vector<16xf32>
        %shift_left3A_932 = arith.constant 16 : i32
        %shift_left3A_933 = vector.broadcast %shift_left3A_932 : i32 to vector<16xi32>
        %shift_left3A_934 = arith.shli %get3A_878, %shift_left3A_933 : vector<16xi32>
        %bitcast3A_935 = vector.bitcast %shift_left3A_934 : vector<16xi32> to vector<16xf32>
        %mul3A_936 = arith.mulf %gather3A_853, %bitcast3A_935 : vector<16xf32>
        %and3A_937 = arith.constant -65536 : i32
        %and3A_938 = vector.broadcast %and3A_937 : i32 to vector<16xi32>
        %and3A_939 = arith.andi %get3A_878, %and3A_938 : vector<16xi32>
        %bitcast3A_940 = vector.bitcast %and3A_939 : vector<16xi32> to vector<16xf32>
        %mul3A_941 = arith.mulf %gather3A_863, %bitcast3A_940 : vector<16xf32>
        %add3A_942 = arith.addf %mul3A_936, %mul3A_941 : vector<16xf32>
        %shift_left3A_943 = arith.constant 16 : i32
        %shift_left3A_944 = vector.broadcast %shift_left3A_943 : i32 to vector<16xi32>
        %shift_left3A_945 = arith.shli %get3A_881, %shift_left3A_944 : vector<16xi32>
        %bitcast3A_946 = vector.bitcast %shift_left3A_945 : vector<16xi32> to vector<16xf32>
        %mul3A_947 = arith.mulf %gather3A_853, %bitcast3A_946 : vector<16xf32>
        %and3A_948 = arith.constant -65536 : i32
        %and3A_949 = vector.broadcast %and3A_948 : i32 to vector<16xi32>
        %and3A_950 = arith.andi %get3A_881, %and3A_949 : vector<16xi32>
        %bitcast3A_951 = vector.bitcast %and3A_950 : vector<16xi32> to vector<16xf32>
        %mul3A_952 = arith.mulf %gather3A_863, %bitcast3A_951 : vector<16xf32>
        %add3A_953 = arith.addf %mul3A_947, %mul3A_952 : vector<16xf32>
        %shift_left3A_954 = arith.constant 16 : i32
        %shift_left3A_955 = vector.broadcast %shift_left3A_954 : i32 to vector<16xi32>
        %shift_left3A_956 = arith.shli %get3A_884, %shift_left3A_955 : vector<16xi32>
        %bitcast3A_957 = vector.bitcast %shift_left3A_956 : vector<16xi32> to vector<16xf32>
        %mul3A_958 = arith.mulf %gather3A_853, %bitcast3A_957 : vector<16xf32>
        %and3A_959 = arith.constant -65536 : i32
        %and3A_960 = vector.broadcast %and3A_959 : i32 to vector<16xi32>
        %and3A_961 = arith.andi %get3A_884, %and3A_960 : vector<16xi32>
        %bitcast3A_962 = vector.bitcast %and3A_961 : vector<16xi32> to vector<16xf32>
        %mul3A_963 = arith.mulf %gather3A_863, %bitcast3A_962 : vector<16xf32>
        %add3A_964 = arith.addf %mul3A_958, %mul3A_963 : vector<16xf32>
        %shift_left3A_965 = arith.constant 16 : i32
        %shift_left3A_966 = vector.broadcast %shift_left3A_965 : i32 to vector<16xi32>
        %shift_left3A_967 = arith.shli %get3A_887, %shift_left3A_966 : vector<16xi32>
        %bitcast3A_968 = vector.bitcast %shift_left3A_967 : vector<16xi32> to vector<16xf32>
        %mul3A_969 = arith.mulf %gather3A_853, %bitcast3A_968 : vector<16xf32>
        %and3A_970 = arith.constant -65536 : i32
        %and3A_971 = vector.broadcast %and3A_970 : i32 to vector<16xi32>
        %and3A_972 = arith.andi %get3A_887, %and3A_971 : vector<16xi32>
        %bitcast3A_973 = vector.bitcast %and3A_972 : vector<16xi32> to vector<16xf32>
        %mul3A_974 = arith.mulf %gather3A_863, %bitcast3A_973 : vector<16xf32>
        %add3A_975 = arith.addf %mul3A_969, %mul3A_974 : vector<16xf32>
        %swap3A_976 = arith.index_cast %add3A_839 : i32 to index
        %swap3A_977 = arith.constant 0 : index
        %swap3A_978 = tpu.vector_load %arg38[%swap3A_976, %swap3A_977] {strides = array<i32>} : memref<80x128xf32, #tpu.memory_space<vmem>>, vector<16xf32>,
        tpu.vector_store %arg38[%swap3A_976, %swap3A_977], %add3A_898 {strides = array<i32>} : memref<80x128xf32, #tpu.memory_space<vmem>>, vector<16xf32>,
        %swap3A_979 = arith.index_cast %add3A_839 : i32 to index
        %swap3A_980 = arith.constant 16 : index
        %swap3A_981 = tpu.vector_load %arg38[%swap3A_979, %swap3A_980] {strides = array<i32>} : memref<80x128xf32, #tpu.memory_space<vmem>>, vector<16xf32>,
        tpu.vector_store %arg38[%swap3A_979, %swap3A_980], %add3A_909 {strides = array<i32>} : memref<80x128xf32, #tpu.memory_space<vmem>>, vector<16xf32>,
        %swap3A_982 = arith.index_cast %add3A_839 : i32 to index
        %swap3A_983 = arith.constant 32 : index
        %swap3A_984 = tpu.vector_load %arg38[%swap3A_982, %swap3A_983] {strides = array<i32>} : memref<80x128xf32, #tpu.memory_space<vmem>>, vector<16xf32>,
        tpu.vector_store %arg38[%swap3A_982, %swap3A_983], %add3A_920 {strides = array<i32>} : memref<80x128xf32, #tpu.memory_space<vmem>>, vector<16xf32>,
        %swap3A_985 = arith.index_cast %add3A_839 : i32 to index
        %swap3A_986 = arith.constant 48 : index
        %swap3A_987 = tpu.vector_load %arg38[%swap3A_985, %swap3A_986] {strides = array<i32>} : memref<80x128xf32, #tpu.memory_space<vmem>>, vector<16xf32>,
        tpu.vector_store %arg38[%swap3A_985, %swap3A_986], %add3A_931 {strides = array<i32>} : memref<80x128xf32, #tpu.memory_space<vmem>>, vector<16xf32>,
        %swap3A_988 = arith.index_cast %add3A_839 : i32 to index
        %swap3A_989 = arith.constant 64 : index
        %swap3A_990 = tpu.vector_load %arg38[%swap3A_988, %swap3A_989] {strides = array<i32>} : memref<80x128xf32, #tpu.memory_space<vmem>>, vector<16xf32>,
        tpu.vector_store %arg38[%swap3A_988, %swap3A_989], %add3A_942 {strides = array<i32>} : memref<80x128xf32, #tpu.memory_space<vmem>>, vector<16xf32>,
        %swap3A_991 = arith.index_cast %add3A_839 : i32 to index
        %swap3A_992 = arith.constant 80 : index
        %swap3A_993 = tpu.vector_load %arg38[%swap3A_991, %swap3A_992] {strides = array<i32>} : memref<80x128xf32, #tpu.memory_space<vmem>>, vector<16xf32>,
        tpu.vector_store %arg38[%swap3A_991, %swap3A_992], %add3A_953 {strides = array<i32>} : memref<80x128xf32, #tpu.memory_space<vmem>>, vector<16xf32>,
        %swap3A_994 = arith.index_cast %add3A_839 : i32 to index
        %swap3A_995 = arith.constant 96 : index
        %swap3A_996 = tpu.vector_load %arg38[%swap3A_994, %swap3A_995] {strides = array<i32>} : memref<80x128xf32, #tpu.memory_space<vmem>>, vector<16xf32>,
        tpu.vector_store %arg38[%swap3A_994, %swap3A_995], %add3A_964 {strides = array<i32>} : memref<80x128xf32, #tpu.memory_space<vmem>>, vector<16xf32>,
        %swap3A_997 = arith.index_cast %add3A_839 : i32 to index
        %swap3A_998 = arith.constant 112 : index
        %swap3A_999 = tpu.vector_load %arg38[%swap3A_997, %swap3A_998] {strides = array<i32>} : memref<80x128xf32, #tpu.memory_space<vmem>>, vector<16xf32>,
        tpu.vector_store %arg38[%swap3A_997, %swap3A_998], %add3A_975 {strides = array<i32>} : memref<80x128xf32, #tpu.memory_space<vmem>>, vector<16xf32>,
        %mul3A_1000 = arith.constant 8 : i32
        %mul3A_1001 = arith.muli %scan3A_302, %mul3A_1000 : i32
        %add3A_1002 = arith.constant 4 : i32
        %add3A_1003 = arith.addi %mul3A_1001, %add3A_1002 : i32
        %broadcast_in_dim3A_1004 = arith.constant 4 : i32
        %broadcast_in_dim3A_1005 = vector.broadcast %broadcast_in_dim3A_1004 : i32 to vector<16xi32>
        %add3A_1006 = vector.broadcast %mul3A_336 : i32 to vector<16xi32>
        %add3A_1007 = arith.addi %broadcast_in_dim3A_1005, %add3A_1006 : vector<16xi32>
        %lt3A_1008 = arith.constant 0 : i32
        %lt3A_1009 = vector.broadcast %lt3A_1008 : i32 to vector<16xi32>
        %lt3A_1010 = arith.cmpi slt, %add3A_1007, %lt3A_1009 : vector<16xi32>
        %add3A_1011 = arith.constant 16 : i32
        %add3A_1012 = vector.broadcast %add3A_1011 : i32 to vector<16xi32>
        %add3A_1013 = arith.addi %add3A_1007, %add3A_1012 : vector<16xi32>
        %select_n3A_1014 = arith.select %lt3A_1010, %add3A_1013, %add3A_1007 : vector<16xi1>, vector<16xi32>
        %broadcast_in_dim3A_1015 = vector.shape_cast %select_n3A_1014 : vector<16xi32> to vector<16x1xi32>
        %gather3A_1016 = vector.shape_cast %broadcast_in_dim3A_1015 : vector<16x1xi32> to vector<16xi32>
        %gather3A_1017 = tpu.dynamic_gather %get3A_338[%gather3A_1016] in [0] : vector<16xf32>, vector<16xi32> -> vector<16xf32>
        %lt3A_1018 = arith.constant 0 : i32
        %lt3A_1019 = vector.broadcast %lt3A_1018 : i32 to vector<16xi32>
        %lt3A_1020 = arith.cmpi slt, %add3A_1007, %lt3A_1019 : vector<16xi32>
        %add3A_1021 = arith.constant 16 : i32
        %add3A_1022 = vector.broadcast %add3A_1021 : i32 to vector<16xi32>
        %add3A_1023 = arith.addi %add3A_1007, %add3A_1022 : vector<16xi32>
        %select_n3A_1024 = arith.select %lt3A_1020, %add3A_1023, %add3A_1007 : vector<16xi1>, vector<16xi32>
        %broadcast_in_dim3A_1025 = vector.shape_cast %select_n3A_1024 : vector<16xi32> to vector<16x1xi32>
        %gather3A_1026 = vector.shape_cast %broadcast_in_dim3A_1025 : vector<16x1xi32> to vector<16xi32>
        %gather3A_1027 = tpu.dynamic_gather %mul3A_348[%gather3A_1026] in [0] : vector<16xf32>, vector<16xi32> -> vector<16xf32>
        %get3A_1028 = arith.index_cast %add3A_1003 : i32 to index
        %get3A_1029 = arith.constant 0 : index
        %get3A_1030 = tpu.vector_load %arg16[%get3A_1028, %get3A_1029] {strides = array<i32>} : memref<80x128xi32, #tpu.memory_space<vmem>>, vector<16xi32>,
        %get3A_1031 = arith.index_cast %add3A_1003 : i32 to index
        %get3A_1032 = arith.constant 16 : index
        %get3A_1033 = tpu.vector_load %arg16[%get3A_1031, %get3A_1032] {strides = array<i32>} : memref<80x128xi32, #tpu.memory_space<vmem>>, vector<16xi32>,
        %get3A_1034 = arith.index_cast %add3A_1003 : i32 to index
        %get3A_1035 = arith.constant 32 : index
        %get3A_1036 = tpu.vector_load %arg16[%get3A_1034, %get3A_1035] {strides = array<i32>} : memref<80x128xi32, #tpu.memory_space<vmem>>, vector<16xi32>,
        %get3A_1037 = arith.index_cast %add3A_1003 : i32 to index
        %get3A_1038 = arith.constant 48 : index
        %get3A_1039 = tpu.vector_load %arg16[%get3A_1037, %get3A_1038] {strides = array<i32>} : memref<80x128xi32, #tpu.memory_space<vmem>>, vector<16xi32>,
        %get3A_1040 = arith.index_cast %add3A_1003 : i32 to index
        %get3A_1041 = arith.constant 64 : index
        %get3A_1042 = tpu.vector_load %arg16[%get3A_1040, %get3A_1041] {strides = array<i32>} : memref<80x128xi32, #tpu.memory_space<vmem>>, vector<16xi32>,
        %get3A_1043 = arith.index_cast %add3A_1003 : i32 to index
        %get3A_1044 = arith.constant 80 : index
        %get3A_1045 = tpu.vector_load %arg16[%get3A_1043, %get3A_1044] {strides = array<i32>} : memref<80x128xi32, #tpu.memory_space<vmem>>, vector<16xi32>,
        %get3A_1046 = arith.index_cast %add3A_1003 : i32 to index
        %get3A_1047 = arith.constant 96 : index
        %get3A_1048 = tpu.vector_load %arg16[%get3A_1046, %get3A_1047] {strides = array<i32>} : memref<80x128xi32, #tpu.memory_space<vmem>>, vector<16xi32>,
        %get3A_1049 = arith.index_cast %add3A_1003 : i32 to index
        %get3A_1050 = arith.constant 112 : index
        %get3A_1051 = tpu.vector_load %arg16[%get3A_1049, %get3A_1050] {strides = array<i32>} : memref<80x128xi32, #tpu.memory_space<vmem>>, vector<16xi32>,
        %shift_left3A_1052 = arith.constant 16 : i32
        %shift_left3A_1053 = vector.broadcast %shift_left3A_1052 : i32 to vector<16xi32>
        %shift_left3A_1054 = arith.shli %get3A_1030, %shift_left3A_1053 : vector<16xi32>
        %bitcast3A_1055 = vector.bitcast %shift_left3A_1054 : vector<16xi32> to vector<16xf32>
        %mul3A_1056 = arith.mulf %gather3A_1017, %bitcast3A_1055 : vector<16xf32>
        %and3A_1057 = arith.constant -65536 : i32
        %and3A_1058 = vector.broadcast %and3A_1057 : i32 to vector<16xi32>
        %and3A_1059 = arith.andi %get3A_1030, %and3A_1058 : vector<16xi32>
        %bitcast3A_1060 = vector.bitcast %and3A_1059 : vector<16xi32> to vector<16xf32>
        %mul3A_1061 = arith.mulf %gather3A_1027, %bitcast3A_1060 : vector<16xf32>
        %add3A_1062 = arith.addf %mul3A_1056, %mul3A_1061 : vector<16xf32>
        %shift_left3A_1063 = arith.constant 16 : i32
        %shift_left3A_1064 = vector.broadcast %shift_left3A_1063 : i32 to vector<16xi32>
        %shift_left3A_1065 = arith.shli %get3A_1033, %shift_left3A_1064 : vector<16xi32>
        %bitcast3A_1066 = vector.bitcast %shift_left3A_1065 : vector<16xi32> to vector<16xf32>
        %mul3A_1067 = arith.mulf %gather3A_1017, %bitcast3A_1066 : vector<16xf32>
        %and3A_1068 = arith.constant -65536 : i32
        %and3A_1069 = vector.broadcast %and3A_1068 : i32 to vector<16xi32>
        %and3A_1070 = arith.andi %get3A_1033, %and3A_1069 : vector<16xi32>
        %bitcast3A_1071 = vector.bitcast %and3A_1070 : vector<16xi32> to vector<16xf32>
        %mul3A_1072 = arith.mulf %gather3A_1027, %bitcast3A_1071 : vector<16xf32>
        %add3A_1073 = arith.addf %mul3A_1067, %mul3A_1072 : vector<16xf32>
        %shift_left3A_1074 = arith.constant 16 : i32
        %shift_left3A_1075 = vector.broadcast %shift_left3A_1074 : i32 to vector<16xi32>
        %shift_left3A_1076 = arith.shli %get3A_1036, %shift_left3A_1075 : vector<16xi32>
        %bitcast3A_1077 = vector.bitcast %shift_left3A_1076 : vector<16xi32> to vector<16xf32>
        %mul3A_1078 = arith.mulf %gather3A_1017, %bitcast3A_1077 : vector<16xf32>
        %and3A_1079 = arith.constant -65536 : i32
        %and3A_1080 = vector.broadcast %and3A_1079 : i32 to vector<16xi32>
        %and3A_1081 = arith.andi %get3A_1036, %and3A_1080 : vector<16xi32>
        %bitcast3A_1082 = vector.bitcast %and3A_1081 : vector<16xi32> to vector<16xf32>
        %mul3A_1083 = arith.mulf %gather3A_1027, %bitcast3A_1082 : vector<16xf32>
        %add3A_1084 = arith.addf %mul3A_1078, %mul3A_1083 : vector<16xf32>
        %shift_left3A_1085 = arith.constant 16 : i32
        %shift_left3A_1086 = vector.broadcast %shift_left3A_1085 : i32 to vector<16xi32>
        %shift_left3A_1087 = arith.shli %get3A_1039, %shift_left3A_1086 : vector<16xi32>
        %bitcast3A_1088 = vector.bitcast %shift_left3A_1087 : vector<16xi32> to vector<16xf32>
        %mul3A_1089 = arith.mulf %gather3A_1017, %bitcast3A_1088 : vector<16xf32>
        %and3A_1090 = arith.constant -65536 : i32
        %and3A_1091 = vector.broadcast %and3A_1090 : i32 to vector<16xi32>
        %and3A_1092 = arith.andi %get3A_1039, %and3A_1091 : vector<16xi32>
        %bitcast3A_1093 = vector.bitcast %and3A_1092 : vector<16xi32> to vector<16xf32>
        %mul3A_1094 = arith.mulf %gather3A_1027, %bitcast3A_1093 : vector<16xf32>
        %add3A_1095 = arith.addf %mul3A_1089, %mul3A_1094 : vector<16xf32>
        %shift_left3A_1096 = arith.constant 16 : i32
        %shift_left3A_1097 = vector.broadcast %shift_left3A_1096 : i32 to vector<16xi32>
        %shift_left3A_1098 = arith.shli %get3A_1042, %shift_left3A_1097 : vector<16xi32>
        %bitcast3A_1099 = vector.bitcast %shift_left3A_1098 : vector<16xi32> to vector<16xf32>
        %mul3A_1100 = arith.mulf %gather3A_1017, %bitcast3A_1099 : vector<16xf32>
        %and3A_1101 = arith.constant -65536 : i32
        %and3A_1102 = vector.broadcast %and3A_1101 : i32 to vector<16xi32>
        %and3A_1103 = arith.andi %get3A_1042, %and3A_1102 : vector<16xi32>
        %bitcast3A_1104 = vector.bitcast %and3A_1103 : vector<16xi32> to vector<16xf32>
        %mul3A_1105 = arith.mulf %gather3A_1027, %bitcast3A_1104 : vector<16xf32>
        %add3A_1106 = arith.addf %mul3A_1100, %mul3A_1105 : vector<16xf32>
        %shift_left3A_1107 = arith.constant 16 : i32
        %shift_left3A_1108 = vector.broadcast %shift_left3A_1107 : i32 to vector<16xi32>
        %shift_left3A_1109 = arith.shli %get3A_1045, %shift_left3A_1108 : vector<16xi32>
        %bitcast3A_1110 = vector.bitcast %shift_left3A_1109 : vector<16xi32> to vector<16xf32>
        %mul3A_1111 = arith.mulf %gather3A_1017, %bitcast3A_1110 : vector<16xf32>
        %and3A_1112 = arith.constant -65536 : i32
        %and3A_1113 = vector.broadcast %and3A_1112 : i32 to vector<16xi32>
        %and3A_1114 = arith.andi %get3A_1045, %and3A_1113 : vector<16xi32>
        %bitcast3A_1115 = vector.bitcast %and3A_1114 : vector<16xi32> to vector<16xf32>
        %mul3A_1116 = arith.mulf %gather3A_1027, %bitcast3A_1115 : vector<16xf32>
        %add3A_1117 = arith.addf %mul3A_1111, %mul3A_1116 : vector<16xf32>
        %shift_left3A_1118 = arith.constant 16 : i32
        %shift_left3A_1119 = vector.broadcast %shift_left3A_1118 : i32 to vector<16xi32>
        %shift_left3A_1120 = arith.shli %get3A_1048, %shift_left3A_1119 : vector<16xi32>
        %bitcast3A_1121 = vector.bitcast %shift_left3A_1120 : vector<16xi32> to vector<16xf32>
        %mul3A_1122 = arith.mulf %gather3A_1017, %bitcast3A_1121 : vector<16xf32>
        %and3A_1123 = arith.constant -65536 : i32
        %and3A_1124 = vector.broadcast %and3A_1123 : i32 to vector<16xi32>
        %and3A_1125 = arith.andi %get3A_1048, %and3A_1124 : vector<16xi32>
        %bitcast3A_1126 = vector.bitcast %and3A_1125 : vector<16xi32> to vector<16xf32>
        %mul3A_1127 = arith.mulf %gather3A_1027, %bitcast3A_1126 : vector<16xf32>
        %add3A_1128 = arith.addf %mul3A_1122, %mul3A_1127 : vector<16xf32>
        %shift_left3A_1129 = arith.constant 16 : i32
        %shift_left3A_1130 = vector.broadcast %shift_left3A_1129 : i32 to vector<16xi32>
        %shift_left3A_1131 = arith.shli %get3A_1051, %shift_left3A_1130 : vector<16xi32>
        %bitcast3A_1132 = vector.bitcast %shift_left3A_1131 : vector<16xi32> to vector<16xf32>
        %mul3A_1133 = arith.mulf %gather3A_1017, %bitcast3A_1132 : vector<16xf32>
        %and3A_1134 = arith.constant -65536 : i32
        %and3A_1135 = vector.broadcast %and3A_1134 : i32 to vector<16xi32>
        %and3A_1136 = arith.andi %get3A_1051, %and3A_1135 : vector<16xi32>
        %bitcast3A_1137 = vector.bitcast %and3A_1136 : vector<16xi32> to vector<16xf32>
        %mul3A_1138 = arith.mulf %gather3A_1027, %bitcast3A_1137 : vector<16xf32>
        %add3A_1139 = arith.addf %mul3A_1133, %mul3A_1138 : vector<16xf32>
        %swap3A_1140 = arith.index_cast %add3A_1003 : i32 to index
        %swap3A_1141 = arith.constant 0 : index
        %swap3A_1142 = tpu.vector_load %arg38[%swap3A_1140, %swap3A_1141] {strides = array<i32>} : memref<80x128xf32, #tpu.memory_space<vmem>>, vector<16xf32>,
        tpu.vector_store %arg38[%swap3A_1140, %swap3A_1141], %add3A_1062 {strides = array<i32>} : memref<80x128xf32, #tpu.memory_space<vmem>>, vector<16xf32>,
        %swap3A_1143 = arith.index_cast %add3A_1003 : i32 to index
        %swap3A_1144 = arith.constant 16 : index
        %swap3A_1145 = tpu.vector_load %arg38[%swap3A_1143, %swap3A_1144] {strides = array<i32>} : memref<80x128xf32, #tpu.memory_space<vmem>>, vector<16xf32>,
        tpu.vector_store %arg38[%swap3A_1143, %swap3A_1144], %add3A_1073 {strides = array<i32>} : memref<80x128xf32, #tpu.memory_space<vmem>>, vector<16xf32>,
        %swap3A_1146 = arith.index_cast %add3A_1003 : i32 to index
        %swap3A_1147 = arith.constant 32 : index
        %swap3A_1148 = tpu.vector_load %arg38[%swap3A_1146, %swap3A_1147] {strides = array<i32>} : memref<80x128xf32, #tpu.memory_space<vmem>>, vector<16xf32>,
        tpu.vector_store %arg38[%swap3A_1146, %swap3A_1147], %add3A_1084 {strides = array<i32>} : memref<80x128xf32, #tpu.memory_space<vmem>>, vector<16xf32>,
        %swap3A_1149 = arith.index_cast %add3A_1003 : i32 to index
        %swap3A_1150 = arith.constant 48 : index
        %swap3A_1151 = tpu.vector_load %arg38[%swap3A_1149, %swap3A_1150] {strides = array<i32>} : memref<80x128xf32, #tpu.memory_space<vmem>>, vector<16xf32>,
        tpu.vector_store %arg38[%swap3A_1149, %swap3A_1150], %add3A_1095 {strides = array<i32>} : memref<80x128xf32, #tpu.memory_space<vmem>>, vector<16xf32>,
        %swap3A_1152 = arith.index_cast %add3A_1003 : i32 to index
        %swap3A_1153 = arith.constant 64 : index
        %swap3A_1154 = tpu.vector_load %arg38[%swap3A_1152, %swap3A_1153] {strides = array<i32>} : memref<80x128xf32, #tpu.memory_space<vmem>>, vector<16xf32>,
        tpu.vector_store %arg38[%swap3A_1152, %swap3A_1153], %add3A_1106 {strides = array<i32>} : memref<80x128xf32, #tpu.memory_space<vmem>>, vector<16xf32>,
        %swap3A_1155 = arith.index_cast %add3A_1003 : i32 to index
        %swap3A_1156 = arith.constant 80 : index
        %swap3A_1157 = tpu.vector_load %arg38[%swap3A_1155, %swap3A_1156] {strides = array<i32>} : memref<80x128xf32, #tpu.memory_space<vmem>>, vector<16xf32>,
        tpu.vector_store %arg38[%swap3A_1155, %swap3A_1156], %add3A_1117 {strides = array<i32>} : memref<80x128xf32, #tpu.memory_space<vmem>>, vector<16xf32>,
        %swap3A_1158 = arith.index_cast %add3A_1003 : i32 to index
        %swap3A_1159 = arith.constant 96 : index
        %swap3A_1160 = tpu.vector_load %arg38[%swap3A_1158, %swap3A_1159] {strides = array<i32>} : memref<80x128xf32, #tpu.memory_space<vmem>>, vector<16xf32>,
        tpu.vector_store %arg38[%swap3A_1158, %swap3A_1159], %add3A_1128 {strides = array<i32>} : memref<80x128xf32, #tpu.memory_space<vmem>>, vector<16xf32>,
        %swap3A_1161 = arith.index_cast %add3A_1003 : i32 to index
        %swap3A_1162 = arith.constant 112 : index
        %swap3A_1163 = tpu.vector_load %arg38[%swap3A_1161, %swap3A_1162] {strides = array<i32>} : memref<80x128xf32, #tpu.memory_space<vmem>>, vector<16xf32>,
        tpu.vector_store %arg38[%swap3A_1161, %swap3A_1162], %add3A_1139 {strides = array<i32>} : memref<80x128xf32, #tpu.memory_space<vmem>>, vector<16xf32>,
        %mul3A_1164 = arith.constant 8 : i32
        %mul3A_1165 = arith.muli %scan3A_302, %mul3A_1164 : i32
        %add3A_1166 = arith.constant 5 : i32
        %add3A_1167 = arith.addi %mul3A_1165, %add3A_1166 : i32
        %broadcast_in_dim3A_1168 = arith.constant 5 : i32
        %broadcast_in_dim3A_1169 = vector.broadcast %broadcast_in_dim3A_1168 : i32 to vector<16xi32>
        %add3A_1170 = vector.broadcast %mul3A_336 : i32 to vector<16xi32>
        %add3A_1171 = arith.addi %broadcast_in_dim3A_1169, %add3A_1170 : vector<16xi32>
        %lt3A_1172 = arith.constant 0 : i32
        %lt3A_1173 = vector.broadcast %lt3A_1172 : i32 to vector<16xi32>
        %lt3A_1174 = arith.cmpi slt, %add3A_1171, %lt3A_1173 : vector<16xi32>
        %add3A_1175 = arith.constant 16 : i32
        %add3A_1176 = vector.broadcast %add3A_1175 : i32 to vector<16xi32>
        %add3A_1177 = arith.addi %add3A_1171, %add3A_1176 : vector<16xi32>
        %select_n3A_1178 = arith.select %lt3A_1174, %add3A_1177, %add3A_1171 : vector<16xi1>, vector<16xi32>
        %broadcast_in_dim3A_1179 = vector.shape_cast %select_n3A_1178 : vector<16xi32> to vector<16x1xi32>
        %gather3A_1180 = vector.shape_cast %broadcast_in_dim3A_1179 : vector<16x1xi32> to vector<16xi32>
        %gather3A_1181 = tpu.dynamic_gather %get3A_338[%gather3A_1180] in [0] : vector<16xf32>, vector<16xi32> -> vector<16xf32>
        %lt3A_1182 = arith.constant 0 : i32
        %lt3A_1183 = vector.broadcast %lt3A_1182 : i32 to vector<16xi32>
        %lt3A_1184 = arith.cmpi slt, %add3A_1171, %lt3A_1183 : vector<16xi32>
        %add3A_1185 = arith.constant 16 : i32
        %add3A_1186 = vector.broadcast %add3A_1185 : i32 to vector<16xi32>
        %add3A_1187 = arith.addi %add3A_1171, %add3A_1186 : vector<16xi32>
        %select_n3A_1188 = arith.select %lt3A_1184, %add3A_1187, %add3A_1171 : vector<16xi1>, vector<16xi32>
        %broadcast_in_dim3A_1189 = vector.shape_cast %select_n3A_1188 : vector<16xi32> to vector<16x1xi32>
        %gather3A_1190 = vector.shape_cast %broadcast_in_dim3A_1189 : vector<16x1xi32> to vector<16xi32>
        %gather3A_1191 = tpu.dynamic_gather %mul3A_348[%gather3A_1190] in [0] : vector<16xf32>, vector<16xi32> -> vector<16xf32>
        %get3A_1192 = arith.index_cast %add3A_1167 : i32 to index
        %get3A_1193 = arith.constant 0 : index
        %get3A_1194 = tpu.vector_load %arg16[%get3A_1192, %get3A_1193] {strides = array<i32>} : memref<80x128xi32, #tpu.memory_space<vmem>>, vector<16xi32>,
        %get3A_1195 = arith.index_cast %add3A_1167 : i32 to index
        %get3A_1196 = arith.constant 16 : index
        %get3A_1197 = tpu.vector_load %arg16[%get3A_1195, %get3A_1196] {strides = array<i32>} : memref<80x128xi32, #tpu.memory_space<vmem>>, vector<16xi32>,
        %get3A_1198 = arith.index_cast %add3A_1167 : i32 to index
        %get3A_1199 = arith.constant 32 : index
        %get3A_1200 = tpu.vector_load %arg16[%get3A_1198, %get3A_1199] {strides = array<i32>} : memref<80x128xi32, #tpu.memory_space<vmem>>, vector<16xi32>,
        %get3A_1201 = arith.index_cast %add3A_1167 : i32 to index
        %get3A_1202 = arith.constant 48 : index
        %get3A_1203 = tpu.vector_load %arg16[%get3A_1201, %get3A_1202] {strides = array<i32>} : memref<80x128xi32, #tpu.memory_space<vmem>>, vector<16xi32>,
        %get3A_1204 = arith.index_cast %add3A_1167 : i32 to index
        %get3A_1205 = arith.constant 64 : index
        %get3A_1206 = tpu.vector_load %arg16[%get3A_1204, %get3A_1205] {strides = array<i32>} : memref<80x128xi32, #tpu.memory_space<vmem>>, vector<16xi32>,
        %get3A_1207 = arith.index_cast %add3A_1167 : i32 to index
        %get3A_1208 = arith.constant 80 : index
        %get3A_1209 = tpu.vector_load %arg16[%get3A_1207, %get3A_1208] {strides = array<i32>} : memref<80x128xi32, #tpu.memory_space<vmem>>, vector<16xi32>,
        %get3A_1210 = arith.index_cast %add3A_1167 : i32 to index
        %get3A_1211 = arith.constant 96 : index
        %get3A_1212 = tpu.vector_load %arg16[%get3A_1210, %get3A_1211] {strides = array<i32>} : memref<80x128xi32, #tpu.memory_space<vmem>>, vector<16xi32>,
        %get3A_1213 = arith.index_cast %add3A_1167 : i32 to index
        %get3A_1214 = arith.constant 112 : index
        %get3A_1215 = tpu.vector_load %arg16[%get3A_1213, %get3A_1214] {strides = array<i32>} : memref<80x128xi32, #tpu.memory_space<vmem>>, vector<16xi32>,
        %shift_left3A_1216 = arith.constant 16 : i32
        %shift_left3A_1217 = vector.broadcast %shift_left3A_1216 : i32 to vector<16xi32>
        %shift_left3A_1218 = arith.shli %get3A_1194, %shift_left3A_1217 : vector<16xi32>
        %bitcast3A_1219 = vector.bitcast %shift_left3A_1218 : vector<16xi32> to vector<16xf32>
        %mul3A_1220 = arith.mulf %gather3A_1181, %bitcast3A_1219 : vector<16xf32>
        %and3A_1221 = arith.constant -65536 : i32
        %and3A_1222 = vector.broadcast %and3A_1221 : i32 to vector<16xi32>
        %and3A_1223 = arith.andi %get3A_1194, %and3A_1222 : vector<16xi32>
        %bitcast3A_1224 = vector.bitcast %and3A_1223 : vector<16xi32> to vector<16xf32>
        %mul3A_1225 = arith.mulf %gather3A_1191, %bitcast3A_1224 : vector<16xf32>
        %add3A_1226 = arith.addf %mul3A_1220, %mul3A_1225 : vector<16xf32>
        %shift_left3A_1227 = arith.constant 16 : i32
        %shift_left3A_1228 = vector.broadcast %shift_left3A_1227 : i32 to vector<16xi32>
        %shift_left3A_1229 = arith.shli %get3A_1197, %shift_left3A_1228 : vector<16xi32>
        %bitcast3A_1230 = vector.bitcast %shift_left3A_1229 : vector<16xi32> to vector<16xf32>
        %mul3A_1231 = arith.mulf %gather3A_1181, %bitcast3A_1230 : vector<16xf32>
        %and3A_1232 = arith.constant -65536 : i32
        %and3A_1233 = vector.broadcast %and3A_1232 : i32 to vector<16xi32>
        %and3A_1234 = arith.andi %get3A_1197, %and3A_1233 : vector<16xi32>
        %bitcast3A_1235 = vector.bitcast %and3A_1234 : vector<16xi32> to vector<16xf32>
        %mul3A_1236 = arith.mulf %gather3A_1191, %bitcast3A_1235 : vector<16xf32>
        %add3A_1237 = arith.addf %mul3A_1231, %mul3A_1236 : vector<16xf32>
        %shift_left3A_1238 = arith.constant 16 : i32
        %shift_left3A_1239 = vector.broadcast %shift_left3A_1238 : i32 to vector<16xi32>
        %shift_left3A_1240 = arith.shli %get3A_1200, %shift_left3A_1239 : vector<16xi32>
        %bitcast3A_1241 = vector.bitcast %shift_left3A_1240 : vector<16xi32> to vector<16xf32>
        %mul3A_1242 = arith.mulf %gather3A_1181, %bitcast3A_1241 : vector<16xf32>
        %and3A_1243 = arith.constant -65536 : i32
        %and3A_1244 = vector.broadcast %and3A_1243 : i32 to vector<16xi32>
        %and3A_1245 = arith.andi %get3A_1200, %and3A_1244 : vector<16xi32>
        %bitcast3A_1246 = vector.bitcast %and3A_1245 : vector<16xi32> to vector<16xf32>
        %mul3A_1247 = arith.mulf %gather3A_1191, %bitcast3A_1246 : vector<16xf32>
        %add3A_1248 = arith.addf %mul3A_1242, %mul3A_1247 : vector<16xf32>
        %shift_left3A_1249 = arith.constant 16 : i32
        %shift_left3A_1250 = vector.broadcast %shift_left3A_1249 : i32 to vector<16xi32>
        %shift_left3A_1251 = arith.shli %get3A_1203, %shift_left3A_1250 : vector<16xi32>
        %bitcast3A_1252 = vector.bitcast %shift_left3A_1251 : vector<16xi32> to vector<16xf32>
        %mul3A_1253 = arith.mulf %gather3A_1181, %bitcast3A_1252 : vector<16xf32>
        %and3A_1254 = arith.constant -65536 : i32
        %and3A_1255 = vector.broadcast %and3A_1254 : i32 to vector<16xi32>
        %and3A_1256 = arith.andi %get3A_1203, %and3A_1255 : vector<16xi32>
        %bitcast3A_1257 = vector.bitcast %and3A_1256 : vector<16xi32> to vector<16xf32>
        %mul3A_1258 = arith.mulf %gather3A_1191, %bitcast3A_1257 : vector<16xf32>
        %add3A_1259 = arith.addf %mul3A_1253, %mul3A_1258 : vector<16xf32>
        %shift_left3A_1260 = arith.constant 16 : i32
        %shift_left3A_1261 = vector.broadcast %shift_left3A_1260 : i32 to vector<16xi32>
        %shift_left3A_1262 = arith.shli %get3A_1206, %shift_left3A_1261 : vector<16xi32>
        %bitcast3A_1263 = vector.bitcast %shift_left3A_1262 : vector<16xi32> to vector<16xf32>
        %mul3A_1264 = arith.mulf %gather3A_1181, %bitcast3A_1263 : vector<16xf32>
        %and3A_1265 = arith.constant -65536 : i32
        %and3A_1266 = vector.broadcast %and3A_1265 : i32 to vector<16xi32>
        %and3A_1267 = arith.andi %get3A_1206, %and3A_1266 : vector<16xi32>
        %bitcast3A_1268 = vector.bitcast %and3A_1267 : vector<16xi32> to vector<16xf32>
        %mul3A_1269 = arith.mulf %gather3A_1191, %bitcast3A_1268 : vector<16xf32>
        %add3A_1270 = arith.addf %mul3A_1264, %mul3A_1269 : vector<16xf32>
        %shift_left3A_1271 = arith.constant 16 : i32
        %shift_left3A_1272 = vector.broadcast %shift_left3A_1271 : i32 to vector<16xi32>
        %shift_left3A_1273 = arith.shli %get3A_1209, %shift_left3A_1272 : vector<16xi32>
        %bitcast3A_1274 = vector.bitcast %shift_left3A_1273 : vector<16xi32> to vector<16xf32>
        %mul3A_1275 = arith.mulf %gather3A_1181, %bitcast3A_1274 : vector<16xf32>
        %and3A_1276 = arith.constant -65536 : i32
        %and3A_1277 = vector.broadcast %and3A_1276 : i32 to vector<16xi32>
        %and3A_1278 = arith.andi %get3A_1209, %and3A_1277 : vector<16xi32>
        %bitcast3A_1279 = vector.bitcast %and3A_1278 : vector<16xi32> to vector<16xf32>
        %mul3A_1280 = arith.mulf %gather3A_1191, %bitcast3A_1279 : vector<16xf32>
        %add3A_1281 = arith.addf %mul3A_1275, %mul3A_1280 : vector<16xf32>
        %shift_left3A_1282 = arith.constant 16 : i32
        %shift_left3A_1283 = vector.broadcast %shift_left3A_1282 : i32 to vector<16xi32>
        %shift_left3A_1284 = arith.shli %get3A_1212, %shift_left3A_1283 : vector<16xi32>
        %bitcast3A_1285 = vector.bitcast %shift_left3A_1284 : vector<16xi32> to vector<16xf32>
        %mul3A_1286 = arith.mulf %gather3A_1181, %bitcast3A_1285 : vector<16xf32>
        %and3A_1287 = arith.constant -65536 : i32
        %and3A_1288 = vector.broadcast %and3A_1287 : i32 to vector<16xi32>
        %and3A_1289 = arith.andi %get3A_1212, %and3A_1288 : vector<16xi32>
        %bitcast3A_1290 = vector.bitcast %and3A_1289 : vector<16xi32> to vector<16xf32>
        %mul3A_1291 = arith.mulf %gather3A_1191, %bitcast3A_1290 : vector<16xf32>
        %add3A_1292 = arith.addf %mul3A_1286, %mul3A_1291 : vector<16xf32>
        %shift_left3A_1293 = arith.constant 16 : i32
        %shift_left3A_1294 = vector.broadcast %shift_left3A_1293 : i32 to vector<16xi32>
        %shift_left3A_1295 = arith.shli %get3A_1215, %shift_left3A_1294 : vector<16xi32>
        %bitcast3A_1296 = vector.bitcast %shift_left3A_1295 : vector<16xi32> to vector<16xf32>
        %mul3A_1297 = arith.mulf %gather3A_1181, %bitcast3A_1296 : vector<16xf32>
        %and3A_1298 = arith.constant -65536 : i32
        %and3A_1299 = vector.broadcast %and3A_1298 : i32 to vector<16xi32>
        %and3A_1300 = arith.andi %get3A_1215, %and3A_1299 : vector<16xi32>
        %bitcast3A_1301 = vector.bitcast %and3A_1300 : vector<16xi32> to vector<16xf32>
        %mul3A_1302 = arith.mulf %gather3A_1191, %bitcast3A_1301 : vector<16xf32>
        %add3A_1303 = arith.addf %mul3A_1297, %mul3A_1302 : vector<16xf32>
        %swap3A_1304 = arith.index_cast %add3A_1167 : i32 to index
        %swap3A_1305 = arith.constant 0 : index
        %swap3A_1306 = tpu.vector_load %arg38[%swap3A_1304, %swap3A_1305] {strides = array<i32>} : memref<80x128xf32, #tpu.memory_space<vmem>>, vector<16xf32>,
        tpu.vector_store %arg38[%swap3A_1304, %swap3A_1305], %add3A_1226 {strides = array<i32>} : memref<80x128xf32, #tpu.memory_space<vmem>>, vector<16xf32>,
        %swap3A_1307 = arith.index_cast %add3A_1167 : i32 to index
        %swap3A_1308 = arith.constant 16 : index
        %swap3A_1309 = tpu.vector_load %arg38[%swap3A_1307, %swap3A_1308] {strides = array<i32>} : memref<80x128xf32, #tpu.memory_space<vmem>>, vector<16xf32>,
        tpu.vector_store %arg38[%swap3A_1307, %swap3A_1308], %add3A_1237 {strides = array<i32>} : memref<80x128xf32, #tpu.memory_space<vmem>>, vector<16xf32>,
        %swap3A_1310 = arith.index_cast %add3A_1167 : i32 to index
        %swap3A_1311 = arith.constant 32 : index
        %swap3A_1312 = tpu.vector_load %arg38[%swap3A_1310, %swap3A_1311] {strides = array<i32>} : memref<80x128xf32, #tpu.memory_space<vmem>>, vector<16xf32>,
        tpu.vector_store %arg38[%swap3A_1310, %swap3A_1311], %add3A_1248 {strides = array<i32>} : memref<80x128xf32, #tpu.memory_space<vmem>>, vector<16xf32>,
        %swap3A_1313 = arith.index_cast %add3A_1167 : i32 to index
        %swap3A_1314 = arith.constant 48 : index
        %swap3A_1315 = tpu.vector_load %arg38[%swap3A_1313, %swap3A_1314] {strides = array<i32>} : memref<80x128xf32, #tpu.memory_space<vmem>>, vector<16xf32>,
        tpu.vector_store %arg38[%swap3A_1313, %swap3A_1314], %add3A_1259 {strides = array<i32>} : memref<80x128xf32, #tpu.memory_space<vmem>>, vector<16xf32>,
        %swap3A_1316 = arith.index_cast %add3A_1167 : i32 to index
        %swap3A_1317 = arith.constant 64 : index
        %swap3A_1318 = tpu.vector_load %arg38[%swap3A_1316, %swap3A_1317] {strides = array<i32>} : memref<80x128xf32, #tpu.memory_space<vmem>>, vector<16xf32>,
        tpu.vector_store %arg38[%swap3A_1316, %swap3A_1317], %add3A_1270 {strides = array<i32>} : memref<80x128xf32, #tpu.memory_space<vmem>>, vector<16xf32>,
        %swap3A_1319 = arith.index_cast %add3A_1167 : i32 to index
        %swap3A_1320 = arith.constant 80 : index
        %swap3A_1321 = tpu.vector_load %arg38[%swap3A_1319, %swap3A_1320] {strides = array<i32>} : memref<80x128xf32, #tpu.memory_space<vmem>>, vector<16xf32>,
        tpu.vector_store %arg38[%swap3A_1319, %swap3A_1320], %add3A_1281 {strides = array<i32>} : memref<80x128xf32, #tpu.memory_space<vmem>>, vector<16xf32>,
        %swap3A_1322 = arith.index_cast %add3A_1167 : i32 to index
        %swap3A_1323 = arith.constant 96 : index
        %swap3A_1324 = tpu.vector_load %arg38[%swap3A_1322, %swap3A_1323] {strides = array<i32>} : memref<80x128xf32, #tpu.memory_space<vmem>>, vector<16xf32>,
        tpu.vector_store %arg38[%swap3A_1322, %swap3A_1323], %add3A_1292 {strides = array<i32>} : memref<80x128xf32, #tpu.memory_space<vmem>>, vector<16xf32>,
        %swap3A_1325 = arith.index_cast %add3A_1167 : i32 to index
        %swap3A_1326 = arith.constant 112 : index
        %swap3A_1327 = tpu.vector_load %arg38[%swap3A_1325, %swap3A_1326] {strides = array<i32>} : memref<80x128xf32, #tpu.memory_space<vmem>>, vector<16xf32>,
        tpu.vector_store %arg38[%swap3A_1325, %swap3A_1326], %add3A_1303 {strides = array<i32>} : memref<80x128xf32, #tpu.memory_space<vmem>>, vector<16xf32>,
        %mul3A_1328 = arith.constant 8 : i32
        %mul3A_1329 = arith.muli %scan3A_302, %mul3A_1328 : i32
        %add3A_1330 = arith.constant 6 : i32
        %add3A_1331 = arith.addi %mul3A_1329, %add3A_1330 : i32
        %broadcast_in_dim3A_1332 = arith.constant 6 : i32
        %broadcast_in_dim3A_1333 = vector.broadcast %broadcast_in_dim3A_1332 : i32 to vector<16xi32>
        %add3A_1334 = vector.broadcast %mul3A_336 : i32 to vector<16xi32>
        %add3A_1335 = arith.addi %broadcast_in_dim3A_1333, %add3A_1334 : vector<16xi32>
        %lt3A_1336 = arith.constant 0 : i32
        %lt3A_1337 = vector.broadcast %lt3A_1336 : i32 to vector<16xi32>
        %lt3A_1338 = arith.cmpi slt, %add3A_1335, %lt3A_1337 : vector<16xi32>
        %add3A_1339 = arith.constant 16 : i32
        %add3A_1340 = vector.broadcast %add3A_1339 : i32 to vector<16xi32>
        %add3A_1341 = arith.addi %add3A_1335, %add3A_1340 : vector<16xi32>
        %select_n3A_1342 = arith.select %lt3A_1338, %add3A_1341, %add3A_1335 : vector<16xi1>, vector<16xi32>
        %broadcast_in_dim3A_1343 = vector.shape_cast %select_n3A_1342 : vector<16xi32> to vector<16x1xi32>
        %gather3A_1344 = vector.shape_cast %broadcast_in_dim3A_1343 : vector<16x1xi32> to vector<16xi32>
        %gather3A_1345 = tpu.dynamic_gather %get3A_338[%gather3A_1344] in [0] : vector<16xf32>, vector<16xi32> -> vector<16xf32>
        %lt3A_1346 = arith.constant 0 : i32
        %lt3A_1347 = vector.broadcast %lt3A_1346 : i32 to vector<16xi32>
        %lt3A_1348 = arith.cmpi slt, %add3A_1335, %lt3A_1347 : vector<16xi32>
        %add3A_1349 = arith.constant 16 : i32
        %add3A_1350 = vector.broadcast %add3A_1349 : i32 to vector<16xi32>
        %add3A_1351 = arith.addi %add3A_1335, %add3A_1350 : vector<16xi32>
        %select_n3A_1352 = arith.select %lt3A_1348, %add3A_1351, %add3A_1335 : vector<16xi1>, vector<16xi32>
        %broadcast_in_dim3A_1353 = vector.shape_cast %select_n3A_1352 : vector<16xi32> to vector<16x1xi32>
        %gather3A_1354 = vector.shape_cast %broadcast_in_dim3A_1353 : vector<16x1xi32> to vector<16xi32>
        %gather3A_1355 = tpu.dynamic_gather %mul3A_348[%gather3A_1354] in [0] : vector<16xf32>, vector<16xi32> -> vector<16xf32>
        %get3A_1356 = arith.index_cast %add3A_1331 : i32 to index
        %get3A_1357 = arith.constant 0 : index
        %get3A_1358 = tpu.vector_load %arg16[%get3A_1356, %get3A_1357] {strides = array<i32>} : memref<80x128xi32, #tpu.memory_space<vmem>>, vector<16xi32>,
        %get3A_1359 = arith.index_cast %add3A_1331 : i32 to index
        %get3A_1360 = arith.constant 16 : index
        %get3A_1361 = tpu.vector_load %arg16[%get3A_1359, %get3A_1360] {strides = array<i32>} : memref<80x128xi32, #tpu.memory_space<vmem>>, vector<16xi32>,
        %get3A_1362 = arith.index_cast %add3A_1331 : i32 to index
        %get3A_1363 = arith.constant 32 : index
        %get3A_1364 = tpu.vector_load %arg16[%get3A_1362, %get3A_1363] {strides = array<i32>} : memref<80x128xi32, #tpu.memory_space<vmem>>, vector<16xi32>,
        %get3A_1365 = arith.index_cast %add3A_1331 : i32 to index
        %get3A_1366 = arith.constant 48 : index
        %get3A_1367 = tpu.vector_load %arg16[%get3A_1365, %get3A_1366] {strides = array<i32>} : memref<80x128xi32, #tpu.memory_space<vmem>>, vector<16xi32>,
        %get3A_1368 = arith.index_cast %add3A_1331 : i32 to index
        %get3A_1369 = arith.constant 64 : index
        %get3A_1370 = tpu.vector_load %arg16[%get3A_1368, %get3A_1369] {strides = array<i32>} : memref<80x128xi32, #tpu.memory_space<vmem>>, vector<16xi32>,
        %get3A_1371 = arith.index_cast %add3A_1331 : i32 to index
        %get3A_1372 = arith.constant 80 : index
        %get3A_1373 = tpu.vector_load %arg16[%get3A_1371, %get3A_1372] {strides = array<i32>} : memref<80x128xi32, #tpu.memory_space<vmem>>, vector<16xi32>,
        %get3A_1374 = arith.index_cast %add3A_1331 : i32 to index
        %get3A_1375 = arith.constant 96 : index
        %get3A_1376 = tpu.vector_load %arg16[%get3A_1374, %get3A_1375] {strides = array<i32>} : memref<80x128xi32, #tpu.memory_space<vmem>>, vector<16xi32>,
        %get3A_1377 = arith.index_cast %add3A_1331 : i32 to index
        %get3A_1378 = arith.constant 112 : index
        %get3A_1379 = tpu.vector_load %arg16[%get3A_1377, %get3A_1378] {strides = array<i32>} : memref<80x128xi32, #tpu.memory_space<vmem>>, vector<16xi32>,
        %shift_left3A_1380 = arith.constant 16 : i32
        %shift_left3A_1381 = vector.broadcast %shift_left3A_1380 : i32 to vector<16xi32>
        %shift_left3A_1382 = arith.shli %get3A_1358, %shift_left3A_1381 : vector<16xi32>
        %bitcast3A_1383 = vector.bitcast %shift_left3A_1382 : vector<16xi32> to vector<16xf32>
        %mul3A_1384 = arith.mulf %gather3A_1345, %bitcast3A_1383 : vector<16xf32>
        %and3A_1385 = arith.constant -65536 : i32
        %and3A_1386 = vector.broadcast %and3A_1385 : i32 to vector<16xi32>
        %and3A_1387 = arith.andi %get3A_1358, %and3A_1386 : vector<16xi32>
        %bitcast3A_1388 = vector.bitcast %and3A_1387 : vector<16xi32> to vector<16xf32>
        %mul3A_1389 = arith.mulf %gather3A_1355, %bitcast3A_1388 : vector<16xf32>
        %add3A_1390 = arith.addf %mul3A_1384, %mul3A_1389 : vector<16xf32>
        %shift_left3A_1391 = arith.constant 16 : i32
        %shift_left3A_1392 = vector.broadcast %shift_left3A_1391 : i32 to vector<16xi32>
        %shift_left3A_1393 = arith.shli %get3A_1361, %shift_left3A_1392 : vector<16xi32>
        %bitcast3A_1394 = vector.bitcast %shift_left3A_1393 : vector<16xi32> to vector<16xf32>
        %mul3A_1395 = arith.mulf %gather3A_1345, %bitcast3A_1394 : vector<16xf32>
        %and3A_1396 = arith.constant -65536 : i32
        %and3A_1397 = vector.broadcast %and3A_1396 : i32 to vector<16xi32>
        %and3A_1398 = arith.andi %get3A_1361, %and3A_1397 : vector<16xi32>
        %bitcast3A_1399 = vector.bitcast %and3A_1398 : vector<16xi32> to vector<16xf32>
        %mul3A_1400 = arith.mulf %gather3A_1355, %bitcast3A_1399 : vector<16xf32>
        %add3A_1401 = arith.addf %mul3A_1395, %mul3A_1400 : vector<16xf32>
        %shift_left3A_1402 = arith.constant 16 : i32
        %shift_left3A_1403 = vector.broadcast %shift_left3A_1402 : i32 to vector<16xi32>
        %shift_left3A_1404 = arith.shli %get3A_1364, %shift_left3A_1403 : vector<16xi32>
        %bitcast3A_1405 = vector.bitcast %shift_left3A_1404 : vector<16xi32> to vector<16xf32>
        %mul3A_1406 = arith.mulf %gather3A_1345, %bitcast3A_1405 : vector<16xf32>
        %and3A_1407 = arith.constant -65536 : i32
        %and3A_1408 = vector.broadcast %and3A_1407 : i32 to vector<16xi32>
        %and3A_1409 = arith.andi %get3A_1364, %and3A_1408 : vector<16xi32>
        %bitcast3A_1410 = vector.bitcast %and3A_1409 : vector<16xi32> to vector<16xf32>
        %mul3A_1411 = arith.mulf %gather3A_1355, %bitcast3A_1410 : vector<16xf32>
        %add3A_1412 = arith.addf %mul3A_1406, %mul3A_1411 : vector<16xf32>
        %shift_left3A_1413 = arith.constant 16 : i32
        %shift_left3A_1414 = vector.broadcast %shift_left3A_1413 : i32 to vector<16xi32>
        %shift_left3A_1415 = arith.shli %get3A_1367, %shift_left3A_1414 : vector<16xi32>
        %bitcast3A_1416 = vector.bitcast %shift_left3A_1415 : vector<16xi32> to vector<16xf32>
        %mul3A_1417 = arith.mulf %gather3A_1345, %bitcast3A_1416 : vector<16xf32>
        %and3A_1418 = arith.constant -65536 : i32
        %and3A_1419 = vector.broadcast %and3A_1418 : i32 to vector<16xi32>
        %and3A_1420 = arith.andi %get3A_1367, %and3A_1419 : vector<16xi32>
        %bitcast3A_1421 = vector.bitcast %and3A_1420 : vector<16xi32> to vector<16xf32>
        %mul3A_1422 = arith.mulf %gather3A_1355, %bitcast3A_1421 : vector<16xf32>
        %add3A_1423 = arith.addf %mul3A_1417, %mul3A_1422 : vector<16xf32>
        %shift_left3A_1424 = arith.constant 16 : i32
        %shift_left3A_1425 = vector.broadcast %shift_left3A_1424 : i32 to vector<16xi32>
        %shift_left3A_1426 = arith.shli %get3A_1370, %shift_left3A_1425 : vector<16xi32>
        %bitcast3A_1427 = vector.bitcast %shift_left3A_1426 : vector<16xi32> to vector<16xf32>
        %mul3A_1428 = arith.mulf %gather3A_1345, %bitcast3A_1427 : vector<16xf32>
        %and3A_1429 = arith.constant -65536 : i32
        %and3A_1430 = vector.broadcast %and3A_1429 : i32 to vector<16xi32>
        %and3A_1431 = arith.andi %get3A_1370, %and3A_1430 : vector<16xi32>
        %bitcast3A_1432 = vector.bitcast %and3A_1431 : vector<16xi32> to vector<16xf32>
        %mul3A_1433 = arith.mulf %gather3A_1355, %bitcast3A_1432 : vector<16xf32>
        %add3A_1434 = arith.addf %mul3A_1428, %mul3A_1433 : vector<16xf32>
        %shift_left3A_1435 = arith.constant 16 : i32
        %shift_left3A_1436 = vector.broadcast %shift_left3A_1435 : i32 to vector<16xi32>
        %shift_left3A_1437 = arith.shli %get3A_1373, %shift_left3A_1436 : vector<16xi32>
        %bitcast3A_1438 = vector.bitcast %shift_left3A_1437 : vector<16xi32> to vector<16xf32>
        %mul3A_1439 = arith.mulf %gather3A_1345, %bitcast3A_1438 : vector<16xf32>
        %and3A_1440 = arith.constant -65536 : i32
        %and3A_1441 = vector.broadcast %and3A_1440 : i32 to vector<16xi32>
        %and3A_1442 = arith.andi %get3A_1373, %and3A_1441 : vector<16xi32>
        %bitcast3A_1443 = vector.bitcast %and3A_1442 : vector<16xi32> to vector<16xf32>
        %mul3A_1444 = arith.mulf %gather3A_1355, %bitcast3A_1443 : vector<16xf32>
        %add3A_1445 = arith.addf %mul3A_1439, %mul3A_1444 : vector<16xf32>
        %shift_left3A_1446 = arith.constant 16 : i32
        %shift_left3A_1447 = vector.broadcast %shift_left3A_1446 : i32 to vector<16xi32>
        %shift_left3A_1448 = arith.shli %get3A_1376, %shift_left3A_1447 : vector<16xi32>
        %bitcast3A_1449 = vector.bitcast %shift_left3A_1448 : vector<16xi32> to vector<16xf32>
        %mul3A_1450 = arith.mulf %gather3A_1345, %bitcast3A_1449 : vector<16xf32>
        %and3A_1451 = arith.constant -65536 : i32
        %and3A_1452 = vector.broadcast %and3A_1451 : i32 to vector<16xi32>
        %and3A_1453 = arith.andi %get3A_1376, %and3A_1452 : vector<16xi32>
        %bitcast3A_1454 = vector.bitcast %and3A_1453 : vector<16xi32> to vector<16xf32>
        %mul3A_1455 = arith.mulf %gather3A_1355, %bitcast3A_1454 : vector<16xf32>
        %add3A_1456 = arith.addf %mul3A_1450, %mul3A_1455 : vector<16xf32>
        %shift_left3A_1457 = arith.constant 16 : i32
        %shift_left3A_1458 = vector.broadcast %shift_left3A_1457 : i32 to vector<16xi32>
        %shift_left3A_1459 = arith.shli %get3A_1379, %shift_left3A_1458 : vector<16xi32>
        %bitcast3A_1460 = vector.bitcast %shift_left3A_1459 : vector<16xi32> to vector<16xf32>
        %mul3A_1461 = arith.mulf %gather3A_1345, %bitcast3A_1460 : vector<16xf32>
        %and3A_1462 = arith.constant -65536 : i32
        %and3A_1463 = vector.broadcast %and3A_1462 : i32 to vector<16xi32>
        %and3A_1464 = arith.andi %get3A_1379, %and3A_1463 : vector<16xi32>
        %bitcast3A_1465 = vector.bitcast %and3A_1464 : vector<16xi32> to vector<16xf32>
        %mul3A_1466 = arith.mulf %gather3A_1355, %bitcast3A_1465 : vector<16xf32>
        %add3A_1467 = arith.addf %mul3A_1461, %mul3A_1466 : vector<16xf32>
        %swap3A_1468 = arith.index_cast %add3A_1331 : i32 to index
        %swap3A_1469 = arith.constant 0 : index
        %swap3A_1470 = tpu.vector_load %arg38[%swap3A_1468, %swap3A_1469] {strides = array<i32>} : memref<80x128xf32, #tpu.memory_space<vmem>>, vector<16xf32>,
        tpu.vector_store %arg38[%swap3A_1468, %swap3A_1469], %add3A_1390 {strides = array<i32>} : memref<80x128xf32, #tpu.memory_space<vmem>>, vector<16xf32>,
        %swap3A_1471 = arith.index_cast %add3A_1331 : i32 to index
        %swap3A_1472 = arith.constant 16 : index
        %swap3A_1473 = tpu.vector_load %arg38[%swap3A_1471, %swap3A_1472] {strides = array<i32>} : memref<80x128xf32, #tpu.memory_space<vmem>>, vector<16xf32>,
        tpu.vector_store %arg38[%swap3A_1471, %swap3A_1472], %add3A_1401 {strides = array<i32>} : memref<80x128xf32, #tpu.memory_space<vmem>>, vector<16xf32>,
        %swap3A_1474 = arith.index_cast %add3A_1331 : i32 to index
        %swap3A_1475 = arith.constant 32 : index
        %swap3A_1476 = tpu.vector_load %arg38[%swap3A_1474, %swap3A_1475] {strides = array<i32>} : memref<80x128xf32, #tpu.memory_space<vmem>>, vector<16xf32>,
        tpu.vector_store %arg38[%swap3A_1474, %swap3A_1475], %add3A_1412 {strides = array<i32>} : memref<80x128xf32, #tpu.memory_space<vmem>>, vector<16xf32>,
        %swap3A_1477 = arith.index_cast %add3A_1331 : i32 to index
        %swap3A_1478 = arith.constant 48 : index
        %swap3A_1479 = tpu.vector_load %arg38[%swap3A_1477, %swap3A_1478] {strides = array<i32>} : memref<80x128xf32, #tpu.memory_space<vmem>>, vector<16xf32>,
        tpu.vector_store %arg38[%swap3A_1477, %swap3A_1478], %add3A_1423 {strides = array<i32>} : memref<80x128xf32, #tpu.memory_space<vmem>>, vector<16xf32>,
        %swap3A_1480 = arith.index_cast %add3A_1331 : i32 to index
        %swap3A_1481 = arith.constant 64 : index
        %swap3A_1482 = tpu.vector_load %arg38[%swap3A_1480, %swap3A_1481] {strides = array<i32>} : memref<80x128xf32, #tpu.memory_space<vmem>>, vector<16xf32>,
        tpu.vector_store %arg38[%swap3A_1480, %swap3A_1481], %add3A_1434 {strides = array<i32>} : memref<80x128xf32, #tpu.memory_space<vmem>>, vector<16xf32>,
        %swap3A_1483 = arith.index_cast %add3A_1331 : i32 to index
        %swap3A_1484 = arith.constant 80 : index
        %swap3A_1485 = tpu.vector_load %arg38[%swap3A_1483, %swap3A_1484] {strides = array<i32>} : memref<80x128xf32, #tpu.memory_space<vmem>>, vector<16xf32>,
        tpu.vector_store %arg38[%swap3A_1483, %swap3A_1484], %add3A_1445 {strides = array<i32>} : memref<80x128xf32, #tpu.memory_space<vmem>>, vector<16xf32>,
        %swap3A_1486 = arith.index_cast %add3A_1331 : i32 to index
        %swap3A_1487 = arith.constant 96 : index
        %swap3A_1488 = tpu.vector_load %arg38[%swap3A_1486, %swap3A_1487] {strides = array<i32>} : memref<80x128xf32, #tpu.memory_space<vmem>>, vector<16xf32>,
        tpu.vector_store %arg38[%swap3A_1486, %swap3A_1487], %add3A_1456 {strides = array<i32>} : memref<80x128xf32, #tpu.memory_space<vmem>>, vector<16xf32>,
        %swap3A_1489 = arith.index_cast %add3A_1331 : i32 to index
        %swap3A_1490 = arith.constant 112 : index
        %swap3A_1491 = tpu.vector_load %arg38[%swap3A_1489, %swap3A_1490] {strides = array<i32>} : memref<80x128xf32, #tpu.memory_space<vmem>>, vector<16xf32>,
        tpu.vector_store %arg38[%swap3A_1489, %swap3A_1490], %add3A_1467 {strides = array<i32>} : memref<80x128xf32, #tpu.memory_space<vmem>>, vector<16xf32>,
        %mul3A_1492 = arith.constant 8 : i32
        %mul3A_1493 = arith.muli %scan3A_302, %mul3A_1492 : i32
        %add3A_1494 = arith.constant 7 : i32
        %add3A_1495 = arith.addi %mul3A_1493, %add3A_1494 : i32
        %broadcast_in_dim3A_1496 = arith.constant 7 : i32
        %broadcast_in_dim3A_1497 = vector.broadcast %broadcast_in_dim3A_1496 : i32 to vector<16xi32>
        %add3A_1498 = vector.broadcast %mul3A_336 : i32 to vector<16xi32>
        %add3A_1499 = arith.addi %broadcast_in_dim3A_1497, %add3A_1498 : vector<16xi32>
        %lt3A_1500 = arith.constant 0 : i32
        %lt3A_1501 = vector.broadcast %lt3A_1500 : i32 to vector<16xi32>
        %lt3A_1502 = arith.cmpi slt, %add3A_1499, %lt3A_1501 : vector<16xi32>
        %add3A_1503 = arith.constant 16 : i32
        %add3A_1504 = vector.broadcast %add3A_1503 : i32 to vector<16xi32>
        %add3A_1505 = arith.addi %add3A_1499, %add3A_1504 : vector<16xi32>
        %select_n3A_1506 = arith.select %lt3A_1502, %add3A_1505, %add3A_1499 : vector<16xi1>, vector<16xi32>
        %broadcast_in_dim3A_1507 = vector.shape_cast %select_n3A_1506 : vector<16xi32> to vector<16x1xi32>
        %gather3A_1508 = vector.shape_cast %broadcast_in_dim3A_1507 : vector<16x1xi32> to vector<16xi32>
        %gather3A_1509 = tpu.dynamic_gather %get3A_338[%gather3A_1508] in [0] : vector<16xf32>, vector<16xi32> -> vector<16xf32>
        %lt3A_1510 = arith.constant 0 : i32
        %lt3A_1511 = vector.broadcast %lt3A_1510 : i32 to vector<16xi32>
        %lt3A_1512 = arith.cmpi slt, %add3A_1499, %lt3A_1511 : vector<16xi32>
        %add3A_1513 = arith.constant 16 : i32
        %add3A_1514 = vector.broadcast %add3A_1513 : i32 to vector<16xi32>
        %add3A_1515 = arith.addi %add3A_1499, %add3A_1514 : vector<16xi32>
        %select_n3A_1516 = arith.select %lt3A_1512, %add3A_1515, %add3A_1499 : vector<16xi1>, vector<16xi32>
        %broadcast_in_dim3A_1517 = vector.shape_cast %select_n3A_1516 : vector<16xi32> to vector<16x1xi32>
        %gather3A_1518 = vector.shape_cast %broadcast_in_dim3A_1517 : vector<16x1xi32> to vector<16xi32>
        %gather3A_1519 = tpu.dynamic_gather %mul3A_348[%gather3A_1518] in [0] : vector<16xf32>, vector<16xi32> -> vector<16xf32>
        %get3A_1520 = arith.index_cast %add3A_1495 : i32 to index
        %get3A_1521 = arith.constant 0 : index
        %get3A_1522 = tpu.vector_load %arg16[%get3A_1520, %get3A_1521] {strides = array<i32>} : memref<80x128xi32, #tpu.memory_space<vmem>>, vector<16xi32>,
        %get3A_1523 = arith.index_cast %add3A_1495 : i32 to index
        %get3A_1524 = arith.constant 16 : index
        %get3A_1525 = tpu.vector_load %arg16[%get3A_1523, %get3A_1524] {strides = array<i32>} : memref<80x128xi32, #tpu.memory_space<vmem>>, vector<16xi32>,
        %get3A_1526 = arith.index_cast %add3A_1495 : i32 to index
        %get3A_1527 = arith.constant 32 : index
        %get3A_1528 = tpu.vector_load %arg16[%get3A_1526, %get3A_1527] {strides = array<i32>} : memref<80x128xi32, #tpu.memory_space<vmem>>, vector<16xi32>,
        %get3A_1529 = arith.index_cast %add3A_1495 : i32 to index
        %get3A_1530 = arith.constant 48 : index
        %get3A_1531 = tpu.vector_load %arg16[%get3A_1529, %get3A_1530] {strides = array<i32>} : memref<80x128xi32, #tpu.memory_space<vmem>>, vector<16xi32>,
        %get3A_1532 = arith.index_cast %add3A_1495 : i32 to index
        %get3A_1533 = arith.constant 64 : index
        %get3A_1534 = tpu.vector_load %arg16[%get3A_1532, %get3A_1533] {strides = array<i32>} : memref<80x128xi32, #tpu.memory_space<vmem>>, vector<16xi32>,
        %get3A_1535 = arith.index_cast %add3A_1495 : i32 to index
        %get3A_1536 = arith.constant 80 : index
        %get3A_1537 = tpu.vector_load %arg16[%get3A_1535, %get3A_1536] {strides = array<i32>} : memref<80x128xi32, #tpu.memory_space<vmem>>, vector<16xi32>,
        %get3A_1538 = arith.index_cast %add3A_1495 : i32 to index
        %get3A_1539 = arith.constant 96 : index
        %get3A_1540 = tpu.vector_load %arg16[%get3A_1538, %get3A_1539] {strides = array<i32>} : memref<80x128xi32, #tpu.memory_space<vmem>>, vector<16xi32>,
        %get3A_1541 = arith.index_cast %add3A_1495 : i32 to index
        %get3A_1542 = arith.constant 112 : index
        %get3A_1543 = tpu.vector_load %arg16[%get3A_1541, %get3A_1542] {strides = array<i32>} : memref<80x128xi32, #tpu.memory_space<vmem>>, vector<16xi32>,
        %shift_left3A_1544 = arith.constant 16 : i32
        %shift_left3A_1545 = vector.broadcast %shift_left3A_1544 : i32 to vector<16xi32>
        %shift_left3A_1546 = arith.shli %get3A_1522, %shift_left3A_1545 : vector<16xi32>
        %bitcast3A_1547 = vector.bitcast %shift_left3A_1546 : vector<16xi32> to vector<16xf32>
        %mul3A_1548 = arith.mulf %gather3A_1509, %bitcast3A_1547 : vector<16xf32>
        %and3A_1549 = arith.constant -65536 : i32
        %and3A_1550 = vector.broadcast %and3A_1549 : i32 to vector<16xi32>
        %and3A_1551 = arith.andi %get3A_1522, %and3A_1550 : vector<16xi32>
        %bitcast3A_1552 = vector.bitcast %and3A_1551 : vector<16xi32> to vector<16xf32>
        %mul3A_1553 = arith.mulf %gather3A_1519, %bitcast3A_1552 : vector<16xf32>
        %add3A_1554 = arith.addf %mul3A_1548, %mul3A_1553 : vector<16xf32>
        %shift_left3A_1555 = arith.constant 16 : i32
        %shift_left3A_1556 = vector.broadcast %shift_left3A_1555 : i32 to vector<16xi32>
        %shift_left3A_1557 = arith.shli %get3A_1525, %shift_left3A_1556 : vector<16xi32>
        %bitcast3A_1558 = vector.bitcast %shift_left3A_1557 : vector<16xi32> to vector<16xf32>
        %mul3A_1559 = arith.mulf %gather3A_1509, %bitcast3A_1558 : vector<16xf32>
        %and3A_1560 = arith.constant -65536 : i32
        %and3A_1561 = vector.broadcast %and3A_1560 : i32 to vector<16xi32>
        %and3A_1562 = arith.andi %get3A_1525, %and3A_1561 : vector<16xi32>
        %bitcast3A_1563 = vector.bitcast %and3A_1562 : vector<16xi32> to vector<16xf32>
        %mul3A_1564 = arith.mulf %gather3A_1519, %bitcast3A_1563 : vector<16xf32>
        %add3A_1565 = arith.addf %mul3A_1559, %mul3A_1564 : vector<16xf32>
        %shift_left3A_1566 = arith.constant 16 : i32
        %shift_left3A_1567 = vector.broadcast %shift_left3A_1566 : i32 to vector<16xi32>
        %shift_left3A_1568 = arith.shli %get3A_1528, %shift_left3A_1567 : vector<16xi32>
        %bitcast3A_1569 = vector.bitcast %shift_left3A_1568 : vector<16xi32> to vector<16xf32>
        %mul3A_1570 = arith.mulf %gather3A_1509, %bitcast3A_1569 : vector<16xf32>
        %and3A_1571 = arith.constant -65536 : i32
        %and3A_1572 = vector.broadcast %and3A_1571 : i32 to vector<16xi32>
        %and3A_1573 = arith.andi %get3A_1528, %and3A_1572 : vector<16xi32>
        %bitcast3A_1574 = vector.bitcast %and3A_1573 : vector<16xi32> to vector<16xf32>
        %mul3A_1575 = arith.mulf %gather3A_1519, %bitcast3A_1574 : vector<16xf32>
        %add3A_1576 = arith.addf %mul3A_1570, %mul3A_1575 : vector<16xf32>
        %shift_left3A_1577 = arith.constant 16 : i32
        %shift_left3A_1578 = vector.broadcast %shift_left3A_1577 : i32 to vector<16xi32>
        %shift_left3A_1579 = arith.shli %get3A_1531, %shift_left3A_1578 : vector<16xi32>
        %bitcast3A_1580 = vector.bitcast %shift_left3A_1579 : vector<16xi32> to vector<16xf32>
        %mul3A_1581 = arith.mulf %gather3A_1509, %bitcast3A_1580 : vector<16xf32>
        %and3A_1582 = arith.constant -65536 : i32
        %and3A_1583 = vector.broadcast %and3A_1582 : i32 to vector<16xi32>
        %and3A_1584 = arith.andi %get3A_1531, %and3A_1583 : vector<16xi32>
        %bitcast3A_1585 = vector.bitcast %and3A_1584 : vector<16xi32> to vector<16xf32>
        %mul3A_1586 = arith.mulf %gather3A_1519, %bitcast3A_1585 : vector<16xf32>
        %add3A_1587 = arith.addf %mul3A_1581, %mul3A_1586 : vector<16xf32>
        %shift_left3A_1588 = arith.constant 16 : i32
        %shift_left3A_1589 = vector.broadcast %shift_left3A_1588 : i32 to vector<16xi32>
        %shift_left3A_1590 = arith.shli %get3A_1534, %shift_left3A_1589 : vector<16xi32>
        %bitcast3A_1591 = vector.bitcast %shift_left3A_1590 : vector<16xi32> to vector<16xf32>
        %mul3A_1592 = arith.mulf %gather3A_1509, %bitcast3A_1591 : vector<16xf32>
        %and3A_1593 = arith.constant -65536 : i32
        %and3A_1594 = vector.broadcast %and3A_1593 : i32 to vector<16xi32>
        %and3A_1595 = arith.andi %get3A_1534, %and3A_1594 : vector<16xi32>
        %bitcast3A_1596 = vector.bitcast %and3A_1595 : vector<16xi32> to vector<16xf32>
        %mul3A_1597 = arith.mulf %gather3A_1519, %bitcast3A_1596 : vector<16xf32>
        %add3A_1598 = arith.addf %mul3A_1592, %mul3A_1597 : vector<16xf32>
        %shift_left3A_1599 = arith.constant 16 : i32
        %shift_left3A_1600 = vector.broadcast %shift_left3A_1599 : i32 to vector<16xi32>
        %shift_left3A_1601 = arith.shli %get3A_1537, %shift_left3A_1600 : vector<16xi32>
        %bitcast3A_1602 = vector.bitcast %shift_left3A_1601 : vector<16xi32> to vector<16xf32>
        %mul3A_1603 = arith.mulf %gather3A_1509, %bitcast3A_1602 : vector<16xf32>
        %and3A_1604 = arith.constant -65536 : i32
        %and3A_1605 = vector.broadcast %and3A_1604 : i32 to vector<16xi32>
        %and3A_1606 = arith.andi %get3A_1537, %and3A_1605 : vector<16xi32>
        %bitcast3A_1607 = vector.bitcast %and3A_1606 : vector<16xi32> to vector<16xf32>
        %mul3A_1608 = arith.mulf %gather3A_1519, %bitcast3A_1607 : vector<16xf32>
        %add3A_1609 = arith.addf %mul3A_1603, %mul3A_1608 : vector<16xf32>
        %shift_left3A_1610 = arith.constant 16 : i32
        %shift_left3A_1611 = vector.broadcast %shift_left3A_1610 : i32 to vector<16xi32>
        %shift_left3A_1612 = arith.shli %get3A_1540, %shift_left3A_1611 : vector<16xi32>
        %bitcast3A_1613 = vector.bitcast %shift_left3A_1612 : vector<16xi32> to vector<16xf32>
        %mul3A_1614 = arith.mulf %gather3A_1509, %bitcast3A_1613 : vector<16xf32>
        %and3A_1615 = arith.constant -65536 : i32
        %and3A_1616 = vector.broadcast %and3A_1615 : i32 to vector<16xi32>
        %and3A_1617 = arith.andi %get3A_1540, %and3A_1616 : vector<16xi32>
        %bitcast3A_1618 = vector.bitcast %and3A_1617 : vector<16xi32> to vector<16xf32>
        %mul3A_1619 = arith.mulf %gather3A_1519, %bitcast3A_1618 : vector<16xf32>
        %add3A_1620 = arith.addf %mul3A_1614, %mul3A_1619 : vector<16xf32>
        %shift_left3A_1621 = arith.constant 16 : i32
        %shift_left3A_1622 = vector.broadcast %shift_left3A_1621 : i32 to vector<16xi32>
        %shift_left3A_1623 = arith.shli %get3A_1543, %shift_left3A_1622 : vector<16xi32>
        %bitcast3A_1624 = vector.bitcast %shift_left3A_1623 : vector<16xi32> to vector<16xf32>
        %mul3A_1625 = arith.mulf %gather3A_1509, %bitcast3A_1624 : vector<16xf32>
        %and3A_1626 = arith.constant -65536 : i32
        %and3A_1627 = vector.broadcast %and3A_1626 : i32 to vector<16xi32>
        %and3A_1628 = arith.andi %get3A_1543, %and3A_1627 : vector<16xi32>
        %bitcast3A_1629 = vector.bitcast %and3A_1628 : vector<16xi32> to vector<16xf32>
        %mul3A_1630 = arith.mulf %gather3A_1519, %bitcast3A_1629 : vector<16xf32>
        %add3A_1631 = arith.addf %mul3A_1625, %mul3A_1630 : vector<16xf32>
        %swap3A_1632 = arith.index_cast %add3A_1495 : i32 to index
        %swap3A_1633 = arith.constant 0 : index
        %swap3A_1634 = tpu.vector_load %arg38[%swap3A_1632, %swap3A_1633] {strides = array<i32>} : memref<80x128xf32, #tpu.memory_space<vmem>>, vector<16xf32>,
        tpu.vector_store %arg38[%swap3A_1632, %swap3A_1633], %add3A_1554 {strides = array<i32>} : memref<80x128xf32, #tpu.memory_space<vmem>>, vector<16xf32>,
        %swap3A_1635 = arith.index_cast %add3A_1495 : i32 to index
        %swap3A_1636 = arith.constant 16 : index
        %swap3A_1637 = tpu.vector_load %arg38[%swap3A_1635, %swap3A_1636] {strides = array<i32>} : memref<80x128xf32, #tpu.memory_space<vmem>>, vector<16xf32>,
        tpu.vector_store %arg38[%swap3A_1635, %swap3A_1636], %add3A_1565 {strides = array<i32>} : memref<80x128xf32, #tpu.memory_space<vmem>>, vector<16xf32>,
        %swap3A_1638 = arith.index_cast %add3A_1495 : i32 to index
        %swap3A_1639 = arith.constant 32 : index
        %swap3A_1640 = tpu.vector_load %arg38[%swap3A_1638, %swap3A_1639] {strides = array<i32>} : memref<80x128xf32, #tpu.memory_space<vmem>>, vector<16xf32>,
        tpu.vector_store %arg38[%swap3A_1638, %swap3A_1639], %add3A_1576 {strides = array<i32>} : memref<80x128xf32, #tpu.memory_space<vmem>>, vector<16xf32>,
        %swap3A_1641 = arith.index_cast %add3A_1495 : i32 to index
        %swap3A_1642 = arith.constant 48 : index
        %swap3A_1643 = tpu.vector_load %arg38[%swap3A_1641, %swap3A_1642] {strides = array<i32>} : memref<80x128xf32, #tpu.memory_space<vmem>>, vector<16xf32>,
        tpu.vector_store %arg38[%swap3A_1641, %swap3A_1642], %add3A_1587 {strides = array<i32>} : memref<80x128xf32, #tpu.memory_space<vmem>>, vector<16xf32>,
        %swap3A_1644 = arith.index_cast %add3A_1495 : i32 to index
        %swap3A_1645 = arith.constant 64 : index
        %swap3A_1646 = tpu.vector_load %arg38[%swap3A_1644, %swap3A_1645] {strides = array<i32>} : memref<80x128xf32, #tpu.memory_space<vmem>>, vector<16xf32>,
        tpu.vector_store %arg38[%swap3A_1644, %swap3A_1645], %add3A_1598 {strides = array<i32>} : memref<80x128xf32, #tpu.memory_space<vmem>>, vector<16xf32>,
        %swap3A_1647 = arith.index_cast %add3A_1495 : i32 to index
        %swap3A_1648 = arith.constant 80 : index
        %swap3A_1649 = tpu.vector_load %arg38[%swap3A_1647, %swap3A_1648] {strides = array<i32>} : memref<80x128xf32, #tpu.memory_space<vmem>>, vector<16xf32>,
        tpu.vector_store %arg38[%swap3A_1647, %swap3A_1648], %add3A_1609 {strides = array<i32>} : memref<80x128xf32, #tpu.memory_space<vmem>>, vector<16xf32>,
        %swap3A_1650 = arith.index_cast %add3A_1495 : i32 to index
        %swap3A_1651 = arith.constant 96 : index
        %swap3A_1652 = tpu.vector_load %arg38[%swap3A_1650, %swap3A_1651] {strides = array<i32>} : memref<80x128xf32, #tpu.memory_space<vmem>>, vector<16xf32>,
        tpu.vector_store %arg38[%swap3A_1650, %swap3A_1651], %add3A_1620 {strides = array<i32>} : memref<80x128xf32, #tpu.memory_space<vmem>>, vector<16xf32>,
        %swap3A_1653 = arith.index_cast %add3A_1495 : i32 to index
        %swap3A_1654 = arith.constant 112 : index
        %swap3A_1655 = tpu.vector_load %arg38[%swap3A_1653, %swap3A_1654] {strides = array<i32>} : memref<80x128xf32, #tpu.memory_space<vmem>>, vector<16xf32>,
        tpu.vector_store %arg38[%swap3A_1653, %swap3A_1654], %add3A_1631 {strides = array<i32>} : memref<80x128xf32, #tpu.memory_space<vmem>>, vector<16xf32>,
      }
      %scan3A_287 = arith.constant 10 : i32
      %dma_wait3A_288 = arith.constant 0 : i32
      %dma_wait3A_289 = tpu.memref_slice %arg3[%dma_wait3A_288] : memref<320000xi32, #tpu.memory_space<hbm>> -> memref<80xi32, #tpu.memory_space<hbm>>
      %dma_wait3A_290 = arith.constant 0 : i32
      %dma_wait3A_291 = tpu.memref_slice %arg3[%dma_wait3A_290] : memref<320000xi32, #tpu.memory_space<hbm>> -> memref<80xi32, #tpu.memory_space<hbm>>
      tpu.wait_dma2 semaphore(%arg22 : memref<!tpu.dma_semaphore, #tpu.memory_space<semaphore_mem>>) src(%dma_wait3A_291 : memref<80xi32, #tpu.memory_space<hbm>>) dst(%arg20 : memref<80xi32, #tpu.memory_space<vmem>>)
      %dma_start3A_292 = arith.constant 0 : i32
      %dma_start3A_293 = arith.constant 0 : i32
      %dma_start3A_294 = tpu.memref_slice %arg10[%dma_start3A_292, %dma_start3A_293] : memref<10000x128xf32, #tpu.memory_space<vmem_shared>> -> memref<10000x128xf32, #tpu.memory_space<vmem_shared>>
      tpu.enqueue_indirect_dma source(%arg38 : memref<80x128xf32, #tpu.memory_space<vmem>>) target(%dma_start3A_294 : memref<10000x128xf32, #tpu.memory_space<vmem_shared>>) offsets(%arg20 : memref<80xi32, #tpu.memory_space<vmem>>) semaphore(%arg24 : memref<!tpu.dma_semaphore, #tpu.memory_space<semaphore_mem>>) {add = true}
      %add3A_295 = arith.constant 2 : i32
      %add3A_296 = arith.addi %add3A_221, %add3A_295 : i32
      %lt3A_297 = arith.constant 125 : i32
      %lt3A_298 = arith.cmpi slt, %add3A_296, %lt3A_297 : i32
      %convert_element_type3A_299 = arith.extui %lt3A_298 : i1 to i32
      %cond3A_300 = arith.constant 0 : i32
      %cond3A_301 = arith.cmpi ne, %convert_element_type3A_299, %cond3A_300 : i32
      scf.if %cond3A_301 {
        %dma_wait3A_302 = arith.constant 0 : i32
        %dma_wait3A_303 = tpu.memref_slice %arg4[%dma_wait3A_302] : memref<320000xi32, #tpu.memory_space<hbm>> -> memref<80xi32, #tpu.memory_space<hbm>>
        %dma_wait3A_304 = arith.constant 0 : i32
        %dma_wait3A_305 = tpu.memref_slice %arg4[%dma_wait3A_304] : memref<320000xi32, #tpu.memory_space<hbm>> -> memref<80xi32, #tpu.memory_space<hbm>>
        tpu.wait_dma2 semaphore(%arg14 : memref<!tpu.dma_semaphore, #tpu.memory_space<semaphore_mem>>) src(%dma_wait3A_305 : memref<80xi32, #tpu.memory_space<hbm>>) dst(%arg12 : memref<80xi32, #tpu.memory_space<vmem>>)
        %dma_start3A_306 = arith.constant 0 : i32
        %dma_start3A_307 = arith.constant 0 : i32
        %dma_start3A_308 = tpu.memref_slice %arg2[%dma_start3A_306, %dma_start3A_307] : memref<10000x128xi32, #tpu.memory_space<hbm>> -> memref<10000x128xi32, #tpu.memory_space<hbm>>
        tpu.enqueue_indirect_dma source(%dma_start3A_308 : memref<10000x128xi32, #tpu.memory_space<hbm>>) target(%arg16 : memref<80x128xi32, #tpu.memory_space<vmem>>) offsets(%arg12 : memref<80xi32, #tpu.memory_space<vmem>>) semaphore(%arg18 : memref<!tpu.dma_semaphore, #tpu.memory_space<semaphore_mem>>)
      } else {
      }
    }
    %scan3A_68 = arith.constant 62 : i32
    %dma_wait3A_69 = arith.constant 0 : i32
    %dma_wait3A_70 = arith.constant 0 : i32
    %dma_wait3A_71 = tpu.memref_slice %arg2[%dma_wait3A_69, %dma_wait3A_70] : memref<10000x128xi32, #tpu.memory_space<hbm>> -> memref<80x128xi32, #tpu.memory_space<hbm>>
    %dma_wait3A_72 = arith.constant 0 : i32
    %dma_wait3A_73 = arith.constant 0 : i32
    %dma_wait3A_74 = tpu.memref_slice %arg2[%dma_wait3A_72, %dma_wait3A_73] : memref<10000x128xi32, #tpu.memory_space<hbm>> -> memref<80x128xi32, #tpu.memory_space<hbm>>
    tpu.wait_dma2 semaphore(%arg17 : memref<!tpu.dma_semaphore, #tpu.memory_space<semaphore_mem>>) src(%dma_wait3A_74 : memref<80x128xi32, #tpu.memory_space<hbm>>) dst(%arg15 : memref<80x128xi32, #tpu.memory_space<vmem>>)
    %dma_wait3A_75 = arith.constant 0 : i32
    %dma_wait3A_76 = arith.constant 0 : i32
    %dma_wait3A_77 = tpu.memref_slice %arg10[%dma_wait3A_75, %dma_wait3A_76] : memref<10000x128xf32, #tpu.memory_space<vmem_shared>> -> memref<10000x128xf32, #tpu.memory_space<vmem_shared>>
    tpu.wait_indirect_dma semaphore(%arg23 : memref<!tpu.dma_semaphore, #tpu.memory_space<semaphore_mem>>) src(%arg37 : memref<80x128xf32, #tpu.memory_space<vmem>>) dst(%dma_wait3A_77 : memref<10000x128xf32, #tpu.memory_space<vmem_shared>>)
    %add3A_78 = arith.constant 9920 : i32
    %add3A_79 = arith.addi %mul3A_2, %add3A_78 : i32
    %dma_start3A_80 = tpu.memref_slice %arg3[%add3A_79] : memref<320000xi32, #tpu.memory_space<hbm>> -> memref<80xi32, #tpu.memory_space<hbm>>
    %dma_start3A_81 = tpu.memref_slice %arg3[%add3A_79] : memref<320000xi32, #tpu.memory_space<hbm>> -> memref<80xi32, #tpu.memory_space<hbm>>
    tpu.enqueue_dma source(%dma_start3A_81 : memref<80xi32, #tpu.memory_space<hbm>>) target(%arg19 : memref<80xi32, #tpu.memory_space<vmem>>) target_semaphore(%arg21 : memref<!tpu.dma_semaphore, #tpu.memory_space<semaphore_mem>>)
    %dma_wait3A_82 = arith.constant 0 : i32
    %dma_wait3A_83 = arith.constant 0 : i32
    %dma_wait3A_84 = arith.constant 0 : i32
    %dma_wait3A_85 = arith.constant 0 : i32
    %dma_wait3A_86 = tpu.memref_slice %arg5[%dma_wait3A_82, %dma_wait3A_83, %dma_wait3A_84, %dma_wait3A_85] : memref<32x125x5x16xf32, #tpu.memory_space<hbm>> -> memref<1x1x5x16xf32, #tpu.memory_space<hbm>>
    %dma_wait3A_87 = tpu.memref_squeeze %dma_wait3A_86 : memref<1x1x5x16xf32, #tpu.memory_space<hbm>> -> memref<5x16xf32, #tpu.memory_space<hbm>>
    %dma_wait3A_88 = arith.constant 0 : i32
    %dma_wait3A_89 = arith.constant 0 : i32
    %dma_wait3A_90 = tpu.memref_slice %arg5[%dma_wait3A_82, %dma_wait3A_83, %dma_wait3A_88, %dma_wait3A_89] : memref<32x125x5x16xf32, #tpu.memory_space<hbm>> -> memref<1x1x5x16xf32, #tpu.memory_space<hbm>>
    %dma_wait3A_91 = tpu.memref_squeeze %dma_wait3A_90 : memref<1x1x5x16xf32, #tpu.memory_space<hbm>> -> memref<5x16xf32, #tpu.memory_space<hbm>>
    tpu.wait_dma2 semaphore(%arg27 : memref<!tpu.dma_semaphore, #tpu.memory_space<semaphore_mem>>) src(%dma_wait3A_91 : memref<5x16xf32, #tpu.memory_space<hbm>>) dst(%arg25 : memref<5x16xf32, #tpu.memory_space<vmem>>)
    %dma_wait3A_92 = arith.constant 0 : i32
    %dma_wait3A_93 = arith.constant 0 : i32
    %dma_wait3A_94 = arith.constant 0 : i32
    %dma_wait3A_95 = arith.constant 0 : i32
    %dma_wait3A_96 = tpu.memref_slice %arg6[%dma_wait3A_92, %dma_wait3A_93, %dma_wait3A_94, %dma_wait3A_95] : memref<32x125x5x16xf32, #tpu.memory_space<hbm>> -> memref<1x1x5x16xf32, #tpu.memory_space<hbm>>
    %dma_wait3A_97 = tpu.memref_squeeze %dma_wait3A_96 : memref<1x1x5x16xf32, #tpu.memory_space<hbm>> -> memref<5x16xf32, #tpu.memory_space<hbm>>
    %dma_wait3A_98 = arith.constant 0 : i32
    %dma_wait3A_99 = arith.constant 0 : i32
    %dma_wait3A_100 = tpu.memref_slice %arg6[%dma_wait3A_92, %dma_wait3A_93, %dma_wait3A_98, %dma_wait3A_99] : memref<32x125x5x16xf32, #tpu.memory_space<hbm>> -> memref<1x1x5x16xf32, #tpu.memory_space<hbm>>
    %dma_wait3A_101 = tpu.memref_squeeze %dma_wait3A_100 : memref<1x1x5x16xf32, #tpu.memory_space<hbm>> -> memref<5x16xf32, #tpu.memory_space<hbm>>
    tpu.wait_dma2 semaphore(%arg35 : memref<!tpu.dma_semaphore, #tpu.memory_space<semaphore_mem>>) src(%dma_wait3A_101 : memref<5x16xf32, #tpu.memory_space<hbm>>) dst(%arg33 : memref<5x16xf32, #tpu.memory_space<vmem>>)
    %dma_wait3A_102 = arith.constant 0 : i32
    %dma_wait3A_103 = arith.constant 0 : i32
    %dma_wait3A_104 = arith.constant 0 : i32
    %dma_wait3A_105 = arith.constant 0 : i32
    %dma_wait3A_106 = tpu.memref_slice %arg7[%dma_wait3A_102, %dma_wait3A_103, %dma_wait3A_104, %dma_wait3A_105] : memref<32x125x5x16xf32, #tpu.memory_space<hbm>> -> memref<1x1x5x16xf32, #tpu.memory_space<hbm>>
    %dma_wait3A_107 = tpu.memref_squeeze %dma_wait3A_106 : memref<1x1x5x16xf32, #tpu.memory_space<hbm>> -> memref<5x16xf32, #tpu.memory_space<hbm>>
    %dma_wait3A_108 = arith.constant 0 : i32
    %dma_wait3A_109 = arith.constant 0 : i32
    %dma_wait3A_110 = tpu.memref_slice %arg7[%dma_wait3A_102, %dma_wait3A_103, %dma_wait3A_108, %dma_wait3A_109] : memref<32x125x5x16xf32, #tpu.memory_space<hbm>> -> memref<1x1x5x16xf32, #tpu.memory_space<hbm>>
    %dma_wait3A_111 = tpu.memref_squeeze %dma_wait3A_110 : memref<1x1x5x16xf32, #tpu.memory_space<hbm>> -> memref<5x16xf32, #tpu.memory_space<hbm>>
    tpu.wait_dma2 semaphore(%arg31 : memref<!tpu.dma_semaphore, #tpu.memory_space<semaphore_mem>>) src(%dma_wait3A_111 : memref<5x16xf32, #tpu.memory_space<hbm>>) dst(%arg29 : memref<5x16xf32, #tpu.memory_space<vmem>>)
    %scan3A_112 = arith.constant 0 : i32
    %scan3A_113 = arith.constant 0 : i32
    %scan3A_114 = arith.constant 10 : i32
    %scan3A_115 = arith.addi %scan3A_113, %scan3A_114 : i32
    %scan3A_116 = arith.constant 1 : i32
    scf.for %scan3A_137 = %scan3A_113 to %scan3A_115 step %scan3A_116  : i32 {
      %jit3A = arith.constant 2 : i32
      %div3A = arith.divsi %scan3A_137, %jit3A : i32
      %sign3A = arith.constant 0 : i32
      %sign3A_138 = arith.cmpi sgt, %scan3A_137, %sign3A : i32
      %sign3A_139 = arith.extui %sign3A_138 : i1 to i32
      %sign3A_140 = arith.constant 0 : i32
      %sign3A_141 = arith.cmpi slt, %scan3A_137, %sign3A_140 : i32
      %sign3A_142 = arith.extui %sign3A_141 : i1 to i32
      %sign3A_143 = arith.subi %sign3A_139, %sign3A_142 : i32
      %sign3A_144 = arith.constant 0 : i32
      %sign3A_145 = arith.cmpi sgt, %jit3A, %sign3A_144 : i32
      %sign3A_146 = arith.extui %sign3A_145 : i1 to i32
      %sign3A_147 = arith.constant 0 : i32
      %sign3A_148 = arith.cmpi slt, %jit3A, %sign3A_147 : i32
      %sign3A_149 = arith.extui %sign3A_148 : i1 to i32
      %sign3A_150 = arith.subi %sign3A_146, %sign3A_149 : i32
      %ne3A = arith.cmpi ne, %sign3A_143, %sign3A_150 : i32
      %rem3A = arith.remsi %scan3A_137, %jit3A : i32
      %ne3A_151 = arith.constant 0 : i32
      %ne3A_152 = arith.cmpi ne, %rem3A, %ne3A_151 : i32
      %and3A = arith.andi %ne3A, %ne3A_152 : i1
      %sub3A = arith.constant 1 : i32
      %sub3A_153 = arith.subi %div3A, %sub3A : i32
      %select_n3A = arith.select %and3A, %sub3A_153, %div3A : i32
      %jit3A_154 = arith.constant 2 : i32
      %eq3A_155 = arith.constant 0 : i32
      %eq3A_156 = arith.cmpi eq, %jit3A_154, %eq3A_155 : i32
      %jit3A_157 = arith.constant 1 : i32
      %select_n3A_158 = arith.select %eq3A_156, %jit3A_157, %jit3A_154 : i32
      %rem3A_159 = arith.remsi %scan3A_137, %select_n3A_158 : i32
      %ne3A_160 = arith.constant 0 : i32
      %ne3A_161 = arith.cmpi ne, %rem3A_159, %ne3A_160 : i32
      %lt3A = arith.constant 0 : i32
      %lt3A_162 = arith.cmpi slt, %rem3A_159, %lt3A : i32
      %lt3A_163 = arith.constant 0 : i32
      %lt3A_164 = arith.cmpi slt, %select_n3A_158, %lt3A_163 : i32
      %ne3A_165 = arith.xori %lt3A_162, %lt3A_164 : i1
      %and3A_166 = arith.andi %ne3A_165, %ne3A_161 : i1
      %add3A_167 = arith.addi %rem3A_159, %select_n3A_158 : i32
      %select_n3A_168 = arith.select %and3A_166, %add3A_167, %rem3A_159 : i32
      %mul3A_169 = arith.constant 8 : i32
      %mul3A_170 = arith.muli %select_n3A_168, %mul3A_169 : i32
      %get3A = arith.index_cast %select_n3A : i32 to index
      %get3A_171 = arith.constant 0 : index
      %get3A_172 = tpu.vector_load %arg25[%get3A, %get3A_171] {strides = array<i32>} : memref<5x16xf32, #tpu.memory_space<vmem>>, vector<16xf32>,
      %get3A_173 = arith.index_cast %select_n3A : i32 to index
      %get3A_174 = arith.constant 0 : index
      %get3A_175 = tpu.vector_load %arg33[%get3A_173, %get3A_174] {strides = array<i32>} : memref<5x16xf32, #tpu.memory_space<vmem>>, vector<16xf32>,
      %get3A_176 = arith.index_cast %select_n3A : i32 to index
      %get3A_177 = arith.constant 0 : index
      %get3A_178 = tpu.vector_load %arg29[%get3A_176, %get3A_177] {strides = array<i32>} : memref<5x16xf32, #tpu.memory_space<vmem>>, vector<16xf32>,
      %add3A_179 = arith.addf %get3A_175, %get3A_178 : vector<16xf32>
      %mul3A_180 = arith.constant 5.000000e-01 : f32
      %mul3A_181 = vector.broadcast %mul3A_180 : f32 to vector<16xf32>
      %mul3A_182 = arith.mulf %add3A_179, %mul3A_181 : vector<16xf32>
      %mul3A_183 = arith.constant 8 : i32
      %mul3A_184 = arith.muli %scan3A_137, %mul3A_183 : i32
      %add3A_185 = arith.constant 0 : i32
      %add3A_186 = arith.addi %mul3A_184, %add3A_185 : i32
      %broadcast_in_dim3A = arith.constant 0 : i32
      %broadcast_in_dim3A_187 = vector.broadcast %broadcast_in_dim3A : i32 to vector<16xi32>
      %add3A_188 = vector.broadcast %mul3A_170 : i32 to vector<16xi32>
      %add3A_189 = arith.addi %broadcast_in_dim3A_187, %add3A_188 : vector<16xi32>
      %lt3A_190 = arith.constant 0 : i32
      %lt3A_191 = vector.broadcast %lt3A_190 : i32 to vector<16xi32>
      %lt3A_192 = arith.cmpi slt, %add3A_189, %lt3A_191 : vector<16xi32>
      %add3A_193 = arith.constant 16 : i32
      %add3A_194 = vector.broadcast %add3A_193 : i32 to vector<16xi32>
      %add3A_195 = arith.addi %add3A_189, %add3A_194 : vector<16xi32>
      %select_n3A_196 = arith.select %lt3A_192, %add3A_195, %add3A_189 : vector<16xi1>, vector<16xi32>
      %broadcast_in_dim3A_197 = vector.shape_cast %select_n3A_196 : vector<16xi32> to vector<16x1xi32>
      %gather3A = vector.shape_cast %broadcast_in_dim3A_197 : vector<16x1xi32> to vector<16xi32>
      %gather3A_198 = tpu.dynamic_gather %get3A_172[%gather3A] in [0] : vector<16xf32>, vector<16xi32> -> vector<16xf32>
      %lt3A_199 = arith.constant 0 : i32
      %lt3A_200 = vector.broadcast %lt3A_199 : i32 to vector<16xi32>
      %lt3A_201 = arith.cmpi slt, %add3A_189, %lt3A_200 : vector<16xi32>
      %add3A_202 = arith.constant 16 : i32
      %add3A_203 = vector.broadcast %add3A_202 : i32 to vector<16xi32>
      %add3A_204 = arith.addi %add3A_189, %add3A_203 : vector<16xi32>
      %select_n3A_205 = arith.select %lt3A_201, %add3A_204, %add3A_189 : vector<16xi1>, vector<16xi32>
      %broadcast_in_dim3A_206 = vector.shape_cast %select_n3A_205 : vector<16xi32> to vector<16x1xi32>
      %gather3A_207 = vector.shape_cast %broadcast_in_dim3A_206 : vector<16x1xi32> to vector<16xi32>
      %gather3A_208 = tpu.dynamic_gather %mul3A_182[%gather3A_207] in [0] : vector<16xf32>, vector<16xi32> -> vector<16xf32>
      %get3A_209 = arith.index_cast %add3A_186 : i32 to index
      %get3A_210 = arith.constant 0 : index
      %get3A_211 = tpu.vector_load %arg15[%get3A_209, %get3A_210] {strides = array<i32>} : memref<80x128xi32, #tpu.memory_space<vmem>>, vector<16xi32>,
      %get3A_212 = arith.index_cast %add3A_186 : i32 to index
      %get3A_213 = arith.constant 16 : index
      %get3A_214 = tpu.vector_load %arg15[%get3A_212, %get3A_213] {strides = array<i32>} : memref<80x128xi32, #tpu.memory_space<vmem>>, vector<16xi32>,
      %get3A_215 = arith.index_cast %add3A_186 : i32 to index
      %get3A_216 = arith.constant 32 : index
      %get3A_217 = tpu.vector_load %arg15[%get3A_215, %get3A_216] {strides = array<i32>} : memref<80x128xi32, #tpu.memory_space<vmem>>, vector<16xi32>,
      %get3A_218 = arith.index_cast %add3A_186 : i32 to index
      %get3A_219 = arith.constant 48 : index
      %get3A_220 = tpu.vector_load %arg15[%get3A_218, %get3A_219] {strides = array<i32>} : memref<80x128xi32, #tpu.memory_space<vmem>>, vector<16xi32>,
      %get3A_221 = arith.index_cast %add3A_186 : i32 to index
      %get3A_222 = arith.constant 64 : index
      %get3A_223 = tpu.vector_load %arg15[%get3A_221, %get3A_222] {strides = array<i32>} : memref<80x128xi32, #tpu.memory_space<vmem>>, vector<16xi32>,
      %get3A_224 = arith.index_cast %add3A_186 : i32 to index
      %get3A_225 = arith.constant 80 : index
      %get3A_226 = tpu.vector_load %arg15[%get3A_224, %get3A_225] {strides = array<i32>} : memref<80x128xi32, #tpu.memory_space<vmem>>, vector<16xi32>,
      %get3A_227 = arith.index_cast %add3A_186 : i32 to index
      %get3A_228 = arith.constant 96 : index
      %get3A_229 = tpu.vector_load %arg15[%get3A_227, %get3A_228] {strides = array<i32>} : memref<80x128xi32, #tpu.memory_space<vmem>>, vector<16xi32>,
      %get3A_230 = arith.index_cast %add3A_186 : i32 to index
      %get3A_231 = arith.constant 112 : index
      %get3A_232 = tpu.vector_load %arg15[%get3A_230, %get3A_231] {strides = array<i32>} : memref<80x128xi32, #tpu.memory_space<vmem>>, vector<16xi32>,
      %shift_left3A = arith.constant 16 : i32
      %shift_left3A_233 = vector.broadcast %shift_left3A : i32 to vector<16xi32>
      %shift_left3A_234 = arith.shli %get3A_211, %shift_left3A_233 : vector<16xi32>
      %bitcast3A = vector.bitcast %shift_left3A_234 : vector<16xi32> to vector<16xf32>
      %mul3A_235 = arith.mulf %gather3A_198, %bitcast3A : vector<16xf32>
      %and3A_236 = arith.constant -65536 : i32
      %and3A_237 = vector.broadcast %and3A_236 : i32 to vector<16xi32>
      %and3A_238 = arith.andi %get3A_211, %and3A_237 : vector<16xi32>
      %bitcast3A_239 = vector.bitcast %and3A_238 : vector<16xi32> to vector<16xf32>
      %mul3A_240 = arith.mulf %gather3A_208, %bitcast3A_239 : vector<16xf32>
      %add3A_241 = arith.addf %mul3A_235, %mul3A_240 : vector<16xf32>
      %shift_left3A_242 = arith.constant 16 : i32
      %shift_left3A_243 = vector.broadcast %shift_left3A_242 : i32 to vector<16xi32>
      %shift_left3A_244 = arith.shli %get3A_214, %shift_left3A_243 : vector<16xi32>
      %bitcast3A_245 = vector.bitcast %shift_left3A_244 : vector<16xi32> to vector<16xf32>
      %mul3A_246 = arith.mulf %gather3A_198, %bitcast3A_245 : vector<16xf32>
      %and3A_247 = arith.constant -65536 : i32
      %and3A_248 = vector.broadcast %and3A_247 : i32 to vector<16xi32>
      %and3A_249 = arith.andi %get3A_214, %and3A_248 : vector<16xi32>
      %bitcast3A_250 = vector.bitcast %and3A_249 : vector<16xi32> to vector<16xf32>
      %mul3A_251 = arith.mulf %gather3A_208, %bitcast3A_250 : vector<16xf32>
      %add3A_252 = arith.addf %mul3A_246, %mul3A_251 : vector<16xf32>
      %shift_left3A_253 = arith.constant 16 : i32
      %shift_left3A_254 = vector.broadcast %shift_left3A_253 : i32 to vector<16xi32>
      %shift_left3A_255 = arith.shli %get3A_217, %shift_left3A_254 : vector<16xi32>
      %bitcast3A_256 = vector.bitcast %shift_left3A_255 : vector<16xi32> to vector<16xf32>
      %mul3A_257 = arith.mulf %gather3A_198, %bitcast3A_256 : vector<16xf32>
      %and3A_258 = arith.constant -65536 : i32
      %and3A_259 = vector.broadcast %and3A_258 : i32 to vector<16xi32>
      %and3A_260 = arith.andi %get3A_217, %and3A_259 : vector<16xi32>
      %bitcast3A_261 = vector.bitcast %and3A_260 : vector<16xi32> to vector<16xf32>
      %mul3A_262 = arith.mulf %gather3A_208, %bitcast3A_261 : vector<16xf32>
      %add3A_263 = arith.addf %mul3A_257, %mul3A_262 : vector<16xf32>
      %shift_left3A_264 = arith.constant 16 : i32
      %shift_left3A_265 = vector.broadcast %shift_left3A_264 : i32 to vector<16xi32>
      %shift_left3A_266 = arith.shli %get3A_220, %shift_left3A_265 : vector<16xi32>
      %bitcast3A_267 = vector.bitcast %shift_left3A_266 : vector<16xi32> to vector<16xf32>
      %mul3A_268 = arith.mulf %gather3A_198, %bitcast3A_267 : vector<16xf32>
      %and3A_269 = arith.constant -65536 : i32
      %and3A_270 = vector.broadcast %and3A_269 : i32 to vector<16xi32>
      %and3A_271 = arith.andi %get3A_220, %and3A_270 : vector<16xi32>
      %bitcast3A_272 = vector.bitcast %and3A_271 : vector<16xi32> to vector<16xf32>
      %mul3A_273 = arith.mulf %gather3A_208, %bitcast3A_272 : vector<16xf32>
      %add3A_274 = arith.addf %mul3A_268, %mul3A_273 : vector<16xf32>
      %shift_left3A_275 = arith.constant 16 : i32
      %shift_left3A_276 = vector.broadcast %shift_left3A_275 : i32 to vector<16xi32>
      %shift_left3A_277 = arith.shli %get3A_223, %shift_left3A_276 : vector<16xi32>
      %bitcast3A_278 = vector.bitcast %shift_left3A_277 : vector<16xi32> to vector<16xf32>
      %mul3A_279 = arith.mulf %gather3A_198, %bitcast3A_278 : vector<16xf32>
      %and3A_280 = arith.constant -65536 : i32
      %and3A_281 = vector.broadcast %and3A_280 : i32 to vector<16xi32>
      %and3A_282 = arith.andi %get3A_223, %and3A_281 : vector<16xi32>
      %bitcast3A_283 = vector.bitcast %and3A_282 : vector<16xi32> to vector<16xf32>
      %mul3A_284 = arith.mulf %gather3A_208, %bitcast3A_283 : vector<16xf32>
      %add3A_285 = arith.addf %mul3A_279, %mul3A_284 : vector<16xf32>
      %shift_left3A_286 = arith.constant 16 : i32
      %shift_left3A_287 = vector.broadcast %shift_left3A_286 : i32 to vector<16xi32>
      %shift_left3A_288 = arith.shli %get3A_226, %shift_left3A_287 : vector<16xi32>
      %bitcast3A_289 = vector.bitcast %shift_left3A_288 : vector<16xi32> to vector<16xf32>
      %mul3A_290 = arith.mulf %gather3A_198, %bitcast3A_289 : vector<16xf32>
      %and3A_291 = arith.constant -65536 : i32
      %and3A_292 = vector.broadcast %and3A_291 : i32 to vector<16xi32>
      %and3A_293 = arith.andi %get3A_226, %and3A_292 : vector<16xi32>
      %bitcast3A_294 = vector.bitcast %and3A_293 : vector<16xi32> to vector<16xf32>
      %mul3A_295 = arith.mulf %gather3A_208, %bitcast3A_294 : vector<16xf32>
      %add3A_296 = arith.addf %mul3A_290, %mul3A_295 : vector<16xf32>
      %shift_left3A_297 = arith.constant 16 : i32
      %shift_left3A_298 = vector.broadcast %shift_left3A_297 : i32 to vector<16xi32>
      %shift_left3A_299 = arith.shli %get3A_229, %shift_left3A_298 : vector<16xi32>
      %bitcast3A_300 = vector.bitcast %shift_left3A_299 : vector<16xi32> to vector<16xf32>
      %mul3A_301 = arith.mulf %gather3A_198, %bitcast3A_300 : vector<16xf32>
      %and3A_302 = arith.constant -65536 : i32
      %and3A_303 = vector.broadcast %and3A_302 : i32 to vector<16xi32>
      %and3A_304 = arith.andi %get3A_229, %and3A_303 : vector<16xi32>
      %bitcast3A_305 = vector.bitcast %and3A_304 : vector<16xi32> to vector<16xf32>
      %mul3A_306 = arith.mulf %gather3A_208, %bitcast3A_305 : vector<16xf32>
      %add3A_307 = arith.addf %mul3A_301, %mul3A_306 : vector<16xf32>
      %shift_left3A_308 = arith.constant 16 : i32
      %shift_left3A_309 = vector.broadcast %shift_left3A_308 : i32 to vector<16xi32>
      %shift_left3A_310 = arith.shli %get3A_232, %shift_left3A_309 : vector<16xi32>
      %bitcast3A_311 = vector.bitcast %shift_left3A_310 : vector<16xi32> to vector<16xf32>
      %mul3A_312 = arith.mulf %gather3A_198, %bitcast3A_311 : vector<16xf32>
      %and3A_313 = arith.constant -65536 : i32
      %and3A_314 = vector.broadcast %and3A_313 : i32 to vector<16xi32>
      %and3A_315 = arith.andi %get3A_232, %and3A_314 : vector<16xi32>
      %bitcast3A_316 = vector.bitcast %and3A_315 : vector<16xi32> to vector<16xf32>
      %mul3A_317 = arith.mulf %gather3A_208, %bitcast3A_316 : vector<16xf32>
      %add3A_318 = arith.addf %mul3A_312, %mul3A_317 : vector<16xf32>
      %swap3A = arith.index_cast %add3A_186 : i32 to index
      %swap3A_319 = arith.constant 0 : index
      %swap3A_320 = tpu.vector_load %arg37[%swap3A, %swap3A_319] {strides = array<i32>} : memref<80x128xf32, #tpu.memory_space<vmem>>, vector<16xf32>,
      tpu.vector_store %arg37[%swap3A, %swap3A_319], %add3A_241 {strides = array<i32>} : memref<80x128xf32, #tpu.memory_space<vmem>>, vector<16xf32>,
      %swap3A_321 = arith.index_cast %add3A_186 : i32 to index
      %swap3A_322 = arith.constant 16 : index
      %swap3A_323 = tpu.vector_load %arg37[%swap3A_321, %swap3A_322] {strides = array<i32>} : memref<80x128xf32, #tpu.memory_space<vmem>>, vector<16xf32>,
      tpu.vector_store %arg37[%swap3A_321, %swap3A_322], %add3A_252 {strides = array<i32>} : memref<80x128xf32, #tpu.memory_space<vmem>>, vector<16xf32>,
      %swap3A_324 = arith.index_cast %add3A_186 : i32 to index
      %swap3A_325 = arith.constant 32 : index
      %swap3A_326 = tpu.vector_load %arg37[%swap3A_324, %swap3A_325] {strides = array<i32>} : memref<80x128xf32, #tpu.memory_space<vmem>>, vector<16xf32>,
      tpu.vector_store %arg37[%swap3A_324, %swap3A_325], %add3A_263 {strides = array<i32>} : memref<80x128xf32, #tpu.memory_space<vmem>>, vector<16xf32>,
      %swap3A_327 = arith.index_cast %add3A_186 : i32 to index
      %swap3A_328 = arith.constant 48 : index
      %swap3A_329 = tpu.vector_load %arg37[%swap3A_327, %swap3A_328] {strides = array<i32>} : memref<80x128xf32, #tpu.memory_space<vmem>>, vector<16xf32>,
      tpu.vector_store %arg37[%swap3A_327, %swap3A_328], %add3A_274 {strides = array<i32>} : memref<80x128xf32, #tpu.memory_space<vmem>>, vector<16xf32>,
      %swap3A_330 = arith.index_cast %add3A_186 : i32 to index
      %swap3A_331 = arith.constant 64 : index
      %swap3A_332 = tpu.vector_load %arg37[%swap3A_330, %swap3A_331] {strides = array<i32>} : memref<80x128xf32, #tpu.memory_space<vmem>>, vector<16xf32>,
      tpu.vector_store %arg37[%swap3A_330, %swap3A_331], %add3A_285 {strides = array<i32>} : memref<80x128xf32, #tpu.memory_space<vmem>>, vector<16xf32>,
      %swap3A_333 = arith.index_cast %add3A_186 : i32 to index
      %swap3A_334 = arith.constant 80 : index
      %swap3A_335 = tpu.vector_load %arg37[%swap3A_333, %swap3A_334] {strides = array<i32>} : memref<80x128xf32, #tpu.memory_space<vmem>>, vector<16xf32>,
      tpu.vector_store %arg37[%swap3A_333, %swap3A_334], %add3A_296 {strides = array<i32>} : memref<80x128xf32, #tpu.memory_space<vmem>>, vector<16xf32>,
      %swap3A_336 = arith.index_cast %add3A_186 : i32 to index
      %swap3A_337 = arith.constant 96 : index
      %swap3A_338 = tpu.vector_load %arg37[%swap3A_336, %swap3A_337] {strides = array<i32>} : memref<80x128xf32, #tpu.memory_space<vmem>>, vector<16xf32>,
      tpu.vector_store %arg37[%swap3A_336, %swap3A_337], %add3A_307 {strides = array<i32>} : memref<80x128xf32, #tpu.memory_space<vmem>>, vector<16xf32>,
      %swap3A_339 = arith.index_cast %add3A_186 : i32 to index
      %swap3A_340 = arith.constant 112 : index
      %swap3A_341 = tpu.vector_load %arg37[%swap3A_339, %swap3A_340] {strides = array<i32>} : memref<80x128xf32, #tpu.memory_space<vmem>>, vector<16xf32>,
      tpu.vector_store %arg37[%swap3A_339, %swap3A_340], %add3A_318 {strides = array<i32>} : memref<80x128xf32, #tpu.memory_space<vmem>>, vector<16xf32>,
      %mul3A_342 = arith.constant 8 : i32
      %mul3A_343 = arith.muli %scan3A_137, %mul3A_342 : i32
      %add3A_344 = arith.constant 1 : i32
      %add3A_345 = arith.addi %mul3A_343, %add3A_344 : i32
      %broadcast_in_dim3A_346 = arith.constant 1 : i32
      %broadcast_in_dim3A_347 = vector.broadcast %broadcast_in_dim3A_346 : i32 to vector<16xi32>
      %add3A_348 = vector.broadcast %mul3A_170 : i32 to vector<16xi32>
      %add3A_349 = arith.addi %broadcast_in_dim3A_347, %add3A_348 : vector<16xi32>
      %lt3A_350 = arith.constant 0 : i32
      %lt3A_351 = vector.broadcast %lt3A_350 : i32 to vector<16xi32>
      %lt3A_352 = arith.cmpi slt, %add3A_349, %lt3A_351 : vector<16xi32>
      %add3A_353 = arith.constant 16 : i32
      %add3A_354 = vector.broadcast %add3A_353 : i32 to vector<16xi32>
      %add3A_355 = arith.addi %add3A_349, %add3A_354 : vector<16xi32>
      %select_n3A_356 = arith.select %lt3A_352, %add3A_355, %add3A_349 : vector<16xi1>, vector<16xi32>
      %broadcast_in_dim3A_357 = vector.shape_cast %select_n3A_356 : vector<16xi32> to vector<16x1xi32>
      %gather3A_358 = vector.shape_cast %broadcast_in_dim3A_357 : vector<16x1xi32> to vector<16xi32>
      %gather3A_359 = tpu.dynamic_gather %get3A_172[%gather3A_358] in [0] : vector<16xf32>, vector<16xi32> -> vector<16xf32>
      %lt3A_360 = arith.constant 0 : i32
      %lt3A_361 = vector.broadcast %lt3A_360 : i32 to vector<16xi32>
      %lt3A_362 = arith.cmpi slt, %add3A_349, %lt3A_361 : vector<16xi32>
      %add3A_363 = arith.constant 16 : i32
      %add3A_364 = vector.broadcast %add3A_363 : i32 to vector<16xi32>
      %add3A_365 = arith.addi %add3A_349, %add3A_364 : vector<16xi32>
      %select_n3A_366 = arith.select %lt3A_362, %add3A_365, %add3A_349 : vector<16xi1>, vector<16xi32>
      %broadcast_in_dim3A_367 = vector.shape_cast %select_n3A_366 : vector<16xi32> to vector<16x1xi32>
      %gather3A_368 = vector.shape_cast %broadcast_in_dim3A_367 : vector<16x1xi32> to vector<16xi32>
      %gather3A_369 = tpu.dynamic_gather %mul3A_182[%gather3A_368] in [0] : vector<16xf32>, vector<16xi32> -> vector<16xf32>
      %get3A_370 = arith.index_cast %add3A_345 : i32 to index
      %get3A_371 = arith.constant 0 : index
      %get3A_372 = tpu.vector_load %arg15[%get3A_370, %get3A_371] {strides = array<i32>} : memref<80x128xi32, #tpu.memory_space<vmem>>, vector<16xi32>,
      %get3A_373 = arith.index_cast %add3A_345 : i32 to index
      %get3A_374 = arith.constant 16 : index
      %get3A_375 = tpu.vector_load %arg15[%get3A_373, %get3A_374] {strides = array<i32>} : memref<80x128xi32, #tpu.memory_space<vmem>>, vector<16xi32>,
      %get3A_376 = arith.index_cast %add3A_345 : i32 to index
      %get3A_377 = arith.constant 32 : index
      %get3A_378 = tpu.vector_load %arg15[%get3A_376, %get3A_377] {strides = array<i32>} : memref<80x128xi32, #tpu.memory_space<vmem>>, vector<16xi32>,
      %get3A_379 = arith.index_cast %add3A_345 : i32 to index
      %get3A_380 = arith.constant 48 : index
      %get3A_381 = tpu.vector_load %arg15[%get3A_379, %get3A_380] {strides = array<i32>} : memref<80x128xi32, #tpu.memory_space<vmem>>, vector<16xi32>,
      %get3A_382 = arith.index_cast %add3A_345 : i32 to index
      %get3A_383 = arith.constant 64 : index
      %get3A_384 = tpu.vector_load %arg15[%get3A_382, %get3A_383] {strides = array<i32>} : memref<80x128xi32, #tpu.memory_space<vmem>>, vector<16xi32>,
      %get3A_385 = arith.index_cast %add3A_345 : i32 to index
      %get3A_386 = arith.constant 80 : index
      %get3A_387 = tpu.vector_load %arg15[%get3A_385, %get3A_386] {strides = array<i32>} : memref<80x128xi32, #tpu.memory_space<vmem>>, vector<16xi32>,
      %get3A_388 = arith.index_cast %add3A_345 : i32 to index
      %get3A_389 = arith.constant 96 : index
      %get3A_390 = tpu.vector_load %arg15[%get3A_388, %get3A_389] {strides = array<i32>} : memref<80x128xi32, #tpu.memory_space<vmem>>, vector<16xi32>,
      %get3A_391 = arith.index_cast %add3A_345 : i32 to index
      %get3A_392 = arith.constant 112 : index
      %get3A_393 = tpu.vector_load %arg15[%get3A_391, %get3A_392] {strides = array<i32>} : memref<80x128xi32, #tpu.memory_space<vmem>>, vector<16xi32>,
      %shift_left3A_394 = arith.constant 16 : i32
      %shift_left3A_395 = vector.broadcast %shift_left3A_394 : i32 to vector<16xi32>
      %shift_left3A_396 = arith.shli %get3A_372, %shift_left3A_395 : vector<16xi32>
      %bitcast3A_397 = vector.bitcast %shift_left3A_396 : vector<16xi32> to vector<16xf32>
      %mul3A_398 = arith.mulf %gather3A_359, %bitcast3A_397 : vector<16xf32>
      %and3A_399 = arith.constant -65536 : i32
      %and3A_400 = vector.broadcast %and3A_399 : i32 to vector<16xi32>
      %and3A_401 = arith.andi %get3A_372, %and3A_400 : vector<16xi32>
      %bitcast3A_402 = vector.bitcast %and3A_401 : vector<16xi32> to vector<16xf32>
      %mul3A_403 = arith.mulf %gather3A_369, %bitcast3A_402 : vector<16xf32>
      %add3A_404 = arith.addf %mul3A_398, %mul3A_403 : vector<16xf32>
      %shift_left3A_405 = arith.constant 16 : i32
      %shift_left3A_406 = vector.broadcast %shift_left3A_405 : i32 to vector<16xi32>
      %shift_left3A_407 = arith.shli %get3A_375, %shift_left3A_406 : vector<16xi32>
      %bitcast3A_408 = vector.bitcast %shift_left3A_407 : vector<16xi32> to vector<16xf32>
      %mul3A_409 = arith.mulf %gather3A_359, %bitcast3A_408 : vector<16xf32>
      %and3A_410 = arith.constant -65536 : i32
      %and3A_411 = vector.broadcast %and3A_410 : i32 to vector<16xi32>
      %and3A_412 = arith.andi %get3A_375, %and3A_411 : vector<16xi32>
      %bitcast3A_413 = vector.bitcast %and3A_412 : vector<16xi32> to vector<16xf32>
      %mul3A_414 = arith.mulf %gather3A_369, %bitcast3A_413 : vector<16xf32>
      %add3A_415 = arith.addf %mul3A_409, %mul3A_414 : vector<16xf32>
      %shift_left3A_416 = arith.constant 16 : i32
      %shift_left3A_417 = vector.broadcast %shift_left3A_416 : i32 to vector<16xi32>
      %shift_left3A_418 = arith.shli %get3A_378, %shift_left3A_417 : vector<16xi32>
      %bitcast3A_419 = vector.bitcast %shift_left3A_418 : vector<16xi32> to vector<16xf32>
      %mul3A_420 = arith.mulf %gather3A_359, %bitcast3A_419 : vector<16xf32>
      %and3A_421 = arith.constant -65536 : i32
      %and3A_422 = vector.broadcast %and3A_421 : i32 to vector<16xi32>
      %and3A_423 = arith.andi %get3A_378, %and3A_422 : vector<16xi32>
      %bitcast3A_424 = vector.bitcast %and3A_423 : vector<16xi32> to vector<16xf32>
      %mul3A_425 = arith.mulf %gather3A_369, %bitcast3A_424 : vector<16xf32>
      %add3A_426 = arith.addf %mul3A_420, %mul3A_425 : vector<16xf32>
      %shift_left3A_427 = arith.constant 16 : i32
      %shift_left3A_428 = vector.broadcast %shift_left3A_427 : i32 to vector<16xi32>
      %shift_left3A_429 = arith.shli %get3A_381, %shift_left3A_428 : vector<16xi32>
      %bitcast3A_430 = vector.bitcast %shift_left3A_429 : vector<16xi32> to vector<16xf32>
      %mul3A_431 = arith.mulf %gather3A_359, %bitcast3A_430 : vector<16xf32>
      %and3A_432 = arith.constant -65536 : i32
      %and3A_433 = vector.broadcast %and3A_432 : i32 to vector<16xi32>
      %and3A_434 = arith.andi %get3A_381, %and3A_433 : vector<16xi32>
      %bitcast3A_435 = vector.bitcast %and3A_434 : vector<16xi32> to vector<16xf32>
      %mul3A_436 = arith.mulf %gather3A_369, %bitcast3A_435 : vector<16xf32>
      %add3A_437 = arith.addf %mul3A_431, %mul3A_436 : vector<16xf32>
      %shift_left3A_438 = arith.constant 16 : i32
      %shift_left3A_439 = vector.broadcast %shift_left3A_438 : i32 to vector<16xi32>
      %shift_left3A_440 = arith.shli %get3A_384, %shift_left3A_439 : vector<16xi32>
      %bitcast3A_441 = vector.bitcast %shift_left3A_440 : vector<16xi32> to vector<16xf32>
      %mul3A_442 = arith.mulf %gather3A_359, %bitcast3A_441 : vector<16xf32>
      %and3A_443 = arith.constant -65536 : i32
      %and3A_444 = vector.broadcast %and3A_443 : i32 to vector<16xi32>
      %and3A_445 = arith.andi %get3A_384, %and3A_444 : vector<16xi32>
      %bitcast3A_446 = vector.bitcast %and3A_445 : vector<16xi32> to vector<16xf32>
      %mul3A_447 = arith.mulf %gather3A_369, %bitcast3A_446 : vector<16xf32>
      %add3A_448 = arith.addf %mul3A_442, %mul3A_447 : vector<16xf32>
      %shift_left3A_449 = arith.constant 16 : i32
      %shift_left3A_450 = vector.broadcast %shift_left3A_449 : i32 to vector<16xi32>
      %shift_left3A_451 = arith.shli %get3A_387, %shift_left3A_450 : vector<16xi32>
      %bitcast3A_452 = vector.bitcast %shift_left3A_451 : vector<16xi32> to vector<16xf32>
      %mul3A_453 = arith.mulf %gather3A_359, %bitcast3A_452 : vector<16xf32>
      %and3A_454 = arith.constant -65536 : i32
      %and3A_455 = vector.broadcast %and3A_454 : i32 to vector<16xi32>
      %and3A_456 = arith.andi %get3A_387, %and3A_455 : vector<16xi32>
      %bitcast3A_457 = vector.bitcast %and3A_456 : vector<16xi32> to vector<16xf32>
      %mul3A_458 = arith.mulf %gather3A_369, %bitcast3A_457 : vector<16xf32>
      %add3A_459 = arith.addf %mul3A_453, %mul3A_458 : vector<16xf32>
      %shift_left3A_460 = arith.constant 16 : i32
      %shift_left3A_461 = vector.broadcast %shift_left3A_460 : i32 to vector<16xi32>
      %shift_left3A_462 = arith.shli %get3A_390, %shift_left3A_461 : vector<16xi32>
      %bitcast3A_463 = vector.bitcast %shift_left3A_462 : vector<16xi32> to vector<16xf32>
      %mul3A_464 = arith.mulf %gather3A_359, %bitcast3A_463 : vector<16xf32>
      %and3A_465 = arith.constant -65536 : i32
      %and3A_466 = vector.broadcast %and3A_465 : i32 to vector<16xi32>
      %and3A_467 = arith.andi %get3A_390, %and3A_466 : vector<16xi32>
      %bitcast3A_468 = vector.bitcast %and3A_467 : vector<16xi32> to vector<16xf32>
      %mul3A_469 = arith.mulf %gather3A_369, %bitcast3A_468 : vector<16xf32>
      %add3A_470 = arith.addf %mul3A_464, %mul3A_469 : vector<16xf32>
      %shift_left3A_471 = arith.constant 16 : i32
      %shift_left3A_472 = vector.broadcast %shift_left3A_471 : i32 to vector<16xi32>
      %shift_left3A_473 = arith.shli %get3A_393, %shift_left3A_472 : vector<16xi32>
      %bitcast3A_474 = vector.bitcast %shift_left3A_473 : vector<16xi32> to vector<16xf32>
      %mul3A_475 = arith.mulf %gather3A_359, %bitcast3A_474 : vector<16xf32>
      %and3A_476 = arith.constant -65536 : i32
      %and3A_477 = vector.broadcast %and3A_476 : i32 to vector<16xi32>
      %and3A_478 = arith.andi %get3A_393, %and3A_477 : vector<16xi32>
      %bitcast3A_479 = vector.bitcast %and3A_478 : vector<16xi32> to vector<16xf32>
      %mul3A_480 = arith.mulf %gather3A_369, %bitcast3A_479 : vector<16xf32>
      %add3A_481 = arith.addf %mul3A_475, %mul3A_480 : vector<16xf32>
      %swap3A_482 = arith.index_cast %add3A_345 : i32 to index
      %swap3A_483 = arith.constant 0 : index
      %swap3A_484 = tpu.vector_load %arg37[%swap3A_482, %swap3A_483] {strides = array<i32>} : memref<80x128xf32, #tpu.memory_space<vmem>>, vector<16xf32>,
      tpu.vector_store %arg37[%swap3A_482, %swap3A_483], %add3A_404 {strides = array<i32>} : memref<80x128xf32, #tpu.memory_space<vmem>>, vector<16xf32>,
      %swap3A_485 = arith.index_cast %add3A_345 : i32 to index
      %swap3A_486 = arith.constant 16 : index
      %swap3A_487 = tpu.vector_load %arg37[%swap3A_485, %swap3A_486] {strides = array<i32>} : memref<80x128xf32, #tpu.memory_space<vmem>>, vector<16xf32>,
      tpu.vector_store %arg37[%swap3A_485, %swap3A_486], %add3A_415 {strides = array<i32>} : memref<80x128xf32, #tpu.memory_space<vmem>>, vector<16xf32>,
      %swap3A_488 = arith.index_cast %add3A_345 : i32 to index
      %swap3A_489 = arith.constant 32 : index
      %swap3A_490 = tpu.vector_load %arg37[%swap3A_488, %swap3A_489] {strides = array<i32>} : memref<80x128xf32, #tpu.memory_space<vmem>>, vector<16xf32>,
      tpu.vector_store %arg37[%swap3A_488, %swap3A_489], %add3A_426 {strides = array<i32>} : memref<80x128xf32, #tpu.memory_space<vmem>>, vector<16xf32>,
      %swap3A_491 = arith.index_cast %add3A_345 : i32 to index
      %swap3A_492 = arith.constant 48 : index
      %swap3A_493 = tpu.vector_load %arg37[%swap3A_491, %swap3A_492] {strides = array<i32>} : memref<80x128xf32, #tpu.memory_space<vmem>>, vector<16xf32>,
      tpu.vector_store %arg37[%swap3A_491, %swap3A_492], %add3A_437 {strides = array<i32>} : memref<80x128xf32, #tpu.memory_space<vmem>>, vector<16xf32>,
      %swap3A_494 = arith.index_cast %add3A_345 : i32 to index
      %swap3A_495 = arith.constant 64 : index
      %swap3A_496 = tpu.vector_load %arg37[%swap3A_494, %swap3A_495] {strides = array<i32>} : memref<80x128xf32, #tpu.memory_space<vmem>>, vector<16xf32>,
      tpu.vector_store %arg37[%swap3A_494, %swap3A_495], %add3A_448 {strides = array<i32>} : memref<80x128xf32, #tpu.memory_space<vmem>>, vector<16xf32>,
      %swap3A_497 = arith.index_cast %add3A_345 : i32 to index
      %swap3A_498 = arith.constant 80 : index
      %swap3A_499 = tpu.vector_load %arg37[%swap3A_497, %swap3A_498] {strides = array<i32>} : memref<80x128xf32, #tpu.memory_space<vmem>>, vector<16xf32>,
      tpu.vector_store %arg37[%swap3A_497, %swap3A_498], %add3A_459 {strides = array<i32>} : memref<80x128xf32, #tpu.memory_space<vmem>>, vector<16xf32>,
      %swap3A_500 = arith.index_cast %add3A_345 : i32 to index
      %swap3A_501 = arith.constant 96 : index
      %swap3A_502 = tpu.vector_load %arg37[%swap3A_500, %swap3A_501] {strides = array<i32>} : memref<80x128xf32, #tpu.memory_space<vmem>>, vector<16xf32>,
      tpu.vector_store %arg37[%swap3A_500, %swap3A_501], %add3A_470 {strides = array<i32>} : memref<80x128xf32, #tpu.memory_space<vmem>>, vector<16xf32>,
      %swap3A_503 = arith.index_cast %add3A_345 : i32 to index
      %swap3A_504 = arith.constant 112 : index
      %swap3A_505 = tpu.vector_load %arg37[%swap3A_503, %swap3A_504] {strides = array<i32>} : memref<80x128xf32, #tpu.memory_space<vmem>>, vector<16xf32>,
      tpu.vector_store %arg37[%swap3A_503, %swap3A_504], %add3A_481 {strides = array<i32>} : memref<80x128xf32, #tpu.memory_space<vmem>>, vector<16xf32>,
      %mul3A_506 = arith.constant 8 : i32
      %mul3A_507 = arith.muli %scan3A_137, %mul3A_506 : i32
      %add3A_508 = arith.constant 2 : i32
      %add3A_509 = arith.addi %mul3A_507, %add3A_508 : i32
      %broadcast_in_dim3A_510 = arith.constant 2 : i32
      %broadcast_in_dim3A_511 = vector.broadcast %broadcast_in_dim3A_510 : i32 to vector<16xi32>
      %add3A_512 = vector.broadcast %mul3A_170 : i32 to vector<16xi32>
      %add3A_513 = arith.addi %broadcast_in_dim3A_511, %add3A_512 : vector<16xi32>
      %lt3A_514 = arith.constant 0 : i32
      %lt3A_515 = vector.broadcast %lt3A_514 : i32 to vector<16xi32>
      %lt3A_516 = arith.cmpi slt, %add3A_513, %lt3A_515 : vector<16xi32>
      %add3A_517 = arith.constant 16 : i32
      %add3A_518 = vector.broadcast %add3A_517 : i32 to vector<16xi32>
      %add3A_519 = arith.addi %add3A_513, %add3A_518 : vector<16xi32>
      %select_n3A_520 = arith.select %lt3A_516, %add3A_519, %add3A_513 : vector<16xi1>, vector<16xi32>
      %broadcast_in_dim3A_521 = vector.shape_cast %select_n3A_520 : vector<16xi32> to vector<16x1xi32>
      %gather3A_522 = vector.shape_cast %broadcast_in_dim3A_521 : vector<16x1xi32> to vector<16xi32>
      %gather3A_523 = tpu.dynamic_gather %get3A_172[%gather3A_522] in [0] : vector<16xf32>, vector<16xi32> -> vector<16xf32>
      %lt3A_524 = arith.constant 0 : i32
      %lt3A_525 = vector.broadcast %lt3A_524 : i32 to vector<16xi32>
      %lt3A_526 = arith.cmpi slt, %add3A_513, %lt3A_525 : vector<16xi32>
      %add3A_527 = arith.constant 16 : i32
      %add3A_528 = vector.broadcast %add3A_527 : i32 to vector<16xi32>
      %add3A_529 = arith.addi %add3A_513, %add3A_528 : vector<16xi32>
      %select_n3A_530 = arith.select %lt3A_526, %add3A_529, %add3A_513 : vector<16xi1>, vector<16xi32>
      %broadcast_in_dim3A_531 = vector.shape_cast %select_n3A_530 : vector<16xi32> to vector<16x1xi32>
      %gather3A_532 = vector.shape_cast %broadcast_in_dim3A_531 : vector<16x1xi32> to vector<16xi32>
      %gather3A_533 = tpu.dynamic_gather %mul3A_182[%gather3A_532] in [0] : vector<16xf32>, vector<16xi32> -> vector<16xf32>
      %get3A_534 = arith.index_cast %add3A_509 : i32 to index
      %get3A_535 = arith.constant 0 : index
      %get3A_536 = tpu.vector_load %arg15[%get3A_534, %get3A_535] {strides = array<i32>} : memref<80x128xi32, #tpu.memory_space<vmem>>, vector<16xi32>,
      %get3A_537 = arith.index_cast %add3A_509 : i32 to index
      %get3A_538 = arith.constant 16 : index
      %get3A_539 = tpu.vector_load %arg15[%get3A_537, %get3A_538] {strides = array<i32>} : memref<80x128xi32, #tpu.memory_space<vmem>>, vector<16xi32>,
      %get3A_540 = arith.index_cast %add3A_509 : i32 to index
      %get3A_541 = arith.constant 32 : index
      %get3A_542 = tpu.vector_load %arg15[%get3A_540, %get3A_541] {strides = array<i32>} : memref<80x128xi32, #tpu.memory_space<vmem>>, vector<16xi32>,
      %get3A_543 = arith.index_cast %add3A_509 : i32 to index
      %get3A_544 = arith.constant 48 : index
      %get3A_545 = tpu.vector_load %arg15[%get3A_543, %get3A_544] {strides = array<i32>} : memref<80x128xi32, #tpu.memory_space<vmem>>, vector<16xi32>,
      %get3A_546 = arith.index_cast %add3A_509 : i32 to index
      %get3A_547 = arith.constant 64 : index
      %get3A_548 = tpu.vector_load %arg15[%get3A_546, %get3A_547] {strides = array<i32>} : memref<80x128xi32, #tpu.memory_space<vmem>>, vector<16xi32>,
      %get3A_549 = arith.index_cast %add3A_509 : i32 to index
      %get3A_550 = arith.constant 80 : index
      %get3A_551 = tpu.vector_load %arg15[%get3A_549, %get3A_550] {strides = array<i32>} : memref<80x128xi32, #tpu.memory_space<vmem>>, vector<16xi32>,
      %get3A_552 = arith.index_cast %add3A_509 : i32 to index
      %get3A_553 = arith.constant 96 : index
      %get3A_554 = tpu.vector_load %arg15[%get3A_552, %get3A_553] {strides = array<i32>} : memref<80x128xi32, #tpu.memory_space<vmem>>, vector<16xi32>,
      %get3A_555 = arith.index_cast %add3A_509 : i32 to index
      %get3A_556 = arith.constant 112 : index
      %get3A_557 = tpu.vector_load %arg15[%get3A_555, %get3A_556] {strides = array<i32>} : memref<80x128xi32, #tpu.memory_space<vmem>>, vector<16xi32>,
      %shift_left3A_558 = arith.constant 16 : i32
      %shift_left3A_559 = vector.broadcast %shift_left3A_558 : i32 to vector<16xi32>
      %shift_left3A_560 = arith.shli %get3A_536, %shift_left3A_559 : vector<16xi32>
      %bitcast3A_561 = vector.bitcast %shift_left3A_560 : vector<16xi32> to vector<16xf32>
      %mul3A_562 = arith.mulf %gather3A_523, %bitcast3A_561 : vector<16xf32>
      %and3A_563 = arith.constant -65536 : i32
      %and3A_564 = vector.broadcast %and3A_563 : i32 to vector<16xi32>
      %and3A_565 = arith.andi %get3A_536, %and3A_564 : vector<16xi32>
      %bitcast3A_566 = vector.bitcast %and3A_565 : vector<16xi32> to vector<16xf32>
      %mul3A_567 = arith.mulf %gather3A_533, %bitcast3A_566 : vector<16xf32>
      %add3A_568 = arith.addf %mul3A_562, %mul3A_567 : vector<16xf32>
      %shift_left3A_569 = arith.constant 16 : i32
      %shift_left3A_570 = vector.broadcast %shift_left3A_569 : i32 to vector<16xi32>
      %shift_left3A_571 = arith.shli %get3A_539, %shift_left3A_570 : vector<16xi32>
      %bitcast3A_572 = vector.bitcast %shift_left3A_571 : vector<16xi32> to vector<16xf32>
      %mul3A_573 = arith.mulf %gather3A_523, %bitcast3A_572 : vector<16xf32>
      %and3A_574 = arith.constant -65536 : i32
      %and3A_575 = vector.broadcast %and3A_574 : i32 to vector<16xi32>
      %and3A_576 = arith.andi %get3A_539, %and3A_575 : vector<16xi32>
      %bitcast3A_577 = vector.bitcast %and3A_576 : vector<16xi32> to vector<16xf32>
      %mul3A_578 = arith.mulf %gather3A_533, %bitcast3A_577 : vector<16xf32>
      %add3A_579 = arith.addf %mul3A_573, %mul3A_578 : vector<16xf32>
      %shift_left3A_580 = arith.constant 16 : i32
      %shift_left3A_581 = vector.broadcast %shift_left3A_580 : i32 to vector<16xi32>
      %shift_left3A_582 = arith.shli %get3A_542, %shift_left3A_581 : vector<16xi32>
      %bitcast3A_583 = vector.bitcast %shift_left3A_582 : vector<16xi32> to vector<16xf32>
      %mul3A_584 = arith.mulf %gather3A_523, %bitcast3A_583 : vector<16xf32>
      %and3A_585 = arith.constant -65536 : i32
      %and3A_586 = vector.broadcast %and3A_585 : i32 to vector<16xi32>
      %and3A_587 = arith.andi %get3A_542, %and3A_586 : vector<16xi32>
      %bitcast3A_588 = vector.bitcast %and3A_587 : vector<16xi32> to vector<16xf32>
      %mul3A_589 = arith.mulf %gather3A_533, %bitcast3A_588 : vector<16xf32>
      %add3A_590 = arith.addf %mul3A_584, %mul3A_589 : vector<16xf32>
      %shift_left3A_591 = arith.constant 16 : i32
      %shift_left3A_592 = vector.broadcast %shift_left3A_591 : i32 to vector<16xi32>
      %shift_left3A_593 = arith.shli %get3A_545, %shift_left3A_592 : vector<16xi32>
      %bitcast3A_594 = vector.bitcast %shift_left3A_593 : vector<16xi32> to vector<16xf32>
      %mul3A_595 = arith.mulf %gather3A_523, %bitcast3A_594 : vector<16xf32>
      %and3A_596 = arith.constant -65536 : i32
      %and3A_597 = vector.broadcast %and3A_596 : i32 to vector<16xi32>
      %and3A_598 = arith.andi %get3A_545, %and3A_597 : vector<16xi32>
      %bitcast3A_599 = vector.bitcast %and3A_598 : vector<16xi32> to vector<16xf32>
      %mul3A_600 = arith.mulf %gather3A_533, %bitcast3A_599 : vector<16xf32>
      %add3A_601 = arith.addf %mul3A_595, %mul3A_600 : vector<16xf32>
      %shift_left3A_602 = arith.constant 16 : i32
      %shift_left3A_603 = vector.broadcast %shift_left3A_602 : i32 to vector<16xi32>
      %shift_left3A_604 = arith.shli %get3A_548, %shift_left3A_603 : vector<16xi32>
      %bitcast3A_605 = vector.bitcast %shift_left3A_604 : vector<16xi32> to vector<16xf32>
      %mul3A_606 = arith.mulf %gather3A_523, %bitcast3A_605 : vector<16xf32>
      %and3A_607 = arith.constant -65536 : i32
      %and3A_608 = vector.broadcast %and3A_607 : i32 to vector<16xi32>
      %and3A_609 = arith.andi %get3A_548, %and3A_608 : vector<16xi32>
      %bitcast3A_610 = vector.bitcast %and3A_609 : vector<16xi32> to vector<16xf32>
      %mul3A_611 = arith.mulf %gather3A_533, %bitcast3A_610 : vector<16xf32>
      %add3A_612 = arith.addf %mul3A_606, %mul3A_611 : vector<16xf32>
      %shift_left3A_613 = arith.constant 16 : i32
      %shift_left3A_614 = vector.broadcast %shift_left3A_613 : i32 to vector<16xi32>
      %shift_left3A_615 = arith.shli %get3A_551, %shift_left3A_614 : vector<16xi32>
      %bitcast3A_616 = vector.bitcast %shift_left3A_615 : vector<16xi32> to vector<16xf32>
      %mul3A_617 = arith.mulf %gather3A_523, %bitcast3A_616 : vector<16xf32>
      %and3A_618 = arith.constant -65536 : i32
      %and3A_619 = vector.broadcast %and3A_618 : i32 to vector<16xi32>
      %and3A_620 = arith.andi %get3A_551, %and3A_619 : vector<16xi32>
      %bitcast3A_621 = vector.bitcast %and3A_620 : vector<16xi32> to vector<16xf32>
      %mul3A_622 = arith.mulf %gather3A_533, %bitcast3A_621 : vector<16xf32>
      %add3A_623 = arith.addf %mul3A_617, %mul3A_622 : vector<16xf32>
      %shift_left3A_624 = arith.constant 16 : i32
      %shift_left3A_625 = vector.broadcast %shift_left3A_624 : i32 to vector<16xi32>
      %shift_left3A_626 = arith.shli %get3A_554, %shift_left3A_625 : vector<16xi32>
      %bitcast3A_627 = vector.bitcast %shift_left3A_626 : vector<16xi32> to vector<16xf32>
      %mul3A_628 = arith.mulf %gather3A_523, %bitcast3A_627 : vector<16xf32>
      %and3A_629 = arith.constant -65536 : i32
      %and3A_630 = vector.broadcast %and3A_629 : i32 to vector<16xi32>
      %and3A_631 = arith.andi %get3A_554, %and3A_630 : vector<16xi32>
      %bitcast3A_632 = vector.bitcast %and3A_631 : vector<16xi32> to vector<16xf32>
      %mul3A_633 = arith.mulf %gather3A_533, %bitcast3A_632 : vector<16xf32>
      %add3A_634 = arith.addf %mul3A_628, %mul3A_633 : vector<16xf32>
      %shift_left3A_635 = arith.constant 16 : i32
      %shift_left3A_636 = vector.broadcast %shift_left3A_635 : i32 to vector<16xi32>
      %shift_left3A_637 = arith.shli %get3A_557, %shift_left3A_636 : vector<16xi32>
      %bitcast3A_638 = vector.bitcast %shift_left3A_637 : vector<16xi32> to vector<16xf32>
      %mul3A_639 = arith.mulf %gather3A_523, %bitcast3A_638 : vector<16xf32>
      %and3A_640 = arith.constant -65536 : i32
      %and3A_641 = vector.broadcast %and3A_640 : i32 to vector<16xi32>
      %and3A_642 = arith.andi %get3A_557, %and3A_641 : vector<16xi32>
      %bitcast3A_643 = vector.bitcast %and3A_642 : vector<16xi32> to vector<16xf32>
      %mul3A_644 = arith.mulf %gather3A_533, %bitcast3A_643 : vector<16xf32>
      %add3A_645 = arith.addf %mul3A_639, %mul3A_644 : vector<16xf32>
      %swap3A_646 = arith.index_cast %add3A_509 : i32 to index
      %swap3A_647 = arith.constant 0 : index
      %swap3A_648 = tpu.vector_load %arg37[%swap3A_646, %swap3A_647] {strides = array<i32>} : memref<80x128xf32, #tpu.memory_space<vmem>>, vector<16xf32>,
      tpu.vector_store %arg37[%swap3A_646, %swap3A_647], %add3A_568 {strides = array<i32>} : memref<80x128xf32, #tpu.memory_space<vmem>>, vector<16xf32>,
      %swap3A_649 = arith.index_cast %add3A_509 : i32 to index
      %swap3A_650 = arith.constant 16 : index
      %swap3A_651 = tpu.vector_load %arg37[%swap3A_649, %swap3A_650] {strides = array<i32>} : memref<80x128xf32, #tpu.memory_space<vmem>>, vector<16xf32>,
      tpu.vector_store %arg37[%swap3A_649, %swap3A_650], %add3A_579 {strides = array<i32>} : memref<80x128xf32, #tpu.memory_space<vmem>>, vector<16xf32>,
      %swap3A_652 = arith.index_cast %add3A_509 : i32 to index
      %swap3A_653 = arith.constant 32 : index
      %swap3A_654 = tpu.vector_load %arg37[%swap3A_652, %swap3A_653] {strides = array<i32>} : memref<80x128xf32, #tpu.memory_space<vmem>>, vector<16xf32>,
      tpu.vector_store %arg37[%swap3A_652, %swap3A_653], %add3A_590 {strides = array<i32>} : memref<80x128xf32, #tpu.memory_space<vmem>>, vector<16xf32>,
      %swap3A_655 = arith.index_cast %add3A_509 : i32 to index
      %swap3A_656 = arith.constant 48 : index
      %swap3A_657 = tpu.vector_load %arg37[%swap3A_655, %swap3A_656] {strides = array<i32>} : memref<80x128xf32, #tpu.memory_space<vmem>>, vector<16xf32>,
      tpu.vector_store %arg37[%swap3A_655, %swap3A_656], %add3A_601 {strides = array<i32>} : memref<80x128xf32, #tpu.memory_space<vmem>>, vector<16xf32>,
      %swap3A_658 = arith.index_cast %add3A_509 : i32 to index
      %swap3A_659 = arith.constant 64 : index
      %swap3A_660 = tpu.vector_load %arg37[%swap3A_658, %swap3A_659] {strides = array<i32>} : memref<80x128xf32, #tpu.memory_space<vmem>>, vector<16xf32>,
      tpu.vector_store %arg37[%swap3A_658, %swap3A_659], %add3A_612 {strides = array<i32>} : memref<80x128xf32, #tpu.memory_space<vmem>>, vector<16xf32>,
      %swap3A_661 = arith.index_cast %add3A_509 : i32 to index
      %swap3A_662 = arith.constant 80 : index
      %swap3A_663 = tpu.vector_load %arg37[%swap3A_661, %swap3A_662] {strides = array<i32>} : memref<80x128xf32, #tpu.memory_space<vmem>>, vector<16xf32>,
      tpu.vector_store %arg37[%swap3A_661, %swap3A_662], %add3A_623 {strides = array<i32>} : memref<80x128xf32, #tpu.memory_space<vmem>>, vector<16xf32>,
      %swap3A_664 = arith.index_cast %add3A_509 : i32 to index
      %swap3A_665 = arith.constant 96 : index
      %swap3A_666 = tpu.vector_load %arg37[%swap3A_664, %swap3A_665] {strides = array<i32>} : memref<80x128xf32, #tpu.memory_space<vmem>>, vector<16xf32>,
      tpu.vector_store %arg37[%swap3A_664, %swap3A_665], %add3A_634 {strides = array<i32>} : memref<80x128xf32, #tpu.memory_space<vmem>>, vector<16xf32>,
      %swap3A_667 = arith.index_cast %add3A_509 : i32 to index
      %swap3A_668 = arith.constant 112 : index
      %swap3A_669 = tpu.vector_load %arg37[%swap3A_667, %swap3A_668] {strides = array<i32>} : memref<80x128xf32, #tpu.memory_space<vmem>>, vector<16xf32>,
      tpu.vector_store %arg37[%swap3A_667, %swap3A_668], %add3A_645 {strides = array<i32>} : memref<80x128xf32, #tpu.memory_space<vmem>>, vector<16xf32>,
      %mul3A_670 = arith.constant 8 : i32
      %mul3A_671 = arith.muli %scan3A_137, %mul3A_670 : i32
      %add3A_672 = arith.constant 3 : i32
      %add3A_673 = arith.addi %mul3A_671, %add3A_672 : i32
      %broadcast_in_dim3A_674 = arith.constant 3 : i32
      %broadcast_in_dim3A_675 = vector.broadcast %broadcast_in_dim3A_674 : i32 to vector<16xi32>
      %add3A_676 = vector.broadcast %mul3A_170 : i32 to vector<16xi32>
      %add3A_677 = arith.addi %broadcast_in_dim3A_675, %add3A_676 : vector<16xi32>
      %lt3A_678 = arith.constant 0 : i32
      %lt3A_679 = vector.broadcast %lt3A_678 : i32 to vector<16xi32>
      %lt3A_680 = arith.cmpi slt, %add3A_677, %lt3A_679 : vector<16xi32>
      %add3A_681 = arith.constant 16 : i32
      %add3A_682 = vector.broadcast %add3A_681 : i32 to vector<16xi32>
      %add3A_683 = arith.addi %add3A_677, %add3A_682 : vector<16xi32>
      %select_n3A_684 = arith.select %lt3A_680, %add3A_683, %add3A_677 : vector<16xi1>, vector<16xi32>
      %broadcast_in_dim3A_685 = vector.shape_cast %select_n3A_684 : vector<16xi32> to vector<16x1xi32>
      %gather3A_686 = vector.shape_cast %broadcast_in_dim3A_685 : vector<16x1xi32> to vector<16xi32>
      %gather3A_687 = tpu.dynamic_gather %get3A_172[%gather3A_686] in [0] : vector<16xf32>, vector<16xi32> -> vector<16xf32>
      %lt3A_688 = arith.constant 0 : i32
      %lt3A_689 = vector.broadcast %lt3A_688 : i32 to vector<16xi32>
      %lt3A_690 = arith.cmpi slt, %add3A_677, %lt3A_689 : vector<16xi32>
      %add3A_691 = arith.constant 16 : i32
      %add3A_692 = vector.broadcast %add3A_691 : i32 to vector<16xi32>
      %add3A_693 = arith.addi %add3A_677, %add3A_692 : vector<16xi32>
      %select_n3A_694 = arith.select %lt3A_690, %add3A_693, %add3A_677 : vector<16xi1>, vector<16xi32>
      %broadcast_in_dim3A_695 = vector.shape_cast %select_n3A_694 : vector<16xi32> to vector<16x1xi32>
      %gather3A_696 = vector.shape_cast %broadcast_in_dim3A_695 : vector<16x1xi32> to vector<16xi32>
      %gather3A_697 = tpu.dynamic_gather %mul3A_182[%gather3A_696] in [0] : vector<16xf32>, vector<16xi32> -> vector<16xf32>
      %get3A_698 = arith.index_cast %add3A_673 : i32 to index
      %get3A_699 = arith.constant 0 : index
      %get3A_700 = tpu.vector_load %arg15[%get3A_698, %get3A_699] {strides = array<i32>} : memref<80x128xi32, #tpu.memory_space<vmem>>, vector<16xi32>,
      %get3A_701 = arith.index_cast %add3A_673 : i32 to index
      %get3A_702 = arith.constant 16 : index
      %get3A_703 = tpu.vector_load %arg15[%get3A_701, %get3A_702] {strides = array<i32>} : memref<80x128xi32, #tpu.memory_space<vmem>>, vector<16xi32>,
      %get3A_704 = arith.index_cast %add3A_673 : i32 to index
      %get3A_705 = arith.constant 32 : index
      %get3A_706 = tpu.vector_load %arg15[%get3A_704, %get3A_705] {strides = array<i32>} : memref<80x128xi32, #tpu.memory_space<vmem>>, vector<16xi32>,
      %get3A_707 = arith.index_cast %add3A_673 : i32 to index
      %get3A_708 = arith.constant 48 : index
      %get3A_709 = tpu.vector_load %arg15[%get3A_707, %get3A_708] {strides = array<i32>} : memref<80x128xi32, #tpu.memory_space<vmem>>, vector<16xi32>,
      %get3A_710 = arith.index_cast %add3A_673 : i32 to index
      %get3A_711 = arith.constant 64 : index
      %get3A_712 = tpu.vector_load %arg15[%get3A_710, %get3A_711] {strides = array<i32>} : memref<80x128xi32, #tpu.memory_space<vmem>>, vector<16xi32>,
      %get3A_713 = arith.index_cast %add3A_673 : i32 to index
      %get3A_714 = arith.constant 80 : index
      %get3A_715 = tpu.vector_load %arg15[%get3A_713, %get3A_714] {strides = array<i32>} : memref<80x128xi32, #tpu.memory_space<vmem>>, vector<16xi32>,
      %get3A_716 = arith.index_cast %add3A_673 : i32 to index
      %get3A_717 = arith.constant 96 : index
      %get3A_718 = tpu.vector_load %arg15[%get3A_716, %get3A_717] {strides = array<i32>} : memref<80x128xi32, #tpu.memory_space<vmem>>, vector<16xi32>,
      %get3A_719 = arith.index_cast %add3A_673 : i32 to index
      %get3A_720 = arith.constant 112 : index
      %get3A_721 = tpu.vector_load %arg15[%get3A_719, %get3A_720] {strides = array<i32>} : memref<80x128xi32, #tpu.memory_space<vmem>>, vector<16xi32>,
      %shift_left3A_722 = arith.constant 16 : i32
      %shift_left3A_723 = vector.broadcast %shift_left3A_722 : i32 to vector<16xi32>
      %shift_left3A_724 = arith.shli %get3A_700, %shift_left3A_723 : vector<16xi32>
      %bitcast3A_725 = vector.bitcast %shift_left3A_724 : vector<16xi32> to vector<16xf32>
      %mul3A_726 = arith.mulf %gather3A_687, %bitcast3A_725 : vector<16xf32>
      %and3A_727 = arith.constant -65536 : i32
      %and3A_728 = vector.broadcast %and3A_727 : i32 to vector<16xi32>
      %and3A_729 = arith.andi %get3A_700, %and3A_728 : vector<16xi32>
      %bitcast3A_730 = vector.bitcast %and3A_729 : vector<16xi32> to vector<16xf32>
      %mul3A_731 = arith.mulf %gather3A_697, %bitcast3A_730 : vector<16xf32>
      %add3A_732 = arith.addf %mul3A_726, %mul3A_731 : vector<16xf32>
      %shift_left3A_733 = arith.constant 16 : i32
      %shift_left3A_734 = vector.broadcast %shift_left3A_733 : i32 to vector<16xi32>
      %shift_left3A_735 = arith.shli %get3A_703, %shift_left3A_734 : vector<16xi32>
      %bitcast3A_736 = vector.bitcast %shift_left3A_735 : vector<16xi32> to vector<16xf32>
      %mul3A_737 = arith.mulf %gather3A_687, %bitcast3A_736 : vector<16xf32>
      %and3A_738 = arith.constant -65536 : i32
      %and3A_739 = vector.broadcast %and3A_738 : i32 to vector<16xi32>
      %and3A_740 = arith.andi %get3A_703, %and3A_739 : vector<16xi32>
      %bitcast3A_741 = vector.bitcast %and3A_740 : vector<16xi32> to vector<16xf32>
      %mul3A_742 = arith.mulf %gather3A_697, %bitcast3A_741 : vector<16xf32>
      %add3A_743 = arith.addf %mul3A_737, %mul3A_742 : vector<16xf32>
      %shift_left3A_744 = arith.constant 16 : i32
      %shift_left3A_745 = vector.broadcast %shift_left3A_744 : i32 to vector<16xi32>
      %shift_left3A_746 = arith.shli %get3A_706, %shift_left3A_745 : vector<16xi32>
      %bitcast3A_747 = vector.bitcast %shift_left3A_746 : vector<16xi32> to vector<16xf32>
      %mul3A_748 = arith.mulf %gather3A_687, %bitcast3A_747 : vector<16xf32>
      %and3A_749 = arith.constant -65536 : i32
      %and3A_750 = vector.broadcast %and3A_749 : i32 to vector<16xi32>
      %and3A_751 = arith.andi %get3A_706, %and3A_750 : vector<16xi32>
      %bitcast3A_752 = vector.bitcast %and3A_751 : vector<16xi32> to vector<16xf32>
      %mul3A_753 = arith.mulf %gather3A_697, %bitcast3A_752 : vector<16xf32>
      %add3A_754 = arith.addf %mul3A_748, %mul3A_753 : vector<16xf32>
      %shift_left3A_755 = arith.constant 16 : i32
      %shift_left3A_756 = vector.broadcast %shift_left3A_755 : i32 to vector<16xi32>
      %shift_left3A_757 = arith.shli %get3A_709, %shift_left3A_756 : vector<16xi32>
      %bitcast3A_758 = vector.bitcast %shift_left3A_757 : vector<16xi32> to vector<16xf32>
      %mul3A_759 = arith.mulf %gather3A_687, %bitcast3A_758 : vector<16xf32>
      %and3A_760 = arith.constant -65536 : i32
      %and3A_761 = vector.broadcast %and3A_760 : i32 to vector<16xi32>
      %and3A_762 = arith.andi %get3A_709, %and3A_761 : vector<16xi32>
      %bitcast3A_763 = vector.bitcast %and3A_762 : vector<16xi32> to vector<16xf32>
      %mul3A_764 = arith.mulf %gather3A_697, %bitcast3A_763 : vector<16xf32>
      %add3A_765 = arith.addf %mul3A_759, %mul3A_764 : vector<16xf32>
      %shift_left3A_766 = arith.constant 16 : i32
      %shift_left3A_767 = vector.broadcast %shift_left3A_766 : i32 to vector<16xi32>
      %shift_left3A_768 = arith.shli %get3A_712, %shift_left3A_767 : vector<16xi32>
      %bitcast3A_769 = vector.bitcast %shift_left3A_768 : vector<16xi32> to vector<16xf32>
      %mul3A_770 = arith.mulf %gather3A_687, %bitcast3A_769 : vector<16xf32>
      %and3A_771 = arith.constant -65536 : i32
      %and3A_772 = vector.broadcast %and3A_771 : i32 to vector<16xi32>
      %and3A_773 = arith.andi %get3A_712, %and3A_772 : vector<16xi32>
      %bitcast3A_774 = vector.bitcast %and3A_773 : vector<16xi32> to vector<16xf32>
      %mul3A_775 = arith.mulf %gather3A_697, %bitcast3A_774 : vector<16xf32>
      %add3A_776 = arith.addf %mul3A_770, %mul3A_775 : vector<16xf32>
      %shift_left3A_777 = arith.constant 16 : i32
      %shift_left3A_778 = vector.broadcast %shift_left3A_777 : i32 to vector<16xi32>
      %shift_left3A_779 = arith.shli %get3A_715, %shift_left3A_778 : vector<16xi32>
      %bitcast3A_780 = vector.bitcast %shift_left3A_779 : vector<16xi32> to vector<16xf32>
      %mul3A_781 = arith.mulf %gather3A_687, %bitcast3A_780 : vector<16xf32>
      %and3A_782 = arith.constant -65536 : i32
      %and3A_783 = vector.broadcast %and3A_782 : i32 to vector<16xi32>
      %and3A_784 = arith.andi %get3A_715, %and3A_783 : vector<16xi32>
      %bitcast3A_785 = vector.bitcast %and3A_784 : vector<16xi32> to vector<16xf32>
      %mul3A_786 = arith.mulf %gather3A_697, %bitcast3A_785 : vector<16xf32>
      %add3A_787 = arith.addf %mul3A_781, %mul3A_786 : vector<16xf32>
      %shift_left3A_788 = arith.constant 16 : i32
      %shift_left3A_789 = vector.broadcast %shift_left3A_788 : i32 to vector<16xi32>
      %shift_left3A_790 = arith.shli %get3A_718, %shift_left3A_789 : vector<16xi32>
      %bitcast3A_791 = vector.bitcast %shift_left3A_790 : vector<16xi32> to vector<16xf32>
      %mul3A_792 = arith.mulf %gather3A_687, %bitcast3A_791 : vector<16xf32>
      %and3A_793 = arith.constant -65536 : i32
      %and3A_794 = vector.broadcast %and3A_793 : i32 to vector<16xi32>
      %and3A_795 = arith.andi %get3A_718, %and3A_794 : vector<16xi32>
      %bitcast3A_796 = vector.bitcast %and3A_795 : vector<16xi32> to vector<16xf32>
      %mul3A_797 = arith.mulf %gather3A_697, %bitcast3A_796 : vector<16xf32>
      %add3A_798 = arith.addf %mul3A_792, %mul3A_797 : vector<16xf32>
      %shift_left3A_799 = arith.constant 16 : i32
      %shift_left3A_800 = vector.broadcast %shift_left3A_799 : i32 to vector<16xi32>
      %shift_left3A_801 = arith.shli %get3A_721, %shift_left3A_800 : vector<16xi32>
      %bitcast3A_802 = vector.bitcast %shift_left3A_801 : vector<16xi32> to vector<16xf32>
      %mul3A_803 = arith.mulf %gather3A_687, %bitcast3A_802 : vector<16xf32>
      %and3A_804 = arith.constant -65536 : i32
      %and3A_805 = vector.broadcast %and3A_804 : i32 to vector<16xi32>
      %and3A_806 = arith.andi %get3A_721, %and3A_805 : vector<16xi32>
      %bitcast3A_807 = vector.bitcast %and3A_806 : vector<16xi32> to vector<16xf32>
      %mul3A_808 = arith.mulf %gather3A_697, %bitcast3A_807 : vector<16xf32>
      %add3A_809 = arith.addf %mul3A_803, %mul3A_808 : vector<16xf32>
      %swap3A_810 = arith.index_cast %add3A_673 : i32 to index
      %swap3A_811 = arith.constant 0 : index
      %swap3A_812 = tpu.vector_load %arg37[%swap3A_810, %swap3A_811] {strides = array<i32>} : memref<80x128xf32, #tpu.memory_space<vmem>>, vector<16xf32>,
      tpu.vector_store %arg37[%swap3A_810, %swap3A_811], %add3A_732 {strides = array<i32>} : memref<80x128xf32, #tpu.memory_space<vmem>>, vector<16xf32>,
      %swap3A_813 = arith.index_cast %add3A_673 : i32 to index
      %swap3A_814 = arith.constant 16 : index
      %swap3A_815 = tpu.vector_load %arg37[%swap3A_813, %swap3A_814] {strides = array<i32>} : memref<80x128xf32, #tpu.memory_space<vmem>>, vector<16xf32>,
      tpu.vector_store %arg37[%swap3A_813, %swap3A_814], %add3A_743 {strides = array<i32>} : memref<80x128xf32, #tpu.memory_space<vmem>>, vector<16xf32>,
      %swap3A_816 = arith.index_cast %add3A_673 : i32 to index
      %swap3A_817 = arith.constant 32 : index
      %swap3A_818 = tpu.vector_load %arg37[%swap3A_816, %swap3A_817] {strides = array<i32>} : memref<80x128xf32, #tpu.memory_space<vmem>>, vector<16xf32>,
      tpu.vector_store %arg37[%swap3A_816, %swap3A_817], %add3A_754 {strides = array<i32>} : memref<80x128xf32, #tpu.memory_space<vmem>>, vector<16xf32>,
      %swap3A_819 = arith.index_cast %add3A_673 : i32 to index
      %swap3A_820 = arith.constant 48 : index
      %swap3A_821 = tpu.vector_load %arg37[%swap3A_819, %swap3A_820] {strides = array<i32>} : memref<80x128xf32, #tpu.memory_space<vmem>>, vector<16xf32>,
      tpu.vector_store %arg37[%swap3A_819, %swap3A_820], %add3A_765 {strides = array<i32>} : memref<80x128xf32, #tpu.memory_space<vmem>>, vector<16xf32>,
      %swap3A_822 = arith.index_cast %add3A_673 : i32 to index
      %swap3A_823 = arith.constant 64 : index
      %swap3A_824 = tpu.vector_load %arg37[%swap3A_822, %swap3A_823] {strides = array<i32>} : memref<80x128xf32, #tpu.memory_space<vmem>>, vector<16xf32>,
      tpu.vector_store %arg37[%swap3A_822, %swap3A_823], %add3A_776 {strides = array<i32>} : memref<80x128xf32, #tpu.memory_space<vmem>>, vector<16xf32>,
      %swap3A_825 = arith.index_cast %add3A_673 : i32 to index
      %swap3A_826 = arith.constant 80 : index
      %swap3A_827 = tpu.vector_load %arg37[%swap3A_825, %swap3A_826] {strides = array<i32>} : memref<80x128xf32, #tpu.memory_space<vmem>>, vector<16xf32>,
      tpu.vector_store %arg37[%swap3A_825, %swap3A_826], %add3A_787 {strides = array<i32>} : memref<80x128xf32, #tpu.memory_space<vmem>>, vector<16xf32>,
      %swap3A_828 = arith.index_cast %add3A_673 : i32 to index
      %swap3A_829 = arith.constant 96 : index
      %swap3A_830 = tpu.vector_load %arg37[%swap3A_828, %swap3A_829] {strides = array<i32>} : memref<80x128xf32, #tpu.memory_space<vmem>>, vector<16xf32>,
      tpu.vector_store %arg37[%swap3A_828, %swap3A_829], %add3A_798 {strides = array<i32>} : memref<80x128xf32, #tpu.memory_space<vmem>>, vector<16xf32>,
      %swap3A_831 = arith.index_cast %add3A_673 : i32 to index
      %swap3A_832 = arith.constant 112 : index
      %swap3A_833 = tpu.vector_load %arg37[%swap3A_831, %swap3A_832] {strides = array<i32>} : memref<80x128xf32, #tpu.memory_space<vmem>>, vector<16xf32>,
      tpu.vector_store %arg37[%swap3A_831, %swap3A_832], %add3A_809 {strides = array<i32>} : memref<80x128xf32, #tpu.memory_space<vmem>>, vector<16xf32>,
      %mul3A_834 = arith.constant 8 : i32
      %mul3A_835 = arith.muli %scan3A_137, %mul3A_834 : i32
      %add3A_836 = arith.constant 4 : i32
      %add3A_837 = arith.addi %mul3A_835, %add3A_836 : i32
      %broadcast_in_dim3A_838 = arith.constant 4 : i32
      %broadcast_in_dim3A_839 = vector.broadcast %broadcast_in_dim3A_838 : i32 to vector<16xi32>
      %add3A_840 = vector.broadcast %mul3A_170 : i32 to vector<16xi32>
      %add3A_841 = arith.addi %broadcast_in_dim3A_839, %add3A_840 : vector<16xi32>
      %lt3A_842 = arith.constant 0 : i32
      %lt3A_843 = vector.broadcast %lt3A_842 : i32 to vector<16xi32>
      %lt3A_844 = arith.cmpi slt, %add3A_841, %lt3A_843 : vector<16xi32>
      %add3A_845 = arith.constant 16 : i32
      %add3A_846 = vector.broadcast %add3A_845 : i32 to vector<16xi32>
      %add3A_847 = arith.addi %add3A_841, %add3A_846 : vector<16xi32>
      %select_n3A_848 = arith.select %lt3A_844, %add3A_847, %add3A_841 : vector<16xi1>, vector<16xi32>
      %broadcast_in_dim3A_849 = vector.shape_cast %select_n3A_848 : vector<16xi32> to vector<16x1xi32>
      %gather3A_850 = vector.shape_cast %broadcast_in_dim3A_849 : vector<16x1xi32> to vector<16xi32>
      %gather3A_851 = tpu.dynamic_gather %get3A_172[%gather3A_850] in [0] : vector<16xf32>, vector<16xi32> -> vector<16xf32>
      %lt3A_852 = arith.constant 0 : i32
      %lt3A_853 = vector.broadcast %lt3A_852 : i32 to vector<16xi32>
      %lt3A_854 = arith.cmpi slt, %add3A_841, %lt3A_853 : vector<16xi32>
      %add3A_855 = arith.constant 16 : i32
      %add3A_856 = vector.broadcast %add3A_855 : i32 to vector<16xi32>
      %add3A_857 = arith.addi %add3A_841, %add3A_856 : vector<16xi32>
      %select_n3A_858 = arith.select %lt3A_854, %add3A_857, %add3A_841 : vector<16xi1>, vector<16xi32>
      %broadcast_in_dim3A_859 = vector.shape_cast %select_n3A_858 : vector<16xi32> to vector<16x1xi32>
      %gather3A_860 = vector.shape_cast %broadcast_in_dim3A_859 : vector<16x1xi32> to vector<16xi32>
      %gather3A_861 = tpu.dynamic_gather %mul3A_182[%gather3A_860] in [0] : vector<16xf32>, vector<16xi32> -> vector<16xf32>
      %get3A_862 = arith.index_cast %add3A_837 : i32 to index
      %get3A_863 = arith.constant 0 : index
      %get3A_864 = tpu.vector_load %arg15[%get3A_862, %get3A_863] {strides = array<i32>} : memref<80x128xi32, #tpu.memory_space<vmem>>, vector<16xi32>,
      %get3A_865 = arith.index_cast %add3A_837 : i32 to index
      %get3A_866 = arith.constant 16 : index
      %get3A_867 = tpu.vector_load %arg15[%get3A_865, %get3A_866] {strides = array<i32>} : memref<80x128xi32, #tpu.memory_space<vmem>>, vector<16xi32>,
      %get3A_868 = arith.index_cast %add3A_837 : i32 to index
      %get3A_869 = arith.constant 32 : index
      %get3A_870 = tpu.vector_load %arg15[%get3A_868, %get3A_869] {strides = array<i32>} : memref<80x128xi32, #tpu.memory_space<vmem>>, vector<16xi32>,
      %get3A_871 = arith.index_cast %add3A_837 : i32 to index
      %get3A_872 = arith.constant 48 : index
      %get3A_873 = tpu.vector_load %arg15[%get3A_871, %get3A_872] {strides = array<i32>} : memref<80x128xi32, #tpu.memory_space<vmem>>, vector<16xi32>,
      %get3A_874 = arith.index_cast %add3A_837 : i32 to index
      %get3A_875 = arith.constant 64 : index
      %get3A_876 = tpu.vector_load %arg15[%get3A_874, %get3A_875] {strides = array<i32>} : memref<80x128xi32, #tpu.memory_space<vmem>>, vector<16xi32>,
      %get3A_877 = arith.index_cast %add3A_837 : i32 to index
      %get3A_878 = arith.constant 80 : index
      %get3A_879 = tpu.vector_load %arg15[%get3A_877, %get3A_878] {strides = array<i32>} : memref<80x128xi32, #tpu.memory_space<vmem>>, vector<16xi32>,
      %get3A_880 = arith.index_cast %add3A_837 : i32 to index
      %get3A_881 = arith.constant 96 : index
      %get3A_882 = tpu.vector_load %arg15[%get3A_880, %get3A_881] {strides = array<i32>} : memref<80x128xi32, #tpu.memory_space<vmem>>, vector<16xi32>,
      %get3A_883 = arith.index_cast %add3A_837 : i32 to index
      %get3A_884 = arith.constant 112 : index
      %get3A_885 = tpu.vector_load %arg15[%get3A_883, %get3A_884] {strides = array<i32>} : memref<80x128xi32, #tpu.memory_space<vmem>>, vector<16xi32>,
      %shift_left3A_886 = arith.constant 16 : i32
      %shift_left3A_887 = vector.broadcast %shift_left3A_886 : i32 to vector<16xi32>
      %shift_left3A_888 = arith.shli %get3A_864, %shift_left3A_887 : vector<16xi32>
      %bitcast3A_889 = vector.bitcast %shift_left3A_888 : vector<16xi32> to vector<16xf32>
      %mul3A_890 = arith.mulf %gather3A_851, %bitcast3A_889 : vector<16xf32>
      %and3A_891 = arith.constant -65536 : i32
      %and3A_892 = vector.broadcast %and3A_891 : i32 to vector<16xi32>
      %and3A_893 = arith.andi %get3A_864, %and3A_892 : vector<16xi32>
      %bitcast3A_894 = vector.bitcast %and3A_893 : vector<16xi32> to vector<16xf32>
      %mul3A_895 = arith.mulf %gather3A_861, %bitcast3A_894 : vector<16xf32>
      %add3A_896 = arith.addf %mul3A_890, %mul3A_895 : vector<16xf32>
      %shift_left3A_897 = arith.constant 16 : i32
      %shift_left3A_898 = vector.broadcast %shift_left3A_897 : i32 to vector<16xi32>
      %shift_left3A_899 = arith.shli %get3A_867, %shift_left3A_898 : vector<16xi32>
      %bitcast3A_900 = vector.bitcast %shift_left3A_899 : vector<16xi32> to vector<16xf32>
      %mul3A_901 = arith.mulf %gather3A_851, %bitcast3A_900 : vector<16xf32>
      %and3A_902 = arith.constant -65536 : i32
      %and3A_903 = vector.broadcast %and3A_902 : i32 to vector<16xi32>
      %and3A_904 = arith.andi %get3A_867, %and3A_903 : vector<16xi32>
      %bitcast3A_905 = vector.bitcast %and3A_904 : vector<16xi32> to vector<16xf32>
      %mul3A_906 = arith.mulf %gather3A_861, %bitcast3A_905 : vector<16xf32>
      %add3A_907 = arith.addf %mul3A_901, %mul3A_906 : vector<16xf32>
      %shift_left3A_908 = arith.constant 16 : i32
      %shift_left3A_909 = vector.broadcast %shift_left3A_908 : i32 to vector<16xi32>
      %shift_left3A_910 = arith.shli %get3A_870, %shift_left3A_909 : vector<16xi32>
      %bitcast3A_911 = vector.bitcast %shift_left3A_910 : vector<16xi32> to vector<16xf32>
      %mul3A_912 = arith.mulf %gather3A_851, %bitcast3A_911 : vector<16xf32>
      %and3A_913 = arith.constant -65536 : i32
      %and3A_914 = vector.broadcast %and3A_913 : i32 to vector<16xi32>
      %and3A_915 = arith.andi %get3A_870, %and3A_914 : vector<16xi32>
      %bitcast3A_916 = vector.bitcast %and3A_915 : vector<16xi32> to vector<16xf32>
      %mul3A_917 = arith.mulf %gather3A_861, %bitcast3A_916 : vector<16xf32>
      %add3A_918 = arith.addf %mul3A_912, %mul3A_917 : vector<16xf32>
      %shift_left3A_919 = arith.constant 16 : i32
      %shift_left3A_920 = vector.broadcast %shift_left3A_919 : i32 to vector<16xi32>
      %shift_left3A_921 = arith.shli %get3A_873, %shift_left3A_920 : vector<16xi32>
      %bitcast3A_922 = vector.bitcast %shift_left3A_921 : vector<16xi32> to vector<16xf32>
      %mul3A_923 = arith.mulf %gather3A_851, %bitcast3A_922 : vector<16xf32>
      %and3A_924 = arith.constant -65536 : i32
      %and3A_925 = vector.broadcast %and3A_924 : i32 to vector<16xi32>
      %and3A_926 = arith.andi %get3A_873, %and3A_925 : vector<16xi32>
      %bitcast3A_927 = vector.bitcast %and3A_926 : vector<16xi32> to vector<16xf32>
      %mul3A_928 = arith.mulf %gather3A_861, %bitcast3A_927 : vector<16xf32>
      %add3A_929 = arith.addf %mul3A_923, %mul3A_928 : vector<16xf32>
      %shift_left3A_930 = arith.constant 16 : i32
      %shift_left3A_931 = vector.broadcast %shift_left3A_930 : i32 to vector<16xi32>
      %shift_left3A_932 = arith.shli %get3A_876, %shift_left3A_931 : vector<16xi32>
      %bitcast3A_933 = vector.bitcast %shift_left3A_932 : vector<16xi32> to vector<16xf32>
      %mul3A_934 = arith.mulf %gather3A_851, %bitcast3A_933 : vector<16xf32>
      %and3A_935 = arith.constant -65536 : i32
      %and3A_936 = vector.broadcast %and3A_935 : i32 to vector<16xi32>
      %and3A_937 = arith.andi %get3A_876, %and3A_936 : vector<16xi32>
      %bitcast3A_938 = vector.bitcast %and3A_937 : vector<16xi32> to vector<16xf32>
      %mul3A_939 = arith.mulf %gather3A_861, %bitcast3A_938 : vector<16xf32>
      %add3A_940 = arith.addf %mul3A_934, %mul3A_939 : vector<16xf32>
      %shift_left3A_941 = arith.constant 16 : i32
      %shift_left3A_942 = vector.broadcast %shift_left3A_941 : i32 to vector<16xi32>
      %shift_left3A_943 = arith.shli %get3A_879, %shift_left3A_942 : vector<16xi32>
      %bitcast3A_944 = vector.bitcast %shift_left3A_943 : vector<16xi32> to vector<16xf32>
      %mul3A_945 = arith.mulf %gather3A_851, %bitcast3A_944 : vector<16xf32>
      %and3A_946 = arith.constant -65536 : i32
      %and3A_947 = vector.broadcast %and3A_946 : i32 to vector<16xi32>
      %and3A_948 = arith.andi %get3A_879, %and3A_947 : vector<16xi32>
      %bitcast3A_949 = vector.bitcast %and3A_948 : vector<16xi32> to vector<16xf32>
      %mul3A_950 = arith.mulf %gather3A_861, %bitcast3A_949 : vector<16xf32>
      %add3A_951 = arith.addf %mul3A_945, %mul3A_950 : vector<16xf32>
      %shift_left3A_952 = arith.constant 16 : i32
      %shift_left3A_953 = vector.broadcast %shift_left3A_952 : i32 to vector<16xi32>
      %shift_left3A_954 = arith.shli %get3A_882, %shift_left3A_953 : vector<16xi32>
      %bitcast3A_955 = vector.bitcast %shift_left3A_954 : vector<16xi32> to vector<16xf32>
      %mul3A_956 = arith.mulf %gather3A_851, %bitcast3A_955 : vector<16xf32>
      %and3A_957 = arith.constant -65536 : i32
      %and3A_958 = vector.broadcast %and3A_957 : i32 to vector<16xi32>
      %and3A_959 = arith.andi %get3A_882, %and3A_958 : vector<16xi32>
      %bitcast3A_960 = vector.bitcast %and3A_959 : vector<16xi32> to vector<16xf32>
      %mul3A_961 = arith.mulf %gather3A_861, %bitcast3A_960 : vector<16xf32>
      %add3A_962 = arith.addf %mul3A_956, %mul3A_961 : vector<16xf32>
      %shift_left3A_963 = arith.constant 16 : i32
      %shift_left3A_964 = vector.broadcast %shift_left3A_963 : i32 to vector<16xi32>
      %shift_left3A_965 = arith.shli %get3A_885, %shift_left3A_964 : vector<16xi32>
      %bitcast3A_966 = vector.bitcast %shift_left3A_965 : vector<16xi32> to vector<16xf32>
      %mul3A_967 = arith.mulf %gather3A_851, %bitcast3A_966 : vector<16xf32>
      %and3A_968 = arith.constant -65536 : i32
      %and3A_969 = vector.broadcast %and3A_968 : i32 to vector<16xi32>
      %and3A_970 = arith.andi %get3A_885, %and3A_969 : vector<16xi32>
      %bitcast3A_971 = vector.bitcast %and3A_970 : vector<16xi32> to vector<16xf32>
      %mul3A_972 = arith.mulf %gather3A_861, %bitcast3A_971 : vector<16xf32>
      %add3A_973 = arith.addf %mul3A_967, %mul3A_972 : vector<16xf32>
      %swap3A_974 = arith.index_cast %add3A_837 : i32 to index
      %swap3A_975 = arith.constant 0 : index
      %swap3A_976 = tpu.vector_load %arg37[%swap3A_974, %swap3A_975] {strides = array<i32>} : memref<80x128xf32, #tpu.memory_space<vmem>>, vector<16xf32>,
      tpu.vector_store %arg37[%swap3A_974, %swap3A_975], %add3A_896 {strides = array<i32>} : memref<80x128xf32, #tpu.memory_space<vmem>>, vector<16xf32>,
      %swap3A_977 = arith.index_cast %add3A_837 : i32 to index
      %swap3A_978 = arith.constant 16 : index
      %swap3A_979 = tpu.vector_load %arg37[%swap3A_977, %swap3A_978] {strides = array<i32>} : memref<80x128xf32, #tpu.memory_space<vmem>>, vector<16xf32>,
      tpu.vector_store %arg37[%swap3A_977, %swap3A_978], %add3A_907 {strides = array<i32>} : memref<80x128xf32, #tpu.memory_space<vmem>>, vector<16xf32>,
      %swap3A_980 = arith.index_cast %add3A_837 : i32 to index
      %swap3A_981 = arith.constant 32 : index
      %swap3A_982 = tpu.vector_load %arg37[%swap3A_980, %swap3A_981] {strides = array<i32>} : memref<80x128xf32, #tpu.memory_space<vmem>>, vector<16xf32>,
      tpu.vector_store %arg37[%swap3A_980, %swap3A_981], %add3A_918 {strides = array<i32>} : memref<80x128xf32, #tpu.memory_space<vmem>>, vector<16xf32>,
      %swap3A_983 = arith.index_cast %add3A_837 : i32 to index
      %swap3A_984 = arith.constant 48 : index
      %swap3A_985 = tpu.vector_load %arg37[%swap3A_983, %swap3A_984] {strides = array<i32>} : memref<80x128xf32, #tpu.memory_space<vmem>>, vector<16xf32>,
      tpu.vector_store %arg37[%swap3A_983, %swap3A_984], %add3A_929 {strides = array<i32>} : memref<80x128xf32, #tpu.memory_space<vmem>>, vector<16xf32>,
      %swap3A_986 = arith.index_cast %add3A_837 : i32 to index
      %swap3A_987 = arith.constant 64 : index
      %swap3A_988 = tpu.vector_load %arg37[%swap3A_986, %swap3A_987] {strides = array<i32>} : memref<80x128xf32, #tpu.memory_space<vmem>>, vector<16xf32>,
      tpu.vector_store %arg37[%swap3A_986, %swap3A_987], %add3A_940 {strides = array<i32>} : memref<80x128xf32, #tpu.memory_space<vmem>>, vector<16xf32>,
      %swap3A_989 = arith.index_cast %add3A_837 : i32 to index
      %swap3A_990 = arith.constant 80 : index
      %swap3A_991 = tpu.vector_load %arg37[%swap3A_989, %swap3A_990] {strides = array<i32>} : memref<80x128xf32, #tpu.memory_space<vmem>>, vector<16xf32>,
      tpu.vector_store %arg37[%swap3A_989, %swap3A_990], %add3A_951 {strides = array<i32>} : memref<80x128xf32, #tpu.memory_space<vmem>>, vector<16xf32>,
      %swap3A_992 = arith.index_cast %add3A_837 : i32 to index
      %swap3A_993 = arith.constant 96 : index
      %swap3A_994 = tpu.vector_load %arg37[%swap3A_992, %swap3A_993] {strides = array<i32>} : memref<80x128xf32, #tpu.memory_space<vmem>>, vector<16xf32>,
      tpu.vector_store %arg37[%swap3A_992, %swap3A_993], %add3A_962 {strides = array<i32>} : memref<80x128xf32, #tpu.memory_space<vmem>>, vector<16xf32>,
      %swap3A_995 = arith.index_cast %add3A_837 : i32 to index
      %swap3A_996 = arith.constant 112 : index
      %swap3A_997 = tpu.vector_load %arg37[%swap3A_995, %swap3A_996] {strides = array<i32>} : memref<80x128xf32, #tpu.memory_space<vmem>>, vector<16xf32>,
      tpu.vector_store %arg37[%swap3A_995, %swap3A_996], %add3A_973 {strides = array<i32>} : memref<80x128xf32, #tpu.memory_space<vmem>>, vector<16xf32>,
      %mul3A_998 = arith.constant 8 : i32
      %mul3A_999 = arith.muli %scan3A_137, %mul3A_998 : i32
      %add3A_1000 = arith.constant 5 : i32
      %add3A_1001 = arith.addi %mul3A_999, %add3A_1000 : i32
      %broadcast_in_dim3A_1002 = arith.constant 5 : i32
      %broadcast_in_dim3A_1003 = vector.broadcast %broadcast_in_dim3A_1002 : i32 to vector<16xi32>
      %add3A_1004 = vector.broadcast %mul3A_170 : i32 to vector<16xi32>
      %add3A_1005 = arith.addi %broadcast_in_dim3A_1003, %add3A_1004 : vector<16xi32>
      %lt3A_1006 = arith.constant 0 : i32
      %lt3A_1007 = vector.broadcast %lt3A_1006 : i32 to vector<16xi32>
      %lt3A_1008 = arith.cmpi slt, %add3A_1005, %lt3A_1007 : vector<16xi32>
      %add3A_1009 = arith.constant 16 : i32
      %add3A_1010 = vector.broadcast %add3A_1009 : i32 to vector<16xi32>
      %add3A_1011 = arith.addi %add3A_1005, %add3A_1010 : vector<16xi32>
      %select_n3A_1012 = arith.select %lt3A_1008, %add3A_1011, %add3A_1005 : vector<16xi1>, vector<16xi32>
      %broadcast_in_dim3A_1013 = vector.shape_cast %select_n3A_1012 : vector<16xi32> to vector<16x1xi32>
      %gather3A_1014 = vector.shape_cast %broadcast_in_dim3A_1013 : vector<16x1xi32> to vector<16xi32>
      %gather3A_1015 = tpu.dynamic_gather %get3A_172[%gather3A_1014] in [0] : vector<16xf32>, vector<16xi32> -> vector<16xf32>
      %lt3A_1016 = arith.constant 0 : i32
      %lt3A_1017 = vector.broadcast %lt3A_1016 : i32 to vector<16xi32>
      %lt3A_1018 = arith.cmpi slt, %add3A_1005, %lt3A_1017 : vector<16xi32>
      %add3A_1019 = arith.constant 16 : i32
      %add3A_1020 = vector.broadcast %add3A_1019 : i32 to vector<16xi32>
      %add3A_1021 = arith.addi %add3A_1005, %add3A_1020 : vector<16xi32>
      %select_n3A_1022 = arith.select %lt3A_1018, %add3A_1021, %add3A_1005 : vector<16xi1>, vector<16xi32>
      %broadcast_in_dim3A_1023 = vector.shape_cast %select_n3A_1022 : vector<16xi32> to vector<16x1xi32>
      %gather3A_1024 = vector.shape_cast %broadcast_in_dim3A_1023 : vector<16x1xi32> to vector<16xi32>
      %gather3A_1025 = tpu.dynamic_gather %mul3A_182[%gather3A_1024] in [0] : vector<16xf32>, vector<16xi32> -> vector<16xf32>
      %get3A_1026 = arith.index_cast %add3A_1001 : i32 to index
      %get3A_1027 = arith.constant 0 : index
      %get3A_1028 = tpu.vector_load %arg15[%get3A_1026, %get3A_1027] {strides = array<i32>} : memref<80x128xi32, #tpu.memory_space<vmem>>, vector<16xi32>,
      %get3A_1029 = arith.index_cast %add3A_1001 : i32 to index
      %get3A_1030 = arith.constant 16 : index
      %get3A_1031 = tpu.vector_load %arg15[%get3A_1029, %get3A_1030] {strides = array<i32>} : memref<80x128xi32, #tpu.memory_space<vmem>>, vector<16xi32>,
      %get3A_1032 = arith.index_cast %add3A_1001 : i32 to index
      %get3A_1033 = arith.constant 32 : index
      %get3A_1034 = tpu.vector_load %arg15[%get3A_1032, %get3A_1033] {strides = array<i32>} : memref<80x128xi32, #tpu.memory_space<vmem>>, vector<16xi32>,
      %get3A_1035 = arith.index_cast %add3A_1001 : i32 to index
      %get3A_1036 = arith.constant 48 : index
      %get3A_1037 = tpu.vector_load %arg15[%get3A_1035, %get3A_1036] {strides = array<i32>} : memref<80x128xi32, #tpu.memory_space<vmem>>, vector<16xi32>,
      %get3A_1038 = arith.index_cast %add3A_1001 : i32 to index
      %get3A_1039 = arith.constant 64 : index
      %get3A_1040 = tpu.vector_load %arg15[%get3A_1038, %get3A_1039] {strides = array<i32>} : memref<80x128xi32, #tpu.memory_space<vmem>>, vector<16xi32>,
      %get3A_1041 = arith.index_cast %add3A_1001 : i32 to index
      %get3A_1042 = arith.constant 80 : index
      %get3A_1043 = tpu.vector_load %arg15[%get3A_1041, %get3A_1042] {strides = array<i32>} : memref<80x128xi32, #tpu.memory_space<vmem>>, vector<16xi32>,
      %get3A_1044 = arith.index_cast %add3A_1001 : i32 to index
      %get3A_1045 = arith.constant 96 : index
      %get3A_1046 = tpu.vector_load %arg15[%get3A_1044, %get3A_1045] {strides = array<i32>} : memref<80x128xi32, #tpu.memory_space<vmem>>, vector<16xi32>,
      %get3A_1047 = arith.index_cast %add3A_1001 : i32 to index
      %get3A_1048 = arith.constant 112 : index
      %get3A_1049 = tpu.vector_load %arg15[%get3A_1047, %get3A_1048] {strides = array<i32>} : memref<80x128xi32, #tpu.memory_space<vmem>>, vector<16xi32>,
      %shift_left3A_1050 = arith.constant 16 : i32
      %shift_left3A_1051 = vector.broadcast %shift_left3A_1050 : i32 to vector<16xi32>
      %shift_left3A_1052 = arith.shli %get3A_1028, %shift_left3A_1051 : vector<16xi32>
      %bitcast3A_1053 = vector.bitcast %shift_left3A_1052 : vector<16xi32> to vector<16xf32>
      %mul3A_1054 = arith.mulf %gather3A_1015, %bitcast3A_1053 : vector<16xf32>
      %and3A_1055 = arith.constant -65536 : i32
      %and3A_1056 = vector.broadcast %and3A_1055 : i32 to vector<16xi32>
      %and3A_1057 = arith.andi %get3A_1028, %and3A_1056 : vector<16xi32>
      %bitcast3A_1058 = vector.bitcast %and3A_1057 : vector<16xi32> to vector<16xf32>
      %mul3A_1059 = arith.mulf %gather3A_1025, %bitcast3A_1058 : vector<16xf32>
      %add3A_1060 = arith.addf %mul3A_1054, %mul3A_1059 : vector<16xf32>
      %shift_left3A_1061 = arith.constant 16 : i32
      %shift_left3A_1062 = vector.broadcast %shift_left3A_1061 : i32 to vector<16xi32>
      %shift_left3A_1063 = arith.shli %get3A_1031, %shift_left3A_1062 : vector<16xi32>
      %bitcast3A_1064 = vector.bitcast %shift_left3A_1063 : vector<16xi32> to vector<16xf32>
      %mul3A_1065 = arith.mulf %gather3A_1015, %bitcast3A_1064 : vector<16xf32>
      %and3A_1066 = arith.constant -65536 : i32
      %and3A_1067 = vector.broadcast %and3A_1066 : i32 to vector<16xi32>
      %and3A_1068 = arith.andi %get3A_1031, %and3A_1067 : vector<16xi32>
      %bitcast3A_1069 = vector.bitcast %and3A_1068 : vector<16xi32> to vector<16xf32>
      %mul3A_1070 = arith.mulf %gather3A_1025, %bitcast3A_1069 : vector<16xf32>
      %add3A_1071 = arith.addf %mul3A_1065, %mul3A_1070 : vector<16xf32>
      %shift_left3A_1072 = arith.constant 16 : i32
      %shift_left3A_1073 = vector.broadcast %shift_left3A_1072 : i32 to vector<16xi32>
      %shift_left3A_1074 = arith.shli %get3A_1034, %shift_left3A_1073 : vector<16xi32>
      %bitcast3A_1075 = vector.bitcast %shift_left3A_1074 : vector<16xi32> to vector<16xf32>
      %mul3A_1076 = arith.mulf %gather3A_1015, %bitcast3A_1075 : vector<16xf32>
      %and3A_1077 = arith.constant -65536 : i32
      %and3A_1078 = vector.broadcast %and3A_1077 : i32 to vector<16xi32>
      %and3A_1079 = arith.andi %get3A_1034, %and3A_1078 : vector<16xi32>
      %bitcast3A_1080 = vector.bitcast %and3A_1079 : vector<16xi32> to vector<16xf32>
      %mul3A_1081 = arith.mulf %gather3A_1025, %bitcast3A_1080 : vector<16xf32>
      %add3A_1082 = arith.addf %mul3A_1076, %mul3A_1081 : vector<16xf32>
      %shift_left3A_1083 = arith.constant 16 : i32
      %shift_left3A_1084 = vector.broadcast %shift_left3A_1083 : i32 to vector<16xi32>
      %shift_left3A_1085 = arith.shli %get3A_1037, %shift_left3A_1084 : vector<16xi32>
      %bitcast3A_1086 = vector.bitcast %shift_left3A_1085 : vector<16xi32> to vector<16xf32>
      %mul3A_1087 = arith.mulf %gather3A_1015, %bitcast3A_1086 : vector<16xf32>
      %and3A_1088 = arith.constant -65536 : i32
      %and3A_1089 = vector.broadcast %and3A_1088 : i32 to vector<16xi32>
      %and3A_1090 = arith.andi %get3A_1037, %and3A_1089 : vector<16xi32>
      %bitcast3A_1091 = vector.bitcast %and3A_1090 : vector<16xi32> to vector<16xf32>
      %mul3A_1092 = arith.mulf %gather3A_1025, %bitcast3A_1091 : vector<16xf32>
      %add3A_1093 = arith.addf %mul3A_1087, %mul3A_1092 : vector<16xf32>
      %shift_left3A_1094 = arith.constant 16 : i32
      %shift_left3A_1095 = vector.broadcast %shift_left3A_1094 : i32 to vector<16xi32>
      %shift_left3A_1096 = arith.shli %get3A_1040, %shift_left3A_1095 : vector<16xi32>
      %bitcast3A_1097 = vector.bitcast %shift_left3A_1096 : vector<16xi32> to vector<16xf32>
      %mul3A_1098 = arith.mulf %gather3A_1015, %bitcast3A_1097 : vector<16xf32>
      %and3A_1099 = arith.constant -65536 : i32
      %and3A_1100 = vector.broadcast %and3A_1099 : i32 to vector<16xi32>
      %and3A_1101 = arith.andi %get3A_1040, %and3A_1100 : vector<16xi32>
      %bitcast3A_1102 = vector.bitcast %and3A_1101 : vector<16xi32> to vector<16xf32>
      %mul3A_1103 = arith.mulf %gather3A_1025, %bitcast3A_1102 : vector<16xf32>
      %add3A_1104 = arith.addf %mul3A_1098, %mul3A_1103 : vector<16xf32>
      %shift_left3A_1105 = arith.constant 16 : i32
      %shift_left3A_1106 = vector.broadcast %shift_left3A_1105 : i32 to vector<16xi32>
      %shift_left3A_1107 = arith.shli %get3A_1043, %shift_left3A_1106 : vector<16xi32>
      %bitcast3A_1108 = vector.bitcast %shift_left3A_1107 : vector<16xi32> to vector<16xf32>
      %mul3A_1109 = arith.mulf %gather3A_1015, %bitcast3A_1108 : vector<16xf32>
      %and3A_1110 = arith.constant -65536 : i32
      %and3A_1111 = vector.broadcast %and3A_1110 : i32 to vector<16xi32>
      %and3A_1112 = arith.andi %get3A_1043, %and3A_1111 : vector<16xi32>
      %bitcast3A_1113 = vector.bitcast %and3A_1112 : vector<16xi32> to vector<16xf32>
      %mul3A_1114 = arith.mulf %gather3A_1025, %bitcast3A_1113 : vector<16xf32>
      %add3A_1115 = arith.addf %mul3A_1109, %mul3A_1114 : vector<16xf32>
      %shift_left3A_1116 = arith.constant 16 : i32
      %shift_left3A_1117 = vector.broadcast %shift_left3A_1116 : i32 to vector<16xi32>
      %shift_left3A_1118 = arith.shli %get3A_1046, %shift_left3A_1117 : vector<16xi32>
      %bitcast3A_1119 = vector.bitcast %shift_left3A_1118 : vector<16xi32> to vector<16xf32>
      %mul3A_1120 = arith.mulf %gather3A_1015, %bitcast3A_1119 : vector<16xf32>
      %and3A_1121 = arith.constant -65536 : i32
      %and3A_1122 = vector.broadcast %and3A_1121 : i32 to vector<16xi32>
      %and3A_1123 = arith.andi %get3A_1046, %and3A_1122 : vector<16xi32>
      %bitcast3A_1124 = vector.bitcast %and3A_1123 : vector<16xi32> to vector<16xf32>
      %mul3A_1125 = arith.mulf %gather3A_1025, %bitcast3A_1124 : vector<16xf32>
      %add3A_1126 = arith.addf %mul3A_1120, %mul3A_1125 : vector<16xf32>
      %shift_left3A_1127 = arith.constant 16 : i32
      %shift_left3A_1128 = vector.broadcast %shift_left3A_1127 : i32 to vector<16xi32>
      %shift_left3A_1129 = arith.shli %get3A_1049, %shift_left3A_1128 : vector<16xi32>
      %bitcast3A_1130 = vector.bitcast %shift_left3A_1129 : vector<16xi32> to vector<16xf32>
      %mul3A_1131 = arith.mulf %gather3A_1015, %bitcast3A_1130 : vector<16xf32>
      %and3A_1132 = arith.constant -65536 : i32
      %and3A_1133 = vector.broadcast %and3A_1132 : i32 to vector<16xi32>
      %and3A_1134 = arith.andi %get3A_1049, %and3A_1133 : vector<16xi32>
      %bitcast3A_1135 = vector.bitcast %and3A_1134 : vector<16xi32> to vector<16xf32>
      %mul3A_1136 = arith.mulf %gather3A_1025, %bitcast3A_1135 : vector<16xf32>
      %add3A_1137 = arith.addf %mul3A_1131, %mul3A_1136 : vector<16xf32>
      %swap3A_1138 = arith.index_cast %add3A_1001 : i32 to index
      %swap3A_1139 = arith.constant 0 : index
      %swap3A_1140 = tpu.vector_load %arg37[%swap3A_1138, %swap3A_1139] {strides = array<i32>} : memref<80x128xf32, #tpu.memory_space<vmem>>, vector<16xf32>,
      tpu.vector_store %arg37[%swap3A_1138, %swap3A_1139], %add3A_1060 {strides = array<i32>} : memref<80x128xf32, #tpu.memory_space<vmem>>, vector<16xf32>,
      %swap3A_1141 = arith.index_cast %add3A_1001 : i32 to index
      %swap3A_1142 = arith.constant 16 : index
      %swap3A_1143 = tpu.vector_load %arg37[%swap3A_1141, %swap3A_1142] {strides = array<i32>} : memref<80x128xf32, #tpu.memory_space<vmem>>, vector<16xf32>,
      tpu.vector_store %arg37[%swap3A_1141, %swap3A_1142], %add3A_1071 {strides = array<i32>} : memref<80x128xf32, #tpu.memory_space<vmem>>, vector<16xf32>,
      %swap3A_1144 = arith.index_cast %add3A_1001 : i32 to index
      %swap3A_1145 = arith.constant 32 : index
      %swap3A_1146 = tpu.vector_load %arg37[%swap3A_1144, %swap3A_1145] {strides = array<i32>} : memref<80x128xf32, #tpu.memory_space<vmem>>, vector<16xf32>,
      tpu.vector_store %arg37[%swap3A_1144, %swap3A_1145], %add3A_1082 {strides = array<i32>} : memref<80x128xf32, #tpu.memory_space<vmem>>, vector<16xf32>,
      %swap3A_1147 = arith.index_cast %add3A_1001 : i32 to index
      %swap3A_1148 = arith.constant 48 : index
      %swap3A_1149 = tpu.vector_load %arg37[%swap3A_1147, %swap3A_1148] {strides = array<i32>} : memref<80x128xf32, #tpu.memory_space<vmem>>, vector<16xf32>,
      tpu.vector_store %arg37[%swap3A_1147, %swap3A_1148], %add3A_1093 {strides = array<i32>} : memref<80x128xf32, #tpu.memory_space<vmem>>, vector<16xf32>,
      %swap3A_1150 = arith.index_cast %add3A_1001 : i32 to index
      %swap3A_1151 = arith.constant 64 : index
      %swap3A_1152 = tpu.vector_load %arg37[%swap3A_1150, %swap3A_1151] {strides = array<i32>} : memref<80x128xf32, #tpu.memory_space<vmem>>, vector<16xf32>,
      tpu.vector_store %arg37[%swap3A_1150, %swap3A_1151], %add3A_1104 {strides = array<i32>} : memref<80x128xf32, #tpu.memory_space<vmem>>, vector<16xf32>,
      %swap3A_1153 = arith.index_cast %add3A_1001 : i32 to index
      %swap3A_1154 = arith.constant 80 : index
      %swap3A_1155 = tpu.vector_load %arg37[%swap3A_1153, %swap3A_1154] {strides = array<i32>} : memref<80x128xf32, #tpu.memory_space<vmem>>, vector<16xf32>,
      tpu.vector_store %arg37[%swap3A_1153, %swap3A_1154], %add3A_1115 {strides = array<i32>} : memref<80x128xf32, #tpu.memory_space<vmem>>, vector<16xf32>,
      %swap3A_1156 = arith.index_cast %add3A_1001 : i32 to index
      %swap3A_1157 = arith.constant 96 : index
      %swap3A_1158 = tpu.vector_load %arg37[%swap3A_1156, %swap3A_1157] {strides = array<i32>} : memref<80x128xf32, #tpu.memory_space<vmem>>, vector<16xf32>,
      tpu.vector_store %arg37[%swap3A_1156, %swap3A_1157], %add3A_1126 {strides = array<i32>} : memref<80x128xf32, #tpu.memory_space<vmem>>, vector<16xf32>,
      %swap3A_1159 = arith.index_cast %add3A_1001 : i32 to index
      %swap3A_1160 = arith.constant 112 : index
      %swap3A_1161 = tpu.vector_load %arg37[%swap3A_1159, %swap3A_1160] {strides = array<i32>} : memref<80x128xf32, #tpu.memory_space<vmem>>, vector<16xf32>,
      tpu.vector_store %arg37[%swap3A_1159, %swap3A_1160], %add3A_1137 {strides = array<i32>} : memref<80x128xf32, #tpu.memory_space<vmem>>, vector<16xf32>,
      %mul3A_1162 = arith.constant 8 : i32
      %mul3A_1163 = arith.muli %scan3A_137, %mul3A_1162 : i32
      %add3A_1164 = arith.constant 6 : i32
      %add3A_1165 = arith.addi %mul3A_1163, %add3A_1164 : i32
      %broadcast_in_dim3A_1166 = arith.constant 6 : i32
      %broadcast_in_dim3A_1167 = vector.broadcast %broadcast_in_dim3A_1166 : i32 to vector<16xi32>
      %add3A_1168 = vector.broadcast %mul3A_170 : i32 to vector<16xi32>
      %add3A_1169 = arith.addi %broadcast_in_dim3A_1167, %add3A_1168 : vector<16xi32>
      %lt3A_1170 = arith.constant 0 : i32
      %lt3A_1171 = vector.broadcast %lt3A_1170 : i32 to vector<16xi32>
      %lt3A_1172 = arith.cmpi slt, %add3A_1169, %lt3A_1171 : vector<16xi32>
      %add3A_1173 = arith.constant 16 : i32
      %add3A_1174 = vector.broadcast %add3A_1173 : i32 to vector<16xi32>
      %add3A_1175 = arith.addi %add3A_1169, %add3A_1174 : vector<16xi32>
      %select_n3A_1176 = arith.select %lt3A_1172, %add3A_1175, %add3A_1169 : vector<16xi1>, vector<16xi32>
      %broadcast_in_dim3A_1177 = vector.shape_cast %select_n3A_1176 : vector<16xi32> to vector<16x1xi32>
      %gather3A_1178 = vector.shape_cast %broadcast_in_dim3A_1177 : vector<16x1xi32> to vector<16xi32>
      %gather3A_1179 = tpu.dynamic_gather %get3A_172[%gather3A_1178] in [0] : vector<16xf32>, vector<16xi32> -> vector<16xf32>
      %lt3A_1180 = arith.constant 0 : i32
      %lt3A_1181 = vector.broadcast %lt3A_1180 : i32 to vector<16xi32>
      %lt3A_1182 = arith.cmpi slt, %add3A_1169, %lt3A_1181 : vector<16xi32>
      %add3A_1183 = arith.constant 16 : i32
      %add3A_1184 = vector.broadcast %add3A_1183 : i32 to vector<16xi32>
      %add3A_1185 = arith.addi %add3A_1169, %add3A_1184 : vector<16xi32>
      %select_n3A_1186 = arith.select %lt3A_1182, %add3A_1185, %add3A_1169 : vector<16xi1>, vector<16xi32>
      %broadcast_in_dim3A_1187 = vector.shape_cast %select_n3A_1186 : vector<16xi32> to vector<16x1xi32>
      %gather3A_1188 = vector.shape_cast %broadcast_in_dim3A_1187 : vector<16x1xi32> to vector<16xi32>
      %gather3A_1189 = tpu.dynamic_gather %mul3A_182[%gather3A_1188] in [0] : vector<16xf32>, vector<16xi32> -> vector<16xf32>
      %get3A_1190 = arith.index_cast %add3A_1165 : i32 to index
      %get3A_1191 = arith.constant 0 : index
      %get3A_1192 = tpu.vector_load %arg15[%get3A_1190, %get3A_1191] {strides = array<i32>} : memref<80x128xi32, #tpu.memory_space<vmem>>, vector<16xi32>,
      %get3A_1193 = arith.index_cast %add3A_1165 : i32 to index
      %get3A_1194 = arith.constant 16 : index
      %get3A_1195 = tpu.vector_load %arg15[%get3A_1193, %get3A_1194] {strides = array<i32>} : memref<80x128xi32, #tpu.memory_space<vmem>>, vector<16xi32>,
      %get3A_1196 = arith.index_cast %add3A_1165 : i32 to index
      %get3A_1197 = arith.constant 32 : index
      %get3A_1198 = tpu.vector_load %arg15[%get3A_1196, %get3A_1197] {strides = array<i32>} : memref<80x128xi32, #tpu.memory_space<vmem>>, vector<16xi32>,
      %get3A_1199 = arith.index_cast %add3A_1165 : i32 to index
      %get3A_1200 = arith.constant 48 : index
      %get3A_1201 = tpu.vector_load %arg15[%get3A_1199, %get3A_1200] {strides = array<i32>} : memref<80x128xi32, #tpu.memory_space<vmem>>, vector<16xi32>,
      %get3A_1202 = arith.index_cast %add3A_1165 : i32 to index
      %get3A_1203 = arith.constant 64 : index
      %get3A_1204 = tpu.vector_load %arg15[%get3A_1202, %get3A_1203] {strides = array<i32>} : memref<80x128xi32, #tpu.memory_space<vmem>>, vector<16xi32>,
      %get3A_1205 = arith.index_cast %add3A_1165 : i32 to index
      %get3A_1206 = arith.constant 80 : index
      %get3A_1207 = tpu.vector_load %arg15[%get3A_1205, %get3A_1206] {strides = array<i32>} : memref<80x128xi32, #tpu.memory_space<vmem>>, vector<16xi32>,
      %get3A_1208 = arith.index_cast %add3A_1165 : i32 to index
      %get3A_1209 = arith.constant 96 : index
      %get3A_1210 = tpu.vector_load %arg15[%get3A_1208, %get3A_1209] {strides = array<i32>} : memref<80x128xi32, #tpu.memory_space<vmem>>, vector<16xi32>,
      %get3A_1211 = arith.index_cast %add3A_1165 : i32 to index
      %get3A_1212 = arith.constant 112 : index
      %get3A_1213 = tpu.vector_load %arg15[%get3A_1211, %get3A_1212] {strides = array<i32>} : memref<80x128xi32, #tpu.memory_space<vmem>>, vector<16xi32>,
      %shift_left3A_1214 = arith.constant 16 : i32
      %shift_left3A_1215 = vector.broadcast %shift_left3A_1214 : i32 to vector<16xi32>
      %shift_left3A_1216 = arith.shli %get3A_1192, %shift_left3A_1215 : vector<16xi32>
      %bitcast3A_1217 = vector.bitcast %shift_left3A_1216 : vector<16xi32> to vector<16xf32>
      %mul3A_1218 = arith.mulf %gather3A_1179, %bitcast3A_1217 : vector<16xf32>
      %and3A_1219 = arith.constant -65536 : i32
      %and3A_1220 = vector.broadcast %and3A_1219 : i32 to vector<16xi32>
      %and3A_1221 = arith.andi %get3A_1192, %and3A_1220 : vector<16xi32>
      %bitcast3A_1222 = vector.bitcast %and3A_1221 : vector<16xi32> to vector<16xf32>
      %mul3A_1223 = arith.mulf %gather3A_1189, %bitcast3A_1222 : vector<16xf32>
      %add3A_1224 = arith.addf %mul3A_1218, %mul3A_1223 : vector<16xf32>
      %shift_left3A_1225 = arith.constant 16 : i32
      %shift_left3A_1226 = vector.broadcast %shift_left3A_1225 : i32 to vector<16xi32>
      %shift_left3A_1227 = arith.shli %get3A_1195, %shift_left3A_1226 : vector<16xi32>
      %bitcast3A_1228 = vector.bitcast %shift_left3A_1227 : vector<16xi32> to vector<16xf32>
      %mul3A_1229 = arith.mulf %gather3A_1179, %bitcast3A_1228 : vector<16xf32>
      %and3A_1230 = arith.constant -65536 : i32
      %and3A_1231 = vector.broadcast %and3A_1230 : i32 to vector<16xi32>
      %and3A_1232 = arith.andi %get3A_1195, %and3A_1231 : vector<16xi32>
      %bitcast3A_1233 = vector.bitcast %and3A_1232 : vector<16xi32> to vector<16xf32>
      %mul3A_1234 = arith.mulf %gather3A_1189, %bitcast3A_1233 : vector<16xf32>
      %add3A_1235 = arith.addf %mul3A_1229, %mul3A_1234 : vector<16xf32>
      %shift_left3A_1236 = arith.constant 16 : i32
      %shift_left3A_1237 = vector.broadcast %shift_left3A_1236 : i32 to vector<16xi32>
      %shift_left3A_1238 = arith.shli %get3A_1198, %shift_left3A_1237 : vector<16xi32>
      %bitcast3A_1239 = vector.bitcast %shift_left3A_1238 : vector<16xi32> to vector<16xf32>
      %mul3A_1240 = arith.mulf %gather3A_1179, %bitcast3A_1239 : vector<16xf32>
      %and3A_1241 = arith.constant -65536 : i32
      %and3A_1242 = vector.broadcast %and3A_1241 : i32 to vector<16xi32>
      %and3A_1243 = arith.andi %get3A_1198, %and3A_1242 : vector<16xi32>
      %bitcast3A_1244 = vector.bitcast %and3A_1243 : vector<16xi32> to vector<16xf32>
      %mul3A_1245 = arith.mulf %gather3A_1189, %bitcast3A_1244 : vector<16xf32>
      %add3A_1246 = arith.addf %mul3A_1240, %mul3A_1245 : vector<16xf32>
      %shift_left3A_1247 = arith.constant 16 : i32
      %shift_left3A_1248 = vector.broadcast %shift_left3A_1247 : i32 to vector<16xi32>
      %shift_left3A_1249 = arith.shli %get3A_1201, %shift_left3A_1248 : vector<16xi32>
      %bitcast3A_1250 = vector.bitcast %shift_left3A_1249 : vector<16xi32> to vector<16xf32>
      %mul3A_1251 = arith.mulf %gather3A_1179, %bitcast3A_1250 : vector<16xf32>
      %and3A_1252 = arith.constant -65536 : i32
      %and3A_1253 = vector.broadcast %and3A_1252 : i32 to vector<16xi32>
      %and3A_1254 = arith.andi %get3A_1201, %and3A_1253 : vector<16xi32>
      %bitcast3A_1255 = vector.bitcast %and3A_1254 : vector<16xi32> to vector<16xf32>
      %mul3A_1256 = arith.mulf %gather3A_1189, %bitcast3A_1255 : vector<16xf32>
      %add3A_1257 = arith.addf %mul3A_1251, %mul3A_1256 : vector<16xf32>
      %shift_left3A_1258 = arith.constant 16 : i32
      %shift_left3A_1259 = vector.broadcast %shift_left3A_1258 : i32 to vector<16xi32>
      %shift_left3A_1260 = arith.shli %get3A_1204, %shift_left3A_1259 : vector<16xi32>
      %bitcast3A_1261 = vector.bitcast %shift_left3A_1260 : vector<16xi32> to vector<16xf32>
      %mul3A_1262 = arith.mulf %gather3A_1179, %bitcast3A_1261 : vector<16xf32>
      %and3A_1263 = arith.constant -65536 : i32
      %and3A_1264 = vector.broadcast %and3A_1263 : i32 to vector<16xi32>
      %and3A_1265 = arith.andi %get3A_1204, %and3A_1264 : vector<16xi32>
      %bitcast3A_1266 = vector.bitcast %and3A_1265 : vector<16xi32> to vector<16xf32>
      %mul3A_1267 = arith.mulf %gather3A_1189, %bitcast3A_1266 : vector<16xf32>
      %add3A_1268 = arith.addf %mul3A_1262, %mul3A_1267 : vector<16xf32>
      %shift_left3A_1269 = arith.constant 16 : i32
      %shift_left3A_1270 = vector.broadcast %shift_left3A_1269 : i32 to vector<16xi32>
      %shift_left3A_1271 = arith.shli %get3A_1207, %shift_left3A_1270 : vector<16xi32>
      %bitcast3A_1272 = vector.bitcast %shift_left3A_1271 : vector<16xi32> to vector<16xf32>
      %mul3A_1273 = arith.mulf %gather3A_1179, %bitcast3A_1272 : vector<16xf32>
      %and3A_1274 = arith.constant -65536 : i32
      %and3A_1275 = vector.broadcast %and3A_1274 : i32 to vector<16xi32>
      %and3A_1276 = arith.andi %get3A_1207, %and3A_1275 : vector<16xi32>
      %bitcast3A_1277 = vector.bitcast %and3A_1276 : vector<16xi32> to vector<16xf32>
      %mul3A_1278 = arith.mulf %gather3A_1189, %bitcast3A_1277 : vector<16xf32>
      %add3A_1279 = arith.addf %mul3A_1273, %mul3A_1278 : vector<16xf32>
      %shift_left3A_1280 = arith.constant 16 : i32
      %shift_left3A_1281 = vector.broadcast %shift_left3A_1280 : i32 to vector<16xi32>
      %shift_left3A_1282 = arith.shli %get3A_1210, %shift_left3A_1281 : vector<16xi32>
      %bitcast3A_1283 = vector.bitcast %shift_left3A_1282 : vector<16xi32> to vector<16xf32>
      %mul3A_1284 = arith.mulf %gather3A_1179, %bitcast3A_1283 : vector<16xf32>
      %and3A_1285 = arith.constant -65536 : i32
      %and3A_1286 = vector.broadcast %and3A_1285 : i32 to vector<16xi32>
      %and3A_1287 = arith.andi %get3A_1210, %and3A_1286 : vector<16xi32>
      %bitcast3A_1288 = vector.bitcast %and3A_1287 : vector<16xi32> to vector<16xf32>
      %mul3A_1289 = arith.mulf %gather3A_1189, %bitcast3A_1288 : vector<16xf32>
      %add3A_1290 = arith.addf %mul3A_1284, %mul3A_1289 : vector<16xf32>
      %shift_left3A_1291 = arith.constant 16 : i32
      %shift_left3A_1292 = vector.broadcast %shift_left3A_1291 : i32 to vector<16xi32>
      %shift_left3A_1293 = arith.shli %get3A_1213, %shift_left3A_1292 : vector<16xi32>
      %bitcast3A_1294 = vector.bitcast %shift_left3A_1293 : vector<16xi32> to vector<16xf32>
      %mul3A_1295 = arith.mulf %gather3A_1179, %bitcast3A_1294 : vector<16xf32>
      %and3A_1296 = arith.constant -65536 : i32
      %and3A_1297 = vector.broadcast %and3A_1296 : i32 to vector<16xi32>
      %and3A_1298 = arith.andi %get3A_1213, %and3A_1297 : vector<16xi32>
      %bitcast3A_1299 = vector.bitcast %and3A_1298 : vector<16xi32> to vector<16xf32>
      %mul3A_1300 = arith.mulf %gather3A_1189, %bitcast3A_1299 : vector<16xf32>
      %add3A_1301 = arith.addf %mul3A_1295, %mul3A_1300 : vector<16xf32>
      %swap3A_1302 = arith.index_cast %add3A_1165 : i32 to index
      %swap3A_1303 = arith.constant 0 : index
      %swap3A_1304 = tpu.vector_load %arg37[%swap3A_1302, %swap3A_1303] {strides = array<i32>} : memref<80x128xf32, #tpu.memory_space<vmem>>, vector<16xf32>,
      tpu.vector_store %arg37[%swap3A_1302, %swap3A_1303], %add3A_1224 {strides = array<i32>} : memref<80x128xf32, #tpu.memory_space<vmem>>, vector<16xf32>,
      %swap3A_1305 = arith.index_cast %add3A_1165 : i32 to index
      %swap3A_1306 = arith.constant 16 : index
      %swap3A_1307 = tpu.vector_load %arg37[%swap3A_1305, %swap3A_1306] {strides = array<i32>} : memref<80x128xf32, #tpu.memory_space<vmem>>, vector<16xf32>,
      tpu.vector_store %arg37[%swap3A_1305, %swap3A_1306], %add3A_1235 {strides = array<i32>} : memref<80x128xf32, #tpu.memory_space<vmem>>, vector<16xf32>,
      %swap3A_1308 = arith.index_cast %add3A_1165 : i32 to index
      %swap3A_1309 = arith.constant 32 : index
      %swap3A_1310 = tpu.vector_load %arg37[%swap3A_1308, %swap3A_1309] {strides = array<i32>} : memref<80x128xf32, #tpu.memory_space<vmem>>, vector<16xf32>,
      tpu.vector_store %arg37[%swap3A_1308, %swap3A_1309], %add3A_1246 {strides = array<i32>} : memref<80x128xf32, #tpu.memory_space<vmem>>, vector<16xf32>,
      %swap3A_1311 = arith.index_cast %add3A_1165 : i32 to index
      %swap3A_1312 = arith.constant 48 : index
      %swap3A_1313 = tpu.vector_load %arg37[%swap3A_1311, %swap3A_1312] {strides = array<i32>} : memref<80x128xf32, #tpu.memory_space<vmem>>, vector<16xf32>,
      tpu.vector_store %arg37[%swap3A_1311, %swap3A_1312], %add3A_1257 {strides = array<i32>} : memref<80x128xf32, #tpu.memory_space<vmem>>, vector<16xf32>,
      %swap3A_1314 = arith.index_cast %add3A_1165 : i32 to index
      %swap3A_1315 = arith.constant 64 : index
      %swap3A_1316 = tpu.vector_load %arg37[%swap3A_1314, %swap3A_1315] {strides = array<i32>} : memref<80x128xf32, #tpu.memory_space<vmem>>, vector<16xf32>,
      tpu.vector_store %arg37[%swap3A_1314, %swap3A_1315], %add3A_1268 {strides = array<i32>} : memref<80x128xf32, #tpu.memory_space<vmem>>, vector<16xf32>,
      %swap3A_1317 = arith.index_cast %add3A_1165 : i32 to index
      %swap3A_1318 = arith.constant 80 : index
      %swap3A_1319 = tpu.vector_load %arg37[%swap3A_1317, %swap3A_1318] {strides = array<i32>} : memref<80x128xf32, #tpu.memory_space<vmem>>, vector<16xf32>,
      tpu.vector_store %arg37[%swap3A_1317, %swap3A_1318], %add3A_1279 {strides = array<i32>} : memref<80x128xf32, #tpu.memory_space<vmem>>, vector<16xf32>,
      %swap3A_1320 = arith.index_cast %add3A_1165 : i32 to index
      %swap3A_1321 = arith.constant 96 : index
      %swap3A_1322 = tpu.vector_load %arg37[%swap3A_1320, %swap3A_1321] {strides = array<i32>} : memref<80x128xf32, #tpu.memory_space<vmem>>, vector<16xf32>,
      tpu.vector_store %arg37[%swap3A_1320, %swap3A_1321], %add3A_1290 {strides = array<i32>} : memref<80x128xf32, #tpu.memory_space<vmem>>, vector<16xf32>,
      %swap3A_1323 = arith.index_cast %add3A_1165 : i32 to index
      %swap3A_1324 = arith.constant 112 : index
      %swap3A_1325 = tpu.vector_load %arg37[%swap3A_1323, %swap3A_1324] {strides = array<i32>} : memref<80x128xf32, #tpu.memory_space<vmem>>, vector<16xf32>,
      tpu.vector_store %arg37[%swap3A_1323, %swap3A_1324], %add3A_1301 {strides = array<i32>} : memref<80x128xf32, #tpu.memory_space<vmem>>, vector<16xf32>,
      %mul3A_1326 = arith.constant 8 : i32
      %mul3A_1327 = arith.muli %scan3A_137, %mul3A_1326 : i32
      %add3A_1328 = arith.constant 7 : i32
      %add3A_1329 = arith.addi %mul3A_1327, %add3A_1328 : i32
      %broadcast_in_dim3A_1330 = arith.constant 7 : i32
      %broadcast_in_dim3A_1331 = vector.broadcast %broadcast_in_dim3A_1330 : i32 to vector<16xi32>
      %add3A_1332 = vector.broadcast %mul3A_170 : i32 to vector<16xi32>
      %add3A_1333 = arith.addi %broadcast_in_dim3A_1331, %add3A_1332 : vector<16xi32>
      %lt3A_1334 = arith.constant 0 : i32
      %lt3A_1335 = vector.broadcast %lt3A_1334 : i32 to vector<16xi32>
      %lt3A_1336 = arith.cmpi slt, %add3A_1333, %lt3A_1335 : vector<16xi32>
      %add3A_1337 = arith.constant 16 : i32
      %add3A_1338 = vector.broadcast %add3A_1337 : i32 to vector<16xi32>
      %add3A_1339 = arith.addi %add3A_1333, %add3A_1338 : vector<16xi32>
      %select_n3A_1340 = arith.select %lt3A_1336, %add3A_1339, %add3A_1333 : vector<16xi1>, vector<16xi32>
      %broadcast_in_dim3A_1341 = vector.shape_cast %select_n3A_1340 : vector<16xi32> to vector<16x1xi32>
      %gather3A_1342 = vector.shape_cast %broadcast_in_dim3A_1341 : vector<16x1xi32> to vector<16xi32>
      %gather3A_1343 = tpu.dynamic_gather %get3A_172[%gather3A_1342] in [0] : vector<16xf32>, vector<16xi32> -> vector<16xf32>
      %lt3A_1344 = arith.constant 0 : i32
      %lt3A_1345 = vector.broadcast %lt3A_1344 : i32 to vector<16xi32>
      %lt3A_1346 = arith.cmpi slt, %add3A_1333, %lt3A_1345 : vector<16xi32>
      %add3A_1347 = arith.constant 16 : i32
      %add3A_1348 = vector.broadcast %add3A_1347 : i32 to vector<16xi32>
      %add3A_1349 = arith.addi %add3A_1333, %add3A_1348 : vector<16xi32>
      %select_n3A_1350 = arith.select %lt3A_1346, %add3A_1349, %add3A_1333 : vector<16xi1>, vector<16xi32>
      %broadcast_in_dim3A_1351 = vector.shape_cast %select_n3A_1350 : vector<16xi32> to vector<16x1xi32>
      %gather3A_1352 = vector.shape_cast %broadcast_in_dim3A_1351 : vector<16x1xi32> to vector<16xi32>
      %gather3A_1353 = tpu.dynamic_gather %mul3A_182[%gather3A_1352] in [0] : vector<16xf32>, vector<16xi32> -> vector<16xf32>
      %get3A_1354 = arith.index_cast %add3A_1329 : i32 to index
      %get3A_1355 = arith.constant 0 : index
      %get3A_1356 = tpu.vector_load %arg15[%get3A_1354, %get3A_1355] {strides = array<i32>} : memref<80x128xi32, #tpu.memory_space<vmem>>, vector<16xi32>,
      %get3A_1357 = arith.index_cast %add3A_1329 : i32 to index
      %get3A_1358 = arith.constant 16 : index
      %get3A_1359 = tpu.vector_load %arg15[%get3A_1357, %get3A_1358] {strides = array<i32>} : memref<80x128xi32, #tpu.memory_space<vmem>>, vector<16xi32>,
      %get3A_1360 = arith.index_cast %add3A_1329 : i32 to index
      %get3A_1361 = arith.constant 32 : index
      %get3A_1362 = tpu.vector_load %arg15[%get3A_1360, %get3A_1361] {strides = array<i32>} : memref<80x128xi32, #tpu.memory_space<vmem>>, vector<16xi32>,
      %get3A_1363 = arith.index_cast %add3A_1329 : i32 to index
      %get3A_1364 = arith.constant 48 : index
      %get3A_1365 = tpu.vector_load %arg15[%get3A_1363, %get3A_1364] {strides = array<i32>} : memref<80x128xi32, #tpu.memory_space<vmem>>, vector<16xi32>,
      %get3A_1366 = arith.index_cast %add3A_1329 : i32 to index
      %get3A_1367 = arith.constant 64 : index
      %get3A_1368 = tpu.vector_load %arg15[%get3A_1366, %get3A_1367] {strides = array<i32>} : memref<80x128xi32, #tpu.memory_space<vmem>>, vector<16xi32>,
      %get3A_1369 = arith.index_cast %add3A_1329 : i32 to index
      %get3A_1370 = arith.constant 80 : index
      %get3A_1371 = tpu.vector_load %arg15[%get3A_1369, %get3A_1370] {strides = array<i32>} : memref<80x128xi32, #tpu.memory_space<vmem>>, vector<16xi32>,
      %get3A_1372 = arith.index_cast %add3A_1329 : i32 to index
      %get3A_1373 = arith.constant 96 : index
      %get3A_1374 = tpu.vector_load %arg15[%get3A_1372, %get3A_1373] {strides = array<i32>} : memref<80x128xi32, #tpu.memory_space<vmem>>, vector<16xi32>,
      %get3A_1375 = arith.index_cast %add3A_1329 : i32 to index
      %get3A_1376 = arith.constant 112 : index
      %get3A_1377 = tpu.vector_load %arg15[%get3A_1375, %get3A_1376] {strides = array<i32>} : memref<80x128xi32, #tpu.memory_space<vmem>>, vector<16xi32>,
      %shift_left3A_1378 = arith.constant 16 : i32
      %shift_left3A_1379 = vector.broadcast %shift_left3A_1378 : i32 to vector<16xi32>
      %shift_left3A_1380 = arith.shli %get3A_1356, %shift_left3A_1379 : vector<16xi32>
      %bitcast3A_1381 = vector.bitcast %shift_left3A_1380 : vector<16xi32> to vector<16xf32>
      %mul3A_1382 = arith.mulf %gather3A_1343, %bitcast3A_1381 : vector<16xf32>
      %and3A_1383 = arith.constant -65536 : i32
      %and3A_1384 = vector.broadcast %and3A_1383 : i32 to vector<16xi32>
      %and3A_1385 = arith.andi %get3A_1356, %and3A_1384 : vector<16xi32>
      %bitcast3A_1386 = vector.bitcast %and3A_1385 : vector<16xi32> to vector<16xf32>
      %mul3A_1387 = arith.mulf %gather3A_1353, %bitcast3A_1386 : vector<16xf32>
      %add3A_1388 = arith.addf %mul3A_1382, %mul3A_1387 : vector<16xf32>
      %shift_left3A_1389 = arith.constant 16 : i32
      %shift_left3A_1390 = vector.broadcast %shift_left3A_1389 : i32 to vector<16xi32>
      %shift_left3A_1391 = arith.shli %get3A_1359, %shift_left3A_1390 : vector<16xi32>
      %bitcast3A_1392 = vector.bitcast %shift_left3A_1391 : vector<16xi32> to vector<16xf32>
      %mul3A_1393 = arith.mulf %gather3A_1343, %bitcast3A_1392 : vector<16xf32>
      %and3A_1394 = arith.constant -65536 : i32
      %and3A_1395 = vector.broadcast %and3A_1394 : i32 to vector<16xi32>
      %and3A_1396 = arith.andi %get3A_1359, %and3A_1395 : vector<16xi32>
      %bitcast3A_1397 = vector.bitcast %and3A_1396 : vector<16xi32> to vector<16xf32>
      %mul3A_1398 = arith.mulf %gather3A_1353, %bitcast3A_1397 : vector<16xf32>
      %add3A_1399 = arith.addf %mul3A_1393, %mul3A_1398 : vector<16xf32>
      %shift_left3A_1400 = arith.constant 16 : i32
      %shift_left3A_1401 = vector.broadcast %shift_left3A_1400 : i32 to vector<16xi32>
      %shift_left3A_1402 = arith.shli %get3A_1362, %shift_left3A_1401 : vector<16xi32>
      %bitcast3A_1403 = vector.bitcast %shift_left3A_1402 : vector<16xi32> to vector<16xf32>
      %mul3A_1404 = arith.mulf %gather3A_1343, %bitcast3A_1403 : vector<16xf32>
      %and3A_1405 = arith.constant -65536 : i32
      %and3A_1406 = vector.broadcast %and3A_1405 : i32 to vector<16xi32>
      %and3A_1407 = arith.andi %get3A_1362, %and3A_1406 : vector<16xi32>
      %bitcast3A_1408 = vector.bitcast %and3A_1407 : vector<16xi32> to vector<16xf32>
      %mul3A_1409 = arith.mulf %gather3A_1353, %bitcast3A_1408 : vector<16xf32>
      %add3A_1410 = arith.addf %mul3A_1404, %mul3A_1409 : vector<16xf32>
      %shift_left3A_1411 = arith.constant 16 : i32
      %shift_left3A_1412 = vector.broadcast %shift_left3A_1411 : i32 to vector<16xi32>
      %shift_left3A_1413 = arith.shli %get3A_1365, %shift_left3A_1412 : vector<16xi32>
      %bitcast3A_1414 = vector.bitcast %shift_left3A_1413 : vector<16xi32> to vector<16xf32>
      %mul3A_1415 = arith.mulf %gather3A_1343, %bitcast3A_1414 : vector<16xf32>
      %and3A_1416 = arith.constant -65536 : i32
      %and3A_1417 = vector.broadcast %and3A_1416 : i32 to vector<16xi32>
      %and3A_1418 = arith.andi %get3A_1365, %and3A_1417 : vector<16xi32>
      %bitcast3A_1419 = vector.bitcast %and3A_1418 : vector<16xi32> to vector<16xf32>
      %mul3A_1420 = arith.mulf %gather3A_1353, %bitcast3A_1419 : vector<16xf32>
      %add3A_1421 = arith.addf %mul3A_1415, %mul3A_1420 : vector<16xf32>
      %shift_left3A_1422 = arith.constant 16 : i32
      %shift_left3A_1423 = vector.broadcast %shift_left3A_1422 : i32 to vector<16xi32>
      %shift_left3A_1424 = arith.shli %get3A_1368, %shift_left3A_1423 : vector<16xi32>
      %bitcast3A_1425 = vector.bitcast %shift_left3A_1424 : vector<16xi32> to vector<16xf32>
      %mul3A_1426 = arith.mulf %gather3A_1343, %bitcast3A_1425 : vector<16xf32>
      %and3A_1427 = arith.constant -65536 : i32
      %and3A_1428 = vector.broadcast %and3A_1427 : i32 to vector<16xi32>
      %and3A_1429 = arith.andi %get3A_1368, %and3A_1428 : vector<16xi32>
      %bitcast3A_1430 = vector.bitcast %and3A_1429 : vector<16xi32> to vector<16xf32>
      %mul3A_1431 = arith.mulf %gather3A_1353, %bitcast3A_1430 : vector<16xf32>
      %add3A_1432 = arith.addf %mul3A_1426, %mul3A_1431 : vector<16xf32>
      %shift_left3A_1433 = arith.constant 16 : i32
      %shift_left3A_1434 = vector.broadcast %shift_left3A_1433 : i32 to vector<16xi32>
      %shift_left3A_1435 = arith.shli %get3A_1371, %shift_left3A_1434 : vector<16xi32>
      %bitcast3A_1436 = vector.bitcast %shift_left3A_1435 : vector<16xi32> to vector<16xf32>
      %mul3A_1437 = arith.mulf %gather3A_1343, %bitcast3A_1436 : vector<16xf32>
      %and3A_1438 = arith.constant -65536 : i32
      %and3A_1439 = vector.broadcast %and3A_1438 : i32 to vector<16xi32>
      %and3A_1440 = arith.andi %get3A_1371, %and3A_1439 : vector<16xi32>
      %bitcast3A_1441 = vector.bitcast %and3A_1440 : vector<16xi32> to vector<16xf32>
      %mul3A_1442 = arith.mulf %gather3A_1353, %bitcast3A_1441 : vector<16xf32>
      %add3A_1443 = arith.addf %mul3A_1437, %mul3A_1442 : vector<16xf32>
      %shift_left3A_1444 = arith.constant 16 : i32
      %shift_left3A_1445 = vector.broadcast %shift_left3A_1444 : i32 to vector<16xi32>
      %shift_left3A_1446 = arith.shli %get3A_1374, %shift_left3A_1445 : vector<16xi32>
      %bitcast3A_1447 = vector.bitcast %shift_left3A_1446 : vector<16xi32> to vector<16xf32>
      %mul3A_1448 = arith.mulf %gather3A_1343, %bitcast3A_1447 : vector<16xf32>
      %and3A_1449 = arith.constant -65536 : i32
      %and3A_1450 = vector.broadcast %and3A_1449 : i32 to vector<16xi32>
      %and3A_1451 = arith.andi %get3A_1374, %and3A_1450 : vector<16xi32>
      %bitcast3A_1452 = vector.bitcast %and3A_1451 : vector<16xi32> to vector<16xf32>
      %mul3A_1453 = arith.mulf %gather3A_1353, %bitcast3A_1452 : vector<16xf32>
      %add3A_1454 = arith.addf %mul3A_1448, %mul3A_1453 : vector<16xf32>
      %shift_left3A_1455 = arith.constant 16 : i32
      %shift_left3A_1456 = vector.broadcast %shift_left3A_1455 : i32 to vector<16xi32>
      %shift_left3A_1457 = arith.shli %get3A_1377, %shift_left3A_1456 : vector<16xi32>
      %bitcast3A_1458 = vector.bitcast %shift_left3A_1457 : vector<16xi32> to vector<16xf32>
      %mul3A_1459 = arith.mulf %gather3A_1343, %bitcast3A_1458 : vector<16xf32>
      %and3A_1460 = arith.constant -65536 : i32
      %and3A_1461 = vector.broadcast %and3A_1460 : i32 to vector<16xi32>
      %and3A_1462 = arith.andi %get3A_1377, %and3A_1461 : vector<16xi32>
      %bitcast3A_1463 = vector.bitcast %and3A_1462 : vector<16xi32> to vector<16xf32>
      %mul3A_1464 = arith.mulf %gather3A_1353, %bitcast3A_1463 : vector<16xf32>
      %add3A_1465 = arith.addf %mul3A_1459, %mul3A_1464 : vector<16xf32>
      %swap3A_1466 = arith.index_cast %add3A_1329 : i32 to index
      %swap3A_1467 = arith.constant 0 : index
      %swap3A_1468 = tpu.vector_load %arg37[%swap3A_1466, %swap3A_1467] {strides = array<i32>} : memref<80x128xf32, #tpu.memory_space<vmem>>, vector<16xf32>,
      tpu.vector_store %arg37[%swap3A_1466, %swap3A_1467], %add3A_1388 {strides = array<i32>} : memref<80x128xf32, #tpu.memory_space<vmem>>, vector<16xf32>,
      %swap3A_1469 = arith.index_cast %add3A_1329 : i32 to index
      %swap3A_1470 = arith.constant 16 : index
      %swap3A_1471 = tpu.vector_load %arg37[%swap3A_1469, %swap3A_1470] {strides = array<i32>} : memref<80x128xf32, #tpu.memory_space<vmem>>, vector<16xf32>,
      tpu.vector_store %arg37[%swap3A_1469, %swap3A_1470], %add3A_1399 {strides = array<i32>} : memref<80x128xf32, #tpu.memory_space<vmem>>, vector<16xf32>,
      %swap3A_1472 = arith.index_cast %add3A_1329 : i32 to index
      %swap3A_1473 = arith.constant 32 : index
      %swap3A_1474 = tpu.vector_load %arg37[%swap3A_1472, %swap3A_1473] {strides = array<i32>} : memref<80x128xf32, #tpu.memory_space<vmem>>, vector<16xf32>,
      tpu.vector_store %arg37[%swap3A_1472, %swap3A_1473], %add3A_1410 {strides = array<i32>} : memref<80x128xf32, #tpu.memory_space<vmem>>, vector<16xf32>,
      %swap3A_1475 = arith.index_cast %add3A_1329 : i32 to index
      %swap3A_1476 = arith.constant 48 : index
      %swap3A_1477 = tpu.vector_load %arg37[%swap3A_1475, %swap3A_1476] {strides = array<i32>} : memref<80x128xf32, #tpu.memory_space<vmem>>, vector<16xf32>,
      tpu.vector_store %arg37[%swap3A_1475, %swap3A_1476], %add3A_1421 {strides = array<i32>} : memref<80x128xf32, #tpu.memory_space<vmem>>, vector<16xf32>,
      %swap3A_1478 = arith.index_cast %add3A_1329 : i32 to index
      %swap3A_1479 = arith.constant 64 : index
      %swap3A_1480 = tpu.vector_load %arg37[%swap3A_1478, %swap3A_1479] {strides = array<i32>} : memref<80x128xf32, #tpu.memory_space<vmem>>, vector<16xf32>,
      tpu.vector_store %arg37[%swap3A_1478, %swap3A_1479], %add3A_1432 {strides = array<i32>} : memref<80x128xf32, #tpu.memory_space<vmem>>, vector<16xf32>,
      %swap3A_1481 = arith.index_cast %add3A_1329 : i32 to index
      %swap3A_1482 = arith.constant 80 : index
      %swap3A_1483 = tpu.vector_load %arg37[%swap3A_1481, %swap3A_1482] {strides = array<i32>} : memref<80x128xf32, #tpu.memory_space<vmem>>, vector<16xf32>,
      tpu.vector_store %arg37[%swap3A_1481, %swap3A_1482], %add3A_1443 {strides = array<i32>} : memref<80x128xf32, #tpu.memory_space<vmem>>, vector<16xf32>,
      %swap3A_1484 = arith.index_cast %add3A_1329 : i32 to index
      %swap3A_1485 = arith.constant 96 : index
      %swap3A_1486 = tpu.vector_load %arg37[%swap3A_1484, %swap3A_1485] {strides = array<i32>} : memref<80x128xf32, #tpu.memory_space<vmem>>, vector<16xf32>,
      tpu.vector_store %arg37[%swap3A_1484, %swap3A_1485], %add3A_1454 {strides = array<i32>} : memref<80x128xf32, #tpu.memory_space<vmem>>, vector<16xf32>,
      %swap3A_1487 = arith.index_cast %add3A_1329 : i32 to index
      %swap3A_1488 = arith.constant 112 : index
      %swap3A_1489 = tpu.vector_load %arg37[%swap3A_1487, %swap3A_1488] {strides = array<i32>} : memref<80x128xf32, #tpu.memory_space<vmem>>, vector<16xf32>,
      tpu.vector_store %arg37[%swap3A_1487, %swap3A_1488], %add3A_1465 {strides = array<i32>} : memref<80x128xf32, #tpu.memory_space<vmem>>, vector<16xf32>,
    }
    %scan3A_117 = arith.constant 10 : i32
    %dma_wait3A_118 = arith.constant 0 : i32
    %dma_wait3A_119 = tpu.memref_slice %arg3[%dma_wait3A_118] : memref<320000xi32, #tpu.memory_space<hbm>> -> memref<80xi32, #tpu.memory_space<hbm>>
    %dma_wait3A_120 = arith.constant 0 : i32
    %dma_wait3A_121 = tpu.memref_slice %arg3[%dma_wait3A_120] : memref<320000xi32, #tpu.memory_space<hbm>> -> memref<80xi32, #tpu.memory_space<hbm>>
    tpu.wait_dma2 semaphore(%arg21 : memref<!tpu.dma_semaphore, #tpu.memory_space<semaphore_mem>>) src(%dma_wait3A_121 : memref<80xi32, #tpu.memory_space<hbm>>) dst(%arg19 : memref<80xi32, #tpu.memory_space<vmem>>)
    %dma_start3A_122 = arith.constant 0 : i32
    %dma_start3A_123 = arith.constant 0 : i32
    %dma_start3A_124 = tpu.memref_slice %arg10[%dma_start3A_122, %dma_start3A_123] : memref<10000x128xf32, #tpu.memory_space<vmem_shared>> -> memref<10000x128xf32, #tpu.memory_space<vmem_shared>>
    tpu.enqueue_indirect_dma source(%arg37 : memref<80x128xf32, #tpu.memory_space<vmem>>) target(%dma_start3A_124 : memref<10000x128xf32, #tpu.memory_space<vmem_shared>>) offsets(%arg19 : memref<80xi32, #tpu.memory_space<vmem>>) semaphore(%arg23 : memref<!tpu.dma_semaphore, #tpu.memory_space<semaphore_mem>>) {add = true}
    %dma_wait3A_125 = arith.constant 0 : i32
    %dma_wait3A_126 = arith.constant 0 : i32
    %dma_wait3A_127 = tpu.memref_slice %arg10[%dma_wait3A_125, %dma_wait3A_126] : memref<10000x128xf32, #tpu.memory_space<vmem_shared>> -> memref<10000x128xf32, #tpu.memory_space<vmem_shared>>
    tpu.wait_indirect_dma semaphore(%arg24 : memref<!tpu.dma_semaphore, #tpu.memory_space<semaphore_mem>>) src(%arg38 : memref<80x128xf32, #tpu.memory_space<vmem>>) dst(%dma_wait3A_127 : memref<10000x128xf32, #tpu.memory_space<vmem_shared>>)
    %dma_wait3A_128 = arith.constant 0 : i32
    %dma_wait3A_129 = arith.constant 0 : i32
    %dma_wait3A_130 = tpu.memref_slice %arg10[%dma_wait3A_128, %dma_wait3A_129] : memref<10000x128xf32, #tpu.memory_space<vmem_shared>> -> memref<10000x128xf32, #tpu.memory_space<vmem_shared>>
    tpu.wait_indirect_dma semaphore(%arg23 : memref<!tpu.dma_semaphore, #tpu.memory_space<semaphore_mem>>) src(%arg37 : memref<80x128xf32, #tpu.memory_space<vmem>>) dst(%dma_wait3A_130 : memref<10000x128xf32, #tpu.memory_space<vmem_shared>>)
    %barrier3A_131 = arith.constant 0 : index
    tpu.barrier barrier_id(%barrier3A_131)
    "tpu.region"() ({
      %run_scoped3A = tpu.sem_alloc : memref<!tpu.dma_semaphore, #tpu.memory_space<semaphore_mem>>
      %dma_start3A_137 = arith.constant 0 : i32
      %dma_start3A_138 = tpu.memref_slice %arg9[%arg0, %mul3A_51, %dma_start3A_137] : memref<2x10000x128xf32, #tpu.memory_space<hbm>> -> memref<1x624x128xf32, #tpu.memory_space<hbm>>
      %dma_start3A_139 = tpu.memref_squeeze %dma_start3A_138 : memref<1x624x128xf32, #tpu.memory_space<hbm>> -> memref<624x128xf32, #tpu.memory_space<hbm>>
      %dma_start3A_140 = arith.constant 0 : i32
      %dma_start3A_141 = tpu.memref_slice %arg10[%mul3A_51, %dma_start3A_140] : memref<10000x128xf32, #tpu.memory_space<vmem_shared>> -> memref<624x128xf32, #tpu.memory_space<vmem_shared>>
      tpu.enqueue_dma source(%dma_start3A_141 : memref<624x128xf32, #tpu.memory_space<vmem_shared>>) target(%dma_start3A_139 : memref<624x128xf32, #tpu.memory_space<hbm>>) target_semaphore(%run_scoped3A : memref<!tpu.dma_semaphore, #tpu.memory_space<semaphore_mem>>)
      %dma_wait3A_142 = arith.constant 0 : i32
      %dma_wait3A_143 = tpu.memref_slice %arg9[%arg0, %mul3A_51, %dma_wait3A_142] : memref<2x10000x128xf32, #tpu.memory_space<hbm>> -> memref<1x624x128xf32, #tpu.memory_space<hbm>>
      %dma_wait3A_144 = tpu.memref_squeeze %dma_wait3A_143 : memref<1x624x128xf32, #tpu.memory_space<hbm>> -> memref<624x128xf32, #tpu.memory_space<hbm>>
      %dma_wait3A_145 = arith.constant 0 : i32
      %dma_wait3A_146 = tpu.memref_slice %arg10[%mul3A_51, %dma_wait3A_145] : memref<10000x128xf32, #tpu.memory_space<vmem_shared>> -> memref<624x128xf32, #tpu.memory_space<vmem_shared>>
      tpu.wait_dma2 semaphore(%run_scoped3A : memref<!tpu.dma_semaphore, #tpu.memory_space<semaphore_mem>>) src(%dma_wait3A_146 : memref<624x128xf32, #tpu.memory_space<vmem_shared>>) dst(%dma_wait3A_144 : memref<624x128xf32, #tpu.memory_space<hbm>>)
      tpu.yield
    }) : () -> ()
    %eq3A_132 = arith.constant 15 : i32
    %eq3A_133 = arith.cmpi eq, %arg1, %eq3A_132 : i32
    %convert_element_type3A_134 = arith.extui %eq3A_133 : i1 to i32
    %cond3A_135 = arith.constant 0 : i32
    %cond3A_136 = arith.cmpi ne, %convert_element_type3A_134, %cond3A_135 : i32
    scf.if %cond3A_136 {
      "tpu.region"() ({
        %run_scoped3A = tpu.sem_alloc : memref<!tpu.dma_semaphore, #tpu.memory_space<semaphore_mem>>
        %dma_start3A_137 = arith.constant 9984 : i32
        %dma_start3A_138 = arith.constant 0 : i32
        %dma_start3A_139 = tpu.memref_slice %arg9[%arg0, %dma_start3A_137, %dma_start3A_138] : memref<2x10000x128xf32, #tpu.memory_space<hbm>> -> memref<1x16x128xf32, #tpu.memory_space<hbm>>
        %dma_start3A_140 = tpu.memref_squeeze %dma_start3A_139 : memref<1x16x128xf32, #tpu.memory_space<hbm>> -> memref<16x128xf32, #tpu.memory_space<hbm>>
        %dma_start3A_141 = arith.constant 9984 : i32
        %dma_start3A_142 = arith.constant 0 : i32
        %dma_start3A_143 = tpu.memref_slice %arg10[%dma_start3A_141, %dma_start3A_142] : memref<10000x128xf32, #tpu.memory_space<vmem_shared>> -> memref<16x128xf32, #tpu.memory_space<vmem_shared>>
        tpu.enqueue_dma source(%dma_start3A_143 : memref<16x128xf32, #tpu.memory_space<vmem_shared>>) target(%dma_start3A_140 : memref<16x128xf32, #tpu.memory_space<hbm>>) target_semaphore(%run_scoped3A : memref<!tpu.dma_semaphore, #tpu.memory_space<semaphore_mem>>)
        %dma_wait3A_144 = arith.constant 9984 : i32
        %dma_wait3A_145 = arith.constant 0 : i32
        %dma_wait3A_146 = tpu.memref_slice %arg9[%arg0, %dma_wait3A_144, %dma_wait3A_145] : memref<2x10000x128xf32, #tpu.memory_space<hbm>> -> memref<1x16x128xf32, #tpu.memory_space<hbm>>
        %dma_wait3A_147 = tpu.memref_squeeze %dma_wait3A_146 : memref<1x16x128xf32, #tpu.memory_space<hbm>> -> memref<16x128xf32, #tpu.memory_space<hbm>>
        %dma_wait3A_148 = arith.constant 9984 : i32
        %dma_wait3A_149 = arith.constant 0 : i32
        %dma_wait3A_150 = tpu.memref_slice %arg10[%dma_wait3A_148, %dma_wait3A_149] : memref<10000x128xf32, #tpu.memory_space<vmem_shared>> -> memref<16x128xf32, #tpu.memory_space<vmem_shared>>
        tpu.wait_dma2 semaphore(%run_scoped3A : memref<!tpu.dma_semaphore, #tpu.memory_space<semaphore_mem>>) src(%dma_wait3A_150 : memref<16x128xf32, #tpu.memory_space<vmem_shared>>) dst(%dma_wait3A_147 : memref<16x128xf32, #tpu.memory_space<hbm>>)
        tpu.yield
      }) : () -> ()
    } else {
    }
    return
  }
}

module attributes {stable_mosaic.version = 14 : i64} {
  func.func @_mm_body(%arg0: i32, %arg1: memref<2000x128xf32, #tpu.memory_space<vmem>>, %arg2: memref<128x256xf32, #tpu.memory_space<vmem>>, %arg3: memref<2000x256xbf16, #tpu.memory_space<vmem>>) attributes {dimension_semantics = [#tpu.dimension_semantics<arbitrary>], iteration_bounds = array<i64: 5>, scalar_prefetch = 0 : i64, scratch_operands = 0 : i64, tpu.core_type = #tpu.core_type<tc>, window_params = [{transform_indices = @transform_0, window_bounds = array<i64: 2000, 128>}, {pipeline_mode = #tpu.pipeline_mode<synchronous>, transform_indices = @transform_1, window_bounds = array<i64: 128, 256>}, {transform_indices = @transform_2, window_bounds = array<i64: 2000, 256>}]} {
    %get3A = arith.constant 0 : index
    %get3A_0 = arith.constant 0 : index
    %get3A_1 = vector.load %arg1[%get3A, %get3A_0] : memref<2000x128xf32, #tpu.memory_space<vmem>>, vector<2000x128xf32>
    %get3A_2 = arith.constant 0 : index
    %get3A_3 = arith.constant 0 : index
    %get3A_4 = vector.load %arg2[%get3A_2, %get3A_3] : memref<128x256xf32, #tpu.memory_space<vmem>>, vector<128x256xf32>
    %dot_general3A = arith.constant dense<0.000000e+00> : vector<2000x256xf32>
    %dot_general3A_5 = tpu.matmul %get3A_1, %get3A_4, %dot_general3A {dimension_numbers = #tpu.dot_dimension_numbers<[1], [0], [0], [1], [0, 0, 1, 1], [], []>, transpose_lhs_hint = false} : vector<2000x128xf32>, vector<128x256xf32>, vector<2000x256xf32> -> vector<2000x256xf32>
    %convert_element_type3A = arith.truncf %dot_general3A_5 : vector<2000x256xf32> to vector<2000x256xbf16>
    %swap3A = arith.constant 0 : index
    %swap3A_6 = arith.constant 0 : index
    %swap3A_7 = vector.load %arg3[%swap3A, %swap3A_6] : memref<2000x256xbf16, #tpu.memory_space<vmem>>, vector<2000x256xbf16>
    tpu.vector_store %arg3[%swap3A, %swap3A_6], %convert_element_type3A {strides = array<i32>} : memref<2000x256xbf16, #tpu.memory_space<vmem>>, vector<2000x256xbf16>,
    return
  }
  func.func @transform_0(%arg0: i32) -> (i32, i32) {
    %c0_i32 = arith.constant 0 : i32
    %c0_i32_0 = arith.constant 0 : i32
    return %arg0, %c0_i32 : i32, i32
  }
  func.func @transform_1(%arg0: i32) -> (i32, i32) {
    %c0_i32 = arith.constant 0 : i32
    %c0_i32_0 = arith.constant 0 : i32
    %c0_i32_1 = arith.constant 0 : i32
    return %c0_i32, %c0_i32_0 : i32, i32
  }
  func.func @transform_2(%arg0: i32) -> (i32, i32) {
    %c0_i32 = arith.constant 0 : i32
    %c0_i32_0 = arith.constant 0 : i32
    return %arg0, %c0_i32 : i32, i32
  }
}

module attributes {stable_mosaic.version = 14 : i64} {
  func.func @_combine_body(%arg0: i32, %arg1: memref<2x2000x128xf32, #tpu.memory_space<vmem>>, %arg2: memref<1x128xf32, #tpu.memory_space<vmem>>, %arg3: memref<2000x128xf32, #tpu.memory_space<vmem>>) attributes {dimension_semantics = [#tpu.dimension_semantics<arbitrary>], iteration_bounds = array<i64: 5>, scalar_prefetch = 0 : i64, scratch_operands = 0 : i64, tpu.core_type = #tpu.core_type<tc>, window_params = [{transform_indices = @transform_0, window_bounds = array<i64: 2, 2000, 128>}, {pipeline_mode = #tpu.pipeline_mode<synchronous>, transform_indices = @transform_1, window_bounds = array<i64: 1, 128>}, {transform_indices = @transform_2, window_bounds = array<i64: 2000, 128>}]} {
    %get3A = arith.constant 0 : index
    %get3A_0 = arith.constant 0 : index
    %get3A_1 = arith.constant 0 : index
    %get3A_2 = vector.load %arg1[%get3A, %get3A_0, %get3A_1] : memref<2x2000x128xf32, #tpu.memory_space<vmem>>, vector<1x2000x128xf32>
    %get3A_3 = vector.shape_cast %get3A_2 : vector<1x2000x128xf32> to vector<2000x128xf32>
    %get3A_4 = arith.constant 1 : index
    %get3A_5 = arith.constant 0 : index
    %get3A_6 = arith.constant 0 : index
    %get3A_7 = vector.load %arg1[%get3A_4, %get3A_5, %get3A_6] : memref<2x2000x128xf32, #tpu.memory_space<vmem>>, vector<1x2000x128xf32>
    %get3A_8 = vector.shape_cast %get3A_7 : vector<1x2000x128xf32> to vector<2000x128xf32>
    %add3A = arith.addf %get3A_3, %get3A_8 : vector<2000x128xf32>
    %get3A_9 = arith.constant 0 : index
    %get3A_10 = arith.constant 0 : index
    %get3A_11 = vector.load %arg2[%get3A_9, %get3A_10] : memref<1x128xf32, #tpu.memory_space<vmem>>, vector<1x128xf32>
    %add3A_12 = vector.broadcast %get3A_11 : vector<1x128xf32> to vector<2000x128xf32>
    %add3A_13 = arith.addf %add3A, %add3A_12 : vector<2000x128xf32>
    %max3A = arith.constant 0.000000e+00 : f32
    %max3A_14 = vector.broadcast %max3A : f32 to vector<2000x128xf32>
    %max3A_15 = arith.maximumf %add3A_13, %max3A_14 : vector<2000x128xf32>
    %swap3A = arith.constant 0 : index
    %swap3A_16 = arith.constant 0 : index
    %swap3A_17 = vector.load %arg3[%swap3A, %swap3A_16] : memref<2000x128xf32, #tpu.memory_space<vmem>>, vector<2000x128xf32>
    tpu.vector_store %arg3[%swap3A, %swap3A_16], %max3A_15 {strides = array<i32>} : memref<2000x128xf32, #tpu.memory_space<vmem>>, vector<2000x128xf32>,
    return
  }
  func.func @transform_0(%arg0: i32) -> (i32, i32, i32) {
    %c0_i32 = arith.constant 0 : i32
    %c0_i32_0 = arith.constant 0 : i32
    %c0_i32_1 = arith.constant 0 : i32
    return %c0_i32, %arg0, %c0_i32_0 : i32, i32, i32
  }
  func.func @transform_1(%arg0: i32) -> (i32, i32) {
    %c0_i32 = arith.constant 0 : i32
    %c0_i32_0 = arith.constant 0 : i32
    %c0_i32_1 = arith.constant 0 : i32
    return %c0_i32, %c0_i32_0 : i32, i32
  }
  func.func @transform_2(%arg0: i32) -> (i32, i32) {
    %c0_i32 = arith.constant 0 : i32
    %c0_i32_0 = arith.constant 0 : i32
    return %arg0, %c0_i32 : i32, i32
  }
}

</mosaic_0001>

<sc_bundles>
// kernel: kernel.5.cloned.1.call-start
scs
__scs_entry_jumppad:
0x0: {  	(pc) =	sbr.rel $0x88, $3  }
0x1: {  	(tag) =	ssettag $0x0;
	lr =	simm.s32 $0x1  }
0x2: {  	[smem:$0x3F9A] =	sst lr;
	_ =	strace $0xD0000000  }
0x3: {  	_ = 	snop  }
0x4: {  	_ = 	snop  }
0x5: {  	_ = 	snop  }
0x6: {  	_ = 	snop  }
0x7: {  	_ = 	snop  }
__scs_overlays_trampoline_lowered:
0x8: {  	[smem:$0x3FA9] =	sst s0  }
0x9: {  	[smem:$0x3FAA] =	sst s1  }
0xa: {  	[smem:$0x3FAB] =	sst s2  }
0xb: {  	[smem:$0x3FAC] =	sst s3  }
0xc: {  	[smem:$0x3FAD] =	sst s4  }
0xd: {  	[smem:$0x3FAE] =	sst s5  }
0xe: {  	[smem:$0x3FAF] =	sst s6  }
0xf: {  	[smem:$0x3FB0] =	sst s7  }
0x10: {  	[smem:$0x3FB1] =	sst s8  }
0x11: {  	[smem:$0x3FB2] =	sst s9;
	s0 =	simm.s32 @!p0 $0x0  }
0x12: {  	s1 =	sld [smem:$0x3F98];
	s0 =	simm.s32 @p0 $0x1  }
0x13: {  	[smem:$0x3FB3] =	sst s0;
	s0 =	simm.s32 @!p1 $0x0  }
0x14: {  	s2 =	sld [smem:$0x3F97];
	s0 =	simm.s32 @p1 $0x1  }
0x15: {  	[smem:$0x3FB4] =	sst s0;
	s0 =	simm.s32 @!p2 $0x0  }
0x16: {  	s3 =	sld [smem:$0x3FDB];
	s0 =	simm.s32 @p2 $0x1  }
0x17: {  	s4 =	simm.s32 $0x1BF5;
	[smem:$0x3FB6] =	sst s0  }
0x18: {  	s0 =	sld [smem:$0x3F99];
	_ =	swait.ge [sflag:s4], $0x0  }
0x19: {  	s7 =	sld [smem:$0x3F9A]  }
0x1a: {  	s8 =	sadd.s32 $0xFFFFE003, lr  }
0x1b: {  	s9 =	sadd.s32 $0xFFFFFEF7, lr;
	s5 =	simm.s32 $0xFFFFFFFF;
	p2 =	slt.u32 s8, $0xFFFFF086  }
0x1c: {  	p1 =	slt.u32 s9, $0xF7A;
	s5 =	simm.s32 @!p2 $0x0  }
0x1d: {  	s5 =	simm.s32 @p1 $0x1;
	p0 =	seq.s32 s7, s2  }
0x1e: {  	s7 =	smul.u32 @!p0 $0xF7A, s2;
	p2 =	seq.s32 @!p0 s5, $0x0  }
0x1f: {  	s9 =	smul.u32 $0xF7A, s1;
	s8 =	simm.s32 @!p0 $0x1BF5;
	p2 =	por !p2, p0  }
0x20: {  	[sflag:s8] =	ssyncset.s32 @!p0 $0xFFFFF086;
	s6 =	sadd.s32 @!p0 s3, s7;
	s7 =	simm.s32 @!p0 $0x108  }
0x21: {  	s3 =	sadd.s32 s3, s9;
	s6 =	sadd.s32 @!p0 $0x88, s6;
	s7 =	simm.s32 @p2 $0x1082  }
0x22: {  	[simem:s7], [sflag:s8] =	dma.local @!p0 [hbm:s6], $0xF7A  }
0x23: {  	s9 =	sor.u32 $0xD0000000, s2;
	s6 =	simm.s32 $0x108;
	_ =	swait.ge @!p0 [sflag:s8], $0x0  }
0x24: {  	s3 =	sadd.s32 $0x88, s3;
	s6 =	simm.s32 @!p1 $0x1082;
	[sflag:s4] =	ssyncset.s32 $0xFFFFF086  }
0x25: {  	[simem:s6], [sflag:s4] =	dma.local [hbm:s3], $0xF7A  }
0x26: {  	[smem:$0x3F9A] =	sst s1;
	(tag) =	ssettag s2;
	_ =	strace s9  }
0x27: {  	s1 =	sld [smem:$0x3FAA]  }
0x28: {  	s2 =	sld [smem:$0x3FAB]  }
0x29: {  	s4 =	sld [smem:$0x3FAD]  }
0x2a: {  	p0 =	seq.s32 s5, $0x0;
	s5 =	sld [smem:$0x3FAE]  }
0x2b: {  	s6 =	sld [smem:$0x3FAF]  }
0x2c: {  	s7 =	sld [smem:$0x3FB0]  }
0x2d: {  	s3 =	simm.s32 $0x108;
	s8 =	sld [smem:$0x3FB1]  }
0x2e: {  	s3 =	simm.s32 @!p0 $0x1082;
	s9 =	sld [smem:$0x3FB2]  }
0x2f: {  	lr =	sadd.s32 s0, s3;
	s0 =	sld [smem:$0x3FA9]  }
0x30: {  	s3 =	sld [smem:$0x3FAC]  }
0x31: {  	[smem:$0x3FB5] =	sst s10  }
0x32: {  	s10 =	sld [smem:$0x3FB3];
	_ =	sdelay $0x3  }
0x33: {  	p0 =	seq.s32 s10, $0x1;
	s10 =	sld [smem:$0x3FB5];
	_ =	sdelay $0x3  }
0x34: {  	[smem:$0x3FB5] =	sst s10  }
0x35: {  	s10 =	sld [smem:$0x3FB4];
	_ =	sdelay $0x3  }
0x36: {  	p1 =	seq.s32 s10, $0x1;
	s10 =	sld [smem:$0x3FB5];
	_ =	sdelay $0x3  }
0x37: {  	[smem:$0x3FB5] =	sst s10  }
0x38: {  	s10 =	sld [smem:$0x3FB6]  }
0x39: {  	_ = 	snop;
	(pc) =	sbr.ind lr, $3  }
0x3a: {  	_ = 	snop  }
0x3b: {  	_ = 	snop  }
0x3c: {  	p2 =	seq.s32 s10, $0x1;
	s10 =	sld [smem:$0x3FB5]  }
0x3d: {  	_ =	shalt  }
0x3e: {  	_ =	shalt  }
0x3f: {  	_ =	shalt  }
0x40: {  	_ =	shalt  }
0x41: {  	_ =	shalt  }
0x42: {  	_ =	shalt  }
0x43: {  	_ =	shalt  }
0x44: {  	_ =	shalt  }
0x45: {  	_ =	shalt  }
0x46: {  	_ =	shalt  }
0x47: {  	_ =	shalt  }
0x48: {  	_ =	shalt  }
0x49: {  	_ =	shalt  }
0x4a: {  	_ =	shalt  }
0x4b: {  	_ =	shalt  }
0x4c: {  	_ =	shalt  }
0x4d: {  	_ =	shalt  }
0x4e: {  	_ =	shalt  }
0x4f: {  	_ =	shalt  }
0x50: {  	_ =	shalt  }
0x51: {  	_ =	shalt  }
0x52: {  	_ =	shalt  }
0x53: {  	_ =	shalt  }
0x54: {  	_ =	shalt  }
0x55: {  	_ =	shalt  }
0x56: {  	_ =	shalt  }
0x57: {  	_ =	shalt  }
0x58: {  	_ =	shalt  }
0x59: {  	_ =	shalt  }
0x5a: {  	_ =	shalt  }
0x5b: {  	_ =	shalt  }
0x5c: {  	_ =	shalt  }
0x5d: {  	_ =	shalt  }
0x5e: {  	_ =	shalt  }
0x5f: {  	_ =	shalt  }
0x60: {  	_ =	shalt  }
0x61: {  	_ =	shalt  }
0x62: {  	_ =	shalt  }
0x63: {  	_ =	shalt  }
0x64: {  	_ =	shalt  }
0x65: {  	_ =	shalt  }
0x66: {  	_ =	shalt  }
0x67: {  	_ =	shalt  }
0x68: {  	_ =	shalt  }
0x69: {  	_ =	shalt  }
0x6a: {  	_ =	shalt  }
0x6b: {  	_ =	shalt  }
0x6c: {  	_ =	shalt  }
0x6d: {  	_ =	shalt  }
0x6e: {  	_ =	shalt  }
0x6f: {  	_ =	shalt  }
0x70: {  	_ =	shalt  }
0x71: {  	_ =	shalt  }
0x72: {  	_ =	shalt  }
0x73: {  	_ =	shalt  }
0x74: {  	_ =	shalt  }
0x75: {  	_ =	shalt  }
0x76: {  	_ =	shalt  }
0x77: {  	_ =	shalt  }
0x78: {  	_ =	shalt  }
0x79: {  	_ =	shalt  }
0x7a: {  	_ =	shalt  }
0x7b: {  	_ =	shalt  }
0x7c: {  	_ =	shalt  }
0x7d: {  	_ =	shalt  }
0x7e: {  	_ =	shalt  }
0x7f: {  	_ =	shalt  }
0x80: {  	_ =	shalt  }
0x81: {  	_ =	shalt  }
0x82: {  	_ =	shalt  }
0x83: {  	_ =	shalt  }
0x84: {  	_ =	shalt  }
0x85: {  	_ =	shalt  }
0x86: {  	_ =	shalt  }
0x87: {  	_ =	shalt  }
.Lfunc_end0:
.L_simem_size_0:
called_computation_lowered:
.L_overlay_start_0:
0x88: {  	s2 =	sld [smem:$0x3FD9]  }
0x89: {  	s3 =	sld [smem:$0x3FFE];
	_ =	sdelay $0x1  }
0x8a: {  	s1 =	srdreg.scid  }
0x8b: {  	s0 =	sand.u32 $0x1, s1  }
0x8c: {  	s17 =	sshll.u32 s0, $0xA;
	s2 =	sadd.s32 s3, s2  }
0x8d: {  	s2 =	sadd.s32 s2, s17  }
0x8e: {  	[smem:$0x3FC1] =	sst s2  }
0x8f: {  	_ = 	snop  }
0x90: {  	s2 =	sld [smem:$0x3FD0];
	(tm) =	ssettm $0x1  }
0x91: {  	s18 =	sld [smem:$0x3FFB];
	_ =	sdelay $0x3  }
0x92: {  	_ =	strace s18  }
0x93: {  	s3 =	sld [smem:$0x3FFC];
	_ =	sdelay $0x3  }
0x94: {  	_ =	strace s3  }
0x95: {  	s3 =	sld [smem:$0x3FFD];
	_ =	sdelay $0x3  }
0x96: {  	_ =	strace s3  }
0x97: {  	_ =	strace $0x8FFFFFFF  }
0x98: {  	s19 =	sld [smem:$0x3FDB];
	_ =	sdelay $0x1  }
0x99: {  	s4 =	simm.s32 $_scs_section_size  }
0x9a: {  	s5 =	simm.s32 $_size__tile_overlayer_lowered;
	s6 =	simm.s32 $_tile_overlayer_lowered  }
0x9b: {  	s22 =	simm.s32 $0x1BFF;
	s21 =	sshll.u32 s6, $0x1;
	s3 =	sadd.s32 s4, s19  }
0x9c: {  	s7 =	simm.s32 $0x0;
	s20 =	sshll.u32 s5, $0x1;
	s5 =	sadd.s32 s21, s3  }
0x9d: {  	[timem:s7], [sflag:s22] =	dma.local [hbm:s5], s20  }
0x9e: {  	_ =	swait.ge [sflag:s22], s20  }
0x9f: {  	s4 =	ssub.s32 $0x0, s20;
	[sflag:s22] =	ssyncset.done $0x0  }
0xa0: {  	[sflag:s22] =	ssyncadd.s32 s4;
	_ =	sdelay $0x1  }
0xa1: {  	s23 =	simm.s32 $0x1B8B  }
0xa2: {  	_ =	swait.ge [sflag:s23], $0x1  }
0xa3: {  	[sflag:s23] =	ssyncset.done $0x0  }
0xa4: {  	s25 =	simm.s32 $0x1B8E;
	s24 =	sld [smem:$0x3FFE];
	[sflag:s23] =	ssyncadd.s32 $0xFFFFFFFF  }
0xa5: {  	s26 =	simm.s32 $execute0_lowered;
	[smem:$0x3FD2] =	sst s25  }
0xa6: {  	s5 =	sshll.u32 s26, $0x1;
	_ =	strace $0x80000046;
	[dreg:$0x1] =	wrdreg $0xFFFFFFFF  }
0xa7: {  	s28 =	simm.s32 $_size_execute0_lowered;
	s3 =	sadd.s32 s3, s5;
	[dreg:$0x0] =	wrdreg $0x0  }
0xa8: {  	s5 =	sshll.u32 s28, $0x1;
	[dreg:$0x2] =	wrdreg s3  }
0xa9: {  	[dreg:$0x3] =	wrdreg s5  }
0xaa: {  	[dreg:$0x4] =	wrdreg $0xC0  }
0xab: {  	_ =	task [dreg:s7], $0x5FFFF  }
0xac: {  	[dreg:$0x1] =	wrdreg $0xFFFFFFFF  }
0xad: {  	[dreg:$0x0] =	wrdreg $0x60  }
0xae: {  	[dreg:$0x2] =	wrdreg s2  }
0xaf: {  	[dreg:$0x3] =	wrdreg s24  }
0xb0: {  	[dreg:$0x4] =	wrdreg $0x0  }
0xb1: {  	[dreg:$0x5] =	wrdreg $0x9  }
0xb2: {  	_ =	task.clear_ibuf [dreg:s7], $0x6FFFF;
	_ =	strace $0x90000046  }
0xb3: {  	s29 =	simm.s32 $0x9;
	_ =	strace $0x80000048  }
0xb4: {  	_ =	swait.ge [sflag:s29], $0x1  }
0xb5: {  	[sflag:s29] =	ssyncadd.s32 $0xFFFFFFFF  }
0xb6: {  	_ =	strace $0x90000048  }
0xb7: {  	_ =	sfence  }
0xb8: {  	s30 =	sld [smem:$0x0];
	_ =	sdelay $0x2  }
0xb9: {  	s31 =	sshll.u32 s1, $0xD;
	s1 =	sshrl.u32 s1, $0x2  }
0xba: {  	s3 =	sand.u32 $0x4000, s31;
	s1 =	sadd.s32 s1, s30  }
0xbb: {  	s0 =	sor.u32 s3, s0;
	s1 =	sshll.u32 s1, $0x11  }
0xbc: {  	s0 =	sor.u32 s1, s0  }
0xbd: {  	s0 =	sadd.s32 $0x8F2B, s0  }
0xbe: {  	[sflag:s0] =	ssyncadd.remote.s32 $0x1  }
0xbf: {  	_ =	sfence.sel $0xFFFF  }
0xc0: {  	[dreg:$0x0] =	wrdreg $0xFFFFFFFF;
	(pc) =	sbr.abs _section_cstart, $3  }
0xc1: {  	[dreg:$0x1] =	wrdreg $0xFFFFFFFF  }
0xc2: {  	_ =	task.clear_ibuf [dreg:s7], $0x2FFFF;
	_ =	strace $0x9FFFFFFF  }
0xc3: {  	(tm) =	ssettm $0x7FFFFFFF  }
tec
execute0_lowered:
.L_overlay_start_1:
0x0: {  	(tag) =	ssettag $0x1  }
0x1: {  	s23 =	rddreg [dreg:$0x0]  }
0x2: {  	s0 =	rddreg [dreg:$0x1]  }
0x3: {  	s29 =	rddreg [dreg:$0x2]  }
0x4: {  	s3 =	simm.s32 $0x0;
	s1 =	srdreg.scid;
	s16 =	stileid.u32  }
0x5: {  	s30 =	simm.s32 $0x13880;
	s28 =	simm.s32 $0x9;
	s31 =	simm.s32 $0xC  }
0x6: {  	[smem:$0x7FF] =	sst s3;
	s1 =	sand.u32 $0x1, s1;
	s5 =	sadd.s32 $0xA200, s0  }
0x7: {  	s6 =	sadd.s32 $0x400, s0;
	s7 =	sadd.s32 $0x14000, s0;
	s8 =	sadd.s32 $0x91000, s0  }
0x8: {  	s9 =	sadd.s32 $0x10E000, s0;
	s4 =	sadd.s32 $0x18B000, s0;
	s11 =	smul.u32 $0x4E000, s16  }
0x9: {  	s0 =	sadd.s32 $0x18B800, s0;
	s14 =	smul.u32 $0x13800, s16;
	s2 =	sshll.u32 s1, $0x4  }
0xa: {  	s18 =	ssub.s32 $0x2, s1;
	s1 =	smul.u32 $0x138800, s1;
	s2 =	sor.u32 s16, s2  }
0xb: {  	_ =	strace $0x80000047;
	[dreg:$0x4] =	wrdreg s4;
	s10 =	smul.u32 $0x2710, s2  }
0xc: {  	s19 =	sshrl.u32 s18, $0x1;
	s11 =	sshrl.u32 s11, $0x2;
	s12 =	smul.u32 $0x1F400, s2  }
0xd: {  	s2 =	ssub.s32 s18, s19;
	s18 =	sadd.s32 s11, s29;
	s22 =	sadd.s32 s14, s1  }
0xe: {  	s1 =	sshrl.u32 s1, $0x3;
	s24 =	sadd.s32 $0x4000, s18;
	s11 =	sshrl.u32 s22, $0x3  }
0xf: {  	s25 =	sadd.s32 $0x8000, s18;
	[dreg:$0x9] =	wrdreg s18;
	s11 =	sadd.s32 s0, s11  }
0x10: {  	s13 =	sshrl.u32 s12, $0x3;
	s19 =	sshrl.u32 s24, $0x3;
	[dreg:$0xa] =	wrdreg s11  }
0x11: {  	s26 =	sadd.s32 $0xC000, s18;
	s15 =	sadd.s32 s7, s13;
	[dreg:$0xe] =	wrdreg s19  }
0x12: {  	s20 =	sshrl.u32 s10, $0x3;
	s21 =	sadd.s32 s8, s13;
	[dreg:$0x6] =	wrdreg s15  }
0x13: {  	s0 =	sadd.s32 s0, s1;
	s13 =	sadd.s32 s9, s13;
	[dreg:$0x7] =	wrdreg s21  }
0x14: {  	s17 =	sadd.s32 s6, s20;
	s0 =	sadd.s32 $0x27000, s0;
	[dreg:$0x8] =	wrdreg s13  }
0x15: {  	s11 =	sadd.s32 $0x10000, s18;
	s18 =	smax.u32 s2, $0x1;
	[dreg:$0xc] =	wrdreg s0  }
0x16: {  	s4 =	sadd.s32 s5, s20;
	s20 =	sshrl.u32 s25, $0x3;
	[dreg:$0xd] =	wrdreg s18  }
0x17: {  	p0 =	sne.s32 s16, $0xF;
	s16 =	simm.s32 $0x50;
	[dreg:$0xf] =	wrdreg s20  }
0x18: {  	s14 =	simm.s32 $0xF;
	s25 =	sadd.s32 $0x138000, s29;
	[dreg:$0x5] =	wrdreg s17  }
0x19: {  	s4 =	sadd.s32 $0x4D8, s4;
	s21 =	sshrl.u32 s26, $0x3;
	[dreg:$0x13] =	wrdreg s25  }
0x1a: {  	s22 =	sshrl.u32 s11, $0x3;
	s24 =	sadd.s32 $0xA, s17;
	[dreg:$0xb] =	wrdreg s4  }
0x1b: {  	s26 =	sadd.s32 $0xF0, s10;
	s15 =	simm.s32 $0x1;
	[dreg:$0x10] =	wrdreg s21  }
0x1c: {  	s13 =	simm.s32 $0xD;
	s17 =	simm.s32 $0xB;
	[dreg:$0x11] =	wrdreg s22  }
0x1d: {  	s11 =	simm.s32 $0x5;
	s20 =	simm.s32 $0x4;
	[dreg:$0x12] =	wrdreg s24  }
0x1e: {  	s25 =	simm.s32 $0xE;
	s0 =	simm.s32 $0x6;
	[dreg:$0x14] =	wrdreg s26  }
0x1f: {  	s22 =	simm.s32 $0x3;
	s24 =	simm.s32 $0xA;
	s4 =	simm.s32 $0x0  }
.LBB2_1:
0x20: {  	[dreg:$0x15] =	wrdreg s4  }
0x21: {  	s1 =	rddreg [dreg:$0x5]  }
0x22: {  	[tilespmem:s30], [sflag:$0x1] =	stream.linear.gather [hbm4b:s1+s3], $0x50, $0x38;
	[tilespmem:$0x1F280] =	vst v63  }
0x23: {  	s21 =	rddreg [dreg:$0x12];
	s2 =	simm.s32 $0x13900  }
0x24: {  	[tilespmem:s2], [sflag:$0x2] =	stream.linear.gather [hbm4b:s21+s3], $0x50, $0x38;
	[tilespmem:$0x1F280] =	vst v63  }
0x25: {  	s19 =	smov.u32 s29;
	s26 =	rddreg [dreg:$0x6];
	s29 =	simm.s32 $0x18A80  }
0x26: {  	[tilespmem:s29], [sflag:$0x9] =	stream.linear.gather [hbm4b:s26+s3], $0x280, $0x38;
	[tilespmem:$0x1F280] =	vst v63  }
0x27: {  	s4 =	rddreg [dreg:$0x7];
	s18 =	simm.s32 $0x19A80  }
0x28: {  	[tilespmem:s18], [sflag:$0xD] =	stream.linear.gather [hbm4b:s4+s3], $0x280, $0x38;
	[tilespmem:$0x1F280] =	vst v63  }
0x29: {  	s21 =	rddreg [dreg:$0x8];
	s26 =	simm.s32 $0x19280  }
0x2a: {  	[tilespmem:s26], [sflag:$0xB] =	stream.linear.gather [hbm4b:s21+s3], $0x280, $0x38;
	[tilespmem:$0x1F280] =	vst v63  }
0x2b: {  	_ =	swait.ge [sflag:s15], $0x50  }
0x2c: {  	[sflag:s15] =	ssyncset.done $0x0  }
0x2d: {  	s29 =	simm.s32 $0x13980;
	s4 =	simm.s32 $0x2;
	[sflag:s15] =	ssyncadd.s32 $0xFFFFFFB0  }
0x2e: {  	[tilespmem:s29], [sflag:$0x3] =	stream.indirect.gather [hbm4b:s23+s16], $0x80, s30, s16, $0xb8;
	[tilespmem:$0x1F280] =	vst v63  }
0x2f: {  	_ =	swait.ge [sflag:s4], $0x50  }
0x30: {  	[sflag:s4] =	ssyncset.done $0x0  }
0x31: {  	s18 =	simm.s32 $0x16180;
	s21 =	stileid.u32;
	[sflag:s4] =	ssyncadd.s32 $0xFFFFFFB0  }
0x32: {  	[tilespmem:s18], [sflag:$0x4] =	stream.indirect.gather [hbm4b:s23+s16], $0x80, s2, s16, $0xb8;
	[tilespmem:$0x1F280] =	vst v63  }
0x33: {  	s26 =	smov.u32 s23;
	s1 =	sshll.u32 s21, $0x6;
	s23 =	rddreg [dreg:$0x9]  }
0x34: {  	s4 =	sor.u32 $0x1C0F, s1;
	s1 =	rddreg [dreg:$0x4];
	s29 =	sshrl.u32 s23, $0x3  }
0x35: {  	[dreg:$0x17] =	wrdreg s29  }
0x36: {  	[spmem:s29], [sflag:s4] =	dma.local [hbm:s1], $0x800  }
0x37: {  	_ =	swait.ge [sflag:s14], $0x800  }
0x38: {  	[sflag:s14] =	ssyncset.done $0x0  }
0x39: {  	s18 =	rddreg [dreg:$0xe];
	[sflag:s14] =	ssyncadd.s32 $0xFFFFF800  }
0x3a: {  	[spmem:s18], [sflag:s4] =	dma.local [hbm:s1], $0x800  }
0x3b: {  	_ =	swait.ge [sflag:s14], $0x800  }
0x3c: {  	[sflag:s14] =	ssyncset.done $0x0  }
0x3d: {  	s21 =	rddreg [dreg:$0xf];
	[sflag:s14] =	ssyncadd.s32 $0xFFFFF800  }
0x3e: {  	[spmem:s21], [sflag:s4] =	dma.local [hbm:s1], $0x800  }
0x3f: {  	_ =	swait.ge [sflag:s14], $0x800  }
0x40: {  	[sflag:s14] =	ssyncset.done $0x0  }
0x41: {  	s23 =	rddreg [dreg:$0x10];
	[sflag:s14] =	ssyncadd.s32 $0xFFFFF800  }
0x42: {  	[spmem:s23], [sflag:s4] =	dma.local [hbm:s1], $0x800  }
0x43: {  	_ =	swait.ge [sflag:s14], $0x800  }
0x44: {  	[sflag:s14] =	ssyncset.done $0x0  }
0x45: {  	s29 =	rddreg [dreg:$0x11];
	[sflag:s14] =	ssyncadd.s32 $0xFFFFF800  }
0x46: {  	[spmem:s29], [sflag:s4] =	dma.local [hbm:s1], $0x700  }
0x47: {  	_ =	swait.ge [sflag:s14], $0x700  }
0x48: {  	s2 =	rddreg [dreg:$0x13]  }
0x49: {  	[dreg:$0x16] =	wrdreg s4;
	[sflag:s14] =	ssyncset.done $0x0;
	s2 =	sshrl.u32 @!p0 s2, $0x3  }
0x4a: {  	[sflag:s14] =	ssyncadd.s32 $0xFFFFF900;
	[dreg:$0x18] =	wrdreg s2  }
0x4b: {  	[spmem:s2], [sflag:s4] =	dma.local @!p0 [hbm:s1], $0x100  }
0x4c: {  	s1 =	simm.s32 @!p0 $0xF  }
0x4d: {  	_ =	swait.ge @!p0 [sflag:s1], $0x100  }
0x4e: {  	[sflag:s1] =	ssyncset.done @!p0 $0x0  }
0x4f: {  	[sflag:s1] =	ssyncadd.s32 @!p0 $0xFFFFFF00  }
0x50: {  	s4 =	simm.s32 $0x0;
	[bflag:$0x0] =	sbarrier.arrive $0xFFFF  }
.LBB2_2:
0x51: {  	s1 =	sshll.u32 s4, $0x1  }
0x52: {  	s14 =	sadd.s32 $0x2, s1  }
0x53: {  	s1 =	smul.u32 $0x50, s14;
	_ =	sdelay $0x1  }
0x54: {  	_ =	swait.ge [sflag:s22], $0x2800;
	s1 =	sadd.s32 s10, s1  }
0x55: {  	s18 =	sshllo.u32 s4, $0x1;
	[sflag:s22] =	ssyncset.done $0x0;
	s1 =	sshrl.u32 s1, $0x3  }
0x56: {  	s21 =	sshll.u32 s18, $0xA;
	[sflag:s22] =	ssyncadd.s32 $0xFFFFD800;
	s1 =	sadd.s32 s6, s1  }
0x57: {  	[tilespmem:s30], [sflag:$0x1] =	stream.linear.gather [hbm4b:s1+s3], $0x50, $0x38;
	[tilespmem:$0x1F280] =	vst v63  }
0x58: {  	s1 =	sadd.s32 s12, s21  }
0x59: {  	s1 =	sshrl.u32 s1, $0x3  }
0x5a: {  	s21 =	simm.s32 $0x18E80;
	s2 =	sadd.s32 s7, s1  }
0x5b: {  	[tilespmem:s21], [sflag:$0xA] =	stream.linear.gather [hbm4b:s2+s3], $0x280, $0x38;
	[tilespmem:$0x1F280] =	vst v63  }
0x5c: {  	p1 =	seq.s32 s4, $0x0;
	s30 =	simm.s32 $0x19E80;
	s23 =	sadd.s32 s8, s1  }
0x5d: {  	[tilespmem:s30], [sflag:$0xE] =	stream.linear.gather [hbm4b:s23+s3], $0x280, $0x38;
	[tilespmem:$0x1F280] =	vst v63  }
0x5e: {  	s1 =	sadd.s32 s9, s1;
	s21 =	smul.u32 $0xA0, s4;
	s23 =	simm.s32 $0x19680  }
0x5f: {  	[tilespmem:s23], [sflag:$0xC] =	stream.linear.gather [hbm4b:s1+s3], $0x280, $0x38;
	[tilespmem:$0x1F280] =	vst v63  }
0x60: {  	s30 =	sadd.s32 s10, s21;
	s1 =	simm.s32 @!p1 $0x7  }
0x61: {  	s2 =	sshrl.u32 s30, $0x3;
	_ =	swait.ge @!p1 [sflag:s1], $0x2800  }
0x62: {  	s2 =	sadd.s32 s5, s2;
	[sflag:s1] =	ssyncset.done @!p1 $0x0  }
0x63: {  	s23 =	simm.s32 $0x18980;
	[sflag:s1] =	ssyncadd.s32 @!p1 $0xFFFFD800;
	s1 =	simm.s32 $0x0  }
0x64: {  	[tilespmem:s23], [sflag:$0x5] =	stream.linear.gather [hbm4b:s2+s1], $0x50, $0x38;
	[tilespmem:$0x1F280] =	vst v63  }
0x65: {  	_ =	swait.ge [sflag:s28], $0x280  }
0x66: {  	[sflag:s28] =	ssyncset.done $0x0  }
0x67: {  	[sflag:s28] =	ssyncadd.s32 $0xFFFFFD80  }
0x68: {  	_ =	swait.ge [sflag:s13], $0x280  }
0x69: {  	[sflag:s13] =	ssyncset.done $0x0  }
0x6a: {  	[sflag:s13] =	ssyncadd.s32 $0xFFFFFD80  }
0x6b: {  	_ =	swait.ge [sflag:s17], $0x280  }
0x6c: {  	s29 =	simm.s32 $0x1A480;
	[sflag:s17] =	ssyncset.done $0x0  }
0x6d: {  	s2 =	simm.s32 $0x13B80;
	s23 =	simm.s32 $0x0;
	[sflag:s17] =	ssyncadd.s32 $0xFFFFFD80  }
.LBB2_3:
0x6e: {  	v3 =	vld [tilespmem:s2+$0xFFFFFE00]  }
0x6f: {  	v4 =	vld [tilespmem:s2+$0xFFFFFE10]  }
0x70: {  	s30 =	sand.u32 $0x380, s23;
	v5 =	vld [tilespmem:s2+$0xFFFFFE20]  }
0x71: {  	v1 =	vld [tilespmem:s30+$0x19A80]  }
0x72: {  	v2 =	vld [tilespmem:s30+$0x19280]  }
0x73: {  	v7 =	vld [tilespmem:s2+$0xFFFFFE30]  }
0x74: {  	v10 =	vld [tilespmem:s2+$0xFFFFFE40]  }
0x75: {  	v0 =	vld [tilespmem:s30+$0x18A80]  }
0x76: {  	v13 =	vld [tilespmem:s2+$0xFFFFFE50];
	v9 =	vshll.u32 v3, $0x10  }
0x77: {  	v15 =	vld [tilespmem:s2+$0xFFFFFE60];
	v3 =	vand.u32 $0xFFFF0000, v3;
	v11 =	vshll.u32 v4, $0x10;
	v1 =	vadd.f32 v2, v1  }
0x78: {  	s30 =	sand.u32 $0x8, s1;
	v4 =	vand.u32 $0xFFFF0000, v4;
	v12 =	vshll.u32 v5, $0x10;
	v5 =	vand.u32 $0xFFFF0000, v5  }
0x79: {  	v50 =	vld [tilespmem:s2+$0xFFFFFE70];
	v14 =	vshll.u32 v7, $0x10;
	v2 =	vmov s30;
	v1 =	vmul.f32 $5.000000000e-01, v1  }
0x7a: {  	v7 =	vand.u32 $0xFFFF0000, v7;
	v16 =	vshll.u32 v10, $0x10;
	v6 =	vperm.xlane v0, v2  }
0x7b: {  	v10 =	vand.u32 $0xFFFF0000, v10;
	v51 =	vshll.u32 v13, $0x10;
	v8 =	vperm.xlane v1, v2  }
0x7c: {  	v52 =	vand.u32 $0xFFFF0000, v13;
	v53 =	vshll.u32 v15, $0x10;
	v9 =	vmul.f32 v9, v6  }
0x7d: {  	v56 =	vand.u32 $0xFFFF0000, v15;
	v11 =	vmul.f32 v11, v6;
	v3 =	vmul.f32 v3, v8  }
0x7e: {  	v58 =	vshll.u32 v50, $0x10;
	v12 =	vmul.f32 v12, v6;
	v4 =	vmul.f32 v4, v8  }
0x7f: {  	v14 =	vmul.f32 v14, v6;
	v5 =	vmul.f32 v5, v8;
	v3 =	vadd.f32 v3, v9  }
0x80: {  	v16 =	vmul.f32 v16, v6;
	v7 =	vmul.f32 v7, v8;
	v4 =	vadd.f32 v4, v11  }
0x81: {  	v55 =	vmul.f32 v53, v6;
	v10 =	vmul.f32 v10, v8;
	v5 =	vadd.f32 v5, v12;
	[tilespmem:s29+$0xFFFFFE00] =	vst v3  }
0x82: {  	v54 =	vmul.f32 v52, v8;
	v7 =	vadd.f32 v7, v14;
	v11 =	vmul.f32 v51, v6;
	[tilespmem:s29+$0xFFFFFE10] =	vst v4  }
0x83: {  	v57 =	vmul.f32 v56, v8;
	v10 =	vadd.f32 v10, v16;
	v9 =	vand.u32 $0xFFFF0000, v50;
	[tilespmem:s29+$0xFFFFFE20] =	vst v5  }
0x84: {  	v59 =	vmul.f32 v58, v6;
	v60 =	vmul.f32 v9, v8;
	v3 =	vadd.f32 v54, v11;
	[tilespmem:s29+$0xFFFFFE30] =	vst v7  }
0x85: {  	v4 =	vadd.f32 v57, v55;
	[tilespmem:s29+$0xFFFFFE40] =	vst v10  }
0x86: {  	v5 =	vadd.f32 v60, v59;
	[tilespmem:s29+$0xFFFFFE50] =	vst v3  }
0x87: {  	[tilespmem:s29+$0xFFFFFE60] =	vst v4  }
0x88: {  	[tilespmem:s29+$0xFFFFFE70] =	vst v5  }
0x89: {  	v3 =	vld [tilespmem:s2+$0xFFFFFE80]  }
0x8a: {  	v4 =	vld [tilespmem:s2+$0xFFFFFE90]  }
0x8b: {  	v62 =	vld [tilespmem:s2+$0xFFFFFEA0]  }
0x8c: {  	v19 =	vld [tilespmem:s2+$0xFFFFFEB0]  }
0x8d: {  	v10 =	vld [tilespmem:s2+$0xFFFFFEC0]  }
0x8e: {  	v61 =	vor.u32 $0x1, v2;
	v23 =	vld [tilespmem:s2+$0xFFFFFED0]  }
0x8f: {  	v63 =	vperm.xlane v0, v61;
	v25 =	vld [tilespmem:s2+$0xFFFFFEE0]  }
0x90: {  	v5 =	vperm.xlane v1, v61;
	v20 =	vshll.u32 v3, $0x10;
	v3 =	vand.u32 $0xFFFF0000, v3  }
0x91: {  	v27 =	vld [tilespmem:s2+$0xFFFFFEF0];
	v21 =	vshll.u32 v4, $0x10;
	v4 =	vand.u32 $0xFFFF0000, v4;
	v22 =	vshll.u32 v62, $0x10  }
0x92: {  	v6 =	vand.u32 $0xFFFF0000, v62;
	v24 =	vshll.u32 v19, $0x10;
	v8 =	vand.u32 $0xFFFF0000, v19  }
0x93: {  	v26 =	vshll.u32 v10, $0x10;
	v10 =	vand.u32 $0xFFFF0000, v10;
	v28 =	vshll.u32 v23, $0x10  }
0x94: {  	v29 =	vand.u32 $0xFFFF0000, v23;
	v30 =	vshll.u32 v25, $0x10;
	v9 =	vmul.f32 v20, v63  }
0x95: {  	v33 =	vand.u32 $0xFFFF0000, v25;
	v3 =	vmul.f32 v3, v5;
	v11 =	vmul.f32 v21, v63  }
0x96: {  	v35 =	vshll.u32 v27, $0x10;
	v4 =	vmul.f32 v4, v5;
	v12 =	vmul.f32 v22, v63  }
0x97: {  	v6 =	vmul.f32 v6, v5;
	v14 =	vmul.f32 v24, v63;
	v3 =	vadd.f32 v3, v9  }
0x98: {  	v8 =	vmul.f32 v8, v5;
	v16 =	vmul.f32 v26, v63;
	v4 =	vadd.f32 v4, v11  }
0x99: {  	v10 =	vmul.f32 v10, v5;
	v31 =	vmul.f32 v29, v5;
	v6 =	vadd.f32 v6, v12;
	[tilespmem:s29+$0xFFFFFE80] =	vst v3  }
0x9a: {  	v32 =	vmul.f32 v30, v63;
	v8 =	vadd.f32 v8, v14;
	v11 =	vmul.f32 v28, v63;
	[tilespmem:s29+$0xFFFFFE90] =	vst v4  }
0x9b: {  	v34 =	vmul.f32 v33, v5;
	v10 =	vadd.f32 v10, v16;
	v9 =	vand.u32 $0xFFFF0000, v27;
	[tilespmem:s29+$0xFFFFFEA0] =	vst v6  }
0x9c: {  	v36 =	vmul.f32 v35, v63;
	v5 =	vmul.f32 v9, v5;
	v3 =	vadd.f32 v31, v11;
	[tilespmem:s29+$0xFFFFFEB0] =	vst v8  }
0x9d: {  	v4 =	vadd.f32 v34, v32;
	[tilespmem:s29+$0xFFFFFEC0] =	vst v10  }
0x9e: {  	v5 =	vadd.f32 v5, v36;
	[tilespmem:s29+$0xFFFFFED0] =	vst v3  }
0x9f: {  	[tilespmem:s29+$0xFFFFFEE0] =	vst v4  }
0xa0: {  	[tilespmem:s29+$0xFFFFFEF0] =	vst v5  }
0xa1: {  	v3 =	vld [tilespmem:s2+$0xFFFFFF00]  }
0xa2: {  	v4 =	vld [tilespmem:s2+$0xFFFFFF10]  }
0xa3: {  	v38 =	vld [tilespmem:s2+$0xFFFFFF20]  }
0xa4: {  	v8 =	vld [tilespmem:s2+$0xFFFFFF30]  }
0xa5: {  	v10 =	vld [tilespmem:s2+$0xFFFFFF40]  }
0xa6: {  	v37 =	vor.u32 $0x2, v2;
	v43 =	vld [tilespmem:s2+$0xFFFFFF50]  }
0xa7: {  	v39 =	vperm.xlane v0, v37;
	v45 =	vld [tilespmem:s2+$0xFFFFFF60]  }
0xa8: {  	v5 =	vperm.xlane v1, v37;
	v40 =	vshll.u32 v3, $0x10;
	v3 =	vand.u32 $0xFFFF0000, v3  }
0xa9: {  	v47 =	vld [tilespmem:s2+$0xFFFFFF70];
	v41 =	vshll.u32 v4, $0x10;
	v4 =	vand.u32 $0xFFFF0000, v4;
	v42 =	vshll.u32 v38, $0x10  }
0xaa: {  	v6 =	vand.u32 $0xFFFF0000, v38;
	v44 =	vshll.u32 v8, $0x10;
	v8 =	vand.u32 $0xFFFF0000, v8  }
0xab: {  	v46 =	vshll.u32 v10, $0x10;
	v10 =	vand.u32 $0xFFFF0000, v10;
	v48 =	vshll.u32 v43, $0x10  }
0xac: {  	v49 =	vand.u32 $0xFFFF0000, v43;
	v50 =	vshll.u32 v45, $0x10;
	v9 =	vmul.f32 v40, v39  }
0xad: {  	v53 =	vand.u32 $0xFFFF0000, v45;
	v3 =	vmul.f32 v3, v5;
	v11 =	vmul.f32 v41, v39  }
0xae: {  	v55 =	vshll.u32 v47, $0x10;
	v4 =	vmul.f32 v4, v5;
	v12 =	vmul.f32 v42, v39  }
0xaf: {  	v6 =	vmul.f32 v6, v5;
	v14 =	vmul.f32 v44, v39;
	v3 =	vadd.f32 v3, v9  }
0xb0: {  	v8 =	vmul.f32 v8, v5;
	v16 =	vmul.f32 v46, v39;
	v4 =	vadd.f32 v4, v11  }
0xb1: {  	v10 =	vmul.f32 v10, v5;
	v51 =	vmul.f32 v49, v5;
	v6 =	vadd.f32 v6, v12;
	[tilespmem:s29+$0xFFFFFF00] =	vst v3  }
0xb2: {  	v52 =	vmul.f32 v50, v39;
	v8 =	vadd.f32 v8, v14;
	v11 =	vmul.f32 v48, v39;
	[tilespmem:s29+$0xFFFFFF10] =	vst v4  }
0xb3: {  	v54 =	vmul.f32 v53, v5;
	v10 =	vadd.f32 v10, v16;
	v9 =	vand.u32 $0xFFFF0000, v47;
	[tilespmem:s29+$0xFFFFFF20] =	vst v6  }
0xb4: {  	v56 =	vmul.f32 v55, v39;
	v5 =	vmul.f32 v9, v5;
	v3 =	vadd.f32 v51, v11;
	[tilespmem:s29+$0xFFFFFF30] =	vst v8  }
0xb5: {  	v4 =	vadd.f32 v54, v52;
	[tilespmem:s29+$0xFFFFFF40] =	vst v10  }
0xb6: {  	v5 =	vadd.f32 v5, v56;
	[tilespmem:s29+$0xFFFFFF50] =	vst v3  }
0xb7: {  	[tilespmem:s29+$0xFFFFFF60] =	vst v4  }
0xb8: {  	[tilespmem:s29+$0xFFFFFF70] =	vst v5  }
0xb9: {  	v3 =	vld [tilespmem:s2+$0xFFFFFF80]  }
0xba: {  	v4 =	vld [tilespmem:s2+$0xFFFFFF90]  }
0xbb: {  	v58 =	vld [tilespmem:s2+$0xFFFFFFA0]  }
0xbc: {  	v8 =	vld [tilespmem:s2+$0xFFFFFFB0]  }
0xbd: {  	v10 =	vld [tilespmem:s2+$0xFFFFFFC0]  }
0xbe: {  	v57 =	vor.u32 $0x3, v2;
	v63 =	vld [tilespmem:s2+$0xFFFFFFD0]  }
0xbf: {  	v59 =	vperm.xlane v0, v57;
	v21 =	vld [tilespmem:s2+$0xFFFFFFE0]  }
0xc0: {  	v5 =	vperm.xlane v1, v57;
	v60 =	vshll.u32 v3, $0x10;
	v3 =	vand.u32 $0xFFFF0000, v3  }
0xc1: {  	v23 =	vld [tilespmem:s2+$0xFFFFFFF0];
	v61 =	vshll.u32 v4, $0x10;
	v4 =	vand.u32 $0xFFFF0000, v4;
	v62 =	vshll.u32 v58, $0x10  }
0xc2: {  	v6 =	vand.u32 $0xFFFF0000, v58;
	v20 =	vshll.u32 v8, $0x10;
	v8 =	vand.u32 $0xFFFF0000, v8  }
0xc3: {  	v22 =	vshll.u32 v10, $0x10;
	v10 =	vand.u32 $0xFFFF0000, v10;
	v24 =	vshll.u32 v63, $0x10  }
0xc4: {  	v25 =	vand.u32 $0xFFFF0000, v63;
	v26 =	vshll.u32 v21, $0x10;
	v9 =	vmul.f32 v60, v59  }
0xc5: {  	v29 =	vand.u32 $0xFFFF0000, v21;
	v3 =	vmul.f32 v3, v5;
	v11 =	vmul.f32 v61, v59  }
0xc6: {  	v31 =	vshll.u32 v23, $0x10;
	v4 =	vmul.f32 v4, v5;
	v12 =	vmul.f32 v62, v59  }
0xc7: {  	v6 =	vmul.f32 v6, v5;
	v14 =	vmul.f32 v20, v59;
	v3 =	vadd.f32 v3, v9  }
0xc8: {  	v8 =	vmul.f32 v8, v5;
	v16 =	vmul.f32 v22, v59;
	v4 =	vadd.f32 v4, v11  }
0xc9: {  	v10 =	vmul.f32 v10, v5;
	v27 =	vmul.f32 v25, v5;
	v6 =	vadd.f32 v6, v12;
	[tilespmem:s29+$0xFFFFFF80] =	vst v3  }
0xca: {  	v28 =	vmul.f32 v26, v59;
	v8 =	vadd.f32 v8, v14;
	v11 =	vmul.f32 v24, v59;
	[tilespmem:s29+$0xFFFFFF90] =	vst v4  }
0xcb: {  	v30 =	vmul.f32 v29, v5;
	v10 =	vadd.f32 v10, v16;
	v9 =	vand.u32 $0xFFFF0000, v23;
	[tilespmem:s29+$0xFFFFFFA0] =	vst v6  }
0xcc: {  	v32 =	vmul.f32 v31, v59;
	v5 =	vmul.f32 v9, v5;
	v3 =	vadd.f32 v27, v11;
	[tilespmem:s29+$0xFFFFFFB0] =	vst v8  }
0xcd: {  	v4 =	vadd.f32 v30, v28;
	[tilespmem:s29+$0xFFFFFFC0] =	vst v10  }
0xce: {  	v5 =	vadd.f32 v5, v32;
	[tilespmem:s29+$0xFFFFFFD0] =	vst v3  }
0xcf: {  	[tilespmem:s29+$0xFFFFFFE0] =	vst v4  }
0xd0: {  	[tilespmem:s29+$0xFFFFFFF0] =	vst v5  }
0xd1: {  	v3 =	vld [tilespmem:s2+$0x0]  }
0xd2: {  	v4 =	vld [tilespmem:s2+$0x10]  }
0xd3: {  	v34 =	vld [tilespmem:s2+$0x20]  }
0xd4: {  	v8 =	vld [tilespmem:s2+$0x30]  }
0xd5: {  	v10 =	vld [tilespmem:s2+$0x40]  }
0xd6: {  	v33 =	vor.u32 $0x4, v2;
	v39 =	vld [tilespmem:s2+$0x50]  }
0xd7: {  	v35 =	vperm.xlane v0, v33;
	v41 =	vld [tilespmem:s2+$0x60]  }
0xd8: {  	v5 =	vperm.xlane v1, v33;
	v36 =	vshll.u32 v3, $0x10;
	v3 =	vand.u32 $0xFFFF0000, v3  }
0xd9: {  	v43 =	vld [tilespmem:s2+$0x70];
	v37 =	vshll.u32 v4, $0x10;
	v4 =	vand.u32 $0xFFFF0000, v4;
	v38 =	vshll.u32 v34, $0x10  }
0xda: {  	v6 =	vand.u32 $0xFFFF0000, v34;
	v40 =	vshll.u32 v8, $0x10;
	v8 =	vand.u32 $0xFFFF0000, v8  }
0xdb: {  	v42 =	vshll.u32 v10, $0x10;
	v10 =	vand.u32 $0xFFFF0000, v10;
	v44 =	vshll.u32 v39, $0x10  }
0xdc: {  	v45 =	vand.u32 $0xFFFF0000, v39;
	v46 =	vshll.u32 v41, $0x10;
	v9 =	vmul.f32 v36, v35  }
0xdd: {  	v49 =	vand.u32 $0xFFFF0000, v41;
	v3 =	vmul.f32 v3, v5;
	v11 =	vmul.f32 v37, v35  }
0xde: {  	v51 =	vshll.u32 v43, $0x10;
	v4 =	vmul.f32 v4, v5;
	v12 =	vmul.f32 v38, v35  }
0xdf: {  	v6 =	vmul.f32 v6, v5;
	v14 =	vmul.f32 v40, v35;
	v3 =	vadd.f32 v3, v9  }
0xe0: {  	v8 =	vmul.f32 v8, v5;
	v16 =	vmul.f32 v42, v35;
	v4 =	vadd.f32 v4, v11  }
0xe1: {  	v10 =	vmul.f32 v10, v5;
	v47 =	vmul.f32 v45, v5;
	v6 =	vadd.f32 v6, v12;
	[tilespmem:s29+$0x0] =	vst v3  }
0xe2: {  	v48 =	vmul.f32 v46, v35;
	v8 =	vadd.f32 v8, v14;
	v11 =	vmul.f32 v44, v35;
	[tilespmem:s29+$0x10] =	vst v4  }
0xe3: {  	v50 =	vmul.f32 v49, v5;
	v10 =	vadd.f32 v10, v16;
	v9 =	vand.u32 $0xFFFF0000, v43;
	[tilespmem:s29+$0x20] =	vst v6  }
0xe4: {  	v52 =	vmul.f32 v51, v35;
	v5 =	vmul.f32 v9, v5;
	v3 =	vadd.f32 v47, v11;
	[tilespmem:s29+$0x30] =	vst v8  }
0xe5: {  	v4 =	vadd.f32 v50, v48;
	[tilespmem:s29+$0x40] =	vst v10  }
0xe6: {  	v5 =	vadd.f32 v5, v52;
	[tilespmem:s29+$0x50] =	vst v3  }
0xe7: {  	[tilespmem:s29+$0x60] =	vst v4  }
0xe8: {  	[tilespmem:s29+$0x70] =	vst v5  }
0xe9: {  	v3 =	vld [tilespmem:s2+$0x80]  }
0xea: {  	v4 =	vld [tilespmem:s2+$0x90]  }
0xeb: {  	v54 =	vld [tilespmem:s2+$0xA0]  }
0xec: {  	v8 =	vld [tilespmem:s2+$0xB0]  }
0xed: {  	v10 =	vld [tilespmem:s2+$0xC0]  }
0xee: {  	v53 =	vor.u32 $0x5, v2;
	v59 =	vld [tilespmem:s2+$0xD0]  }
0xef: {  	v55 =	vperm.xlane v0, v53;
	v61 =	vld [tilespmem:s2+$0xE0]  }
0xf0: {  	v5 =	vperm.xlane v1, v53;
	v56 =	vshll.u32 v3, $0x10;
	v3 =	vand.u32 $0xFFFF0000, v3  }
0xf1: {  	v63 =	vld [tilespmem:s2+$0xF0];
	v57 =	vshll.u32 v4, $0x10;
	v4 =	vand.u32 $0xFFFF0000, v4;
	v58 =	vshll.u32 v54, $0x10  }
0xf2: {  	v6 =	vand.u32 $0xFFFF0000, v54;
	v60 =	vshll.u32 v8, $0x10;
	v8 =	vand.u32 $0xFFFF0000, v8  }
0xf3: {  	v62 =	vshll.u32 v10, $0x10;
	v10 =	vand.u32 $0xFFFF0000, v10;
	v18 =	vshll.u32 v59, $0x10  }
0xf4: {  	v19 =	vand.u32 $0xFFFF0000, v59;
	v20 =	vshll.u32 v61, $0x10;
	v9 =	vmul.f32 v56, v55  }
0xf5: {  	v23 =	vand.u32 $0xFFFF0000, v61;
	v3 =	vmul.f32 v3, v5;
	v11 =	vmul.f32 v57, v55  }
0xf6: {  	v25 =	vshll.u32 v63, $0x10;
	v4 =	vmul.f32 v4, v5;
	v12 =	vmul.f32 v58, v55  }
0xf7: {  	v6 =	vmul.f32 v6, v5;
	v14 =	vmul.f32 v60, v55;
	v3 =	vadd.f32 v3, v9  }
0xf8: {  	v8 =	vmul.f32 v8, v5;
	v16 =	vmul.f32 v62, v55;
	v4 =	vadd.f32 v4, v11  }
0xf9: {  	v10 =	vmul.f32 v10, v5;
	v21 =	vmul.f32 v19, v5;
	v6 =	vadd.f32 v6, v12;
	[tilespmem:s29+$0x80] =	vst v3  }
0xfa: {  	v22 =	vmul.f32 v20, v55;
	v8 =	vadd.f32 v8, v14;
	v11 =	vmul.f32 v18, v55;
	[tilespmem:s29+$0x90] =	vst v4  }
0xfb: {  	v24 =	vmul.f32 v23, v5;
	v10 =	vadd.f32 v10, v16;
	v9 =	vand.u32 $0xFFFF0000, v63;
	[tilespmem:s29+$0xA0] =	vst v6  }
0xfc: {  	v26 =	vmul.f32 v25, v55;
	v5 =	vmul.f32 v9, v5;
	v3 =	vadd.f32 v21, v11;
	[tilespmem:s29+$0xB0] =	vst v8  }
0xfd: {  	v4 =	vadd.f32 v24, v22;
	[tilespmem:s29+$0xC0] =	vst v10  }
0xfe: {  	v5 =	vadd.f32 v5, v26;
	[tilespmem:s29+$0xD0] =	vst v3  }
0xff: {  	[tilespmem:s29+$0xE0] =	vst v4  }
0x100: {  	[tilespmem:s29+$0xF0] =	vst v5  }
0x101: {  	v3 =	vld [tilespmem:s2+$0x100]  }
0x102: {  	v4 =	vld [tilespmem:s2+$0x110]  }
0x103: {  	v28 =	vld [tilespmem:s2+$0x120]  }
0x104: {  	v8 =	vld [tilespmem:s2+$0x130]  }
0x105: {  	v10 =	vld [tilespmem:s2+$0x140]  }
0x106: {  	v27 =	vor.u32 $0x6, v2;
	v33 =	vld [tilespmem:s2+$0x150]  }
0x107: {  	v29 =	vperm.xlane v0, v27;
	v5 =	vperm.xlane v1, v27;
	v35 =	vld [tilespmem:s2+$0x160]  }
0x108: {  	v30 =	vshll.u32 v3, $0x10;
	v3 =	vand.u32 $0xFFFF0000, v3;
	v31 =	vshll.u32 v4, $0x10  }
0x109: {  	v37 =	vld [tilespmem:s2+$0x170];
	v4 =	vand.u32 $0xFFFF0000, v4;
	v32 =	vshll.u32 v28, $0x10;
	v6 =	vand.u32 $0xFFFF0000, v28  }
0x10a: {  	v34 =	vshll.u32 v8, $0x10;
	v8 =	vand.u32 $0xFFFF0000, v8;
	v36 =	vshll.u32 v10, $0x10  }
0x10b: {  	v10 =	vand.u32 $0xFFFF0000, v10;
	v38 =	vshll.u32 v33, $0x10;
	v39 =	vand.u32 $0xFFFF0000, v33  }
0x10c: {  	v40 =	vshll.u32 v35, $0x10;
	v9 =	vmul.f32 v30, v29;
	v3 =	vmul.f32 v3, v5  }
0x10d: {  	v41 =	vand.u32 $0xFFFF0000, v35;
	v11 =	vmul.f32 v31, v29;
	v4 =	vmul.f32 v4, v5  }
0x10e: {  	v43 =	vshll.u32 v37, $0x10;
	v12 =	vmul.f32 v32, v29;
	v6 =	vmul.f32 v6, v5  }
0x10f: {  	v14 =	vmul.f32 v34, v29;
	v8 =	vmul.f32 v8, v5;
	v3 =	vadd.f32 v3, v9  }
0x110: {  	v16 =	vmul.f32 v36, v29;
	v10 =	vmul.f32 v10, v5;
	v4 =	vadd.f32 v4, v11  }
0x111: {  	v42 =	vmul.f32 v41, v5;
	v6 =	vadd.f32 v6, v12;
	v8 =	vadd.f32 v8, v14;
	[tilespmem:s29+$0x100] =	vst v3  }
0x112: {  	v11 =	vmul.f32 v38, v29;
	v12 =	vmul.f32 v39, v5;
	v9 =	vand.u32 $0xFFFF0000, v37;
	[tilespmem:s29+$0x110] =	vst v4  }
0x113: {  	v7 =	vmul.f32 v43, v29;
	v10 =	vadd.f32 v10, v16;
	v5 =	vmul.f32 v9, v5;
	[tilespmem:s29+$0x120] =	vst v6  }
0x114: {  	v3 =	vmul.f32 v40, v29;
	v44 =	vadd.f32 v12, v11;
	[tilespmem:s29+$0x130] =	vst v8  }
0x115: {  	[tilespmem:s29+$0x140] =	vst v10;
	v45 =	vadd.f32 v5, v7  }
0x116: {  	v3 =	vadd.f32 v42, v3;
	[tilespmem:s29+$0x150] =	vst v44  }
0x117: {  	[tilespmem:s29+$0x170] =	vst v45  }
0x118: {  	[tilespmem:s29+$0x160] =	vst v3  }
0x119: {  	v3 =	vld [tilespmem:s2+$0x180]  }
0x11a: {  	v4 =	vld [tilespmem:s2+$0x190]  }
0x11b: {  	v46 =	vld [tilespmem:s2+$0x1A0]  }
0x11c: {  	v6 =	vld [tilespmem:s2+$0x1B0]  }
0x11d: {  	v48 =	vld [tilespmem:s2+$0x1C0]  }
0x11e: {  	v2 =	vor.u32 $0x7, v2;
	v10 =	vld [tilespmem:s2+$0x1D0]  }
0x11f: {  	v0 =	vperm.xlane v0, v2;
	v52 =	vld [tilespmem:s2+$0x1E0]  }
0x120: {  	v1 =	vperm.xlane v1, v2;
	v47 =	vshll.u32 v3, $0x10;
	v3 =	vand.u32 $0xFFFF0000, v3  }
0x121: {  	v54 =	vld [tilespmem:s2+$0x1F0];
	v49 =	vshll.u32 v4, $0x10;
	v4 =	vand.u32 $0xFFFF0000, v4;
	v50 =	vshll.u32 v46, $0x10  }
0x122: {  	v5 =	vand.u32 $0xFFFF0000, v46;
	v51 =	vshll.u32 v6, $0x10;
	v6 =	vand.u32 $0xFFFF0000, v6  }
0x123: {  	v53 =	vshll.u32 v48, $0x10;
	v7 =	vand.u32 $0xFFFF0000, v48;
	v55 =	vshll.u32 v10, $0x10  }
0x124: {  	v56 =	vand.u32 $0xFFFF0000, v10;
	v57 =	vshll.u32 v52, $0x10;
	v2 =	vmul.f32 v47, v0  }
0x125: {  	v60 =	vand.u32 $0xFFFF0000, v52;
	v3 =	vmul.f32 v3, v1;
	v8 =	vmul.f32 v49, v0  }
0x126: {  	v62 =	vshll.u32 v54, $0x10;
	v4 =	vmul.f32 v4, v1;
	v9 =	vmul.f32 v50, v0  }
0x127: {  	v5 =	vmul.f32 v5, v1;
	v11 =	vmul.f32 v51, v0;
	v2 =	vadd.f32 v3, v2  }
0x128: {  	v6 =	vmul.f32 v6, v1;
	v13 =	vmul.f32 v53, v0;
	v4 =	vadd.f32 v4, v8  }
0x129: {  	v7 =	vmul.f32 v7, v1;
	v58 =	vmul.f32 v56, v1;
	v5 =	vadd.f32 v5, v9;
	[tilespmem:s29+$0x180] =	vst v2  }
0x12a: {  	v59 =	vmul.f32 v57, v0;
	v61 =	vmul.f32 v60, v1;
	v6 =	vadd.f32 v6, v11;
	[tilespmem:s29+$0x190] =	vst v4  }
0x12b: {  	p2 =	sne.s32 s23, $0x240;
	v7 =	vadd.f32 v7, v13;
	v8 =	vmul.f32 v55, v0;
	v3 =	vand.u32 $0xFFFF0000, v54;
	[tilespmem:s29+$0x1A0] =	vst v5  }
.Ltmp0:
0x12c: {  	v0 =	vmul.f32 v62, v0;
	v63 =	vadd.f32 v61, v59;
	v1 =	vmul.f32 v3, v1;
	[tilespmem:s29+$0x1B0] =	vst v6;
	(pc) =	sbr.rel @p2 .LBB2_3-.Ltmp0, $4  }
0x12d: {  	v2 =	vadd.f32 v58, v8;
	[tilespmem:s29+$0x1C0] =	vst v7  }
0x12e: {  	[tilespmem:s29+$0x1E0] =	vst v63;
	v0 =	vadd.f32 v1, v0  }
0x12f: {  	s23 =	sadd.s32 $0x40, s23;
	[tilespmem:s29+$0x1D0] =	vst v2  }
0x130: {  	s1 =	sadd.s32 $0x8, s1;
	s2 =	sadd.s32 $0x400, s2;
	[tilespmem:s29+$0x1F0] =	vst v0;
	s29 =	sadd.s32 $0x400, s29  }
0x131: {  	_ =	swait.ge [sflag:s11], $0x50  }
0x132: {  	[sflag:s11] =	ssyncset.done $0x0  }
0x133: {  	s1 =	simm.s32 $0x18980;
	s2 =	simm.s32 $0x1A280;
	[sflag:s11] =	ssyncadd.s32 $0xFFFFFFB0  }
0x134: {  	[spmem:s19] =	stream.indirect.scatter.add.f32 [tilespmem:s2], [sflag:$0x7], $0x80, s1, s16, $0xb8;
	[tilespmem:$0x1F280] =	vst v63  }
0x135: {  	_ =	swait.ge [sflag:s15], $0x50  }
0x136: {  	[sflag:s15] =	ssyncset.done $0x0  }
0x137: {  	s30 =	simm.s32 $0x13880;
	s2 =	simm.s32 $0x13980;
	[sflag:s15] =	ssyncadd.s32 $0xFFFFFFB0  }
0x138: {  	[tilespmem:s2], [sflag:$0x3] =	stream.indirect.gather [hbm4b:s26+s16], $0x80, s30, s16, $0xb8;
	[tilespmem:$0x1F280] =	vst v63  }
0x139: {  	_ =	swait.ge [sflag:s20], $0x2800  }
0x13a: {  	p2 =	seq.s32 s4, $0x3D;
	s1 =	rddreg [dreg:$0x14]  }
0x13b: {  	s1 =	sadd.s32 @!p2 s21, s1  }
0x13c: {  	s2 =	simm.s32 @!p2 $0x0;
	[sflag:s20] =	ssyncset.done $0x0;
	s1 =	sshrl.u32 @!p2 s1, $0x3  }
0x13d: {  	[sflag:s20] =	ssyncadd.s32 $0xFFFFD800;
	s21 =	simm.s32 @!p2 $0x13900;
	s1 =	sadd.s32 @!p2 s6, s1  }
0x13e: {  	[tilespmem:s21], [sflag:$0x2] =	stream.linear.gather @!p2 [hbm4b:s1+s2], $0x50, $0x38;
	[tilespmem:$0x1F280] =	vst v63  }
0x13f: {  	s2 =	sshll.u32 s14, $0xA  }
0x140: {  	s1 =	sadd.s32 s12, s2  }
0x141: {  	s1 =	sshrl.u32 s1, $0x3  }
0x142: {  	s21 =	simm.s32 $0x18A80;
	s14 =	sadd.s32 s7, s1  }
0x143: {  	[tilespmem:s21], [sflag:$0x9] =	stream.linear.gather [hbm4b:s14+s3], $0x280, $0x38;
	[tilespmem:$0x1F280] =	vst v63  }
0x144: {  	s2 =	simm.s32 @!p1 $0x8;
	s14 =	sadd.s32 s8, s1;
	s21 =	simm.s32 $0x19A80  }
0x145: {  	[tilespmem:s21], [sflag:$0xD] =	stream.linear.gather [hbm4b:s14+s3], $0x280, $0x38;
	[tilespmem:$0x1F280] =	vst v63  }
0x146: {  	s1 =	sadd.s32 s9, s1;
	s21 =	simm.s32 $0x19280;
	s14 =	smul.u32 $0x50, s18  }
0x147: {  	[tilespmem:s21], [sflag:$0xB] =	stream.linear.gather [hbm4b:s1+s3], $0x280, $0x38;
	[tilespmem:$0x1F280] =	vst v63  }
0x148: {  	s1 =	sadd.s32 s10, s14;
	_ =	swait.ge @!p1 [sflag:s2], $0x2800  }
0x149: {  	s21 =	simm.s32 $0x18A00;
	s1 =	sshrl.u32 s1, $0x3;
	[sflag:s2] =	ssyncset.done @!p1 $0x0  }
0x14a: {  	s18 =	sadd.s32 s5, s1;
	s1 =	simm.s32 $0x0;
	[sflag:s2] =	ssyncadd.s32 @!p1 $0xFFFFD800  }
0x14b: {  	[tilespmem:s21], [sflag:$0x6] =	stream.linear.gather [hbm4b:s18+s1], $0x50, $0x38;
	[tilespmem:$0x1F280] =	vst v63  }
0x14c: {  	_ =	swait.ge [sflag:s24], $0x280  }
0x14d: {  	[sflag:s24] =	ssyncset.done $0x0  }
0x14e: {  	[sflag:s24] =	ssyncadd.s32 $0xFFFFFD80  }
0x14f: {  	_ =	swait.ge [sflag:s25], $0x280  }
0x150: {  	[sflag:s25] =	ssyncset.done $0x0  }
0x151: {  	[sflag:s25] =	ssyncadd.s32 $0xFFFFFD80  }
0x152: {  	s29 =	smov.u32 s19;
	_ =	swait.ge [sflag:s31], $0x280  }
0x153: {  	s23 =	smov.u32 s26;
	s14 =	simm.s32 $0x1CC80;
	[sflag:s31] =	ssyncset.done $0x0  }
0x154: {  	s2 =	simm.s32 $0x16380;
	s18 =	simm.s32 $0x0;
	[sflag:s31] =	ssyncadd.s32 $0xFFFFFD80  }
.LBB2_5:
0x155: {  	v3 =	vld [tilespmem:s2+$0xFFFFFE00]  }
0x156: {  	v4 =	vld [tilespmem:s2+$0xFFFFFE10]  }
0x157: {  	s21 =	sand.u32 $0x380, s18;
	v5 =	vld [tilespmem:s2+$0xFFFFFE20]  }
0x158: {  	v1 =	vld [tilespmem:s21+$0x19E80]  }
0x159: {  	v2 =	vld [tilespmem:s21+$0x19680]  }
0x15a: {  	v7 =	vld [tilespmem:s2+$0xFFFFFE30]  }
0x15b: {  	v10 =	vld [tilespmem:s2+$0xFFFFFE40]  }
0x15c: {  	v0 =	vld [tilespmem:s21+$0x18E80]  }
0x15d: {  	v13 =	vld [tilespmem:s2+$0xFFFFFE50];
	v9 =	vshll.u32 v3, $0x10  }
0x15e: {  	v15 =	vld [tilespmem:s2+$0xFFFFFE60];
	v3 =	vand.u32 $0xFFFF0000, v3;
	v11 =	vshll.u32 v4, $0x10;
	v1 =	vadd.f32 v2, v1  }
0x15f: {  	s21 =	sand.u32 $0x8, s1;
	v4 =	vand.u32 $0xFFFF0000, v4;
	v12 =	vshll.u32 v5, $0x10;
	v5 =	vand.u32 $0xFFFF0000, v5  }
0x160: {  	v50 =	vld [tilespmem:s2+$0xFFFFFE70];
	v14 =	vshll.u32 v7, $0x10;
	v2 =	vmov s21;
	v1 =	vmul.f32 $5.000000000e-01, v1  }
0x161: {  	v7 =	vand.u32 $0xFFFF0000, v7;
	v16 =	vshll.u32 v10, $0x10;
	v6 =	vperm.xlane v0, v2  }
0x162: {  	v10 =	vand.u32 $0xFFFF0000, v10;
	v51 =	vshll.u32 v13, $0x10;
	v8 =	vperm.xlane v1, v2  }
0x163: {  	v52 =	vand.u32 $0xFFFF0000, v13;
	v53 =	vshll.u32 v15, $0x10;
	v9 =	vmul.f32 v9, v6  }
0x164: {  	v56 =	vand.u32 $0xFFFF0000, v15;
	v11 =	vmul.f32 v11, v6;
	v3 =	vmul.f32 v3, v8  }
0x165: {  	v58 =	vshll.u32 v50, $0x10;
	v12 =	vmul.f32 v12, v6;
	v4 =	vmul.f32 v4, v8  }
0x166: {  	v14 =	vmul.f32 v14, v6;
	v5 =	vmul.f32 v5, v8;
	v3 =	vadd.f32 v3, v9  }
0x167: {  	v16 =	vmul.f32 v16, v6;
	v7 =	vmul.f32 v7, v8;
	v4 =	vadd.f32 v4, v11  }
0x168: {  	v55 =	vmul.f32 v53, v6;
	v10 =	vmul.f32 v10, v8;
	v5 =	vadd.f32 v5, v12;
	[tilespmem:s14+$0xFFFFFE00] =	vst v3  }
0x169: {  	v54 =	vmul.f32 v52, v8;
	v7 =	vadd.f32 v7, v14;
	v11 =	vmul.f32 v51, v6;
	[tilespmem:s14+$0xFFFFFE10] =	vst v4  }
0x16a: {  	v57 =	vmul.f32 v56, v8;
	v10 =	vadd.f32 v10, v16;
	v9 =	vand.u32 $0xFFFF0000, v50;
	[tilespmem:s14+$0xFFFFFE20] =	vst v5  }
0x16b: {  	v59 =	vmul.f32 v58, v6;
	v60 =	vmul.f32 v9, v8;
	v3 =	vadd.f32 v54, v11;
	[tilespmem:s14+$0xFFFFFE30] =	vst v7  }
0x16c: {  	v4 =	vadd.f32 v57, v55;
	[tilespmem:s14+$0xFFFFFE40] =	vst v10  }
0x16d: {  	v5 =	vadd.f32 v60, v59;
	[tilespmem:s14+$0xFFFFFE50] =	vst v3  }
0x16e: {  	[tilespmem:s14+$0xFFFFFE60] =	vst v4  }
0x16f: {  	[tilespmem:s14+$0xFFFFFE70] =	vst v5  }
0x170: {  	v3 =	vld [tilespmem:s2+$0xFFFFFE80]  }
0x171: {  	v4 =	vld [tilespmem:s2+$0xFFFFFE90]  }
0x172: {  	v62 =	vld [tilespmem:s2+$0xFFFFFEA0]  }
0x173: {  	v19 =	vld [tilespmem:s2+$0xFFFFFEB0]  }
0x174: {  	v10 =	vld [tilespmem:s2+$0xFFFFFEC0]  }
0x175: {  	v61 =	vor.u32 $0x1, v2;
	v23 =	vld [tilespmem:s2+$0xFFFFFED0]  }
0x176: {  	v63 =	vperm.xlane v0, v61;
	v25 =	vld [tilespmem:s2+$0xFFFFFEE0]  }
0x177: {  	v5 =	vperm.xlane v1, v61;
	v20 =	vshll.u32 v3, $0x10;
	v3 =	vand.u32 $0xFFFF0000, v3  }
0x178: {  	v27 =	vld [tilespmem:s2+$0xFFFFFEF0];
	v21 =	vshll.u32 v4, $0x10;
	v4 =	vand.u32 $0xFFFF0000, v4;
	v22 =	vshll.u32 v62, $0x10  }
0x179: {  	v6 =	vand.u32 $0xFFFF0000, v62;
	v24 =	vshll.u32 v19, $0x10;
	v8 =	vand.u32 $0xFFFF0000, v19  }
0x17a: {  	v26 =	vshll.u32 v10, $0x10;
	v10 =	vand.u32 $0xFFFF0000, v10;
	v28 =	vshll.u32 v23, $0x10  }
0x17b: {  	v29 =	vand.u32 $0xFFFF0000, v23;
	v30 =	vshll.u32 v25, $0x10;
	v9 =	vmul.f32 v20, v63  }
0x17c: {  	v33 =	vand.u32 $0xFFFF0000, v25;
	v3 =	vmul.f32 v3, v5;
	v11 =	vmul.f32 v21, v63  }
0x17d: {  	v35 =	vshll.u32 v27, $0x10;
	v4 =	vmul.f32 v4, v5;
	v12 =	vmul.f32 v22, v63  }
0x17e: {  	v6 =	vmul.f32 v6, v5;
	v14 =	vmul.f32 v24, v63;
	v3 =	vadd.f32 v3, v9  }
0x17f: {  	v8 =	vmul.f32 v8, v5;
	v16 =	vmul.f32 v26, v63;
	v4 =	vadd.f32 v4, v11  }
0x180: {  	v10 =	vmul.f32 v10, v5;
	v31 =	vmul.f32 v29, v5;
	v6 =	vadd.f32 v6, v12;
	[tilespmem:s14+$0xFFFFFE80] =	vst v3  }
0x181: {  	v32 =	vmul.f32 v30, v63;
	v8 =	vadd.f32 v8, v14;
	v11 =	vmul.f32 v28, v63;
	[tilespmem:s14+$0xFFFFFE90] =	vst v4  }
0x182: {  	v34 =	vmul.f32 v33, v5;
	v10 =	vadd.f32 v10, v16;
	v9 =	vand.u32 $0xFFFF0000, v27;
	[tilespmem:s14+$0xFFFFFEA0] =	vst v6  }
0x183: {  	v36 =	vmul.f32 v35, v63;
	v5 =	vmul.f32 v9, v5;
	v3 =	vadd.f32 v31, v11;
	[tilespmem:s14+$0xFFFFFEB0] =	vst v8  }
0x184: {  	v4 =	vadd.f32 v34, v32;
	[tilespmem:s14+$0xFFFFFEC0] =	vst v10  }
0x185: {  	v5 =	vadd.f32 v5, v36;
	[tilespmem:s14+$0xFFFFFED0] =	vst v3  }
0x186: {  	[tilespmem:s14+$0xFFFFFEE0] =	vst v4  }
0x187: {  	[tilespmem:s14+$0xFFFFFEF0] =	vst v5  }
0x188: {  	v3 =	vld [tilespmem:s2+$0xFFFFFF00]  }
0x189: {  	v4 =	vld [tilespmem:s2+$0xFFFFFF10]  }
0x18a: {  	v38 =	vld [tilespmem:s2+$0xFFFFFF20]  }
0x18b: {  	v8 =	vld [tilespmem:s2+$0xFFFFFF30]  }
0x18c: {  	v10 =	vld [tilespmem:s2+$0xFFFFFF40]  }
0x18d: {  	v37 =	vor.u32 $0x2, v2;
	v43 =	vld [tilespmem:s2+$0xFFFFFF50]  }
0x18e: {  	v39 =	vperm.xlane v0, v37;
	v45 =	vld [tilespmem:s2+$0xFFFFFF60]  }
0x18f: {  	v5 =	vperm.xlane v1, v37;
	v40 =	vshll.u32 v3, $0x10;
	v3 =	vand.u32 $0xFFFF0000, v3  }
0x190: {  	v47 =	vld [tilespmem:s2+$0xFFFFFF70];
	v41 =	vshll.u32 v4, $0x10;
	v4 =	vand.u32 $0xFFFF0000, v4;
	v42 =	vshll.u32 v38, $0x10  }
0x191: {  	v6 =	vand.u32 $0xFFFF0000, v38;
	v44 =	vshll.u32 v8, $0x10;
	v8 =	vand.u32 $0xFFFF0000, v8  }
0x192: {  	v46 =	vshll.u32 v10, $0x10;
	v10 =	vand.u32 $0xFFFF0000, v10;
	v48 =	vshll.u32 v43, $0x10  }
0x193: {  	v49 =	vand.u32 $0xFFFF0000, v43;
	v50 =	vshll.u32 v45, $0x10;
	v9 =	vmul.f32 v40, v39  }
0x194: {  	v53 =	vand.u32 $0xFFFF0000, v45;
	v3 =	vmul.f32 v3, v5;
	v11 =	vmul.f32 v41, v39  }
0x195: {  	v55 =	vshll.u32 v47, $0x10;
	v4 =	vmul.f32 v4, v5;
	v12 =	vmul.f32 v42, v39  }
0x196: {  	v6 =	vmul.f32 v6, v5;
	v14 =	vmul.f32 v44, v39;
	v3 =	vadd.f32 v3, v9  }
0x197: {  	v8 =	vmul.f32 v8, v5;
	v16 =	vmul.f32 v46, v39;
	v4 =	vadd.f32 v4, v11  }
0x198: {  	v10 =	vmul.f32 v10, v5;
	v51 =	vmul.f32 v49, v5;
	v6 =	vadd.f32 v6, v12;
	[tilespmem:s14+$0xFFFFFF00] =	vst v3  }
0x199: {  	v52 =	vmul.f32 v50, v39;
	v8 =	vadd.f32 v8, v14;
	v11 =	vmul.f32 v48, v39;
	[tilespmem:s14+$0xFFFFFF10] =	vst v4  }
0x19a: {  	v54 =	vmul.f32 v53, v5;
	v10 =	vadd.f32 v10, v16;
	v9 =	vand.u32 $0xFFFF0000, v47;
	[tilespmem:s14+$0xFFFFFF20] =	vst v6  }
0x19b: {  	v56 =	vmul.f32 v55, v39;
	v5 =	vmul.f32 v9, v5;
	v3 =	vadd.f32 v51, v11;
	[tilespmem:s14+$0xFFFFFF30] =	vst v8  }
0x19c: {  	v4 =	vadd.f32 v54, v52;
	[tilespmem:s14+$0xFFFFFF40] =	vst v10  }
0x19d: {  	v5 =	vadd.f32 v5, v56;
	[tilespmem:s14+$0xFFFFFF50] =	vst v3  }
0x19e: {  	[tilespmem:s14+$0xFFFFFF60] =	vst v4  }
0x19f: {  	[tilespmem:s14+$0xFFFFFF70] =	vst v5  }
0x1a0: {  	v3 =	vld [tilespmem:s2+$0xFFFFFF80]  }
0x1a1: {  	v4 =	vld [tilespmem:s2+$0xFFFFFF90]  }
0x1a2: {  	v58 =	vld [tilespmem:s2+$0xFFFFFFA0]  }
0x1a3: {  	v8 =	vld [tilespmem:s2+$0xFFFFFFB0]  }
0x1a4: {  	v10 =	vld [tilespmem:s2+$0xFFFFFFC0]  }
0x1a5: {  	v57 =	vor.u32 $0x3, v2;
	v63 =	vld [tilespmem:s2+$0xFFFFFFD0]  }
0x1a6: {  	v59 =	vperm.xlane v0, v57;
	v21 =	vld [tilespmem:s2+$0xFFFFFFE0]  }
0x1a7: {  	v5 =	vperm.xlane v1, v57;
	v60 =	vshll.u32 v3, $0x10;
	v3 =	vand.u32 $0xFFFF0000, v3  }
0x1a8: {  	v23 =	vld [tilespmem:s2+$0xFFFFFFF0];
	v61 =	vshll.u32 v4, $0x10;
	v4 =	vand.u32 $0xFFFF0000, v4;
	v62 =	vshll.u32 v58, $0x10  }
0x1a9: {  	v6 =	vand.u32 $0xFFFF0000, v58;
	v20 =	vshll.u32 v8, $0x10;
	v8 =	vand.u32 $0xFFFF0000, v8  }
0x1aa: {  	v22 =	vshll.u32 v10, $0x10;
	v10 =	vand.u32 $0xFFFF0000, v10;
	v24 =	vshll.u32 v63, $0x10  }
0x1ab: {  	v25 =	vand.u32 $0xFFFF0000, v63;
	v26 =	vshll.u32 v21, $0x10;
	v9 =	vmul.f32 v60, v59  }
0x1ac: {  	v29 =	vand.u32 $0xFFFF0000, v21;
	v3 =	vmul.f32 v3, v5;
	v11 =	vmul.f32 v61, v59  }
0x1ad: {  	v31 =	vshll.u32 v23, $0x10;
	v4 =	vmul.f32 v4, v5;
	v12 =	vmul.f32 v62, v59  }
0x1ae: {  	v6 =	vmul.f32 v6, v5;
	v14 =	vmul.f32 v20, v59;
	v3 =	vadd.f32 v3, v9  }
0x1af: {  	v8 =	vmul.f32 v8, v5;
	v16 =	vmul.f32 v22, v59;
	v4 =	vadd.f32 v4, v11  }
0x1b0: {  	v10 =	vmul.f32 v10, v5;
	v27 =	vmul.f32 v25, v5;
	v6 =	vadd.f32 v6, v12;
	[tilespmem:s14+$0xFFFFFF80] =	vst v3  }
0x1b1: {  	v28 =	vmul.f32 v26, v59;
	v8 =	vadd.f32 v8, v14;
	v11 =	vmul.f32 v24, v59;
	[tilespmem:s14+$0xFFFFFF90] =	vst v4  }
0x1b2: {  	v30 =	vmul.f32 v29, v5;
	v10 =	vadd.f32 v10, v16;
	v9 =	vand.u32 $0xFFFF0000, v23;
	[tilespmem:s14+$0xFFFFFFA0] =	vst v6  }
0x1b3: {  	v32 =	vmul.f32 v31, v59;
	v5 =	vmul.f32 v9, v5;
	v3 =	vadd.f32 v27, v11;
	[tilespmem:s14+$0xFFFFFFB0] =	vst v8  }
0x1b4: {  	v4 =	vadd.f32 v30, v28;
	[tilespmem:s14+$0xFFFFFFC0] =	vst v10  }
0x1b5: {  	v5 =	vadd.f32 v5, v32;
	[tilespmem:s14+$0xFFFFFFD0] =	vst v3  }
0x1b6: {  	[tilespmem:s14+$0xFFFFFFE0] =	vst v4  }
0x1b7: {  	[tilespmem:s14+$0xFFFFFFF0] =	vst v5  }
0x1b8: {  	v3 =	vld [tilespmem:s2+$0x0]  }
0x1b9: {  	v4 =	vld [tilespmem:s2+$0x10]  }
0x1ba: {  	v34 =	vld [tilespmem:s2+$0x20]  }
0x1bb: {  	v8 =	vld [tilespmem:s2+$0x30]  }
0x1bc: {  	v10 =	vld [tilespmem:s2+$0x40]  }
0x1bd: {  	v33 =	vor.u32 $0x4, v2;
	v39 =	vld [tilespmem:s2+$0x50]  }
0x1be: {  	v35 =	vperm.xlane v0, v33;
	v41 =	vld [tilespmem:s2+$0x60]  }
0x1bf: {  	v5 =	vperm.xlane v1, v33;
	v36 =	vshll.u32 v3, $0x10;
	v3 =	vand.u32 $0xFFFF0000, v3  }
0x1c0: {  	v43 =	vld [tilespmem:s2+$0x70];
	v37 =	vshll.u32 v4, $0x10;
	v4 =	vand.u32 $0xFFFF0000, v4;
	v38 =	vshll.u32 v34, $0x10  }
0x1c1: {  	v6 =	vand.u32 $0xFFFF0000, v34;
	v40 =	vshll.u32 v8, $0x10;
	v8 =	vand.u32 $0xFFFF0000, v8  }
0x1c2: {  	v42 =	vshll.u32 v10, $0x10;
	v10 =	vand.u32 $0xFFFF0000, v10;
	v44 =	vshll.u32 v39, $0x10  }
0x1c3: {  	v45 =	vand.u32 $0xFFFF0000, v39;
	v46 =	vshll.u32 v41, $0x10;
	v9 =	vmul.f32 v36, v35  }
0x1c4: {  	v49 =	vand.u32 $0xFFFF0000, v41;
	v3 =	vmul.f32 v3, v5;
	v11 =	vmul.f32 v37, v35  }
0x1c5: {  	v51 =	vshll.u32 v43, $0x10;
	v4 =	vmul.f32 v4, v5;
	v12 =	vmul.f32 v38, v35  }
0x1c6: {  	v6 =	vmul.f32 v6, v5;
	v14 =	vmul.f32 v40, v35;
	v3 =	vadd.f32 v3, v9  }
0x1c7: {  	v8 =	vmul.f32 v8, v5;
	v16 =	vmul.f32 v42, v35;
	v4 =	vadd.f32 v4, v11  }
0x1c8: {  	v10 =	vmul.f32 v10, v5;
	v47 =	vmul.f32 v45, v5;
	v6 =	vadd.f32 v6, v12;
	[tilespmem:s14+$0x0] =	vst v3  }
0x1c9: {  	v48 =	vmul.f32 v46, v35;
	v8 =	vadd.f32 v8, v14;
	v11 =	vmul.f32 v44, v35;
	[tilespmem:s14+$0x10] =	vst v4  }
0x1ca: {  	v50 =	vmul.f32 v49, v5;
	v10 =	vadd.f32 v10, v16;
	v9 =	vand.u32 $0xFFFF0000, v43;
	[tilespmem:s14+$0x20] =	vst v6  }
0x1cb: {  	v52 =	vmul.f32 v51, v35;
	v5 =	vmul.f32 v9, v5;
	v3 =	vadd.f32 v47, v11;
	[tilespmem:s14+$0x30] =	vst v8  }
0x1cc: {  	v4 =	vadd.f32 v50, v48;
	[tilespmem:s14+$0x40] =	vst v10  }
0x1cd: {  	v5 =	vadd.f32 v5, v52;
	[tilespmem:s14+$0x50] =	vst v3  }
0x1ce: {  	[tilespmem:s14+$0x60] =	vst v4  }
0x1cf: {  	[tilespmem:s14+$0x70] =	vst v5  }
0x1d0: {  	v3 =	vld [tilespmem:s2+$0x80]  }
0x1d1: {  	v4 =	vld [tilespmem:s2+$0x90]  }
0x1d2: {  	v54 =	vld [tilespmem:s2+$0xA0]  }
0x1d3: {  	v8 =	vld [tilespmem:s2+$0xB0]  }
0x1d4: {  	v10 =	vld [tilespmem:s2+$0xC0]  }
0x1d5: {  	v53 =	vor.u32 $0x5, v2;
	v59 =	vld [tilespmem:s2+$0xD0]  }
0x1d6: {  	v55 =	vperm.xlane v0, v53;
	v61 =	vld [tilespmem:s2+$0xE0]  }
0x1d7: {  	v5 =	vperm.xlane v1, v53;
	v56 =	vshll.u32 v3, $0x10;
	v3 =	vand.u32 $0xFFFF0000, v3  }
0x1d8: {  	v63 =	vld [tilespmem:s2+$0xF0];
	v57 =	vshll.u32 v4, $0x10;
	v4 =	vand.u32 $0xFFFF0000, v4;
	v58 =	vshll.u32 v54, $0x10  }
0x1d9: {  	v6 =	vand.u32 $0xFFFF0000, v54;
	v60 =	vshll.u32 v8, $0x10;
	v8 =	vand.u32 $0xFFFF0000, v8  }
0x1da: {  	v62 =	vshll.u32 v10, $0x10;
	v10 =	vand.u32 $0xFFFF0000, v10;
	v18 =	vshll.u32 v59, $0x10  }
0x1db: {  	v19 =	vand.u32 $0xFFFF0000, v59;
	v20 =	vshll.u32 v61, $0x10;
	v9 =	vmul.f32 v56, v55  }
0x1dc: {  	v23 =	vand.u32 $0xFFFF0000, v61;
	v3 =	vmul.f32 v3, v5;
	v11 =	vmul.f32 v57, v55  }
0x1dd: {  	v25 =	vshll.u32 v63, $0x10;
	v4 =	vmul.f32 v4, v5;
	v12 =	vmul.f32 v58, v55  }
0x1de: {  	v6 =	vmul.f32 v6, v5;
	v14 =	vmul.f32 v60, v55;
	v3 =	vadd.f32 v3, v9  }
0x1df: {  	v8 =	vmul.f32 v8, v5;
	v16 =	vmul.f32 v62, v55;
	v4 =	vadd.f32 v4, v11  }
0x1e0: {  	v10 =	vmul.f32 v10, v5;
	v21 =	vmul.f32 v19, v5;
	v6 =	vadd.f32 v6, v12;
	[tilespmem:s14+$0x80] =	vst v3  }
0x1e1: {  	v22 =	vmul.f32 v20, v55;
	v8 =	vadd.f32 v8, v14;
	v11 =	vmul.f32 v18, v55;
	[tilespmem:s14+$0x90] =	vst v4  }
0x1e2: {  	v24 =	vmul.f32 v23, v5;
	v10 =	vadd.f32 v10, v16;
	v9 =	vand.u32 $0xFFFF0000, v63;
	[tilespmem:s14+$0xA0] =	vst v6  }
0x1e3: {  	v26 =	vmul.f32 v25, v55;
	v5 =	vmul.f32 v9, v5;
	v3 =	vadd.f32 v21, v11;
	[tilespmem:s14+$0xB0] =	vst v8  }
0x1e4: {  	v4 =	vadd.f32 v24, v22;
	[tilespmem:s14+$0xC0] =	vst v10  }
0x1e5: {  	v5 =	vadd.f32 v5, v26;
	[tilespmem:s14+$0xD0] =	vst v3  }
0x1e6: {  	[tilespmem:s14+$0xE0] =	vst v4  }
0x1e7: {  	[tilespmem:s14+$0xF0] =	vst v5  }
0x1e8: {  	v3 =	vld [tilespmem:s2+$0x100]  }
0x1e9: {  	v4 =	vld [tilespmem:s2+$0x110]  }
0x1ea: {  	v28 =	vld [tilespmem:s2+$0x120]  }
0x1eb: {  	v8 =	vld [tilespmem:s2+$0x130]  }
0x1ec: {  	v10 =	vld [tilespmem:s2+$0x140]  }
0x1ed: {  	v27 =	vor.u32 $0x6, v2;
	v33 =	vld [tilespmem:s2+$0x150]  }
0x1ee: {  	v29 =	vperm.xlane v0, v27;
	v5 =	vperm.xlane v1, v27;
	v35 =	vld [tilespmem:s2+$0x160]  }
0x1ef: {  	v30 =	vshll.u32 v3, $0x10;
	v3 =	vand.u32 $0xFFFF0000, v3;
	v31 =	vshll.u32 v4, $0x10  }
0x1f0: {  	v37 =	vld [tilespmem:s2+$0x170];
	v4 =	vand.u32 $0xFFFF0000, v4;
	v32 =	vshll.u32 v28, $0x10;
	v6 =	vand.u32 $0xFFFF0000, v28  }
0x1f1: {  	v34 =	vshll.u32 v8, $0x10;
	v8 =	vand.u32 $0xFFFF0000, v8;
	v36 =	vshll.u32 v10, $0x10  }
0x1f2: {  	v10 =	vand.u32 $0xFFFF0000, v10;
	v38 =	vshll.u32 v33, $0x10;
	v39 =	vand.u32 $0xFFFF0000, v33  }
0x1f3: {  	v40 =	vshll.u32 v35, $0x10;
	v9 =	vmul.f32 v30, v29;
	v3 =	vmul.f32 v3, v5  }
0x1f4: {  	v41 =	vand.u32 $0xFFFF0000, v35;
	v11 =	vmul.f32 v31, v29;
	v4 =	vmul.f32 v4, v5  }
0x1f5: {  	v43 =	vshll.u32 v37, $0x10;
	v12 =	vmul.f32 v32, v29;
	v6 =	vmul.f32 v6, v5  }
0x1f6: {  	v14 =	vmul.f32 v34, v29;
	v8 =	vmul.f32 v8, v5;
	v3 =	vadd.f32 v3, v9  }
0x1f7: {  	v16 =	vmul.f32 v36, v29;
	v10 =	vmul.f32 v10, v5;
	v4 =	vadd.f32 v4, v11  }
0x1f8: {  	v42 =	vmul.f32 v41, v5;
	v6 =	vadd.f32 v6, v12;
	v8 =	vadd.f32 v8, v14;
	[tilespmem:s14+$0x100] =	vst v3  }
0x1f9: {  	v11 =	vmul.f32 v38, v29;
	v12 =	vmul.f32 v39, v5;
	v9 =	vand.u32 $0xFFFF0000, v37;
	[tilespmem:s14+$0x110] =	vst v4  }
0x1fa: {  	v7 =	vmul.f32 v43, v29;
	v10 =	vadd.f32 v10, v16;
	v5 =	vmul.f32 v9, v5;
	[tilespmem:s14+$0x120] =	vst v6  }
0x1fb: {  	v3 =	vmul.f32 v40, v29;
	v44 =	vadd.f32 v12, v11;
	[tilespmem:s14+$0x130] =	vst v8  }
0x1fc: {  	[tilespmem:s14+$0x140] =	vst v10;
	v45 =	vadd.f32 v5, v7  }
0x1fd: {  	v3 =	vadd.f32 v42, v3;
	[tilespmem:s14+$0x150] =	vst v44  }
0x1fe: {  	[tilespmem:s14+$0x170] =	vst v45  }
0x1ff: {  	[tilespmem:s14+$0x160] =	vst v3  }
0x200: {  	v3 =	vld [tilespmem:s2+$0x180]  }
0x201: {  	v4 =	vld [tilespmem:s2+$0x190]  }
0x202: {  	v46 =	vld [tilespmem:s2+$0x1A0]  }
0x203: {  	v6 =	vld [tilespmem:s2+$0x1B0]  }
0x204: {  	v48 =	vld [tilespmem:s2+$0x1C0]  }
0x205: {  	v2 =	vor.u32 $0x7, v2;
	v10 =	vld [tilespmem:s2+$0x1D0]  }
0x206: {  	v0 =	vperm.xlane v0, v2;
	v52 =	vld [tilespmem:s2+$0x1E0]  }
0x207: {  	v1 =	vperm.xlane v1, v2;
	v47 =	vshll.u32 v3, $0x10;
	v3 =	vand.u32 $0xFFFF0000, v3  }
0x208: {  	v54 =	vld [tilespmem:s2+$0x1F0];
	v49 =	vshll.u32 v4, $0x10;
	v4 =	vand.u32 $0xFFFF0000, v4;
	v50 =	vshll.u32 v46, $0x10  }
0x209: {  	v5 =	vand.u32 $0xFFFF0000, v46;
	v51 =	vshll.u32 v6, $0x10;
	v6 =	vand.u32 $0xFFFF0000, v6  }
0x20a: {  	v53 =	vshll.u32 v48, $0x10;
	v7 =	vand.u32 $0xFFFF0000, v48;
	v55 =	vshll.u32 v10, $0x10  }
0x20b: {  	v56 =	vand.u32 $0xFFFF0000, v10;
	v57 =	vshll.u32 v52, $0x10;
	v2 =	vmul.f32 v47, v0  }
0x20c: {  	v60 =	vand.u32 $0xFFFF0000, v52;
	v3 =	vmul.f32 v3, v1;
	v8 =	vmul.f32 v49, v0  }
0x20d: {  	v62 =	vshll.u32 v54, $0x10;
	v4 =	vmul.f32 v4, v1;
	v9 =	vmul.f32 v50, v0  }
0x20e: {  	v5 =	vmul.f32 v5, v1;
	v11 =	vmul.f32 v51, v0;
	v2 =	vadd.f32 v3, v2  }
0x20f: {  	v6 =	vmul.f32 v6, v1;
	v13 =	vmul.f32 v53, v0;
	v4 =	vadd.f32 v4, v8  }
0x210: {  	v7 =	vmul.f32 v7, v1;
	v58 =	vmul.f32 v56, v1;
	v5 =	vadd.f32 v5, v9;
	[tilespmem:s14+$0x180] =	vst v2  }
0x211: {  	v59 =	vmul.f32 v57, v0;
	v61 =	vmul.f32 v60, v1;
	v6 =	vadd.f32 v6, v11;
	[tilespmem:s14+$0x190] =	vst v4  }
0x212: {  	p1 =	sne.s32 s18, $0x240;
	v7 =	vadd.f32 v7, v13;
	v8 =	vmul.f32 v55, v0;
	v3 =	vand.u32 $0xFFFF0000, v54;
	[tilespmem:s14+$0x1A0] =	vst v5  }
.Ltmp1:
0x213: {  	v0 =	vmul.f32 v62, v0;
	v63 =	vadd.f32 v61, v59;
	v1 =	vmul.f32 v3, v1;
	[tilespmem:s14+$0x1B0] =	vst v6;
	(pc) =	sbr.rel @p1 .LBB2_5-.Ltmp1, $4  }
0x214: {  	v2 =	vadd.f32 v58, v8;
	[tilespmem:s14+$0x1C0] =	vst v7  }
0x215: {  	[tilespmem:s14+$0x1E0] =	vst v63;
	v0 =	vadd.f32 v1, v0  }
0x216: {  	s18 =	sadd.s32 $0x40, s18;
	[tilespmem:s14+$0x1D0] =	vst v2  }
0x217: {  	s1 =	sadd.s32 $0x8, s1;
	s2 =	sadd.s32 $0x400, s2;
	[tilespmem:s14+$0x1F0] =	vst v0;
	s14 =	sadd.s32 $0x400, s14  }
.Ltmp2:
0x218: {  	(pc) =	sbr.rel @p2 .LBB2_8-.Ltmp2, $4  }
0x219: {  	_ =	swait.ge [sflag:s0], $0x50  }
0x21a: {  	[sflag:s0] =	ssyncset.done $0x0  }
0x21b: {  	s1 =	simm.s32 $0x18A00;
	s2 =	simm.s32 $0x1CA80;
	[sflag:s0] =	ssyncadd.s32 $0xFFFFFFB0  }
0x21c: {  	[spmem:s29] =	stream.indirect.scatter.add.f32 [tilespmem:s2], [sflag:$0x8], $0x80, s1, s16, $0xb8;
	[tilespmem:$0x1F280] =	vst v63  }
.Ltmp3:
0x21d: {  	s1 =	simm.s32 $0x2;
	(pc) =	sbr.rel .LBB2_2-.Ltmp3, $4  }
0x21e: {  	_ =	swait.ge [sflag:s1], $0x50  }
0x21f: {  	s29 =	simm.s32 $0x13900;
	[sflag:s1] =	ssyncset.done $0x0  }
0x220: {  	s2 =	simm.s32 $0x16180;
	s4 =	sadd.s32 $0x1, s4;
	[sflag:s1] =	ssyncadd.s32 $0xFFFFFFB0  }
0x221: {  	[tilespmem:s2], [sflag:$0x4] =	stream.indirect.gather [hbm4b:s23+s16], $0x80, s29, s16, $0xb8;
	[tilespmem:$0x1F280] =	vst v63  }
.LBB2_8:
0x222: {  	_ =	swait.ge [sflag:s22], $0x2800  }
0x223: {  	[sflag:s22] =	ssyncset.done $0x0  }
0x224: {  	s19 =	simm.s32 $0x7;
	[sflag:s22] =	ssyncadd.s32 $0xFFFFD800  }
0x225: {  	_ =	swait.ge [sflag:s19], $0x2800  }
0x226: {  	s1 =	simm.s32 $0x0;
	[sflag:s19] =	ssyncset.done $0x0  }
0x227: {  	s4 =	simm.s32 $0x18980;
	s2 =	rddreg [dreg:$0xb];
	[sflag:s19] =	ssyncadd.s32 $0xFFFFD800  }
0x228: {  	[tilespmem:s4], [sflag:$0x5] =	stream.linear.gather [hbm4b:s2+s1], $0x50, $0x38;
	[tilespmem:$0x1F280] =	vst v63  }
0x229: {  	_ =	swait.ge [sflag:s28], $0x280  }
0x22a: {  	[sflag:s28] =	ssyncset.done $0x0  }
0x22b: {  	[sflag:s28] =	ssyncadd.s32 $0xFFFFFD80  }
0x22c: {  	_ =	swait.ge [sflag:s13], $0x280  }
0x22d: {  	[sflag:s13] =	ssyncset.done $0x0  }
0x22e: {  	[sflag:s13] =	ssyncadd.s32 $0xFFFFFD80  }
0x22f: {  	_ =	swait.ge [sflag:s17], $0x280  }
0x230: {  	s14 =	simm.s32 $0x0;
	[sflag:s17] =	ssyncset.done $0x0  }
0x231: {  	s2 =	simm.s32 $0x13B80;
	s4 =	simm.s32 $0x1A480;
	[sflag:s17] =	ssyncadd.s32 $0xFFFFFD80  }
.LBB2_9:
0x232: {  	v3 =	vld [tilespmem:s2+$0xFFFFFE00]  }
0x233: {  	v4 =	vld [tilespmem:s2+$0xFFFFFE10]  }
0x234: {  	s18 =	sand.u32 $0x380, s14;
	v5 =	vld [tilespmem:s2+$0xFFFFFE20]  }
0x235: {  	v1 =	vld [tilespmem:s18+$0x19A80]  }
0x236: {  	v2 =	vld [tilespmem:s18+$0x19280]  }
0x237: {  	v7 =	vld [tilespmem:s2+$0xFFFFFE30]  }
0x238: {  	v10 =	vld [tilespmem:s2+$0xFFFFFE40]  }
0x239: {  	v0 =	vld [tilespmem:s18+$0x18A80]  }
0x23a: {  	v13 =	vld [tilespmem:s2+$0xFFFFFE50];
	v9 =	vshll.u32 v3, $0x10  }
0x23b: {  	v15 =	vld [tilespmem:s2+$0xFFFFFE60];
	v3 =	vand.u32 $0xFFFF0000, v3;
	v11 =	vshll.u32 v4, $0x10;
	v1 =	vadd.f32 v2, v1  }
0x23c: {  	s26 =	sand.u32 $0x8, s1;
	v4 =	vand.u32 $0xFFFF0000, v4;
	v12 =	vshll.u32 v5, $0x10;
	v5 =	vand.u32 $0xFFFF0000, v5  }
0x23d: {  	v50 =	vld [tilespmem:s2+$0xFFFFFE70];
	v14 =	vshll.u32 v7, $0x10;
	v2 =	vmov s26;
	v1 =	vmul.f32 $5.000000000e-01, v1  }
0x23e: {  	v7 =	vand.u32 $0xFFFF0000, v7;
	v16 =	vshll.u32 v10, $0x10;
	v6 =	vperm.xlane v0, v2  }
0x23f: {  	v10 =	vand.u32 $0xFFFF0000, v10;
	v51 =	vshll.u32 v13, $0x10;
	v8 =	vperm.xlane v1, v2  }
0x240: {  	v52 =	vand.u32 $0xFFFF0000, v13;
	v53 =	vshll.u32 v15, $0x10;
	v9 =	vmul.f32 v9, v6  }
0x241: {  	v56 =	vand.u32 $0xFFFF0000, v15;
	v11 =	vmul.f32 v11, v6;
	v3 =	vmul.f32 v3, v8  }
0x242: {  	v58 =	vshll.u32 v50, $0x10;
	v12 =	vmul.f32 v12, v6;
	v4 =	vmul.f32 v4, v8  }
0x243: {  	v14 =	vmul.f32 v14, v6;
	v5 =	vmul.f32 v5, v8;
	v3 =	vadd.f32 v3, v9  }
0x244: {  	v16 =	vmul.f32 v16, v6;
	v7 =	vmul.f32 v7, v8;
	v4 =	vadd.f32 v4, v11  }
0x245: {  	v55 =	vmul.f32 v53, v6;
	v10 =	vmul.f32 v10, v8;
	v5 =	vadd.f32 v5, v12;
	[tilespmem:s4+$0xFFFFFE00] =	vst v3  }
0x246: {  	v54 =	vmul.f32 v52, v8;
	v7 =	vadd.f32 v7, v14;
	v11 =	vmul.f32 v51, v6;
	[tilespmem:s4+$0xFFFFFE10] =	vst v4  }
0x247: {  	v57 =	vmul.f32 v56, v8;
	v10 =	vadd.f32 v10, v16;
	v9 =	vand.u32 $0xFFFF0000, v50;
	[tilespmem:s4+$0xFFFFFE20] =	vst v5  }
0x248: {  	v59 =	vmul.f32 v58, v6;
	v60 =	vmul.f32 v9, v8;
	v3 =	vadd.f32 v54, v11;
	[tilespmem:s4+$0xFFFFFE30] =	vst v7  }
0x249: {  	v4 =	vadd.f32 v57, v55;
	[tilespmem:s4+$0xFFFFFE40] =	vst v10  }
0x24a: {  	v5 =	vadd.f32 v60, v59;
	[tilespmem:s4+$0xFFFFFE50] =	vst v3  }
0x24b: {  	[tilespmem:s4+$0xFFFFFE60] =	vst v4  }
0x24c: {  	[tilespmem:s4+$0xFFFFFE70] =	vst v5  }
0x24d: {  	v3 =	vld [tilespmem:s2+$0xFFFFFE80]  }
0x24e: {  	v4 =	vld [tilespmem:s2+$0xFFFFFE90]  }
0x24f: {  	v62 =	vld [tilespmem:s2+$0xFFFFFEA0]  }
0x250: {  	v19 =	vld [tilespmem:s2+$0xFFFFFEB0]  }
0x251: {  	v10 =	vld [tilespmem:s2+$0xFFFFFEC0]  }
0x252: {  	v61 =	vor.u32 $0x1, v2;
	v23 =	vld [tilespmem:s2+$0xFFFFFED0]  }
0x253: {  	v63 =	vperm.xlane v0, v61;
	v25 =	vld [tilespmem:s2+$0xFFFFFEE0]  }
0x254: {  	v5 =	vperm.xlane v1, v61;
	v20 =	vshll.u32 v3, $0x10;
	v3 =	vand.u32 $0xFFFF0000, v3  }
0x255: {  	v27 =	vld [tilespmem:s2+$0xFFFFFEF0];
	v21 =	vshll.u32 v4, $0x10;
	v4 =	vand.u32 $0xFFFF0000, v4;
	v22 =	vshll.u32 v62, $0x10  }
0x256: {  	v6 =	vand.u32 $0xFFFF0000, v62;
	v24 =	vshll.u32 v19, $0x10;
	v8 =	vand.u32 $0xFFFF0000, v19  }
0x257: {  	v26 =	vshll.u32 v10, $0x10;
	v10 =	vand.u32 $0xFFFF0000, v10;
	v28 =	vshll.u32 v23, $0x10  }
0x258: {  	v29 =	vand.u32 $0xFFFF0000, v23;
	v30 =	vshll.u32 v25, $0x10;
	v9 =	vmul.f32 v20, v63  }
0x259: {  	v33 =	vand.u32 $0xFFFF0000, v25;
	v3 =	vmul.f32 v3, v5;
	v11 =	vmul.f32 v21, v63  }
0x25a: {  	v35 =	vshll.u32 v27, $0x10;
	v4 =	vmul.f32 v4, v5;
	v12 =	vmul.f32 v22, v63  }
0x25b: {  	v6 =	vmul.f32 v6, v5;
	v14 =	vmul.f32 v24, v63;
	v3 =	vadd.f32 v3, v9  }
0x25c: {  	v8 =	vmul.f32 v8, v5;
	v16 =	vmul.f32 v26, v63;
	v4 =	vadd.f32 v4, v11  }
0x25d: {  	v10 =	vmul.f32 v10, v5;
	v31 =	vmul.f32 v29, v5;
	v6 =	vadd.f32 v6, v12;
	[tilespmem:s4+$0xFFFFFE80] =	vst v3  }
0x25e: {  	v32 =	vmul.f32 v30, v63;
	v8 =	vadd.f32 v8, v14;
	v11 =	vmul.f32 v28, v63;
	[tilespmem:s4+$0xFFFFFE90] =	vst v4  }
0x25f: {  	v34 =	vmul.f32 v33, v5;
	v10 =	vadd.f32 v10, v16;
	v9 =	vand.u32 $0xFFFF0000, v27;
	[tilespmem:s4+$0xFFFFFEA0] =	vst v6  }
0x260: {  	v36 =	vmul.f32 v35, v63;
	v5 =	vmul.f32 v9, v5;
	v3 =	vadd.f32 v31, v11;
	[tilespmem:s4+$0xFFFFFEB0] =	vst v8  }
0x261: {  	v4 =	vadd.f32 v34, v32;
	[tilespmem:s4+$0xFFFFFEC0] =	vst v10  }
0x262: {  	v5 =	vadd.f32 v5, v36;
	[tilespmem:s4+$0xFFFFFED0] =	vst v3  }
0x263: {  	[tilespmem:s4+$0xFFFFFEE0] =	vst v4  }
0x264: {  	[tilespmem:s4+$0xFFFFFEF0] =	vst v5  }
0x265: {  	v3 =	vld [tilespmem:s2+$0xFFFFFF00]  }
0x266: {  	v4 =	vld [tilespmem:s2+$0xFFFFFF10]  }
0x267: {  	v38 =	vld [tilespmem:s2+$0xFFFFFF20]  }
0x268: {  	v8 =	vld [tilespmem:s2+$0xFFFFFF30]  }
0x269: {  	v10 =	vld [tilespmem:s2+$0xFFFFFF40]  }
0x26a: {  	v37 =	vor.u32 $0x2, v2;
	v43 =	vld [tilespmem:s2+$0xFFFFFF50]  }
0x26b: {  	v39 =	vperm.xlane v0, v37;
	v45 =	vld [tilespmem:s2+$0xFFFFFF60]  }
0x26c: {  	v5 =	vperm.xlane v1, v37;
	v40 =	vshll.u32 v3, $0x10;
	v3 =	vand.u32 $0xFFFF0000, v3  }
0x26d: {  	v47 =	vld [tilespmem:s2+$0xFFFFFF70];
	v41 =	vshll.u32 v4, $0x10;
	v4 =	vand.u32 $0xFFFF0000, v4;
	v42 =	vshll.u32 v38, $0x10  }
0x26e: {  	v6 =	vand.u32 $0xFFFF0000, v38;
	v44 =	vshll.u32 v8, $0x10;
	v8 =	vand.u32 $0xFFFF0000, v8  }
0x26f: {  	v46 =	vshll.u32 v10, $0x10;
	v10 =	vand.u32 $0xFFFF0000, v10;
	v48 =	vshll.u32 v43, $0x10  }
0x270: {  	v49 =	vand.u32 $0xFFFF0000, v43;
	v50 =	vshll.u32 v45, $0x10;
	v9 =	vmul.f32 v40, v39  }
0x271: {  	v53 =	vand.u32 $0xFFFF0000, v45;
	v3 =	vmul.f32 v3, v5;
	v11 =	vmul.f32 v41, v39  }
0x272: {  	v55 =	vshll.u32 v47, $0x10;
	v4 =	vmul.f32 v4, v5;
	v12 =	vmul.f32 v42, v39  }
0x273: {  	v6 =	vmul.f32 v6, v5;
	v14 =	vmul.f32 v44, v39;
	v3 =	vadd.f32 v3, v9  }
0x274: {  	v8 =	vmul.f32 v8, v5;
	v16 =	vmul.f32 v46, v39;
	v4 =	vadd.f32 v4, v11  }
0x275: {  	v10 =	vmul.f32 v10, v5;
	v51 =	vmul.f32 v49, v5;
	v6 =	vadd.f32 v6, v12;
	[tilespmem:s4+$0xFFFFFF00] =	vst v3  }
0x276: {  	v52 =	vmul.f32 v50, v39;
	v8 =	vadd.f32 v8, v14;
	v11 =	vmul.f32 v48, v39;
	[tilespmem:s4+$0xFFFFFF10] =	vst v4  }
0x277: {  	v54 =	vmul.f32 v53, v5;
	v10 =	vadd.f32 v10, v16;
	v9 =	vand.u32 $0xFFFF0000, v47;
	[tilespmem:s4+$0xFFFFFF20] =	vst v6  }
0x278: {  	v56 =	vmul.f32 v55, v39;
	v5 =	vmul.f32 v9, v5;
	v3 =	vadd.f32 v51, v11;
	[tilespmem:s4+$0xFFFFFF30] =	vst v8  }
0x279: {  	v4 =	vadd.f32 v54, v52;
	[tilespmem:s4+$0xFFFFFF40] =	vst v10  }
0x27a: {  	v5 =	vadd.f32 v5, v56;
	[tilespmem:s4+$0xFFFFFF50] =	vst v3  }
0x27b: {  	[tilespmem:s4+$0xFFFFFF60] =	vst v4  }
0x27c: {  	[tilespmem:s4+$0xFFFFFF70] =	vst v5  }
0x27d: {  	v3 =	vld [tilespmem:s2+$0xFFFFFF80]  }
0x27e: {  	v4 =	vld [tilespmem:s2+$0xFFFFFF90]  }
0x27f: {  	v58 =	vld [tilespmem:s2+$0xFFFFFFA0]  }
0x280: {  	v8 =	vld [tilespmem:s2+$0xFFFFFFB0]  }
0x281: {  	v10 =	vld [tilespmem:s2+$0xFFFFFFC0]  }
0x282: {  	v57 =	vor.u32 $0x3, v2;
	v63 =	vld [tilespmem:s2+$0xFFFFFFD0]  }
0x283: {  	v59 =	vperm.xlane v0, v57;
	v21 =	vld [tilespmem:s2+$0xFFFFFFE0]  }
0x284: {  	v5 =	vperm.xlane v1, v57;
	v60 =	vshll.u32 v3, $0x10;
	v3 =	vand.u32 $0xFFFF0000, v3  }
0x285: {  	v23 =	vld [tilespmem:s2+$0xFFFFFFF0];
	v61 =	vshll.u32 v4, $0x10;
	v4 =	vand.u32 $0xFFFF0000, v4;
	v62 =	vshll.u32 v58, $0x10  }
0x286: {  	v6 =	vand.u32 $0xFFFF0000, v58;
	v20 =	vshll.u32 v8, $0x10;
	v8 =	vand.u32 $0xFFFF0000, v8  }
0x287: {  	v22 =	vshll.u32 v10, $0x10;
	v10 =	vand.u32 $0xFFFF0000, v10;
	v24 =	vshll.u32 v63, $0x10  }
0x288: {  	v25 =	vand.u32 $0xFFFF0000, v63;
	v26 =	vshll.u32 v21, $0x10;
	v9 =	vmul.f32 v60, v59  }
0x289: {  	v29 =	vand.u32 $0xFFFF0000, v21;
	v3 =	vmul.f32 v3, v5;
	v11 =	vmul.f32 v61, v59  }
0x28a: {  	v31 =	vshll.u32 v23, $0x10;
	v4 =	vmul.f32 v4, v5;
	v12 =	vmul.f32 v62, v59  }
0x28b: {  	v6 =	vmul.f32 v6, v5;
	v14 =	vmul.f32 v20, v59;
	v3 =	vadd.f32 v3, v9  }
0x28c: {  	v8 =	vmul.f32 v8, v5;
	v16 =	vmul.f32 v22, v59;
	v4 =	vadd.f32 v4, v11  }
0x28d: {  	v10 =	vmul.f32 v10, v5;
	v27 =	vmul.f32 v25, v5;
	v6 =	vadd.f32 v6, v12;
	[tilespmem:s4+$0xFFFFFF80] =	vst v3  }
0x28e: {  	v28 =	vmul.f32 v26, v59;
	v8 =	vadd.f32 v8, v14;
	v11 =	vmul.f32 v24, v59;
	[tilespmem:s4+$0xFFFFFF90] =	vst v4  }
0x28f: {  	v30 =	vmul.f32 v29, v5;
	v10 =	vadd.f32 v10, v16;
	v9 =	vand.u32 $0xFFFF0000, v23;
	[tilespmem:s4+$0xFFFFFFA0] =	vst v6  }
0x290: {  	v32 =	vmul.f32 v31, v59;
	v5 =	vmul.f32 v9, v5;
	v3 =	vadd.f32 v27, v11;
	[tilespmem:s4+$0xFFFFFFB0] =	vst v8  }
0x291: {  	v4 =	vadd.f32 v30, v28;
	[tilespmem:s4+$0xFFFFFFC0] =	vst v10  }
0x292: {  	v5 =	vadd.f32 v5, v32;
	[tilespmem:s4+$0xFFFFFFD0] =	vst v3  }
0x293: {  	[tilespmem:s4+$0xFFFFFFE0] =	vst v4  }
0x294: {  	[tilespmem:s4+$0xFFFFFFF0] =	vst v5  }
0x295: {  	v3 =	vld [tilespmem:s2+$0x0]  }
0x296: {  	v4 =	vld [tilespmem:s2+$0x10]  }
0x297: {  	v34 =	vld [tilespmem:s2+$0x20]  }
0x298: {  	v8 =	vld [tilespmem:s2+$0x30]  }
0x299: {  	v10 =	vld [tilespmem:s2+$0x40]  }
0x29a: {  	v33 =	vor.u32 $0x4, v2;
	v39 =	vld [tilespmem:s2+$0x50]  }
0x29b: {  	v35 =	vperm.xlane v0, v33;
	v41 =	vld [tilespmem:s2+$0x60]  }
0x29c: {  	v5 =	vperm.xlane v1, v33;
	v36 =	vshll.u32 v3, $0x10;
	v3 =	vand.u32 $0xFFFF0000, v3  }
0x29d: {  	v43 =	vld [tilespmem:s2+$0x70];
	v37 =	vshll.u32 v4, $0x10;
	v4 =	vand.u32 $0xFFFF0000, v4;
	v38 =	vshll.u32 v34, $0x10  }
0x29e: {  	v6 =	vand.u32 $0xFFFF0000, v34;
	v40 =	vshll.u32 v8, $0x10;
	v8 =	vand.u32 $0xFFFF0000, v8  }
0x29f: {  	v42 =	vshll.u32 v10, $0x10;
	v10 =	vand.u32 $0xFFFF0000, v10;
	v44 =	vshll.u32 v39, $0x10  }
0x2a0: {  	v45 =	vand.u32 $0xFFFF0000, v39;
	v46 =	vshll.u32 v41, $0x10;
	v9 =	vmul.f32 v36, v35  }
0x2a1: {  	v49 =	vand.u32 $0xFFFF0000, v41;
	v3 =	vmul.f32 v3, v5;
	v11 =	vmul.f32 v37, v35  }
0x2a2: {  	v51 =	vshll.u32 v43, $0x10;
	v4 =	vmul.f32 v4, v5;
	v12 =	vmul.f32 v38, v35  }
0x2a3: {  	v6 =	vmul.f32 v6, v5;
	v14 =	vmul.f32 v40, v35;
	v3 =	vadd.f32 v3, v9  }
0x2a4: {  	v8 =	vmul.f32 v8, v5;
	v16 =	vmul.f32 v42, v35;
	v4 =	vadd.f32 v4, v11  }
0x2a5: {  	v10 =	vmul.f32 v10, v5;
	v47 =	vmul.f32 v45, v5;
	v6 =	vadd.f32 v6, v12;
	[tilespmem:s4+$0x0] =	vst v3  }
0x2a6: {  	v48 =	vmul.f32 v46, v35;
	v8 =	vadd.f32 v8, v14;
	v11 =	vmul.f32 v44, v35;
	[tilespmem:s4+$0x10] =	vst v4  }
0x2a7: {  	v50 =	vmul.f32 v49, v5;
	v10 =	vadd.f32 v10, v16;
	v9 =	vand.u32 $0xFFFF0000, v43;
	[tilespmem:s4+$0x20] =	vst v6  }
0x2a8: {  	v52 =	vmul.f32 v51, v35;
	v5 =	vmul.f32 v9, v5;
	v3 =	vadd.f32 v47, v11;
	[tilespmem:s4+$0x30] =	vst v8  }
0x2a9: {  	v4 =	vadd.f32 v50, v48;
	[tilespmem:s4+$0x40] =	vst v10  }
0x2aa: {  	v5 =	vadd.f32 v5, v52;
	[tilespmem:s4+$0x50] =	vst v3  }
0x2ab: {  	[tilespmem:s4+$0x60] =	vst v4  }
0x2ac: {  	[tilespmem:s4+$0x70] =	vst v5  }
0x2ad: {  	v3 =	vld [tilespmem:s2+$0x80]  }
0x2ae: {  	v4 =	vld [tilespmem:s2+$0x90]  }
0x2af: {  	v54 =	vld [tilespmem:s2+$0xA0]  }
0x2b0: {  	v8 =	vld [tilespmem:s2+$0xB0]  }
0x2b1: {  	v10 =	vld [tilespmem:s2+$0xC0]  }
0x2b2: {  	v53 =	vor.u32 $0x5, v2;
	v59 =	vld [tilespmem:s2+$0xD0]  }
0x2b3: {  	v55 =	vperm.xlane v0, v53;
	v61 =	vld [tilespmem:s2+$0xE0]  }
0x2b4: {  	v5 =	vperm.xlane v1, v53;
	v56 =	vshll.u32 v3, $0x10;
	v3 =	vand.u32 $0xFFFF0000, v3  }
0x2b5: {  	v63 =	vld [tilespmem:s2+$0xF0];
	v57 =	vshll.u32 v4, $0x10;
	v4 =	vand.u32 $0xFFFF0000, v4;
	v58 =	vshll.u32 v54, $0x10  }
0x2b6: {  	v6 =	vand.u32 $0xFFFF0000, v54;
	v60 =	vshll.u32 v8, $0x10;
	v8 =	vand.u32 $0xFFFF0000, v8  }
0x2b7: {  	v62 =	vshll.u32 v10, $0x10;
	v10 =	vand.u32 $0xFFFF0000, v10;
	v18 =	vshll.u32 v59, $0x10  }
0x2b8: {  	v19 =	vand.u32 $0xFFFF0000, v59;
	v20 =	vshll.u32 v61, $0x10;
	v9 =	vmul.f32 v56, v55  }
0x2b9: {  	v23 =	vand.u32 $0xFFFF0000, v61;
	v3 =	vmul.f32 v3, v5;
	v11 =	vmul.f32 v57, v55  }
0x2ba: {  	v25 =	vshll.u32 v63, $0x10;
	v4 =	vmul.f32 v4, v5;
	v12 =	vmul.f32 v58, v55  }
0x2bb: {  	v6 =	vmul.f32 v6, v5;
	v14 =	vmul.f32 v60, v55;
	v3 =	vadd.f32 v3, v9  }
0x2bc: {  	v8 =	vmul.f32 v8, v5;
	v16 =	vmul.f32 v62, v55;
	v4 =	vadd.f32 v4, v11  }
0x2bd: {  	v10 =	vmul.f32 v10, v5;
	v21 =	vmul.f32 v19, v5;
	v6 =	vadd.f32 v6, v12;
	[tilespmem:s4+$0x80] =	vst v3  }
0x2be: {  	v22 =	vmul.f32 v20, v55;
	v8 =	vadd.f32 v8, v14;
	v11 =	vmul.f32 v18, v55;
	[tilespmem:s4+$0x90] =	vst v4  }
0x2bf: {  	v24 =	vmul.f32 v23, v5;
	v10 =	vadd.f32 v10, v16;
	v9 =	vand.u32 $0xFFFF0000, v63;
	[tilespmem:s4+$0xA0] =	vst v6  }
0x2c0: {  	v26 =	vmul.f32 v25, v55;
	v5 =	vmul.f32 v9, v5;
	v3 =	vadd.f32 v21, v11;
	[tilespmem:s4+$0xB0] =	vst v8  }
0x2c1: {  	v4 =	vadd.f32 v24, v22;
	[tilespmem:s4+$0xC0] =	vst v10  }
0x2c2: {  	v5 =	vadd.f32 v5, v26;
	[tilespmem:s4+$0xD0] =	vst v3  }
0x2c3: {  	[tilespmem:s4+$0xE0] =	vst v4  }
0x2c4: {  	[tilespmem:s4+$0xF0] =	vst v5  }
0x2c5: {  	v3 =	vld [tilespmem:s2+$0x100]  }
0x2c6: {  	v4 =	vld [tilespmem:s2+$0x110]  }
0x2c7: {  	v28 =	vld [tilespmem:s2+$0x120]  }
0x2c8: {  	v8 =	vld [tilespmem:s2+$0x130]  }
0x2c9: {  	v10 =	vld [tilespmem:s2+$0x140]  }
0x2ca: {  	v27 =	vor.u32 $0x6, v2;
	v33 =	vld [tilespmem:s2+$0x150]  }
0x2cb: {  	v29 =	vperm.xlane v0, v27;
	v5 =	vperm.xlane v1, v27;
	v35 =	vld [tilespmem:s2+$0x160]  }
0x2cc: {  	v30 =	vshll.u32 v3, $0x10;
	v3 =	vand.u32 $0xFFFF0000, v3;
	v31 =	vshll.u32 v4, $0x10  }
0x2cd: {  	v37 =	vld [tilespmem:s2+$0x170];
	v4 =	vand.u32 $0xFFFF0000, v4;
	v32 =	vshll.u32 v28, $0x10;
	v6 =	vand.u32 $0xFFFF0000, v28  }
0x2ce: {  	v34 =	vshll.u32 v8, $0x10;
	v8 =	vand.u32 $0xFFFF0000, v8;
	v36 =	vshll.u32 v10, $0x10  }
0x2cf: {  	v10 =	vand.u32 $0xFFFF0000, v10;
	v38 =	vshll.u32 v33, $0x10;
	v39 =	vand.u32 $0xFFFF0000, v33  }
0x2d0: {  	v40 =	vshll.u32 v35, $0x10;
	v9 =	vmul.f32 v30, v29;
	v3 =	vmul.f32 v3, v5  }
0x2d1: {  	v41 =	vand.u32 $0xFFFF0000, v35;
	v11 =	vmul.f32 v31, v29;
	v4 =	vmul.f32 v4, v5  }
0x2d2: {  	v43 =	vshll.u32 v37, $0x10;
	v12 =	vmul.f32 v32, v29;
	v6 =	vmul.f32 v6, v5  }
0x2d3: {  	v14 =	vmul.f32 v34, v29;
	v8 =	vmul.f32 v8, v5;
	v3 =	vadd.f32 v3, v9  }
0x2d4: {  	v16 =	vmul.f32 v36, v29;
	v10 =	vmul.f32 v10, v5;
	v4 =	vadd.f32 v4, v11  }
0x2d5: {  	v42 =	vmul.f32 v41, v5;
	v6 =	vadd.f32 v6, v12;
	v8 =	vadd.f32 v8, v14;
	[tilespmem:s4+$0x100] =	vst v3  }
0x2d6: {  	v11 =	vmul.f32 v38, v29;
	v12 =	vmul.f32 v39, v5;
	v9 =	vand.u32 $0xFFFF0000, v37;
	[tilespmem:s4+$0x110] =	vst v4  }
0x2d7: {  	v7 =	vmul.f32 v43, v29;
	v10 =	vadd.f32 v10, v16;
	v5 =	vmul.f32 v9, v5;
	[tilespmem:s4+$0x120] =	vst v6  }
0x2d8: {  	v3 =	vmul.f32 v40, v29;
	v44 =	vadd.f32 v12, v11;
	[tilespmem:s4+$0x130] =	vst v8  }
0x2d9: {  	[tilespmem:s4+$0x140] =	vst v10;
	v45 =	vadd.f32 v5, v7  }
0x2da: {  	v3 =	vadd.f32 v42, v3;
	[tilespmem:s4+$0x150] =	vst v44  }
0x2db: {  	[tilespmem:s4+$0x170] =	vst v45  }
0x2dc: {  	[tilespmem:s4+$0x160] =	vst v3  }
0x2dd: {  	v3 =	vld [tilespmem:s2+$0x180]  }
0x2de: {  	v4 =	vld [tilespmem:s2+$0x190]  }
0x2df: {  	v46 =	vld [tilespmem:s2+$0x1A0]  }
0x2e0: {  	v6 =	vld [tilespmem:s2+$0x1B0]  }
0x2e1: {  	v48 =	vld [tilespmem:s2+$0x1C0]  }
0x2e2: {  	v2 =	vor.u32 $0x7, v2;
	v10 =	vld [tilespmem:s2+$0x1D0]  }
0x2e3: {  	v0 =	vperm.xlane v0, v2;
	v52 =	vld [tilespmem:s2+$0x1E0]  }
0x2e4: {  	v1 =	vperm.xlane v1, v2;
	v47 =	vshll.u32 v3, $0x10;
	v3 =	vand.u32 $0xFFFF0000, v3  }
0x2e5: {  	v54 =	vld [tilespmem:s2+$0x1F0];
	v49 =	vshll.u32 v4, $0x10;
	v4 =	vand.u32 $0xFFFF0000, v4;
	v50 =	vshll.u32 v46, $0x10  }
0x2e6: {  	v5 =	vand.u32 $0xFFFF0000, v46;
	v51 =	vshll.u32 v6, $0x10;
	v6 =	vand.u32 $0xFFFF0000, v6  }
0x2e7: {  	v53 =	vshll.u32 v48, $0x10;
	v7 =	vand.u32 $0xFFFF0000, v48;
	v55 =	vshll.u32 v10, $0x10  }
0x2e8: {  	v56 =	vand.u32 $0xFFFF0000, v10;
	v57 =	vshll.u32 v52, $0x10;
	v2 =	vmul.f32 v47, v0  }
0x2e9: {  	v60 =	vand.u32 $0xFFFF0000, v52;
	v3 =	vmul.f32 v3, v1;
	v8 =	vmul.f32 v49, v0  }
0x2ea: {  	v62 =	vshll.u32 v54, $0x10;
	v4 =	vmul.f32 v4, v1;
	v9 =	vmul.f32 v50, v0  }
0x2eb: {  	v5 =	vmul.f32 v5, v1;
	v11 =	vmul.f32 v51, v0;
	v2 =	vadd.f32 v3, v2  }
0x2ec: {  	v6 =	vmul.f32 v6, v1;
	v13 =	vmul.f32 v53, v0;
	v4 =	vadd.f32 v4, v8  }
0x2ed: {  	v7 =	vmul.f32 v7, v1;
	v58 =	vmul.f32 v56, v1;
	v5 =	vadd.f32 v5, v9;
	[tilespmem:s4+$0x180] =	vst v2  }
0x2ee: {  	v59 =	vmul.f32 v57, v0;
	v61 =	vmul.f32 v60, v1;
	v6 =	vadd.f32 v6, v11;
	[tilespmem:s4+$0x190] =	vst v4  }
0x2ef: {  	p1 =	sne.s32 s14, $0x240;
	v7 =	vadd.f32 v7, v13;
	v8 =	vmul.f32 v55, v0;
	v3 =	vand.u32 $0xFFFF0000, v54;
	[tilespmem:s4+$0x1A0] =	vst v5  }
.Ltmp4:
0x2f0: {  	v0 =	vmul.f32 v62, v0;
	v63 =	vadd.f32 v61, v59;
	v1 =	vmul.f32 v3, v1;
	[tilespmem:s4+$0x1B0] =	vst v6;
	(pc) =	sbr.rel @p1 .LBB2_9-.Ltmp4, $4  }
0x2f1: {  	v2 =	vadd.f32 v58, v8;
	[tilespmem:s4+$0x1C0] =	vst v7  }
0x2f2: {  	[tilespmem:s4+$0x1E0] =	vst v63;
	v0 =	vadd.f32 v1, v0  }
0x2f3: {  	s1 =	sadd.s32 $0x8, s1;
	[tilespmem:s4+$0x1D0] =	vst v2  }
0x2f4: {  	s14 =	sadd.s32 $0x40, s14;
	s2 =	sadd.s32 $0x400, s2;
	[tilespmem:s4+$0x1F0] =	vst v0;
	s4 =	sadd.s32 $0x400, s4  }
0x2f5: {  	_ =	swait.ge [sflag:s11], $0x50  }
0x2f6: {  	s1 =	simm.s32 $0x18980;
	[sflag:s11] =	ssyncset.done $0x0  }
0x2f7: {  	s2 =	simm.s32 $0x1A280;
	s18 =	simm.s32 $0x8;
	[sflag:s11] =	ssyncadd.s32 $0xFFFFFFB0  }
0x2f8: {  	[spmem:s29] =	stream.indirect.scatter.add.f32 [tilespmem:s2], [sflag:$0x7], $0x80, s1, s16, $0xb8;
	[tilespmem:$0x1F280] =	vst v63  }
0x2f9: {  	_ =	swait.ge [sflag:s18], $0x2800  }
0x2fa: {  	[sflag:s18] =	ssyncset.done $0x0  }
0x2fb: {  	[sflag:s18] =	ssyncadd.s32 $0xFFFFD800  }
0x2fc: {  	_ =	swait.ge [sflag:s19], $0x2800  }
0x2fd: {  	[sflag:s19] =	ssyncset.done $0x0  }
0x2fe: {  	[sflag:s19] =	ssyncadd.s32 $0xFFFFD800  }
0x2ff: {  	[bflag:$0x0] =	sbarrier.arrive $0xFFFF  }
0x300: {  	s19 =	rddreg [dreg:$0xa]  }
0x301: {  	s2 =	rddreg [dreg:$0x16]  }
0x302: {  	s14 =	simm.s32 $0xF;
	s4 =	rddreg [dreg:$0x17]  }
0x303: {  	[hbm:s19], [sflag:s2] =	dma.local [spmem:s4], $0x2700  }
0x304: {  	_ =	swait.ge [sflag:s14], $0x2700  }
0x305: {  	[sflag:s14] =	ssyncset.done $0x0;
	s1 =	rddreg [dreg:$0xc]  }
0x306: {  	s4 =	rddreg [dreg:$0x18];
	[sflag:s14] =	ssyncadd.s32 $0xFFFFD900  }
0x307: {  	[hbm:s1], [sflag:s2] =	dma.local @!p0 [spmem:s4], $0x100  }
0x308: {  	s1 =	simm.s32 @!p0 $0xF  }
0x309: {  	_ =	swait.ge @!p0 [sflag:s1], $0x100  }
0x30a: {  	s21 =	rddreg [dreg:$0x15]  }
0x30b: {  	s26 =	rddreg [dreg:$0xd];
	s4 =	sadd.s32 $0x1, s21  }
0x30c: {  	p1 =	sne.s32 s4, s26  }
.Ltmp5:
0x30d: {  	_ = 	snop;
	(pc) =	sbr.rel @p1 .LBB2_1-.Ltmp5, $3  }
0x30e: {  	_ =	sdelay $0x1  }
0x30f: {  	[sflag:s1] =	ssyncset.done @!p0 $0x0  }
0x310: {  	[sflag:s1] =	ssyncadd.s32 @!p0 $0xFFFFFF00  }
0x311: {  	_ =	sfence.sel $0x180000  }
0x312: {  	[bflag:$0x0] =	sbarrier.arrive $0xFFFF  }
0x313: {  	_ =	strace $0x90000047  }
0x314: {  	s0 =	stileid.u32;
	[bflag:$0x2] =	sbarrier.arrive $0xFFFF  }
0x315: {  	p0 =	sne.s32 s0, $0x0;
	s0 =	rddreg [dreg:$0x3]  }
0x316: {  	s0 =	sadd.s32 @!p0 $0x100000, s0  }
0x317: {  	[sflag:s0] =	ssyncadd.tile.s32 @!p0 $0x1;
	_ =	shalt  }
.Lfunc_end2:
_tile_overlayer_lowered:
.L_overlay_start_2:
0x318: {  	(tag) =	ssettag $0x2  }
0x319: {  	s0 =	rddreg [dreg:$0x0];
	s2 =	stileid.u32  }
0x31a: {  	s1 =	rddreg [dreg:$0x1];
	p0 =	sne.s32 s2, $0x0  }
0x31b: {  	s3 =	rddreg [dreg:$0x2];
	[bflag:$0x3] =	sbarrier.arrive $0xFFFF;
	s2 =	simm.s32 @!p0 $0x1C0F  }
0x31c: {  	[timem:s3], [sflag:s2] =	dma.local @!p0 [hbm:s0], s1  }
0x31d: {  	s0 =	simm.s32 @!p0 $0xF  }
0x31e: {  	_ =	swait.ge @!p0 [sflag:s0], s1  }
0x31f: {  	s1 =	ssub.s32 @!p0 $0x0, s1;
	[sflag:s0] =	ssyncset.done @!p0 $0x0  }
0x320: {  	[sflag:s0] =	ssyncadd.s32 @!p0 s1  }
0x321: {  	[bflag:$0x3] =	sbarrier.arrive $0xFFFF  }
0x322: {  	_ =	shalt  }

</sc_bundles>
